<compile_context>
chip_gen: v7x
topology: tpu7x:2x2x1
jax: 0.10.2.dev20260603
libtpu: 0.0.44.dev20260713+nightly
codegen_flags: <defaults>
</compile_context>

<pallas_src>
import functools

import jax
import jax.numpy as jnp
from jax import lax
from jax.experimental import pallas as pl
from jax.experimental.pallas import tpu as pltpu
from jax.experimental.pallas import tpu_sc as plsc

_N = 10000
_E = 160000
_D_IN = 256
_D_HID = 512
_D_OUT = 256
_NC = 2
_NS = 16
_CHUNK = 128
_NPAD = 10112
_RPT = _NPAD // _NS
_TRASH = _NPAD - _N
_EPAD = 163840
_DEG_NCHUNK = _EPAD // (_NC * _NS * _CHUNK)
_AGG_NCHUNK = _EPAD // (_NS * _CHUNK)
_AGG_HNCH = _AGG_NCHUNK // 2
_HALF = 128
_W = 16

_SC_PARAMS = pltpu.CompilerParams(use_tc_tiling_on_sc=False)


def _mesh():
    return plsc.VectorSubcoreMesh(
        core_axis_name="c", subcore_axis_name="s", num_cores=_NC, num_subcores=_NS
    )


def _sc_hist(sidx, ones_tile, zeros1):

    @functools.partial(
        pl.kernel,
        mesh=_mesh(),
        out_type=[jax.ShapeDtypeStruct((_NPAD, _W), jnp.float32) for _ in range(2)],
        scratch_types=[
            pltpu.VMEM((_DEG_NCHUNK, _CHUNK), jnp.int32),
            pltpu.VMEM((_CHUNK, _W), jnp.float32),
            pltpu.VMEM_SHARED((_NPAD, _W), jnp.float32),
        ],
        compiler_params=_SC_PARAMS,
    )
    def k(sidx_h, ones_h, z_h, o0_h, o1_h, sv, buf, acc):
        c = lax.axis_index("c")
        s = lax.axis_index("s")
        tid = c * _NS + s
        slc = pl.ds(s * _RPT, _RPT)
        pltpu.sync_copy(z_h, acc.at[slc])
        pltpu.sync_copy(ones_h, buf)
        pltpu.sync_copy(sidx_h.at[tid], sv)
        plsc.subcore_barrier()

        @pl.loop(0, _DEG_NCHUNK)
        def _(j):
            pltpu.sync_copy(buf, acc.at[sv.at[j]], add=True)

        plsc.subcore_barrier()

        @pl.when(c == 0)
        def _():
            pltpu.sync_copy(acc.at[slc], o0_h.at[slc])

        @pl.when(c == 1)
        def _():
            pltpu.sync_copy(acc.at[slc], o1_h.at[slc])

    return k(sidx, ones_tile, zeros1)


def _sc_gather_scatter_w1(table, gidx, sidx, zeros1):

    @functools.partial(
        pl.kernel,
        mesh=_mesh(),
        out_type=[jax.ShapeDtypeStruct((_NPAD, _W), jnp.float32) for _ in range(2)],
        scratch_types=[
            pltpu.VMEM((_DEG_NCHUNK, _CHUNK), jnp.int32),
            pltpu.VMEM((_DEG_NCHUNK, _CHUNK), jnp.int32),
            pltpu.VMEM((_CHUNK, _W), jnp.float32),
            pltpu.VMEM((_CHUNK, _W), jnp.float32),
            pltpu.VMEM_SHARED((_NPAD, _W), jnp.float32),
            pltpu.SemaphoreType.DMA,
            pltpu.SemaphoreType.DMA,
        ],
        compiler_params=_SC_PARAMS,
    )
    def k(table_h, gidx_h, sidx_h, z_h, o0_h, o1_h, gv, sv, buf0, buf1, acc, sem0, sem1):
        c = lax.axis_index("c")
        s = lax.axis_index("s")
        tid = c * _NS + s
        slc = pl.ds(s * _RPT, _RPT)
        pltpu.sync_copy(z_h, acc.at[slc])
        pltpu.sync_copy(gidx_h.at[tid], gv)
        pltpu.sync_copy(sidx_h.at[tid], sv)
        plsc.subcore_barrier()

        pltpu.async_copy(table_h.at[gv.at[0]], buf0, sem0)

        @pl.loop(0, _DEG_NCHUNK, step=2)
        def _(j):
            pltpu.async_copy(table_h.at[gv.at[j + 1]], buf1, sem1)
            pltpu.make_async_copy(table_h.at[gv.at[j]], buf0, sem0).wait()
            pltpu.sync_copy(buf0, acc.at[sv.at[j]], add=True)

            @pl.when(j + 2 < _DEG_NCHUNK)
            def _():
                pltpu.async_copy(table_h.at[gv.at[j + 2]], buf0, sem0)

            pltpu.make_async_copy(table_h.at[gv.at[j + 1]], buf1, sem1).wait()
            pltpu.sync_copy(buf1, acc.at[sv.at[j + 1]], add=True)

        plsc.subcore_barrier()

        @pl.when(c == 0)
        def _():
            pltpu.sync_copy(acc.at[slc], o0_h.at[slc])

        @pl.when(c == 1)
        def _():
            pltpu.sync_copy(acc.at[slc], o1_h.at[slc])

    return k(table, gidx, sidx, zeros1)


def _sc_agg(t0, t1, gidx, sidx, zerosd):

    @functools.partial(
        pl.kernel,
        mesh=_mesh(),
        out_type=[jax.ShapeDtypeStruct((_NPAD, _HALF), jnp.float32) for _ in range(2)],
        scratch_types=[
            pltpu.VMEM((_AGG_HNCH, _CHUNK), jnp.int32),
            pltpu.VMEM((_AGG_HNCH, _CHUNK), jnp.int32),
            pltpu.VMEM((_CHUNK, _HALF), jnp.float32),
            pltpu.VMEM((_CHUNK, _HALF), jnp.float32),
            pltpu.VMEM_SHARED((_NPAD, _HALF), jnp.float32),
            pltpu.SemaphoreType.DMA,
            pltpu.SemaphoreType.DMA,
            pltpu.SemaphoreType.DMA,
            pltpu.SemaphoreType.DMA,
        ],
    )
    def k(t0_h, t1_h, gidx_h, sidx_h, z_h, o0_h, o1_h,
          gv, sv, buf0, buf1, acc, semg0, semg1, sema0, sema1):
        c = lax.axis_index("c")
        s = lax.axis_index("s")
        slc = pl.ds(s * _RPT, _RPT)
        pltpu.sync_copy(z_h, acc.at[slc])
        plsc.subcore_barrier()

        def edge_loop(th):
            for p in range(2):
                pltpu.sync_copy(gidx_h.at[s].at[pl.ds(p * _AGG_HNCH, _AGG_HNCH)], gv)
                pltpu.sync_copy(sidx_h.at[s].at[pl.ds(p * _AGG_HNCH, _AGG_HNCH)], sv)
                pltpu.async_copy(th.at[gv.at[0]], buf0, semg0)
                pltpu.async_copy(th.at[gv.at[1]], buf1, semg1)

                @pl.loop(0, _AGG_HNCH, step=2)
                def _(j):
                    pltpu.make_async_copy(th.at[gv.at[j]], buf0, semg0).wait()
                    pltpu.async_copy(buf0, acc.at[sv.at[j]], sema0, add=True)
                    pltpu.make_async_copy(th.at[gv.at[j + 1]], buf1, semg1).wait()
                    pltpu.async_copy(buf1, acc.at[sv.at[j + 1]], sema1, add=True)

                    @pl.when(j + 2 < _AGG_HNCH)
                    def _():
                        pltpu.make_async_copy(buf0, acc.at[sv.at[j]], sema0).wait()
                        pltpu.async_copy(th.at[gv.at[j + 2]], buf0, semg0)
                        pltpu.make_async_copy(buf1, acc.at[sv.at[j + 1]], sema1).wait()
                        pltpu.async_copy(th.at[gv.at[j + 3]], buf1, semg1)

                pltpu.make_async_copy(buf0, acc.at[sv.at[_AGG_HNCH - 2]], sema0).wait()
                pltpu.make_async_copy(buf1, acc.at[sv.at[_AGG_HNCH - 1]], sema1).wait()

        @pl.when(c == 0)
        def _():
            edge_loop(t0_h)

        @pl.when(c == 1)
        def _():
            edge_loop(t1_h)

        plsc.subcore_barrier()

        @pl.when(c == 0)
        def _():
            pltpu.sync_copy(acc.at[slc], o0_h.at[slc])

        @pl.when(c == 1)
        def _():
            pltpu.sync_copy(acc.at[slc], o1_h.at[slc])

    return k(t0, t1, gidx, sidx, zerosd)


def _tc_rsqrt_sum(a, b):

    def body(a_ref, b_ref, o_ref):
        sm = a_ref[...] + b_ref[...]
        o_ref[...] = jnp.where(sm > 0, lax.rsqrt(sm), 0.0)

    return pl.pallas_call(
        body, out_shape=jax.ShapeDtypeStruct(a.shape, jnp.float32)
    )(a, b)


def _tc_colscale(c0, c1, xpad):
    r = 128
    grid = _NPAD // r

    def body(c0_ref, c1_ref, x_ref, x0_ref, x1_ref, dc_ref):
        sm = c0_ref[...] + c1_ref[...]
        dc = jnp.where(sm > 0, lax.rsqrt(sm), 0.0)[:, :1]
        dc_ref[...] = dc
        xs = x_ref[...] * dc
        x0_ref[...] = xs[:, :_HALF]
        x1_ref[...] = xs[:, _HALF:]

    return pl.pallas_call(
        body,
        grid=(grid,),
        in_specs=[
            pl.BlockSpec((r, _W), lambda i: (i, 0)),
            pl.BlockSpec((r, _W), lambda i: (i, 0)),
            pl.BlockSpec((r, _D_IN), lambda i: (i, 0)),
        ],
        out_specs=[
            pl.BlockSpec((r, _HALF), lambda i: (i, 0)),
            pl.BlockSpec((r, _HALF), lambda i: (i, 0)),
            pl.BlockSpec((r, 1), lambda i: (i, 0)),
        ],
        out_shape=[
            jax.ShapeDtypeStruct((_NPAD, _HALF), jnp.float32),
            jax.ShapeDtypeStruct((_NPAD, _HALF), jnp.float32),
            jax.ShapeDtypeStruct((_NPAD, 1), jnp.float32),
        ],
    )(c0, c1, xpad)


def _tc_mlp(a0, a1, dr, w1, b1, w2, dc):
    r = 128
    grid = _NPAD // r

    def body(a0_ref, a1_ref, dr_ref, w1_ref, b1_ref, w2_ref, dc_ref, m0_ref, m1_ref):
        a = jnp.concatenate([a0_ref[...], a1_ref[...]], axis=1) * dr_ref[...]
        h = jnp.dot(a, w1_ref[...], preferred_element_type=jnp.float32)
        h = jnp.maximum(h + b1_ref[...], 0.0)
        m2 = jnp.dot(h, w2_ref[...], preferred_element_type=jnp.float32)
        m2 = m2 * dc_ref[...]
        m0_ref[...] = m2[:, :_HALF]
        m1_ref[...] = m2[:, _HALF:]

    return pl.pallas_call(
        body,
        grid=(grid,),
        in_specs=[
            pl.BlockSpec((r, _HALF), lambda i: (i, 0)),
            pl.BlockSpec((r, _HALF), lambda i: (i, 0)),
            pl.BlockSpec((r, 1), lambda i: (i, 0)),
            pl.BlockSpec((_D_IN, _D_HID), lambda i: (0, 0)),
            pl.BlockSpec((1, _D_HID), lambda i: (0, 0)),
            pl.BlockSpec((_D_HID, _D_OUT), lambda i: (0, 0)),
            pl.BlockSpec((r, 1), lambda i: (i, 0)),
        ],
        out_specs=[
            pl.BlockSpec((r, _HALF), lambda i: (i, 0)),
            pl.BlockSpec((r, _HALF), lambda i: (i, 0)),
        ],
        out_shape=[
            jax.ShapeDtypeStruct((_NPAD, _HALF), jnp.float32),
            jax.ShapeDtypeStruct((_NPAD, _HALF), jnp.float32),
        ],
    )(a0, a1, dr, w1, b1, w2, dc)


def _tc_logsoftmax(g0, g1, dr, b2):
    r = 128
    grid = _NPAD // r

    def body(g0_ref, g1_ref, dr_ref, b2_ref, o_ref):
        agg = jnp.concatenate([g0_ref[...], g1_ref[...]], axis=1)
        v = agg * dr_ref[...] + b2_ref[...]
        m = jnp.max(v, axis=-1, keepdims=True)
        z = v - m
        o_ref[...] = z - jnp.log(jnp.sum(jnp.exp(z), axis=-1, keepdims=True))

    return pl.pallas_call(
        body,
        grid=(grid,),
        in_specs=[
            pl.BlockSpec((r, _HALF), lambda i: (i, 0)),
            pl.BlockSpec((r, _HALF), lambda i: (i, 0)),
            pl.BlockSpec((r, 1), lambda i: (i, 0)),
            pl.BlockSpec((1, _D_OUT), lambda i: (0, 0)),
        ],
        out_specs=pl.BlockSpec((r, _D_OUT), lambda i: (i, 0)),
        out_shape=jax.ShapeDtypeStruct((_NPAD, _D_OUT), jnp.float32),
    )(g0, g1, dr, b2)


def kernel(x, edge_index, W1, b1, W2, b2):
    f32 = jnp.float32
    src = edge_index[0]
    dst = edge_index[1]

    npad_e = _EPAD - _E
    i = jnp.arange(npad_e, dtype=jnp.int32)
    src_p = jnp.concatenate([src, _N + (i % _TRASH)])
    dst_p = jnp.concatenate([dst, _N + ((i * 7 + 3) % _TRASH)])
    src_deg = src_p.reshape(_NC * _NS, _DEG_NCHUNK, _CHUNK)
    dst_deg = dst_p.reshape(_NC * _NS, _DEG_NCHUNK, _CHUNK)
    src_agg = src_p.reshape(_NS, _AGG_NCHUNK, _CHUNK)
    dst_agg = dst_p.reshape(_NS, _AGG_NCHUNK, _CHUNK)

    ones_tile = jnp.ones((_CHUNK, _W), f32)
    zeros1 = jnp.zeros((_RPT, _W), f32)
    zerosd = jnp.zeros((_RPT, _HALF), f32)

    h0, h1 = _sc_hist(dst_deg, ones_tile, zeros1)
    dr_w = _tc_rsqrt_sum(h0, h1)
    dr = dr_w[:, :1]

    c0, c1 = _sc_gather_scatter_w1(dr_w, dst_deg, src_deg, zeros1)

    xpad = jnp.concatenate([x, jnp.zeros((_TRASH, _D_IN), f32)], axis=0)
    xs0, xs1, dc = _tc_colscale(c0, c1, xpad)

    a0, a1 = _sc_agg(xs0, xs1, src_agg, dst_agg, zerosd)

    m0, m1 = _tc_mlp(a0, a1, dr, W1, b1.reshape(1, _D_HID), W2, dc)

    g0, g1 = _sc_agg(m0, m1, src_agg, dst_agg, zerosd)

    out = _tc_logsoftmax(g0, g1, dr, b2.reshape(1, _D_OUT))
    return out[:_N]

# --- scband reference (transcript-rebuilt; emitter-appended) ---
"""Pipeline reference for scband-gcn-89970974917158 (READ-ONLY COPY).

The authoritative reference and input builder live on the scoring server;
editing this copy changes nothing except your own understanding.
"""

import jax, jax.numpy as jnp
import numpy as np

N = 10000
E = 160000
D_IN = 256
D_HID = 512
D_OUT = 256


def _glorot(key, fan_in, fan_out):
    limit = float(np.sqrt(6.0 / (fan_in + fan_out)))
    return jax.random.uniform(key, (fan_in, fan_out), dtype=jnp.float32, minval=-limit, maxval=limit)


def setup_inputs(seed: int = 0) -> dict:
    key = jax.random.key(seed)
    ks = jax.random.split(key, 6)
    x = jax.random.normal(ks[0], (N, D_IN), dtype=jnp.float32)
    edge_index = jax.random.randint(ks[1], (2, E), 0, N, dtype=jnp.int32)
    W1 = _glorot(ks[2], D_IN, D_HID)
    b1 = jnp.zeros((D_HID,), dtype=jnp.float32)
    W2 = _glorot(ks[3], D_HID, D_OUT)
    b2 = jnp.zeros((D_OUT,), dtype=jnp.float32)
    return {"x": x, "edge_index": edge_index, "W1": W1, "b1": b1, "W2": W2, "b2": b2}


def _gcn_norm_weights(edge_index, n, dtype):
    # adj_t: row = dst (output node), col = src. Values start at 1.0.
    src = edge_index[0]
    dst = edge_index[1]
    # sparsesum(adj_t, dim=1): per-row degree
    deg_row = jnp.zeros((n,), dtype=dtype).at[dst].add(1.0)
    d_r = jnp.where(deg_row > 0, deg_row ** -0.5, 0.0)
    # mul(adj_t, deg_inv_sqrt.view(-1,1)): scale rows -> per-edge value
    w1 = d_r[dst]
    # transpose, sum dim=1: column sums of the row-scaled matrix
    col_sum = jnp.zeros((n,), dtype=dtype).at[src].add(w1)
    d_c = jnp.where(col_sum > 0, col_sum ** -0.5, 0.0)
    # mul(adj_t, deg_inv_sqrt.view(1,-1)): scale columns
    return w1 * d_c[src]


def reference(x, edge_index, W1, b1, W2, b2):
    n = x.shape[0]
    src = edge_index[0]
    dst = edge_index[1]
    w = _gcn_norm_weights(edge_index, n, x.dtype)

    def conv(h, W, b):
        m = h @ W
        out = jnp.zeros((n, W.shape[1]), dtype=h.dtype).at[dst].add(w[:, None] * m[src])
        return out + b

    h = jax.nn.relu(conv(x, W1, b1))
    # dropout is identity in eval mode
    out = conv(h, W2, b2)
    return jax.nn.log_softmax(out, axis=-1)

if __name__ == "__main__":
    import jax
    _d = setup_inputs()
    print(jax.jit(kernel)(*tuple(_d.values())))

</pallas_src>

<mosaic_0001>
#map = affine_map<(d0, d1) -> (0, 0)>
#map1 = affine_map<(d0, d1) -> (0, 0, 0)>
module attributes {stable_mosaic.version = 14 : i64} {
  func.func @k(%arg0: i32, %arg1: i32, %arg2: memref<10112x16xf32, #tpu.memory_space<hbm>>, %arg3: memref<32x40x128xi32, #tpu.memory_space<hbm>>, %arg4: memref<32x40x128xi32, #tpu.memory_space<hbm>>, %arg5: memref<632x16xf32, #tpu.memory_space<hbm>>, %arg6: memref<10112x16xf32, #tpu.memory_space<hbm>>, %arg7: memref<10112x16xf32, #tpu.memory_space<hbm>>, %arg8: memref<40x128xi32, #tpu.memory_space<vmem>>, %arg9: memref<40x128xi32, #tpu.memory_space<vmem>>, %arg10: memref<128x16xf32, #tpu.memory_space<vmem>>, %arg11: memref<128x16xf32, #tpu.memory_space<vmem>>, %arg12: memref<10112x16xf32, #tpu.memory_space<vmem_shared>>, %arg13: memref<!tpu.dma_semaphore, #tpu.memory_space<semaphore_mem>>, %arg14: memref<!tpu.dma_semaphore, #tpu.memory_space<semaphore_mem>>) attributes {dimension_semantics = [#tpu.dimension_semantics<core_parallel>, #tpu.dimension_semantics<subcore_parallel>], iteration_bounds = array<i64: 2, 16>, scalar_prefetch = 0 : i64, scratch_operands = 7 : i64, tpu.core_type = #tpu.core_type<sc_vector_subcore>, window_params = [{transform_indices = #map}, {transform_indices = #map1}, {transform_indices = #map1}, {transform_indices = #map}, {transform_indices = #map}, {transform_indices = #map}]} {
    %mul3A = arith.constant 16 : i32
    %mul3A_0 = arith.muli %arg0, %mul3A : i32
    %add3A = arith.addi %mul3A_0, %arg1 : i32
    %mul3A_1 = arith.constant 632 : i32
    %mul3A_2 = arith.muli %arg1, %mul3A_1 : i32
    "tpu.region"() ({
      %run_scoped3A = tpu.sem_alloc : memref<!tpu.dma_semaphore, #tpu.memory_space<semaphore_mem>>
      %dma_start3A_21 = arith.constant 0 : i32
      %dma_start3A_22 = tpu.memref_slice %arg12[%mul3A_2, %dma_start3A_21] : memref<10112x16xf32, #tpu.memory_space<vmem_shared>> -> memref<632x16xf32, #tpu.memory_space<vmem_shared>>
      tpu.enqueue_dma source(%arg5 : memref<632x16xf32, #tpu.memory_space<hbm>>) target(%dma_start3A_22 : memref<632x16xf32, #tpu.memory_space<vmem_shared>>) target_semaphore(%run_scoped3A : memref<!tpu.dma_semaphore, #tpu.memory_space<semaphore_mem>>)
      %dma_wait3A = arith.constant 0 : i32
      %dma_wait3A_23 = tpu.memref_slice %arg12[%mul3A_2, %dma_wait3A] : memref<10112x16xf32, #tpu.memory_space<vmem_shared>> -> memref<632x16xf32, #tpu.memory_space<vmem_shared>>
      tpu.wait_dma2 semaphore(%run_scoped3A : memref<!tpu.dma_semaphore, #tpu.memory_space<semaphore_mem>>) src(%arg5 : memref<632x16xf32, #tpu.memory_space<hbm>>) dst(%dma_wait3A_23 : memref<632x16xf32, #tpu.memory_space<vmem_shared>>)
      tpu.yield
    }) : () -> ()
    "tpu.region"() ({
      %run_scoped3A = tpu.sem_alloc : memref<!tpu.dma_semaphore, #tpu.memory_space<semaphore_mem>>
      %dma_start3A_21 = arith.constant 0 : i32
      %dma_start3A_22 = arith.constant 0 : i32
      %dma_start3A_23 = tpu.memref_slice %arg3[%add3A, %dma_start3A_21, %dma_start3A_22] : memref<32x40x128xi32, #tpu.memory_space<hbm>> -> memref<1x40x128xi32, #tpu.memory_space<hbm>>
      %dma_start3A_24 = tpu.memref_squeeze %dma_start3A_23 : memref<1x40x128xi32, #tpu.memory_space<hbm>> -> memref<40x128xi32, #tpu.memory_space<hbm>>
      %dma_start3A_25 = arith.constant 0 : i32
      %dma_start3A_26 = arith.constant 0 : i32
      %dma_start3A_27 = tpu.memref_slice %arg3[%add3A, %dma_start3A_25, %dma_start3A_26] : memref<32x40x128xi32, #tpu.memory_space<hbm>> -> memref<1x40x128xi32, #tpu.memory_space<hbm>>
      %dma_start3A_28 = tpu.memref_squeeze %dma_start3A_27 : memref<1x40x128xi32, #tpu.memory_space<hbm>> -> memref<40x128xi32, #tpu.memory_space<hbm>>
      tpu.enqueue_dma source(%dma_start3A_28 : memref<40x128xi32, #tpu.memory_space<hbm>>) target(%arg8 : memref<40x128xi32, #tpu.memory_space<vmem>>) target_semaphore(%run_scoped3A : memref<!tpu.dma_semaphore, #tpu.memory_space<semaphore_mem>>)
      %dma_wait3A = arith.constant 0 : i32
      %dma_wait3A_29 = arith.constant 0 : i32
      %dma_wait3A_30 = tpu.memref_slice %arg3[%add3A, %dma_wait3A, %dma_wait3A_29] : memref<32x40x128xi32, #tpu.memory_space<hbm>> -> memref<1x40x128xi32, #tpu.memory_space<hbm>>
      %dma_wait3A_31 = tpu.memref_squeeze %dma_wait3A_30 : memref<1x40x128xi32, #tpu.memory_space<hbm>> -> memref<40x128xi32, #tpu.memory_space<hbm>>
      %dma_wait3A_32 = arith.constant 0 : i32
      %dma_wait3A_33 = arith.constant 0 : i32
      %dma_wait3A_34 = tpu.memref_slice %arg3[%add3A, %dma_wait3A_32, %dma_wait3A_33] : memref<32x40x128xi32, #tpu.memory_space<hbm>> -> memref<1x40x128xi32, #tpu.memory_space<hbm>>
      %dma_wait3A_35 = tpu.memref_squeeze %dma_wait3A_34 : memref<1x40x128xi32, #tpu.memory_space<hbm>> -> memref<40x128xi32, #tpu.memory_space<hbm>>
      tpu.wait_dma2 semaphore(%run_scoped3A : memref<!tpu.dma_semaphore, #tpu.memory_space<semaphore_mem>>) src(%dma_wait3A_35 : memref<40x128xi32, #tpu.memory_space<hbm>>) dst(%arg8 : memref<40x128xi32, #tpu.memory_space<vmem>>)
      tpu.yield
    }) : () -> ()
    "tpu.region"() ({
      %run_scoped3A = tpu.sem_alloc : memref<!tpu.dma_semaphore, #tpu.memory_space<semaphore_mem>>
      %dma_start3A_21 = arith.constant 0 : i32
      %dma_start3A_22 = arith.constant 0 : i32
      %dma_start3A_23 = tpu.memref_slice %arg4[%add3A, %dma_start3A_21, %dma_start3A_22] : memref<32x40x128xi32, #tpu.memory_space<hbm>> -> memref<1x40x128xi32, #tpu.memory_space<hbm>>
      %dma_start3A_24 = tpu.memref_squeeze %dma_start3A_23 : memref<1x40x128xi32, #tpu.memory_space<hbm>> -> memref<40x128xi32, #tpu.memory_space<hbm>>
      %dma_start3A_25 = arith.constant 0 : i32
      %dma_start3A_26 = arith.constant 0 : i32
      %dma_start3A_27 = tpu.memref_slice %arg4[%add3A, %dma_start3A_25, %dma_start3A_26] : memref<32x40x128xi32, #tpu.memory_space<hbm>> -> memref<1x40x128xi32, #tpu.memory_space<hbm>>
      %dma_start3A_28 = tpu.memref_squeeze %dma_start3A_27 : memref<1x40x128xi32, #tpu.memory_space<hbm>> -> memref<40x128xi32, #tpu.memory_space<hbm>>
      tpu.enqueue_dma source(%dma_start3A_28 : memref<40x128xi32, #tpu.memory_space<hbm>>) target(%arg9 : memref<40x128xi32, #tpu.memory_space<vmem>>) target_semaphore(%run_scoped3A : memref<!tpu.dma_semaphore, #tpu.memory_space<semaphore_mem>>)
      %dma_wait3A = arith.constant 0 : i32
      %dma_wait3A_29 = arith.constant 0 : i32
      %dma_wait3A_30 = tpu.memref_slice %arg4[%add3A, %dma_wait3A, %dma_wait3A_29] : memref<32x40x128xi32, #tpu.memory_space<hbm>> -> memref<1x40x128xi32, #tpu.memory_space<hbm>>
      %dma_wait3A_31 = tpu.memref_squeeze %dma_wait3A_30 : memref<1x40x128xi32, #tpu.memory_space<hbm>> -> memref<40x128xi32, #tpu.memory_space<hbm>>
      %dma_wait3A_32 = arith.constant 0 : i32
      %dma_wait3A_33 = arith.constant 0 : i32
      %dma_wait3A_34 = tpu.memref_slice %arg4[%add3A, %dma_wait3A_32, %dma_wait3A_33] : memref<32x40x128xi32, #tpu.memory_space<hbm>> -> memref<1x40x128xi32, #tpu.memory_space<hbm>>
      %dma_wait3A_35 = tpu.memref_squeeze %dma_wait3A_34 : memref<1x40x128xi32, #tpu.memory_space<hbm>> -> memref<40x128xi32, #tpu.memory_space<hbm>>
      tpu.wait_dma2 semaphore(%run_scoped3A : memref<!tpu.dma_semaphore, #tpu.memory_space<semaphore_mem>>) src(%dma_wait3A_35 : memref<40x128xi32, #tpu.memory_space<hbm>>) dst(%arg9 : memref<40x128xi32, #tpu.memory_space<vmem>>)
      tpu.yield
    }) : () -> ()
    %barrier3A = arith.constant 0 : index
    tpu.barrier barrier_id(%barrier3A)
    %dma_start3A = arith.constant 0 : i32
    %dma_start3A_3 = arith.constant 0 : i32
    %dma_start3A_4 = tpu.memref_slice %arg8[%dma_start3A, %dma_start3A_3] : memref<40x128xi32, #tpu.memory_space<vmem>> -> memref<1x128xi32, #tpu.memory_space<vmem>>
    %dma_start3A_5 = tpu.memref_squeeze %dma_start3A_4 : memref<1x128xi32, #tpu.memory_space<vmem>> -> memref<128xi32, #tpu.memory_space<vmem>>
    %dma_start3A_6 = arith.constant 0 : i32
    %dma_start3A_7 = arith.constant 0 : i32
    %dma_start3A_8 = tpu.memref_slice %arg2[%dma_start3A_6, %dma_start3A_7] : memref<10112x16xf32, #tpu.memory_space<hbm>> -> memref<10112x16xf32, #tpu.memory_space<hbm>>
    tpu.enqueue_indirect_dma source(%dma_start3A_8 : memref<10112x16xf32, #tpu.memory_space<hbm>>) target(%arg10 : memref<128x16xf32, #tpu.memory_space<vmem>>) offsets(%dma_start3A_5 : memref<128xi32, #tpu.memory_space<vmem>>) semaphore(%arg13 : memref<!tpu.dma_semaphore, #tpu.memory_space<semaphore_mem>>)
    %scan3A = arith.constant 0 : i32
    %scan3A_9 = arith.constant 20 : i32
    %scan3A_10 = arith.addi %scan3A, %scan3A_9 : i32
    %scan3A_11 = arith.constant 1 : i32
    scf.for %scan3A_21 = %scan3A to %scan3A_10 step %scan3A_11  : i32 {
      %mul3A_22 = arith.constant 2 : i32
      %mul3A_23 = arith.muli %scan3A_21, %mul3A_22 : i32
      %add3A_24 = arith.constant 0 : i32
      %add3A_25 = arith.addi %add3A_24, %mul3A_23 : i32
      %add3A_26 = arith.constant 1 : i32
      %add3A_27 = arith.addi %add3A_25, %add3A_26 : i32
      %dma_start3A_28 = arith.constant 0 : i32
      %dma_start3A_29 = tpu.memref_slice %arg8[%add3A_27, %dma_start3A_28] : memref<40x128xi32, #tpu.memory_space<vmem>> -> memref<1x128xi32, #tpu.memory_space<vmem>>
      %dma_start3A_30 = tpu.memref_squeeze %dma_start3A_29 : memref<1x128xi32, #tpu.memory_space<vmem>> -> memref<128xi32, #tpu.memory_space<vmem>>
      %dma_start3A_31 = arith.constant 0 : i32
      %dma_start3A_32 = arith.constant 0 : i32
      %dma_start3A_33 = tpu.memref_slice %arg2[%dma_start3A_31, %dma_start3A_32] : memref<10112x16xf32, #tpu.memory_space<hbm>> -> memref<10112x16xf32, #tpu.memory_space<hbm>>
      tpu.enqueue_indirect_dma source(%dma_start3A_33 : memref<10112x16xf32, #tpu.memory_space<hbm>>) target(%arg11 : memref<128x16xf32, #tpu.memory_space<vmem>>) offsets(%dma_start3A_30 : memref<128xi32, #tpu.memory_space<vmem>>) semaphore(%arg14 : memref<!tpu.dma_semaphore, #tpu.memory_space<semaphore_mem>>)
      %dma_wait3A = arith.constant 0 : i32
      %dma_wait3A_34 = tpu.memref_slice %arg8[%add3A_25, %dma_wait3A] : memref<40x128xi32, #tpu.memory_space<vmem>> -> memref<1x128xi32, #tpu.memory_space<vmem>>
      %dma_wait3A_35 = tpu.memref_squeeze %dma_wait3A_34 : memref<1x128xi32, #tpu.memory_space<vmem>> -> memref<128xi32, #tpu.memory_space<vmem>>
      %dma_wait3A_36 = arith.constant 0 : i32
      %dma_wait3A_37 = arith.constant 0 : i32
      %dma_wait3A_38 = tpu.memref_slice %arg2[%dma_wait3A_36, %dma_wait3A_37] : memref<10112x16xf32, #tpu.memory_space<hbm>> -> memref<10112x16xf32, #tpu.memory_space<hbm>>
      tpu.wait_indirect_dma semaphore(%arg13 : memref<!tpu.dma_semaphore, #tpu.memory_space<semaphore_mem>>) src(%dma_wait3A_38 : memref<10112x16xf32, #tpu.memory_space<hbm>>) dst(%arg10 : memref<128x16xf32, #tpu.memory_space<vmem>>)
      "tpu.region"() ({
        %run_scoped3A = tpu.sem_alloc : memref<!tpu.dma_semaphore, #tpu.memory_space<semaphore_mem>>
        %dma_start3A_55 = arith.constant 0 : i32
        %dma_start3A_56 = tpu.memref_slice %arg9[%add3A_25, %dma_start3A_55] : memref<40x128xi32, #tpu.memory_space<vmem>> -> memref<1x128xi32, #tpu.memory_space<vmem>>
        %dma_start3A_57 = tpu.memref_squeeze %dma_start3A_56 : memref<1x128xi32, #tpu.memory_space<vmem>> -> memref<128xi32, #tpu.memory_space<vmem>>
        %dma_start3A_58 = arith.constant 0 : i32
        %dma_start3A_59 = arith.constant 0 : i32
        %dma_start3A_60 = tpu.memref_slice %arg12[%dma_start3A_58, %dma_start3A_59] : memref<10112x16xf32, #tpu.memory_space<vmem_shared>> -> memref<10112x16xf32, #tpu.memory_space<vmem_shared>>
        tpu.enqueue_indirect_dma source(%arg10 : memref<128x16xf32, #tpu.memory_space<vmem>>) target(%dma_start3A_60 : memref<10112x16xf32, #tpu.memory_space<vmem_shared>>) offsets(%dma_start3A_57 : memref<128xi32, #tpu.memory_space<vmem>>) semaphore(%run_scoped3A : memref<!tpu.dma_semaphore, #tpu.memory_space<semaphore_mem>>) {add = true}
        %dma_wait3A_61 = arith.constant 0 : i32
        %dma_wait3A_62 = tpu.memref_slice %arg9[%add3A_25, %dma_wait3A_61] : memref<40x128xi32, #tpu.memory_space<vmem>> -> memref<1x128xi32, #tpu.memory_space<vmem>>
        %dma_wait3A_63 = tpu.memref_squeeze %dma_wait3A_62 : memref<1x128xi32, #tpu.memory_space<vmem>> -> memref<128xi32, #tpu.memory_space<vmem>>
        %dma_wait3A_64 = arith.constant 0 : i32
        %dma_wait3A_65 = arith.constant 0 : i32
        %dma_wait3A_66 = tpu.memref_slice %arg12[%dma_wait3A_64, %dma_wait3A_65] : memref<10112x16xf32, #tpu.memory_space<vmem_shared>> -> memref<10112x16xf32, #tpu.memory_space<vmem_shared>>
        tpu.wait_indirect_dma semaphore(%run_scoped3A : memref<!tpu.dma_semaphore, #tpu.memory_space<semaphore_mem>>) src(%arg10 : memref<128x16xf32, #tpu.memory_space<vmem>>) dst(%dma_wait3A_66 : memref<10112x16xf32, #tpu.memory_space<vmem_shared>>)
        tpu.yield
      }) : () -> ()
      %add3A_39 = arith.constant 2 : i32
      %add3A_40 = arith.addi %add3A_25, %add3A_39 : i32
      %lt3A = arith.constant 40 : i32
      %lt3A_41 = arith.cmpi slt, %add3A_40, %lt3A : i32
      %convert_element_type3A_42 = arith.extui %lt3A_41 : i1 to i32
      %cond3A_43 = arith.constant 0 : i32
      %cond3A_44 = arith.cmpi ne, %convert_element_type3A_42, %cond3A_43 : i32
      scf.if %cond3A_44 {
        %add3A_55 = arith.constant 2 : i32
        %add3A_56 = arith.addi %add3A_25, %add3A_55 : i32
        %dma_start3A_57 = arith.constant 0 : i32
        %dma_start3A_58 = tpu.memref_slice %arg8[%add3A_56, %dma_start3A_57] : memref<40x128xi32, #tpu.memory_space<vmem>> -> memref<1x128xi32, #tpu.memory_space<vmem>>
        %dma_start3A_59 = tpu.memref_squeeze %dma_start3A_58 : memref<1x128xi32, #tpu.memory_space<vmem>> -> memref<128xi32, #tpu.memory_space<vmem>>
        %dma_start3A_60 = arith.constant 0 : i32
        %dma_start3A_61 = arith.constant 0 : i32
        %dma_start3A_62 = tpu.memref_slice %arg2[%dma_start3A_60, %dma_start3A_61] : memref<10112x16xf32, #tpu.memory_space<hbm>> -> memref<10112x16xf32, #tpu.memory_space<hbm>>
        tpu.enqueue_indirect_dma source(%dma_start3A_62 : memref<10112x16xf32, #tpu.memory_space<hbm>>) target(%arg10 : memref<128x16xf32, #tpu.memory_space<vmem>>) offsets(%dma_start3A_59 : memref<128xi32, #tpu.memory_space<vmem>>) semaphore(%arg13 : memref<!tpu.dma_semaphore, #tpu.memory_space<semaphore_mem>>)
      } else {
      }
      %add3A_45 = arith.constant 1 : i32
      %add3A_46 = arith.addi %add3A_25, %add3A_45 : i32
      %dma_wait3A_47 = arith.constant 0 : i32
      %dma_wait3A_48 = tpu.memref_slice %arg8[%add3A_46, %dma_wait3A_47] : memref<40x128xi32, #tpu.memory_space<vmem>> -> memref<1x128xi32, #tpu.memory_space<vmem>>
      %dma_wait3A_49 = tpu.memref_squeeze %dma_wait3A_48 : memref<1x128xi32, #tpu.memory_space<vmem>> -> memref<128xi32, #tpu.memory_space<vmem>>
      %dma_wait3A_50 = arith.constant 0 : i32
      %dma_wait3A_51 = arith.constant 0 : i32
      %dma_wait3A_52 = tpu.memref_slice %arg2[%dma_wait3A_50, %dma_wait3A_51] : memref<10112x16xf32, #tpu.memory_space<hbm>> -> memref<10112x16xf32, #tpu.memory_space<hbm>>
      tpu.wait_indirect_dma semaphore(%arg14 : memref<!tpu.dma_semaphore, #tpu.memory_space<semaphore_mem>>) src(%dma_wait3A_52 : memref<10112x16xf32, #tpu.memory_space<hbm>>) dst(%arg11 : memref<128x16xf32, #tpu.memory_space<vmem>>)
      %add3A_53 = arith.constant 1 : i32
      %add3A_54 = arith.addi %add3A_25, %add3A_53 : i32
      "tpu.region"() ({
        %run_scoped3A = tpu.sem_alloc : memref<!tpu.dma_semaphore, #tpu.memory_space<semaphore_mem>>
        %dma_start3A_55 = arith.constant 0 : i32
        %dma_start3A_56 = tpu.memref_slice %arg9[%add3A_54, %dma_start3A_55] : memref<40x128xi32, #tpu.memory_space<vmem>> -> memref<1x128xi32, #tpu.memory_space<vmem>>
        %dma_start3A_57 = tpu.memref_squeeze %dma_start3A_56 : memref<1x128xi32, #tpu.memory_space<vmem>> -> memref<128xi32, #tpu.memory_space<vmem>>
        %dma_start3A_58 = arith.constant 0 : i32
        %dma_start3A_59 = arith.constant 0 : i32
        %dma_start3A_60 = tpu.memref_slice %arg12[%dma_start3A_58, %dma_start3A_59] : memref<10112x16xf32, #tpu.memory_space<vmem_shared>> -> memref<10112x16xf32, #tpu.memory_space<vmem_shared>>
        tpu.enqueue_indirect_dma source(%arg11 : memref<128x16xf32, #tpu.memory_space<vmem>>) target(%dma_start3A_60 : memref<10112x16xf32, #tpu.memory_space<vmem_shared>>) offsets(%dma_start3A_57 : memref<128xi32, #tpu.memory_space<vmem>>) semaphore(%run_scoped3A : memref<!tpu.dma_semaphore, #tpu.memory_space<semaphore_mem>>) {add = true}
        %dma_wait3A_61 = arith.constant 0 : i32
        %dma_wait3A_62 = tpu.memref_slice %arg9[%add3A_54, %dma_wait3A_61] : memref<40x128xi32, #tpu.memory_space<vmem>> -> memref<1x128xi32, #tpu.memory_space<vmem>>
        %dma_wait3A_63 = tpu.memref_squeeze %dma_wait3A_62 : memref<1x128xi32, #tpu.memory_space<vmem>> -> memref<128xi32, #tpu.memory_space<vmem>>
        %dma_wait3A_64 = arith.constant 0 : i32
        %dma_wait3A_65 = arith.constant 0 : i32
        %dma_wait3A_66 = tpu.memref_slice %arg12[%dma_wait3A_64, %dma_wait3A_65] : memref<10112x16xf32, #tpu.memory_space<vmem_shared>> -> memref<10112x16xf32, #tpu.memory_space<vmem_shared>>
        tpu.wait_indirect_dma semaphore(%run_scoped3A : memref<!tpu.dma_semaphore, #tpu.memory_space<semaphore_mem>>) src(%arg11 : memref<128x16xf32, #tpu.memory_space<vmem>>) dst(%dma_wait3A_66 : memref<10112x16xf32, #tpu.memory_space<vmem_shared>>)
        tpu.yield
      }) : () -> ()
    }
    %scan3A_12 = arith.constant 20 : i32
    %barrier3A_13 = arith.constant 0 : index
    tpu.barrier barrier_id(%barrier3A_13)
    %eq3A = arith.constant 0 : i32
    %eq3A_14 = arith.cmpi eq, %arg0, %eq3A : i32
    %convert_element_type3A = arith.extui %eq3A_14 : i1 to i32
    %cond3A = arith.constant 0 : i32
    %cond3A_15 = arith.cmpi ne, %convert_element_type3A, %cond3A : i32
    scf.if %cond3A_15 {
      "tpu.region"() ({
        %run_scoped3A = tpu.sem_alloc : memref<!tpu.dma_semaphore, #tpu.memory_space<semaphore_mem>>
        %dma_start3A_21 = arith.constant 0 : i32
        %dma_start3A_22 = tpu.memref_slice %arg6[%mul3A_2, %dma_start3A_21] : memref<10112x16xf32, #tpu.memory_space<hbm>> -> memref<632x16xf32, #tpu.memory_space<hbm>>
        %dma_start3A_23 = arith.constant 0 : i32
        %dma_start3A_24 = tpu.memref_slice %arg12[%mul3A_2, %dma_start3A_23] : memref<10112x16xf32, #tpu.memory_space<vmem_shared>> -> memref<632x16xf32, #tpu.memory_space<vmem_shared>>
        tpu.enqueue_dma source(%dma_start3A_24 : memref<632x16xf32, #tpu.memory_space<vmem_shared>>) target(%dma_start3A_22 : memref<632x16xf32, #tpu.memory_space<hbm>>) target_semaphore(%run_scoped3A : memref<!tpu.dma_semaphore, #tpu.memory_space<semaphore_mem>>)
        %dma_wait3A = arith.constant 0 : i32
        %dma_wait3A_25 = tpu.memref_slice %arg6[%mul3A_2, %dma_wait3A] : memref<10112x16xf32, #tpu.memory_space<hbm>> -> memref<632x16xf32, #tpu.memory_space<hbm>>
        %dma_wait3A_26 = arith.constant 0 : i32
        %dma_wait3A_27 = tpu.memref_slice %arg12[%mul3A_2, %dma_wait3A_26] : memref<10112x16xf32, #tpu.memory_space<vmem_shared>> -> memref<632x16xf32, #tpu.memory_space<vmem_shared>>
        tpu.wait_dma2 semaphore(%run_scoped3A : memref<!tpu.dma_semaphore, #tpu.memory_space<semaphore_mem>>) src(%dma_wait3A_27 : memref<632x16xf32, #tpu.memory_space<vmem_shared>>) dst(%dma_wait3A_25 : memref<632x16xf32, #tpu.memory_space<hbm>>)
        tpu.yield
      }) : () -> ()
    } else {
    }
    %eq3A_16 = arith.constant 1 : i32
    %eq3A_17 = arith.cmpi eq, %arg0, %eq3A_16 : i32
    %convert_element_type3A_18 = arith.extui %eq3A_17 : i1 to i32
    %cond3A_19 = arith.constant 0 : i32
    %cond3A_20 = arith.cmpi ne, %convert_element_type3A_18, %cond3A_19 : i32
    scf.if %cond3A_20 {
      "tpu.region"() ({
        %run_scoped3A = tpu.sem_alloc : memref<!tpu.dma_semaphore, #tpu.memory_space<semaphore_mem>>
        %dma_start3A_21 = arith.constant 0 : i32
        %dma_start3A_22 = tpu.memref_slice %arg7[%mul3A_2, %dma_start3A_21] : memref<10112x16xf32, #tpu.memory_space<hbm>> -> memref<632x16xf32, #tpu.memory_space<hbm>>
        %dma_start3A_23 = arith.constant 0 : i32
        %dma_start3A_24 = tpu.memref_slice %arg12[%mul3A_2, %dma_start3A_23] : memref<10112x16xf32, #tpu.memory_space<vmem_shared>> -> memref<632x16xf32, #tpu.memory_space<vmem_shared>>
        tpu.enqueue_dma source(%dma_start3A_24 : memref<632x16xf32, #tpu.memory_space<vmem_shared>>) target(%dma_start3A_22 : memref<632x16xf32, #tpu.memory_space<hbm>>) target_semaphore(%run_scoped3A : memref<!tpu.dma_semaphore, #tpu.memory_space<semaphore_mem>>)
        %dma_wait3A = arith.constant 0 : i32
        %dma_wait3A_25 = tpu.memref_slice %arg7[%mul3A_2, %dma_wait3A] : memref<10112x16xf32, #tpu.memory_space<hbm>> -> memref<632x16xf32, #tpu.memory_space<hbm>>
        %dma_wait3A_26 = arith.constant 0 : i32
        %dma_wait3A_27 = tpu.memref_slice %arg12[%mul3A_2, %dma_wait3A_26] : memref<10112x16xf32, #tpu.memory_space<vmem_shared>> -> memref<632x16xf32, #tpu.memory_space<vmem_shared>>
        tpu.wait_dma2 semaphore(%run_scoped3A : memref<!tpu.dma_semaphore, #tpu.memory_space<semaphore_mem>>) src(%dma_wait3A_27 : memref<632x16xf32, #tpu.memory_space<vmem_shared>>) dst(%dma_wait3A_25 : memref<632x16xf32, #tpu.memory_space<hbm>>)
        tpu.yield
      }) : () -> ()
    } else {
    }
    return
  }
}

#map = affine_map<(d0, d1) -> (0, 0)>
#map1 = affine_map<(d0, d1) -> (0, 0, 0)>
module attributes {stable_mosaic.version = 14 : i64} {
  func.func @k(%arg0: i32, %arg1: i32, %arg2: memref<10112x128xf32, #tpu.memory_space<hbm>>, %arg3: memref<10112x128xf32, #tpu.memory_space<hbm>>, %arg4: memref<16x80x128xi32, #tpu.memory_space<hbm>>, %arg5: memref<16x80x128xi32, #tpu.memory_space<hbm>>, %arg6: memref<632x128xf32, #tpu.memory_space<hbm>>, %arg7: memref<10112x128xf32, #tpu.memory_space<hbm>>, %arg8: memref<10112x128xf32, #tpu.memory_space<hbm>>, %arg9: memref<40x128xi32, #tpu.memory_space<vmem>>, %arg10: memref<40x128xi32, #tpu.memory_space<vmem>>, %arg11: memref<128x128xf32, #tpu.memory_space<vmem>>, %arg12: memref<128x128xf32, #tpu.memory_space<vmem>>, %arg13: memref<10112x128xf32, #tpu.memory_space<vmem_shared>>, %arg14: memref<!tpu.dma_semaphore, #tpu.memory_space<semaphore_mem>>, %arg15: memref<!tpu.dma_semaphore, #tpu.memory_space<semaphore_mem>>, %arg16: memref<!tpu.dma_semaphore, #tpu.memory_space<semaphore_mem>>, %arg17: memref<!tpu.dma_semaphore, #tpu.memory_space<semaphore_mem>>) attributes {dimension_semantics = [#tpu.dimension_semantics<core_parallel>, #tpu.dimension_semantics<subcore_parallel>], iteration_bounds = array<i64: 2, 16>, scalar_prefetch = 0 : i64, scratch_operands = 9 : i64, tpu.core_type = #tpu.core_type<sc_vector_subcore>, window_params = [{transform_indices = #map}, {transform_indices = #map}, {transform_indices = #map1}, {transform_indices = #map1}, {transform_indices = #map}, {transform_indices = #map}, {transform_indices = #map}]} {
    %mul3A = arith.constant 632 : i32
    %mul3A_0 = arith.muli %arg1, %mul3A : i32
    "tpu.region"() ({
      %run_scoped3A = tpu.sem_alloc : memref<!tpu.dma_semaphore, #tpu.memory_space<semaphore_mem>>
      %dma_start3A = arith.constant 0 : i32
      %dma_start3A_19 = tpu.memref_slice %arg13[%mul3A_0, %dma_start3A] : memref<10112x128xf32, #tpu.memory_space<vmem_shared>> -> memref<632x128xf32, #tpu.memory_space<vmem_shared>>
      tpu.enqueue_dma source(%arg6 : memref<632x128xf32, #tpu.memory_space<hbm>>) target(%dma_start3A_19 : memref<632x128xf32, #tpu.memory_space<vmem_shared>>) target_semaphore(%run_scoped3A : memref<!tpu.dma_semaphore, #tpu.memory_space<semaphore_mem>>)
      %dma_wait3A = arith.constant 0 : i32
      %dma_wait3A_20 = tpu.memref_slice %arg13[%mul3A_0, %dma_wait3A] : memref<10112x128xf32, #tpu.memory_space<vmem_shared>> -> memref<632x128xf32, #tpu.memory_space<vmem_shared>>
      tpu.wait_dma2 semaphore(%run_scoped3A : memref<!tpu.dma_semaphore, #tpu.memory_space<semaphore_mem>>) src(%arg6 : memref<632x128xf32, #tpu.memory_space<hbm>>) dst(%dma_wait3A_20 : memref<632x128xf32, #tpu.memory_space<vmem_shared>>)
      tpu.yield
    }) : () -> ()
    %barrier3A = arith.constant 0 : index
    tpu.barrier barrier_id(%barrier3A)
    %eq3A = arith.constant 0 : i32
    %eq3A_1 = arith.cmpi eq, %arg0, %eq3A : i32
    %convert_element_type3A = arith.extui %eq3A_1 : i1 to i32
    %cond3A = arith.constant 0 : i32
    %cond3A_2 = arith.cmpi ne, %convert_element_type3A, %cond3A : i32
    scf.if %cond3A_2 {
      "tpu.region"() ({
        %run_scoped3A = tpu.sem_alloc : memref<!tpu.dma_semaphore, #tpu.memory_space<semaphore_mem>>
        %dma_start3A_82 = arith.constant 0 : i32
        %dma_start3A_83 = arith.constant 0 : i32
        %dma_start3A_84 = tpu.memref_slice %arg4[%arg1, %dma_start3A_82, %dma_start3A_83] : memref<16x80x128xi32, #tpu.memory_space<hbm>> -> memref<1x80x128xi32, #tpu.memory_space<hbm>>
        %dma_start3A_85 = tpu.memref_squeeze %dma_start3A_84 : memref<1x80x128xi32, #tpu.memory_space<hbm>> -> memref<80x128xi32, #tpu.memory_space<hbm>>
        %dma_start3A_86 = arith.constant 0 : i32
        %dma_start3A_87 = arith.constant 0 : i32
        %dma_start3A_88 = tpu.memref_slice %dma_start3A_85[%dma_start3A_86, %dma_start3A_87] : memref<80x128xi32, #tpu.memory_space<hbm>> -> memref<40x128xi32, #tpu.memory_space<hbm>>
        %dma_start3A_89 = arith.constant 0 : i32
        %dma_start3A_90 = arith.constant 0 : i32
        %dma_start3A_91 = tpu.memref_slice %arg4[%arg1, %dma_start3A_89, %dma_start3A_90] : memref<16x80x128xi32, #tpu.memory_space<hbm>> -> memref<1x80x128xi32, #tpu.memory_space<hbm>>
        %dma_start3A_92 = tpu.memref_squeeze %dma_start3A_91 : memref<1x80x128xi32, #tpu.memory_space<hbm>> -> memref<80x128xi32, #tpu.memory_space<hbm>>
        %dma_start3A_93 = arith.constant 0 : i32
        %dma_start3A_94 = arith.constant 0 : i32
        %dma_start3A_95 = tpu.memref_slice %dma_start3A_92[%dma_start3A_93, %dma_start3A_94] : memref<80x128xi32, #tpu.memory_space<hbm>> -> memref<40x128xi32, #tpu.memory_space<hbm>>
        tpu.enqueue_dma source(%dma_start3A_95 : memref<40x128xi32, #tpu.memory_space<hbm>>) target(%arg9 : memref<40x128xi32, #tpu.memory_space<vmem>>) target_semaphore(%run_scoped3A : memref<!tpu.dma_semaphore, #tpu.memory_space<semaphore_mem>>)
        %dma_wait3A_96 = arith.constant 0 : i32
        %dma_wait3A_97 = arith.constant 0 : i32
        %dma_wait3A_98 = tpu.memref_slice %arg4[%arg1, %dma_wait3A_96, %dma_wait3A_97] : memref<16x80x128xi32, #tpu.memory_space<hbm>> -> memref<1x80x128xi32, #tpu.memory_space<hbm>>
        %dma_wait3A_99 = tpu.memref_squeeze %dma_wait3A_98 : memref<1x80x128xi32, #tpu.memory_space<hbm>> -> memref<80x128xi32, #tpu.memory_space<hbm>>
        %dma_wait3A_100 = arith.constant 0 : i32
        %dma_wait3A_101 = arith.constant 0 : i32
        %dma_wait3A_102 = tpu.memref_slice %dma_wait3A_99[%dma_wait3A_100, %dma_wait3A_101] : memref<80x128xi32, #tpu.memory_space<hbm>> -> memref<40x128xi32, #tpu.memory_space<hbm>>
        %dma_wait3A_103 = arith.constant 0 : i32
        %dma_wait3A_104 = arith.constant 0 : i32
        %dma_wait3A_105 = tpu.memref_slice %arg4[%arg1, %dma_wait3A_103, %dma_wait3A_104] : memref<16x80x128xi32, #tpu.memory_space<hbm>> -> memref<1x80x128xi32, #tpu.memory_space<hbm>>
        %dma_wait3A_106 = tpu.memref_squeeze %dma_wait3A_105 : memref<1x80x128xi32, #tpu.memory_space<hbm>> -> memref<80x128xi32, #tpu.memory_space<hbm>>
        %dma_wait3A_107 = arith.constant 0 : i32
        %dma_wait3A_108 = arith.constant 0 : i32
        %dma_wait3A_109 = tpu.memref_slice %dma_wait3A_106[%dma_wait3A_107, %dma_wait3A_108] : memref<80x128xi32, #tpu.memory_space<hbm>> -> memref<40x128xi32, #tpu.memory_space<hbm>>
        tpu.wait_dma2 semaphore(%run_scoped3A : memref<!tpu.dma_semaphore, #tpu.memory_space<semaphore_mem>>) src(%dma_wait3A_109 : memref<40x128xi32, #tpu.memory_space<hbm>>) dst(%arg9 : memref<40x128xi32, #tpu.memory_space<vmem>>)
        tpu.yield
      }) : () -> ()
      "tpu.region"() ({
        %run_scoped3A = tpu.sem_alloc : memref<!tpu.dma_semaphore, #tpu.memory_space<semaphore_mem>>
        %dma_start3A_82 = arith.constant 0 : i32
        %dma_start3A_83 = arith.constant 0 : i32
        %dma_start3A_84 = tpu.memref_slice %arg5[%arg1, %dma_start3A_82, %dma_start3A_83] : memref<16x80x128xi32, #tpu.memory_space<hbm>> -> memref<1x80x128xi32, #tpu.memory_space<hbm>>
        %dma_start3A_85 = tpu.memref_squeeze %dma_start3A_84 : memref<1x80x128xi32, #tpu.memory_space<hbm>> -> memref<80x128xi32, #tpu.memory_space<hbm>>
        %dma_start3A_86 = arith.constant 0 : i32
        %dma_start3A_87 = arith.constant 0 : i32
        %dma_start3A_88 = tpu.memref_slice %dma_start3A_85[%dma_start3A_86, %dma_start3A_87] : memref<80x128xi32, #tpu.memory_space<hbm>> -> memref<40x128xi32, #tpu.memory_space<hbm>>
        %dma_start3A_89 = arith.constant 0 : i32
        %dma_start3A_90 = arith.constant 0 : i32
        %dma_start3A_91 = tpu.memref_slice %arg5[%arg1, %dma_start3A_89, %dma_start3A_90] : memref<16x80x128xi32, #tpu.memory_space<hbm>> -> memref<1x80x128xi32, #tpu.memory_space<hbm>>
        %dma_start3A_92 = tpu.memref_squeeze %dma_start3A_91 : memref<1x80x128xi32, #tpu.memory_space<hbm>> -> memref<80x128xi32, #tpu.memory_space<hbm>>
        %dma_start3A_93 = arith.constant 0 : i32
        %dma_start3A_94 = arith.constant 0 : i32
        %dma_start3A_95 = tpu.memref_slice %dma_start3A_92[%dma_start3A_93, %dma_start3A_94] : memref<80x128xi32, #tpu.memory_space<hbm>> -> memref<40x128xi32, #tpu.memory_space<hbm>>
        tpu.enqueue_dma source(%dma_start3A_95 : memref<40x128xi32, #tpu.memory_space<hbm>>) target(%arg10 : memref<40x128xi32, #tpu.memory_space<vmem>>) target_semaphore(%run_scoped3A : memref<!tpu.dma_semaphore, #tpu.memory_space<semaphore_mem>>)
        %dma_wait3A_96 = arith.constant 0 : i32
        %dma_wait3A_97 = arith.constant 0 : i32
        %dma_wait3A_98 = tpu.memref_slice %arg5[%arg1, %dma_wait3A_96, %dma_wait3A_97] : memref<16x80x128xi32, #tpu.memory_space<hbm>> -> memref<1x80x128xi32, #tpu.memory_space<hbm>>
        %dma_wait3A_99 = tpu.memref_squeeze %dma_wait3A_98 : memref<1x80x128xi32, #tpu.memory_space<hbm>> -> memref<80x128xi32, #tpu.memory_space<hbm>>
        %dma_wait3A_100 = arith.constant 0 : i32
        %dma_wait3A_101 = arith.constant 0 : i32
        %dma_wait3A_102 = tpu.memref_slice %dma_wait3A_99[%dma_wait3A_100, %dma_wait3A_101] : memref<80x128xi32, #tpu.memory_space<hbm>> -> memref<40x128xi32, #tpu.memory_space<hbm>>
        %dma_wait3A_103 = arith.constant 0 : i32
        %dma_wait3A_104 = arith.constant 0 : i32
        %dma_wait3A_105 = tpu.memref_slice %arg5[%arg1, %dma_wait3A_103, %dma_wait3A_104] : memref<16x80x128xi32, #tpu.memory_space<hbm>> -> memref<1x80x128xi32, #tpu.memory_space<hbm>>
        %dma_wait3A_106 = tpu.memref_squeeze %dma_wait3A_105 : memref<1x80x128xi32, #tpu.memory_space<hbm>> -> memref<80x128xi32, #tpu.memory_space<hbm>>
        %dma_wait3A_107 = arith.constant 0 : i32
        %dma_wait3A_108 = arith.constant 0 : i32
        %dma_wait3A_109 = tpu.memref_slice %dma_wait3A_106[%dma_wait3A_107, %dma_wait3A_108] : memref<80x128xi32, #tpu.memory_space<hbm>> -> memref<40x128xi32, #tpu.memory_space<hbm>>
        tpu.wait_dma2 semaphore(%run_scoped3A : memref<!tpu.dma_semaphore, #tpu.memory_space<semaphore_mem>>) src(%dma_wait3A_109 : memref<40x128xi32, #tpu.memory_space<hbm>>) dst(%arg10 : memref<40x128xi32, #tpu.memory_space<vmem>>)
        tpu.yield
      }) : () -> ()
      %dma_start3A = arith.constant 0 : i32
      %dma_start3A_19 = arith.constant 0 : i32
      %dma_start3A_20 = tpu.memref_slice %arg9[%dma_start3A, %dma_start3A_19] : memref<40x128xi32, #tpu.memory_space<vmem>> -> memref<1x128xi32, #tpu.memory_space<vmem>>
      %dma_start3A_21 = tpu.memref_squeeze %dma_start3A_20 : memref<1x128xi32, #tpu.memory_space<vmem>> -> memref<128xi32, #tpu.memory_space<vmem>>
      %dma_start3A_22 = arith.constant 0 : i32
      %dma_start3A_23 = arith.constant 0 : i32
      %dma_start3A_24 = tpu.memref_slice %arg2[%dma_start3A_22, %dma_start3A_23] : memref<10112x128xf32, #tpu.memory_space<hbm>> -> memref<10112x128xf32, #tpu.memory_space<hbm>>
      tpu.enqueue_indirect_dma source(%dma_start3A_24 : memref<10112x128xf32, #tpu.memory_space<hbm>>) target(%arg11 : memref<128x128xf32, #tpu.memory_space<vmem>>) offsets(%dma_start3A_21 : memref<128xi32, #tpu.memory_space<vmem>>) semaphore(%arg14 : memref<!tpu.dma_semaphore, #tpu.memory_space<semaphore_mem>>)
      %dma_start3A_25 = arith.constant 1 : i32
      %dma_start3A_26 = arith.constant 0 : i32
      %dma_start3A_27 = tpu.memref_slice %arg9[%dma_start3A_25, %dma_start3A_26] : memref<40x128xi32, #tpu.memory_space<vmem>> -> memref<1x128xi32, #tpu.memory_space<vmem>>
      %dma_start3A_28 = tpu.memref_squeeze %dma_start3A_27 : memref<1x128xi32, #tpu.memory_space<vmem>> -> memref<128xi32, #tpu.memory_space<vmem>>
      %dma_start3A_29 = arith.constant 0 : i32
      %dma_start3A_30 = arith.constant 0 : i32
      %dma_start3A_31 = tpu.memref_slice %arg2[%dma_start3A_29, %dma_start3A_30] : memref<10112x128xf32, #tpu.memory_space<hbm>> -> memref<10112x128xf32, #tpu.memory_space<hbm>>
      tpu.enqueue_indirect_dma source(%dma_start3A_31 : memref<10112x128xf32, #tpu.memory_space<hbm>>) target(%arg12 : memref<128x128xf32, #tpu.memory_space<vmem>>) offsets(%dma_start3A_28 : memref<128xi32, #tpu.memory_space<vmem>>) semaphore(%arg15 : memref<!tpu.dma_semaphore, #tpu.memory_space<semaphore_mem>>)
      %scan3A = arith.constant 0 : i32
      %scan3A_32 = arith.constant 20 : i32
      %scan3A_33 = arith.addi %scan3A, %scan3A_32 : i32
      %scan3A_34 = arith.constant 1 : i32
      scf.for %scan3A_82 = %scan3A to %scan3A_33 step %scan3A_34  : i32 {
        %mul3A_83 = arith.constant 2 : i32
        %mul3A_84 = arith.muli %scan3A_82, %mul3A_83 : i32
        %add3A = arith.constant 0 : i32
        %add3A_85 = arith.addi %add3A, %mul3A_84 : i32
        %dma_wait3A_86 = arith.constant 0 : i32
        %dma_wait3A_87 = tpu.memref_slice %arg9[%add3A_85, %dma_wait3A_86] : memref<40x128xi32, #tpu.memory_space<vmem>> -> memref<1x128xi32, #tpu.memory_space<vmem>>
        %dma_wait3A_88 = tpu.memref_squeeze %dma_wait3A_87 : memref<1x128xi32, #tpu.memory_space<vmem>> -> memref<128xi32, #tpu.memory_space<vmem>>
        %dma_wait3A_89 = arith.constant 0 : i32
        %dma_wait3A_90 = arith.constant 0 : i32
        %dma_wait3A_91 = tpu.memref_slice %arg2[%dma_wait3A_89, %dma_wait3A_90] : memref<10112x128xf32, #tpu.memory_space<hbm>> -> memref<10112x128xf32, #tpu.memory_space<hbm>>
        tpu.wait_indirect_dma semaphore(%arg14 : memref<!tpu.dma_semaphore, #tpu.memory_space<semaphore_mem>>) src(%dma_wait3A_91 : memref<10112x128xf32, #tpu.memory_space<hbm>>) dst(%arg11 : memref<128x128xf32, #tpu.memory_space<vmem>>)
        %dma_start3A_92 = arith.constant 0 : i32
        %dma_start3A_93 = tpu.memref_slice %arg10[%add3A_85, %dma_start3A_92] : memref<40x128xi32, #tpu.memory_space<vmem>> -> memref<1x128xi32, #tpu.memory_space<vmem>>
        %dma_start3A_94 = tpu.memref_squeeze %dma_start3A_93 : memref<1x128xi32, #tpu.memory_space<vmem>> -> memref<128xi32, #tpu.memory_space<vmem>>
        %dma_start3A_95 = arith.constant 0 : i32
        %dma_start3A_96 = arith.constant 0 : i32
        %dma_start3A_97 = tpu.memref_slice %arg13[%dma_start3A_95, %dma_start3A_96] : memref<10112x128xf32, #tpu.memory_space<vmem_shared>> -> memref<10112x128xf32, #tpu.memory_space<vmem_shared>>
        tpu.enqueue_indirect_dma source(%arg11 : memref<128x128xf32, #tpu.memory_space<vmem>>) target(%dma_start3A_97 : memref<10112x128xf32, #tpu.memory_space<vmem_shared>>) offsets(%dma_start3A_94 : memref<128xi32, #tpu.memory_space<vmem>>) semaphore(%arg16 : memref<!tpu.dma_semaphore, #tpu.memory_space<semaphore_mem>>) {add = true}
        %add3A_98 = arith.constant 1 : i32
        %add3A_99 = arith.addi %add3A_85, %add3A_98 : i32
        %dma_wait3A_100 = arith.constant 0 : i32
        %dma_wait3A_101 = tpu.memref_slice %arg9[%add3A_99, %dma_wait3A_100] : memref<40x128xi32, #tpu.memory_space<vmem>> -> memref<1x128xi32, #tpu.memory_space<vmem>>
        %dma_wait3A_102 = tpu.memref_squeeze %dma_wait3A_101 : memref<1x128xi32, #tpu.memory_space<vmem>> -> memref<128xi32, #tpu.memory_space<vmem>>
        %dma_wait3A_103 = arith.constant 0 : i32
        %dma_wait3A_104 = arith.constant 0 : i32
        %dma_wait3A_105 = tpu.memref_slice %arg2[%dma_wait3A_103, %dma_wait3A_104] : memref<10112x128xf32, #tpu.memory_space<hbm>> -> memref<10112x128xf32, #tpu.memory_space<hbm>>
        tpu.wait_indirect_dma semaphore(%arg15 : memref<!tpu.dma_semaphore, #tpu.memory_space<semaphore_mem>>) src(%dma_wait3A_105 : memref<10112x128xf32, #tpu.memory_space<hbm>>) dst(%arg12 : memref<128x128xf32, #tpu.memory_space<vmem>>)
        %add3A_106 = arith.constant 1 : i32
        %add3A_107 = arith.addi %add3A_85, %add3A_106 : i32
        %dma_start3A_108 = arith.constant 0 : i32
        %dma_start3A_109 = tpu.memref_slice %arg10[%add3A_107, %dma_start3A_108] : memref<40x128xi32, #tpu.memory_space<vmem>> -> memref<1x128xi32, #tpu.memory_space<vmem>>
        %dma_start3A_110 = tpu.memref_squeeze %dma_start3A_109 : memref<1x128xi32, #tpu.memory_space<vmem>> -> memref<128xi32, #tpu.memory_space<vmem>>
        %dma_start3A_111 = arith.constant 0 : i32
        %dma_start3A_112 = arith.constant 0 : i32
        %dma_start3A_113 = tpu.memref_slice %arg13[%dma_start3A_111, %dma_start3A_112] : memref<10112x128xf32, #tpu.memory_space<vmem_shared>> -> memref<10112x128xf32, #tpu.memory_space<vmem_shared>>
        tpu.enqueue_indirect_dma source(%arg12 : memref<128x128xf32, #tpu.memory_space<vmem>>) target(%dma_start3A_113 : memref<10112x128xf32, #tpu.memory_space<vmem_shared>>) offsets(%dma_start3A_110 : memref<128xi32, #tpu.memory_space<vmem>>) semaphore(%arg17 : memref<!tpu.dma_semaphore, #tpu.memory_space<semaphore_mem>>) {add = true}
        %add3A_114 = arith.constant 2 : i32
        %add3A_115 = arith.addi %add3A_85, %add3A_114 : i32
        %lt3A = arith.constant 40 : i32
        %lt3A_116 = arith.cmpi slt, %add3A_115, %lt3A : i32
        %convert_element_type3A_117 = arith.extui %lt3A_116 : i1 to i32
        %cond3A_118 = arith.constant 0 : i32
        %cond3A_119 = arith.cmpi ne, %convert_element_type3A_117, %cond3A_118 : i32
        scf.if %cond3A_119 {
          %dma_wait3A_120 = arith.constant 0 : i32
          %dma_wait3A_121 = tpu.memref_slice %arg10[%add3A_85, %dma_wait3A_120] : memref<40x128xi32, #tpu.memory_space<vmem>> -> memref<1x128xi32, #tpu.memory_space<vmem>>
          %dma_wait3A_122 = tpu.memref_squeeze %dma_wait3A_121 : memref<1x128xi32, #tpu.memory_space<vmem>> -> memref<128xi32, #tpu.memory_space<vmem>>
          %dma_wait3A_123 = arith.constant 0 : i32
          %dma_wait3A_124 = arith.constant 0 : i32
          %dma_wait3A_125 = tpu.memref_slice %arg13[%dma_wait3A_123, %dma_wait3A_124] : memref<10112x128xf32, #tpu.memory_space<vmem_shared>> -> memref<10112x128xf32, #tpu.memory_space<vmem_shared>>
          tpu.wait_indirect_dma semaphore(%arg16 : memref<!tpu.dma_semaphore, #tpu.memory_space<semaphore_mem>>) src(%arg11 : memref<128x128xf32, #tpu.memory_space<vmem>>) dst(%dma_wait3A_125 : memref<10112x128xf32, #tpu.memory_space<vmem_shared>>)
          %add3A_126 = arith.constant 2 : i32
          %add3A_127 = arith.addi %add3A_85, %add3A_126 : i32
          %dma_start3A_128 = arith.constant 0 : i32
          %dma_start3A_129 = tpu.memref_slice %arg9[%add3A_127, %dma_start3A_128] : memref<40x128xi32, #tpu.memory_space<vmem>> -> memref<1x128xi32, #tpu.memory_space<vmem>>
          %dma_start3A_130 = tpu.memref_squeeze %dma_start3A_129 : memref<1x128xi32, #tpu.memory_space<vmem>> -> memref<128xi32, #tpu.memory_space<vmem>>
          %dma_start3A_131 = arith.constant 0 : i32
          %dma_start3A_132 = arith.constant 0 : i32
          %dma_start3A_133 = tpu.memref_slice %arg2[%dma_start3A_131, %dma_start3A_132] : memref<10112x128xf32, #tpu.memory_space<hbm>> -> memref<10112x128xf32, #tpu.memory_space<hbm>>
          tpu.enqueue_indirect_dma source(%dma_start3A_133 : memref<10112x128xf32, #tpu.memory_space<hbm>>) target(%arg11 : memref<128x128xf32, #tpu.memory_space<vmem>>) offsets(%dma_start3A_130 : memref<128xi32, #tpu.memory_space<vmem>>) semaphore(%arg14 : memref<!tpu.dma_semaphore, #tpu.memory_space<semaphore_mem>>)
          %add3A_134 = arith.constant 1 : i32
          %add3A_135 = arith.addi %add3A_85, %add3A_134 : i32
          %dma_wait3A_136 = arith.constant 0 : i32
          %dma_wait3A_137 = tpu.memref_slice %arg10[%add3A_135, %dma_wait3A_136] : memref<40x128xi32, #tpu.memory_space<vmem>> -> memref<1x128xi32, #tpu.memory_space<vmem>>
          %dma_wait3A_138 = tpu.memref_squeeze %dma_wait3A_137 : memref<1x128xi32, #tpu.memory_space<vmem>> -> memref<128xi32, #tpu.memory_space<vmem>>
          %dma_wait3A_139 = arith.constant 0 : i32
          %dma_wait3A_140 = arith.constant 0 : i32
          %dma_wait3A_141 = tpu.memref_slice %arg13[%dma_wait3A_139, %dma_wait3A_140] : memref<10112x128xf32, #tpu.memory_space<vmem_shared>> -> memref<10112x128xf32, #tpu.memory_space<vmem_shared>>
          tpu.wait_indirect_dma semaphore(%arg17 : memref<!tpu.dma_semaphore, #tpu.memory_space<semaphore_mem>>) src(%arg12 : memref<128x128xf32, #tpu.memory_space<vmem>>) dst(%dma_wait3A_141 : memref<10112x128xf32, #tpu.memory_space<vmem_shared>>)
          %add3A_142 = arith.constant 3 : i32
          %add3A_143 = arith.addi %add3A_85, %add3A_142 : i32
          %dma_start3A_144 = arith.constant 0 : i32
          %dma_start3A_145 = tpu.memref_slice %arg9[%add3A_143, %dma_start3A_144] : memref<40x128xi32, #tpu.memory_space<vmem>> -> memref<1x128xi32, #tpu.memory_space<vmem>>
          %dma_start3A_146 = tpu.memref_squeeze %dma_start3A_145 : memref<1x128xi32, #tpu.memory_space<vmem>> -> memref<128xi32, #tpu.memory_space<vmem>>
          %dma_start3A_147 = arith.constant 0 : i32
          %dma_start3A_148 = arith.constant 0 : i32
          %dma_start3A_149 = tpu.memref_slice %arg2[%dma_start3A_147, %dma_start3A_148] : memref<10112x128xf32, #tpu.memory_space<hbm>> -> memref<10112x128xf32, #tpu.memory_space<hbm>>
          tpu.enqueue_indirect_dma source(%dma_start3A_149 : memref<10112x128xf32, #tpu.memory_space<hbm>>) target(%arg12 : memref<128x128xf32, #tpu.memory_space<vmem>>) offsets(%dma_start3A_146 : memref<128xi32, #tpu.memory_space<vmem>>) semaphore(%arg15 : memref<!tpu.dma_semaphore, #tpu.memory_space<semaphore_mem>>)
        } else {
        }
      }
      %scan3A_35 = arith.constant 20 : i32
      %dma_wait3A = arith.constant 38 : i32
      %dma_wait3A_36 = arith.constant 0 : i32
      %dma_wait3A_37 = tpu.memref_slice %arg10[%dma_wait3A, %dma_wait3A_36] : memref<40x128xi32, #tpu.memory_space<vmem>> -> memref<1x128xi32, #tpu.memory_space<vmem>>
      %dma_wait3A_38 = tpu.memref_squeeze %dma_wait3A_37 : memref<1x128xi32, #tpu.memory_space<vmem>> -> memref<128xi32, #tpu.memory_space<vmem>>
      %dma_wait3A_39 = arith.constant 0 : i32
      %dma_wait3A_40 = arith.constant 0 : i32
      %dma_wait3A_41 = tpu.memref_slice %arg13[%dma_wait3A_39, %dma_wait3A_40] : memref<10112x128xf32, #tpu.memory_space<vmem_shared>> -> memref<10112x128xf32, #tpu.memory_space<vmem_shared>>
      tpu.wait_indirect_dma semaphore(%arg16 : memref<!tpu.dma_semaphore, #tpu.memory_space<semaphore_mem>>) src(%arg11 : memref<128x128xf32, #tpu.memory_space<vmem>>) dst(%dma_wait3A_41 : memref<10112x128xf32, #tpu.memory_space<vmem_shared>>)
      %dma_wait3A_42 = arith.constant 39 : i32
      %dma_wait3A_43 = arith.constant 0 : i32
      %dma_wait3A_44 = tpu.memref_slice %arg10[%dma_wait3A_42, %dma_wait3A_43] : memref<40x128xi32, #tpu.memory_space<vmem>> -> memref<1x128xi32, #tpu.memory_space<vmem>>
      %dma_wait3A_45 = tpu.memref_squeeze %dma_wait3A_44 : memref<1x128xi32, #tpu.memory_space<vmem>> -> memref<128xi32, #tpu.memory_space<vmem>>
      %dma_wait3A_46 = arith.constant 0 : i32
      %dma_wait3A_47 = arith.constant 0 : i32
      %dma_wait3A_48 = tpu.memref_slice %arg13[%dma_wait3A_46, %dma_wait3A_47] : memref<10112x128xf32, #tpu.memory_space<vmem_shared>> -> memref<10112x128xf32, #tpu.memory_space<vmem_shared>>
      tpu.wait_indirect_dma semaphore(%arg17 : memref<!tpu.dma_semaphore, #tpu.memory_space<semaphore_mem>>) src(%arg12 : memref<128x128xf32, #tpu.memory_space<vmem>>) dst(%dma_wait3A_48 : memref<10112x128xf32, #tpu.memory_space<vmem_shared>>)
      "tpu.region"() ({
        %run_scoped3A = tpu.sem_alloc : memref<!tpu.dma_semaphore, #tpu.memory_space<semaphore_mem>>
        %dma_start3A_82 = arith.constant 0 : i32
        %dma_start3A_83 = arith.constant 0 : i32
        %dma_start3A_84 = tpu.memref_slice %arg4[%arg1, %dma_start3A_82, %dma_start3A_83] : memref<16x80x128xi32, #tpu.memory_space<hbm>> -> memref<1x80x128xi32, #tpu.memory_space<hbm>>
        %dma_start3A_85 = tpu.memref_squeeze %dma_start3A_84 : memref<1x80x128xi32, #tpu.memory_space<hbm>> -> memref<80x128xi32, #tpu.memory_space<hbm>>
        %dma_start3A_86 = arith.constant 40 : i32
        %dma_start3A_87 = arith.constant 0 : i32
        %dma_start3A_88 = tpu.memref_slice %dma_start3A_85[%dma_start3A_86, %dma_start3A_87] : memref<80x128xi32, #tpu.memory_space<hbm>> -> memref<40x128xi32, #tpu.memory_space<hbm>>
        %dma_start3A_89 = arith.constant 0 : i32
        %dma_start3A_90 = arith.constant 0 : i32
        %dma_start3A_91 = tpu.memref_slice %arg4[%arg1, %dma_start3A_89, %dma_start3A_90] : memref<16x80x128xi32, #tpu.memory_space<hbm>> -> memref<1x80x128xi32, #tpu.memory_space<hbm>>
        %dma_start3A_92 = tpu.memref_squeeze %dma_start3A_91 : memref<1x80x128xi32, #tpu.memory_space<hbm>> -> memref<80x128xi32, #tpu.memory_space<hbm>>
        %dma_start3A_93 = arith.constant 40 : i32
        %dma_start3A_94 = arith.constant 0 : i32
        %dma_start3A_95 = tpu.memref_slice %dma_start3A_92[%dma_start3A_93, %dma_start3A_94] : memref<80x128xi32, #tpu.memory_space<hbm>> -> memref<40x128xi32, #tpu.memory_space<hbm>>
        tpu.enqueue_dma source(%dma_start3A_95 : memref<40x128xi32, #tpu.memory_space<hbm>>) target(%arg9 : memref<40x128xi32, #tpu.memory_space<vmem>>) target_semaphore(%run_scoped3A : memref<!tpu.dma_semaphore, #tpu.memory_space<semaphore_mem>>)
        %dma_wait3A_96 = arith.constant 0 : i32
        %dma_wait3A_97 = arith.constant 0 : i32
        %dma_wait3A_98 = tpu.memref_slice %arg4[%arg1, %dma_wait3A_96, %dma_wait3A_97] : memref<16x80x128xi32, #tpu.memory_space<hbm>> -> memref<1x80x128xi32, #tpu.memory_space<hbm>>
        %dma_wait3A_99 = tpu.memref_squeeze %dma_wait3A_98 : memref<1x80x128xi32, #tpu.memory_space<hbm>> -> memref<80x128xi32, #tpu.memory_space<hbm>>
        %dma_wait3A_100 = arith.constant 40 : i32
        %dma_wait3A_101 = arith.constant 0 : i32
        %dma_wait3A_102 = tpu.memref_slice %dma_wait3A_99[%dma_wait3A_100, %dma_wait3A_101] : memref<80x128xi32, #tpu.memory_space<hbm>> -> memref<40x128xi32, #tpu.memory_space<hbm>>
        %dma_wait3A_103 = arith.constant 0 : i32
        %dma_wait3A_104 = arith.constant 0 : i32
        %dma_wait3A_105 = tpu.memref_slice %arg4[%arg1, %dma_wait3A_103, %dma_wait3A_104] : memref<16x80x128xi32, #tpu.memory_space<hbm>> -> memref<1x80x128xi32, #tpu.memory_space<hbm>>
        %dma_wait3A_106 = tpu.memref_squeeze %dma_wait3A_105 : memref<1x80x128xi32, #tpu.memory_space<hbm>> -> memref<80x128xi32, #tpu.memory_space<hbm>>
        %dma_wait3A_107 = arith.constant 40 : i32
        %dma_wait3A_108 = arith.constant 0 : i32
        %dma_wait3A_109 = tpu.memref_slice %dma_wait3A_106[%dma_wait3A_107, %dma_wait3A_108] : memref<80x128xi32, #tpu.memory_space<hbm>> -> memref<40x128xi32, #tpu.memory_space<hbm>>
        tpu.wait_dma2 semaphore(%run_scoped3A : memref<!tpu.dma_semaphore, #tpu.memory_space<semaphore_mem>>) src(%dma_wait3A_109 : memref<40x128xi32, #tpu.memory_space<hbm>>) dst(%arg9 : memref<40x128xi32, #tpu.memory_space<vmem>>)
        tpu.yield
      }) : () -> ()
      "tpu.region"() ({
        %run_scoped3A = tpu.sem_alloc : memref<!tpu.dma_semaphore, #tpu.memory_space<semaphore_mem>>
        %dma_start3A_82 = arith.constant 0 : i32
        %dma_start3A_83 = arith.constant 0 : i32
        %dma_start3A_84 = tpu.memref_slice %arg5[%arg1, %dma_start3A_82, %dma_start3A_83] : memref<16x80x128xi32, #tpu.memory_space<hbm>> -> memref<1x80x128xi32, #tpu.memory_space<hbm>>
        %dma_start3A_85 = tpu.memref_squeeze %dma_start3A_84 : memref<1x80x128xi32, #tpu.memory_space<hbm>> -> memref<80x128xi32, #tpu.memory_space<hbm>>
        %dma_start3A_86 = arith.constant 40 : i32
        %dma_start3A_87 = arith.constant 0 : i32
        %dma_start3A_88 = tpu.memref_slice %dma_start3A_85[%dma_start3A_86, %dma_start3A_87] : memref<80x128xi32, #tpu.memory_space<hbm>> -> memref<40x128xi32, #tpu.memory_space<hbm>>
        %dma_start3A_89 = arith.constant 0 : i32
        %dma_start3A_90 = arith.constant 0 : i32
        %dma_start3A_91 = tpu.memref_slice %arg5[%arg1, %dma_start3A_89, %dma_start3A_90] : memref<16x80x128xi32, #tpu.memory_space<hbm>> -> memref<1x80x128xi32, #tpu.memory_space<hbm>>
        %dma_start3A_92 = tpu.memref_squeeze %dma_start3A_91 : memref<1x80x128xi32, #tpu.memory_space<hbm>> -> memref<80x128xi32, #tpu.memory_space<hbm>>
        %dma_start3A_93 = arith.constant 40 : i32
        %dma_start3A_94 = arith.constant 0 : i32
        %dma_start3A_95 = tpu.memref_slice %dma_start3A_92[%dma_start3A_93, %dma_start3A_94] : memref<80x128xi32, #tpu.memory_space<hbm>> -> memref<40x128xi32, #tpu.memory_space<hbm>>
        tpu.enqueue_dma source(%dma_start3A_95 : memref<40x128xi32, #tpu.memory_space<hbm>>) target(%arg10 : memref<40x128xi32, #tpu.memory_space<vmem>>) target_semaphore(%run_scoped3A : memref<!tpu.dma_semaphore, #tpu.memory_space<semaphore_mem>>)
        %dma_wait3A_96 = arith.constant 0 : i32
        %dma_wait3A_97 = arith.constant 0 : i32
        %dma_wait3A_98 = tpu.memref_slice %arg5[%arg1, %dma_wait3A_96, %dma_wait3A_97] : memref<16x80x128xi32, #tpu.memory_space<hbm>> -> memref<1x80x128xi32, #tpu.memory_space<hbm>>
        %dma_wait3A_99 = tpu.memref_squeeze %dma_wait3A_98 : memref<1x80x128xi32, #tpu.memory_space<hbm>> -> memref<80x128xi32, #tpu.memory_space<hbm>>
        %dma_wait3A_100 = arith.constant 40 : i32
        %dma_wait3A_101 = arith.constant 0 : i32
        %dma_wait3A_102 = tpu.memref_slice %dma_wait3A_99[%dma_wait3A_100, %dma_wait3A_101] : memref<80x128xi32, #tpu.memory_space<hbm>> -> memref<40x128xi32, #tpu.memory_space<hbm>>
        %dma_wait3A_103 = arith.constant 0 : i32
        %dma_wait3A_104 = arith.constant 0 : i32
        %dma_wait3A_105 = tpu.memref_slice %arg5[%arg1, %dma_wait3A_103, %dma_wait3A_104] : memref<16x80x128xi32, #tpu.memory_space<hbm>> -> memref<1x80x128xi32, #tpu.memory_space<hbm>>
        %dma_wait3A_106 = tpu.memref_squeeze %dma_wait3A_105 : memref<1x80x128xi32, #tpu.memory_space<hbm>> -> memref<80x128xi32, #tpu.memory_space<hbm>>
        %dma_wait3A_107 = arith.constant 40 : i32
        %dma_wait3A_108 = arith.constant 0 : i32
        %dma_wait3A_109 = tpu.memref_slice %dma_wait3A_106[%dma_wait3A_107, %dma_wait3A_108] : memref<80x128xi32, #tpu.memory_space<hbm>> -> memref<40x128xi32, #tpu.memory_space<hbm>>
        tpu.wait_dma2 semaphore(%run_scoped3A : memref<!tpu.dma_semaphore, #tpu.memory_space<semaphore_mem>>) src(%dma_wait3A_109 : memref<40x128xi32, #tpu.memory_space<hbm>>) dst(%arg10 : memref<40x128xi32, #tpu.memory_space<vmem>>)
        tpu.yield
      }) : () -> ()
      %dma_start3A_49 = arith.constant 0 : i32
      %dma_start3A_50 = arith.constant 0 : i32
      %dma_start3A_51 = tpu.memref_slice %arg9[%dma_start3A_49, %dma_start3A_50] : memref<40x128xi32, #tpu.memory_space<vmem>> -> memref<1x128xi32, #tpu.memory_space<vmem>>
      %dma_start3A_52 = tpu.memref_squeeze %dma_start3A_51 : memref<1x128xi32, #tpu.memory_space<vmem>> -> memref<128xi32, #tpu.memory_space<vmem>>
      %dma_start3A_53 = arith.constant 0 : i32
      %dma_start3A_54 = arith.constant 0 : i32
      %dma_start3A_55 = tpu.memref_slice %arg2[%dma_start3A_53, %dma_start3A_54] : memref<10112x128xf32, #tpu.memory_space<hbm>> -> memref<10112x128xf32, #tpu.memory_space<hbm>>
      tpu.enqueue_indirect_dma source(%dma_start3A_55 : memref<10112x128xf32, #tpu.memory_space<hbm>>) target(%arg11 : memref<128x128xf32, #tpu.memory_space<vmem>>) offsets(%dma_start3A_52 : memref<128xi32, #tpu.memory_space<vmem>>) semaphore(%arg14 : memref<!tpu.dma_semaphore, #tpu.memory_space<semaphore_mem>>)
      %dma_start3A_56 = arith.constant 1 : i32
      %dma_start3A_57 = arith.constant 0 : i32
      %dma_start3A_58 = tpu.memref_slice %arg9[%dma_start3A_56, %dma_start3A_57] : memref<40x128xi32, #tpu.memory_space<vmem>> -> memref<1x128xi32, #tpu.memory_space<vmem>>
      %dma_start3A_59 = tpu.memref_squeeze %dma_start3A_58 : memref<1x128xi32, #tpu.memory_space<vmem>> -> memref<128xi32, #tpu.memory_space<vmem>>
      %dma_start3A_60 = arith.constant 0 : i32
      %dma_start3A_61 = arith.constant 0 : i32
      %dma_start3A_62 = tpu.memref_slice %arg2[%dma_start3A_60, %dma_start3A_61] : memref<10112x128xf32, #tpu.memory_space<hbm>> -> memref<10112x128xf32, #tpu.memory_space<hbm>>
      tpu.enqueue_indirect_dma source(%dma_start3A_62 : memref<10112x128xf32, #tpu.memory_space<hbm>>) target(%arg12 : memref<128x128xf32, #tpu.memory_space<vmem>>) offsets(%dma_start3A_59 : memref<128xi32, #tpu.memory_space<vmem>>) semaphore(%arg15 : memref<!tpu.dma_semaphore, #tpu.memory_space<semaphore_mem>>)
      %scan3A_63 = arith.constant 0 : i32
      %scan3A_64 = arith.constant 20 : i32
      %scan3A_65 = arith.addi %scan3A_63, %scan3A_64 : i32
      %scan3A_66 = arith.constant 1 : i32
      scf.for %scan3A_82 = %scan3A_63 to %scan3A_65 step %scan3A_66  : i32 {
        %mul3A_83 = arith.constant 2 : i32
        %mul3A_84 = arith.muli %scan3A_82, %mul3A_83 : i32
        %add3A = arith.constant 0 : i32
        %add3A_85 = arith.addi %add3A, %mul3A_84 : i32
        %dma_wait3A_86 = arith.constant 0 : i32
        %dma_wait3A_87 = tpu.memref_slice %arg9[%add3A_85, %dma_wait3A_86] : memref<40x128xi32, #tpu.memory_space<vmem>> -> memref<1x128xi32, #tpu.memory_space<vmem>>
        %dma_wait3A_88 = tpu.memref_squeeze %dma_wait3A_87 : memref<1x128xi32, #tpu.memory_space<vmem>> -> memref<128xi32, #tpu.memory_space<vmem>>
        %dma_wait3A_89 = arith.constant 0 : i32
        %dma_wait3A_90 = arith.constant 0 : i32
        %dma_wait3A_91 = tpu.memref_slice %arg2[%dma_wait3A_89, %dma_wait3A_90] : memref<10112x128xf32, #tpu.memory_space<hbm>> -> memref<10112x128xf32, #tpu.memory_space<hbm>>
        tpu.wait_indirect_dma semaphore(%arg14 : memref<!tpu.dma_semaphore, #tpu.memory_space<semaphore_mem>>) src(%dma_wait3A_91 : memref<10112x128xf32, #tpu.memory_space<hbm>>) dst(%arg11 : memref<128x128xf32, #tpu.memory_space<vmem>>)
        %dma_start3A_92 = arith.constant 0 : i32
        %dma_start3A_93 = tpu.memref_slice %arg10[%add3A_85, %dma_start3A_92] : memref<40x128xi32, #tpu.memory_space<vmem>> -> memref<1x128xi32, #tpu.memory_space<vmem>>
        %dma_start3A_94 = tpu.memref_squeeze %dma_start3A_93 : memref<1x128xi32, #tpu.memory_space<vmem>> -> memref<128xi32, #tpu.memory_space<vmem>>
        %dma_start3A_95 = arith.constant 0 : i32
        %dma_start3A_96 = arith.constant 0 : i32
        %dma_start3A_97 = tpu.memref_slice %arg13[%dma_start3A_95, %dma_start3A_96] : memref<10112x128xf32, #tpu.memory_space<vmem_shared>> -> memref<10112x128xf32, #tpu.memory_space<vmem_shared>>
        tpu.enqueue_indirect_dma source(%arg11 : memref<128x128xf32, #tpu.memory_space<vmem>>) target(%dma_start3A_97 : memref<10112x128xf32, #tpu.memory_space<vmem_shared>>) offsets(%dma_start3A_94 : memref<128xi32, #tpu.memory_space<vmem>>) semaphore(%arg16 : memref<!tpu.dma_semaphore, #tpu.memory_space<semaphore_mem>>) {add = true}
        %add3A_98 = arith.constant 1 : i32
        %add3A_99 = arith.addi %add3A_85, %add3A_98 : i32
        %dma_wait3A_100 = arith.constant 0 : i32
        %dma_wait3A_101 = tpu.memref_slice %arg9[%add3A_99, %dma_wait3A_100] : memref<40x128xi32, #tpu.memory_space<vmem>> -> memref<1x128xi32, #tpu.memory_space<vmem>>
        %dma_wait3A_102 = tpu.memref_squeeze %dma_wait3A_101 : memref<1x128xi32, #tpu.memory_space<vmem>> -> memref<128xi32, #tpu.memory_space<vmem>>
        %dma_wait3A_103 = arith.constant 0 : i32
        %dma_wait3A_104 = arith.constant 0 : i32
        %dma_wait3A_105 = tpu.memref_slice %arg2[%dma_wait3A_103, %dma_wait3A_104] : memref<10112x128xf32, #tpu.memory_space<hbm>> -> memref<10112x128xf32, #tpu.memory_space<hbm>>
        tpu.wait_indirect_dma semaphore(%arg15 : memref<!tpu.dma_semaphore, #tpu.memory_space<semaphore_mem>>) src(%dma_wait3A_105 : memref<10112x128xf32, #tpu.memory_space<hbm>>) dst(%arg12 : memref<128x128xf32, #tpu.memory_space<vmem>>)
        %add3A_106 = arith.constant 1 : i32
        %add3A_107 = arith.addi %add3A_85, %add3A_106 : i32
        %dma_start3A_108 = arith.constant 0 : i32
        %dma_start3A_109 = tpu.memref_slice %arg10[%add3A_107, %dma_start3A_108] : memref<40x128xi32, #tpu.memory_space<vmem>> -> memref<1x128xi32, #tpu.memory_space<vmem>>
        %dma_start3A_110 = tpu.memref_squeeze %dma_start3A_109 : memref<1x128xi32, #tpu.memory_space<vmem>> -> memref<128xi32, #tpu.memory_space<vmem>>
        %dma_start3A_111 = arith.constant 0 : i32
        %dma_start3A_112 = arith.constant 0 : i32
        %dma_start3A_113 = tpu.memref_slice %arg13[%dma_start3A_111, %dma_start3A_112] : memref<10112x128xf32, #tpu.memory_space<vmem_shared>> -> memref<10112x128xf32, #tpu.memory_space<vmem_shared>>
        tpu.enqueue_indirect_dma source(%arg12 : memref<128x128xf32, #tpu.memory_space<vmem>>) target(%dma_start3A_113 : memref<10112x128xf32, #tpu.memory_space<vmem_shared>>) offsets(%dma_start3A_110 : memref<128xi32, #tpu.memory_space<vmem>>) semaphore(%arg17 : memref<!tpu.dma_semaphore, #tpu.memory_space<semaphore_mem>>) {add = true}
        %add3A_114 = arith.constant 2 : i32
        %add3A_115 = arith.addi %add3A_85, %add3A_114 : i32
        %lt3A = arith.constant 40 : i32
        %lt3A_116 = arith.cmpi slt, %add3A_115, %lt3A : i32
        %convert_element_type3A_117 = arith.extui %lt3A_116 : i1 to i32
        %cond3A_118 = arith.constant 0 : i32
        %cond3A_119 = arith.cmpi ne, %convert_element_type3A_117, %cond3A_118 : i32
        scf.if %cond3A_119 {
          %dma_wait3A_120 = arith.constant 0 : i32
          %dma_wait3A_121 = tpu.memref_slice %arg10[%add3A_85, %dma_wait3A_120] : memref<40x128xi32, #tpu.memory_space<vmem>> -> memref<1x128xi32, #tpu.memory_space<vmem>>
          %dma_wait3A_122 = tpu.memref_squeeze %dma_wait3A_121 : memref<1x128xi32, #tpu.memory_space<vmem>> -> memref<128xi32, #tpu.memory_space<vmem>>
          %dma_wait3A_123 = arith.constant 0 : i32
          %dma_wait3A_124 = arith.constant 0 : i32
          %dma_wait3A_125 = tpu.memref_slice %arg13[%dma_wait3A_123, %dma_wait3A_124] : memref<10112x128xf32, #tpu.memory_space<vmem_shared>> -> memref<10112x128xf32, #tpu.memory_space<vmem_shared>>
          tpu.wait_indirect_dma semaphore(%arg16 : memref<!tpu.dma_semaphore, #tpu.memory_space<semaphore_mem>>) src(%arg11 : memref<128x128xf32, #tpu.memory_space<vmem>>) dst(%dma_wait3A_125 : memref<10112x128xf32, #tpu.memory_space<vmem_shared>>)
          %add3A_126 = arith.constant 2 : i32
          %add3A_127 = arith.addi %add3A_85, %add3A_126 : i32
          %dma_start3A_128 = arith.constant 0 : i32
          %dma_start3A_129 = tpu.memref_slice %arg9[%add3A_127, %dma_start3A_128] : memref<40x128xi32, #tpu.memory_space<vmem>> -> memref<1x128xi32, #tpu.memory_space<vmem>>
          %dma_start3A_130 = tpu.memref_squeeze %dma_start3A_129 : memref<1x128xi32, #tpu.memory_space<vmem>> -> memref<128xi32, #tpu.memory_space<vmem>>
          %dma_start3A_131 = arith.constant 0 : i32
          %dma_start3A_132 = arith.constant 0 : i32
          %dma_start3A_133 = tpu.memref_slice %arg2[%dma_start3A_131, %dma_start3A_132] : memref<10112x128xf32, #tpu.memory_space<hbm>> -> memref<10112x128xf32, #tpu.memory_space<hbm>>
          tpu.enqueue_indirect_dma source(%dma_start3A_133 : memref<10112x128xf32, #tpu.memory_space<hbm>>) target(%arg11 : memref<128x128xf32, #tpu.memory_space<vmem>>) offsets(%dma_start3A_130 : memref<128xi32, #tpu.memory_space<vmem>>) semaphore(%arg14 : memref<!tpu.dma_semaphore, #tpu.memory_space<semaphore_mem>>)
          %add3A_134 = arith.constant 1 : i32
          %add3A_135 = arith.addi %add3A_85, %add3A_134 : i32
          %dma_wait3A_136 = arith.constant 0 : i32
          %dma_wait3A_137 = tpu.memref_slice %arg10[%add3A_135, %dma_wait3A_136] : memref<40x128xi32, #tpu.memory_space<vmem>> -> memref<1x128xi32, #tpu.memory_space<vmem>>
          %dma_wait3A_138 = tpu.memref_squeeze %dma_wait3A_137 : memref<1x128xi32, #tpu.memory_space<vmem>> -> memref<128xi32, #tpu.memory_space<vmem>>
          %dma_wait3A_139 = arith.constant 0 : i32
          %dma_wait3A_140 = arith.constant 0 : i32
          %dma_wait3A_141 = tpu.memref_slice %arg13[%dma_wait3A_139, %dma_wait3A_140] : memref<10112x128xf32, #tpu.memory_space<vmem_shared>> -> memref<10112x128xf32, #tpu.memory_space<vmem_shared>>
          tpu.wait_indirect_dma semaphore(%arg17 : memref<!tpu.dma_semaphore, #tpu.memory_space<semaphore_mem>>) src(%arg12 : memref<128x128xf32, #tpu.memory_space<vmem>>) dst(%dma_wait3A_141 : memref<10112x128xf32, #tpu.memory_space<vmem_shared>>)
          %add3A_142 = arith.constant 3 : i32
          %add3A_143 = arith.addi %add3A_85, %add3A_142 : i32
          %dma_start3A_144 = arith.constant 0 : i32
          %dma_start3A_145 = tpu.memref_slice %arg9[%add3A_143, %dma_start3A_144] : memref<40x128xi32, #tpu.memory_space<vmem>> -> memref<1x128xi32, #tpu.memory_space<vmem>>
          %dma_start3A_146 = tpu.memref_squeeze %dma_start3A_145 : memref<1x128xi32, #tpu.memory_space<vmem>> -> memref<128xi32, #tpu.memory_space<vmem>>
          %dma_start3A_147 = arith.constant 0 : i32
          %dma_start3A_148 = arith.constant 0 : i32
          %dma_start3A_149 = tpu.memref_slice %arg2[%dma_start3A_147, %dma_start3A_148] : memref<10112x128xf32, #tpu.memory_space<hbm>> -> memref<10112x128xf32, #tpu.memory_space<hbm>>
          tpu.enqueue_indirect_dma source(%dma_start3A_149 : memref<10112x128xf32, #tpu.memory_space<hbm>>) target(%arg12 : memref<128x128xf32, #tpu.memory_space<vmem>>) offsets(%dma_start3A_146 : memref<128xi32, #tpu.memory_space<vmem>>) semaphore(%arg15 : memref<!tpu.dma_semaphore, #tpu.memory_space<semaphore_mem>>)
        } else {
        }
      }
      %scan3A_67 = arith.constant 20 : i32
      %dma_wait3A_68 = arith.constant 38 : i32
      %dma_wait3A_69 = arith.constant 0 : i32
      %dma_wait3A_70 = tpu.memref_slice %arg10[%dma_wait3A_68, %dma_wait3A_69] : memref<40x128xi32, #tpu.memory_space<vmem>> -> memref<1x128xi32, #tpu.memory_space<vmem>>
      %dma_wait3A_71 = tpu.memref_squeeze %dma_wait3A_70 : memref<1x128xi32, #tpu.memory_space<vmem>> -> memref<128xi32, #tpu.memory_space<vmem>>
      %dma_wait3A_72 = arith.constant 0 : i32
      %dma_wait3A_73 = arith.constant 0 : i32
      %dma_wait3A_74 = tpu.memref_slice %arg13[%dma_wait3A_72, %dma_wait3A_73] : memref<10112x128xf32, #tpu.memory_space<vmem_shared>> -> memref<10112x128xf32, #tpu.memory_space<vmem_shared>>
      tpu.wait_indirect_dma semaphore(%arg16 : memref<!tpu.dma_semaphore, #tpu.memory_space<semaphore_mem>>) src(%arg11 : memref<128x128xf32, #tpu.memory_space<vmem>>) dst(%dma_wait3A_74 : memref<10112x128xf32, #tpu.memory_space<vmem_shared>>)
      %dma_wait3A_75 = arith.constant 39 : i32
      %dma_wait3A_76 = arith.constant 0 : i32
      %dma_wait3A_77 = tpu.memref_slice %arg10[%dma_wait3A_75, %dma_wait3A_76] : memref<40x128xi32, #tpu.memory_space<vmem>> -> memref<1x128xi32, #tpu.memory_space<vmem>>
      %dma_wait3A_78 = tpu.memref_squeeze %dma_wait3A_77 : memref<1x128xi32, #tpu.memory_space<vmem>> -> memref<128xi32, #tpu.memory_space<vmem>>
      %dma_wait3A_79 = arith.constant 0 : i32
      %dma_wait3A_80 = arith.constant 0 : i32
      %dma_wait3A_81 = tpu.memref_slice %arg13[%dma_wait3A_79, %dma_wait3A_80] : memref<10112x128xf32, #tpu.memory_space<vmem_shared>> -> memref<10112x128xf32, #tpu.memory_space<vmem_shared>>
      tpu.wait_indirect_dma semaphore(%arg17 : memref<!tpu.dma_semaphore, #tpu.memory_space<semaphore_mem>>) src(%arg12 : memref<128x128xf32, #tpu.memory_space<vmem>>) dst(%dma_wait3A_81 : memref<10112x128xf32, #tpu.memory_space<vmem_shared>>)
    } else {
    }
    %eq3A_3 = arith.constant 1 : i32
    %eq3A_4 = arith.cmpi eq, %arg0, %eq3A_3 : i32
    %convert_element_type3A_5 = arith.extui %eq3A_4 : i1 to i32
    %cond3A_6 = arith.constant 0 : i32
    %cond3A_7 = arith.cmpi ne, %convert_element_type3A_5, %cond3A_6 : i32
    scf.if %cond3A_7 {
      "tpu.region"() ({
        %run_scoped3A = tpu.sem_alloc : memref<!tpu.dma_semaphore, #tpu.memory_space<semaphore_mem>>
        %dma_start3A_82 = arith.constant 0 : i32
        %dma_start3A_83 = arith.constant 0 : i32
        %dma_start3A_84 = tpu.memref_slice %arg4[%arg1, %dma_start3A_82, %dma_start3A_83] : memref<16x80x128xi32, #tpu.memory_space<hbm>> -> memref<1x80x128xi32, #tpu.memory_space<hbm>>
        %dma_start3A_85 = tpu.memref_squeeze %dma_start3A_84 : memref<1x80x128xi32, #tpu.memory_space<hbm>> -> memref<80x128xi32, #tpu.memory_space<hbm>>
        %dma_start3A_86 = arith.constant 0 : i32
        %dma_start3A_87 = arith.constant 0 : i32
        %dma_start3A_88 = tpu.memref_slice %dma_start3A_85[%dma_start3A_86, %dma_start3A_87] : memref<80x128xi32, #tpu.memory_space<hbm>> -> memref<40x128xi32, #tpu.memory_space<hbm>>
        %dma_start3A_89 = arith.constant 0 : i32
        %dma_start3A_90 = arith.constant 0 : i32
        %dma_start3A_91 = tpu.memref_slice %arg4[%arg1, %dma_start3A_89, %dma_start3A_90] : memref<16x80x128xi32, #tpu.memory_space<hbm>> -> memref<1x80x128xi32, #tpu.memory_space<hbm>>
        %dma_start3A_92 = tpu.memref_squeeze %dma_start3A_91 : memref<1x80x128xi32, #tpu.memory_space<hbm>> -> memref<80x128xi32, #tpu.memory_space<hbm>>
        %dma_start3A_93 = arith.constant 0 : i32
        %dma_start3A_94 = arith.constant 0 : i32
        %dma_start3A_95 = tpu.memref_slice %dma_start3A_92[%dma_start3A_93, %dma_start3A_94] : memref<80x128xi32, #tpu.memory_space<hbm>> -> memref<40x128xi32, #tpu.memory_space<hbm>>
        tpu.enqueue_dma source(%dma_start3A_95 : memref<40x128xi32, #tpu.memory_space<hbm>>) target(%arg9 : memref<40x128xi32, #tpu.memory_space<vmem>>) target_semaphore(%run_scoped3A : memref<!tpu.dma_semaphore, #tpu.memory_space<semaphore_mem>>)
        %dma_wait3A_96 = arith.constant 0 : i32
        %dma_wait3A_97 = arith.constant 0 : i32
        %dma_wait3A_98 = tpu.memref_slice %arg4[%arg1, %dma_wait3A_96, %dma_wait3A_97] : memref<16x80x128xi32, #tpu.memory_space<hbm>> -> memref<1x80x128xi32, #tpu.memory_space<hbm>>
        %dma_wait3A_99 = tpu.memref_squeeze %dma_wait3A_98 : memref<1x80x128xi32, #tpu.memory_space<hbm>> -> memref<80x128xi32, #tpu.memory_space<hbm>>
        %dma_wait3A_100 = arith.constant 0 : i32
        %dma_wait3A_101 = arith.constant 0 : i32
        %dma_wait3A_102 = tpu.memref_slice %dma_wait3A_99[%dma_wait3A_100, %dma_wait3A_101] : memref<80x128xi32, #tpu.memory_space<hbm>> -> memref<40x128xi32, #tpu.memory_space<hbm>>
        %dma_wait3A_103 = arith.constant 0 : i32
        %dma_wait3A_104 = arith.constant 0 : i32
        %dma_wait3A_105 = tpu.memref_slice %arg4[%arg1, %dma_wait3A_103, %dma_wait3A_104] : memref<16x80x128xi32, #tpu.memory_space<hbm>> -> memref<1x80x128xi32, #tpu.memory_space<hbm>>
        %dma_wait3A_106 = tpu.memref_squeeze %dma_wait3A_105 : memref<1x80x128xi32, #tpu.memory_space<hbm>> -> memref<80x128xi32, #tpu.memory_space<hbm>>
        %dma_wait3A_107 = arith.constant 0 : i32
        %dma_wait3A_108 = arith.constant 0 : i32
        %dma_wait3A_109 = tpu.memref_slice %dma_wait3A_106[%dma_wait3A_107, %dma_wait3A_108] : memref<80x128xi32, #tpu.memory_space<hbm>> -> memref<40x128xi32, #tpu.memory_space<hbm>>
        tpu.wait_dma2 semaphore(%run_scoped3A : memref<!tpu.dma_semaphore, #tpu.memory_space<semaphore_mem>>) src(%dma_wait3A_109 : memref<40x128xi32, #tpu.memory_space<hbm>>) dst(%arg9 : memref<40x128xi32, #tpu.memory_space<vmem>>)
        tpu.yield
      }) : () -> ()
      "tpu.region"() ({
        %run_scoped3A = tpu.sem_alloc : memref<!tpu.dma_semaphore, #tpu.memory_space<semaphore_mem>>
        %dma_start3A_82 = arith.constant 0 : i32
        %dma_start3A_83 = arith.constant 0 : i32
        %dma_start3A_84 = tpu.memref_slice %arg5[%arg1, %dma_start3A_82, %dma_start3A_83] : memref<16x80x128xi32, #tpu.memory_space<hbm>> -> memref<1x80x128xi32, #tpu.memory_space<hbm>>
        %dma_start3A_85 = tpu.memref_squeeze %dma_start3A_84 : memref<1x80x128xi32, #tpu.memory_space<hbm>> -> memref<80x128xi32, #tpu.memory_space<hbm>>
        %dma_start3A_86 = arith.constant 0 : i32
        %dma_start3A_87 = arith.constant 0 : i32
        %dma_start3A_88 = tpu.memref_slice %dma_start3A_85[%dma_start3A_86, %dma_start3A_87] : memref<80x128xi32, #tpu.memory_space<hbm>> -> memref<40x128xi32, #tpu.memory_space<hbm>>
        %dma_start3A_89 = arith.constant 0 : i32
        %dma_start3A_90 = arith.constant 0 : i32
        %dma_start3A_91 = tpu.memref_slice %arg5[%arg1, %dma_start3A_89, %dma_start3A_90] : memref<16x80x128xi32, #tpu.memory_space<hbm>> -> memref<1x80x128xi32, #tpu.memory_space<hbm>>
        %dma_start3A_92 = tpu.memref_squeeze %dma_start3A_91 : memref<1x80x128xi32, #tpu.memory_space<hbm>> -> memref<80x128xi32, #tpu.memory_space<hbm>>
        %dma_start3A_93 = arith.constant 0 : i32
        %dma_start3A_94 = arith.constant 0 : i32
        %dma_start3A_95 = tpu.memref_slice %dma_start3A_92[%dma_start3A_93, %dma_start3A_94] : memref<80x128xi32, #tpu.memory_space<hbm>> -> memref<40x128xi32, #tpu.memory_space<hbm>>
        tpu.enqueue_dma source(%dma_start3A_95 : memref<40x128xi32, #tpu.memory_space<hbm>>) target(%arg10 : memref<40x128xi32, #tpu.memory_space<vmem>>) target_semaphore(%run_scoped3A : memref<!tpu.dma_semaphore, #tpu.memory_space<semaphore_mem>>)
        %dma_wait3A_96 = arith.constant 0 : i32
        %dma_wait3A_97 = arith.constant 0 : i32
        %dma_wait3A_98 = tpu.memref_slice %arg5[%arg1, %dma_wait3A_96, %dma_wait3A_97] : memref<16x80x128xi32, #tpu.memory_space<hbm>> -> memref<1x80x128xi32, #tpu.memory_space<hbm>>
        %dma_wait3A_99 = tpu.memref_squeeze %dma_wait3A_98 : memref<1x80x128xi32, #tpu.memory_space<hbm>> -> memref<80x128xi32, #tpu.memory_space<hbm>>
        %dma_wait3A_100 = arith.constant 0 : i32
        %dma_wait3A_101 = arith.constant 0 : i32
        %dma_wait3A_102 = tpu.memref_slice %dma_wait3A_99[%dma_wait3A_100, %dma_wait3A_101] : memref<80x128xi32, #tpu.memory_space<hbm>> -> memref<40x128xi32, #tpu.memory_space<hbm>>
        %dma_wait3A_103 = arith.constant 0 : i32
        %dma_wait3A_104 = arith.constant 0 : i32
        %dma_wait3A_105 = tpu.memref_slice %arg5[%arg1, %dma_wait3A_103, %dma_wait3A_104] : memref<16x80x128xi32, #tpu.memory_space<hbm>> -> memref<1x80x128xi32, #tpu.memory_space<hbm>>
        %dma_wait3A_106 = tpu.memref_squeeze %dma_wait3A_105 : memref<1x80x128xi32, #tpu.memory_space<hbm>> -> memref<80x128xi32, #tpu.memory_space<hbm>>
        %dma_wait3A_107 = arith.constant 0 : i32
        %dma_wait3A_108 = arith.constant 0 : i32
        %dma_wait3A_109 = tpu.memref_slice %dma_wait3A_106[%dma_wait3A_107, %dma_wait3A_108] : memref<80x128xi32, #tpu.memory_space<hbm>> -> memref<40x128xi32, #tpu.memory_space<hbm>>
        tpu.wait_dma2 semaphore(%run_scoped3A : memref<!tpu.dma_semaphore, #tpu.memory_space<semaphore_mem>>) src(%dma_wait3A_109 : memref<40x128xi32, #tpu.memory_space<hbm>>) dst(%arg10 : memref<40x128xi32, #tpu.memory_space<vmem>>)
        tpu.yield
      }) : () -> ()
      %dma_start3A = arith.constant 0 : i32
      %dma_start3A_19 = arith.constant 0 : i32
      %dma_start3A_20 = tpu.memref_slice %arg9[%dma_start3A, %dma_start3A_19] : memref<40x128xi32, #tpu.memory_space<vmem>> -> memref<1x128xi32, #tpu.memory_space<vmem>>
      %dma_start3A_21 = tpu.memref_squeeze %dma_start3A_20 : memref<1x128xi32, #tpu.memory_space<vmem>> -> memref<128xi32, #tpu.memory_space<vmem>>
      %dma_start3A_22 = arith.constant 0 : i32
      %dma_start3A_23 = arith.constant 0 : i32
      %dma_start3A_24 = tpu.memref_slice %arg3[%dma_start3A_22, %dma_start3A_23] : memref<10112x128xf32, #tpu.memory_space<hbm>> -> memref<10112x128xf32, #tpu.memory_space<hbm>>
      tpu.enqueue_indirect_dma source(%dma_start3A_24 : memref<10112x128xf32, #tpu.memory_space<hbm>>) target(%arg11 : memref<128x128xf32, #tpu.memory_space<vmem>>) offsets(%dma_start3A_21 : memref<128xi32, #tpu.memory_space<vmem>>) semaphore(%arg14 : memref<!tpu.dma_semaphore, #tpu.memory_space<semaphore_mem>>)
      %dma_start3A_25 = arith.constant 1 : i32
      %dma_start3A_26 = arith.constant 0 : i32
      %dma_start3A_27 = tpu.memref_slice %arg9[%dma_start3A_25, %dma_start3A_26] : memref<40x128xi32, #tpu.memory_space<vmem>> -> memref<1x128xi32, #tpu.memory_space<vmem>>
      %dma_start3A_28 = tpu.memref_squeeze %dma_start3A_27 : memref<1x128xi32, #tpu.memory_space<vmem>> -> memref<128xi32, #tpu.memory_space<vmem>>
      %dma_start3A_29 = arith.constant 0 : i32
      %dma_start3A_30 = arith.constant 0 : i32
      %dma_start3A_31 = tpu.memref_slice %arg3[%dma_start3A_29, %dma_start3A_30] : memref<10112x128xf32, #tpu.memory_space<hbm>> -> memref<10112x128xf32, #tpu.memory_space<hbm>>
      tpu.enqueue_indirect_dma source(%dma_start3A_31 : memref<10112x128xf32, #tpu.memory_space<hbm>>) target(%arg12 : memref<128x128xf32, #tpu.memory_space<vmem>>) offsets(%dma_start3A_28 : memref<128xi32, #tpu.memory_space<vmem>>) semaphore(%arg15 : memref<!tpu.dma_semaphore, #tpu.memory_space<semaphore_mem>>)
      %scan3A = arith.constant 0 : i32
      %scan3A_32 = arith.constant 20 : i32
      %scan3A_33 = arith.addi %scan3A, %scan3A_32 : i32
      %scan3A_34 = arith.constant 1 : i32
      scf.for %scan3A_82 = %scan3A to %scan3A_33 step %scan3A_34  : i32 {
        %mul3A_83 = arith.constant 2 : i32
        %mul3A_84 = arith.muli %scan3A_82, %mul3A_83 : i32
        %add3A = arith.constant 0 : i32
        %add3A_85 = arith.addi %add3A, %mul3A_84 : i32
        %dma_wait3A_86 = arith.constant 0 : i32
        %dma_wait3A_87 = tpu.memref_slice %arg9[%add3A_85, %dma_wait3A_86] : memref<40x128xi32, #tpu.memory_space<vmem>> -> memref<1x128xi32, #tpu.memory_space<vmem>>
        %dma_wait3A_88 = tpu.memref_squeeze %dma_wait3A_87 : memref<1x128xi32, #tpu.memory_space<vmem>> -> memref<128xi32, #tpu.memory_space<vmem>>
        %dma_wait3A_89 = arith.constant 0 : i32
        %dma_wait3A_90 = arith.constant 0 : i32
        %dma_wait3A_91 = tpu.memref_slice %arg3[%dma_wait3A_89, %dma_wait3A_90] : memref<10112x128xf32, #tpu.memory_space<hbm>> -> memref<10112x128xf32, #tpu.memory_space<hbm>>
        tpu.wait_indirect_dma semaphore(%arg14 : memref<!tpu.dma_semaphore, #tpu.memory_space<semaphore_mem>>) src(%dma_wait3A_91 : memref<10112x128xf32, #tpu.memory_space<hbm>>) dst(%arg11 : memref<128x128xf32, #tpu.memory_space<vmem>>)
        %dma_start3A_92 = arith.constant 0 : i32
        %dma_start3A_93 = tpu.memref_slice %arg10[%add3A_85, %dma_start3A_92] : memref<40x128xi32, #tpu.memory_space<vmem>> -> memref<1x128xi32, #tpu.memory_space<vmem>>
        %dma_start3A_94 = tpu.memref_squeeze %dma_start3A_93 : memref<1x128xi32, #tpu.memory_space<vmem>> -> memref<128xi32, #tpu.memory_space<vmem>>
        %dma_start3A_95 = arith.constant 0 : i32
        %dma_start3A_96 = arith.constant 0 : i32
        %dma_start3A_97 = tpu.memref_slice %arg13[%dma_start3A_95, %dma_start3A_96] : memref<10112x128xf32, #tpu.memory_space<vmem_shared>> -> memref<10112x128xf32, #tpu.memory_space<vmem_shared>>
        tpu.enqueue_indirect_dma source(%arg11 : memref<128x128xf32, #tpu.memory_space<vmem>>) target(%dma_start3A_97 : memref<10112x128xf32, #tpu.memory_space<vmem_shared>>) offsets(%dma_start3A_94 : memref<128xi32, #tpu.memory_space<vmem>>) semaphore(%arg16 : memref<!tpu.dma_semaphore, #tpu.memory_space<semaphore_mem>>) {add = true}
        %add3A_98 = arith.constant 1 : i32
        %add3A_99 = arith.addi %add3A_85, %add3A_98 : i32
        %dma_wait3A_100 = arith.constant 0 : i32
        %dma_wait3A_101 = tpu.memref_slice %arg9[%add3A_99, %dma_wait3A_100] : memref<40x128xi32, #tpu.memory_space<vmem>> -> memref<1x128xi32, #tpu.memory_space<vmem>>
        %dma_wait3A_102 = tpu.memref_squeeze %dma_wait3A_101 : memref<1x128xi32, #tpu.memory_space<vmem>> -> memref<128xi32, #tpu.memory_space<vmem>>
        %dma_wait3A_103 = arith.constant 0 : i32
        %dma_wait3A_104 = arith.constant 0 : i32
        %dma_wait3A_105 = tpu.memref_slice %arg3[%dma_wait3A_103, %dma_wait3A_104] : memref<10112x128xf32, #tpu.memory_space<hbm>> -> memref<10112x128xf32, #tpu.memory_space<hbm>>
        tpu.wait_indirect_dma semaphore(%arg15 : memref<!tpu.dma_semaphore, #tpu.memory_space<semaphore_mem>>) src(%dma_wait3A_105 : memref<10112x128xf32, #tpu.memory_space<hbm>>) dst(%arg12 : memref<128x128xf32, #tpu.memory_space<vmem>>)
        %add3A_106 = arith.constant 1 : i32
        %add3A_107 = arith.addi %add3A_85, %add3A_106 : i32
        %dma_start3A_108 = arith.constant 0 : i32
        %dma_start3A_109 = tpu.memref_slice %arg10[%add3A_107, %dma_start3A_108] : memref<40x128xi32, #tpu.memory_space<vmem>> -> memref<1x128xi32, #tpu.memory_space<vmem>>
        %dma_start3A_110 = tpu.memref_squeeze %dma_start3A_109 : memref<1x128xi32, #tpu.memory_space<vmem>> -> memref<128xi32, #tpu.memory_space<vmem>>
        %dma_start3A_111 = arith.constant 0 : i32
        %dma_start3A_112 = arith.constant 0 : i32
        %dma_start3A_113 = tpu.memref_slice %arg13[%dma_start3A_111, %dma_start3A_112] : memref<10112x128xf32, #tpu.memory_space<vmem_shared>> -> memref<10112x128xf32, #tpu.memory_space<vmem_shared>>
        tpu.enqueue_indirect_dma source(%arg12 : memref<128x128xf32, #tpu.memory_space<vmem>>) target(%dma_start3A_113 : memref<10112x128xf32, #tpu.memory_space<vmem_shared>>) offsets(%dma_start3A_110 : memref<128xi32, #tpu.memory_space<vmem>>) semaphore(%arg17 : memref<!tpu.dma_semaphore, #tpu.memory_space<semaphore_mem>>) {add = true}
        %add3A_114 = arith.constant 2 : i32
        %add3A_115 = arith.addi %add3A_85, %add3A_114 : i32
        %lt3A = arith.constant 40 : i32
        %lt3A_116 = arith.cmpi slt, %add3A_115, %lt3A : i32
        %convert_element_type3A_117 = arith.extui %lt3A_116 : i1 to i32
        %cond3A_118 = arith.constant 0 : i32
        %cond3A_119 = arith.cmpi ne, %convert_element_type3A_117, %cond3A_118 : i32
        scf.if %cond3A_119 {
          %dma_wait3A_120 = arith.constant 0 : i32
          %dma_wait3A_121 = tpu.memref_slice %arg10[%add3A_85, %dma_wait3A_120] : memref<40x128xi32, #tpu.memory_space<vmem>> -> memref<1x128xi32, #tpu.memory_space<vmem>>
          %dma_wait3A_122 = tpu.memref_squeeze %dma_wait3A_121 : memref<1x128xi32, #tpu.memory_space<vmem>> -> memref<128xi32, #tpu.memory_space<vmem>>
          %dma_wait3A_123 = arith.constant 0 : i32
          %dma_wait3A_124 = arith.constant 0 : i32
          %dma_wait3A_125 = tpu.memref_slice %arg13[%dma_wait3A_123, %dma_wait3A_124] : memref<10112x128xf32, #tpu.memory_space<vmem_shared>> -> memref<10112x128xf32, #tpu.memory_space<vmem_shared>>
          tpu.wait_indirect_dma semaphore(%arg16 : memref<!tpu.dma_semaphore, #tpu.memory_space<semaphore_mem>>) src(%arg11 : memref<128x128xf32, #tpu.memory_space<vmem>>) dst(%dma_wait3A_125 : memref<10112x128xf32, #tpu.memory_space<vmem_shared>>)
          %add3A_126 = arith.constant 2 : i32
          %add3A_127 = arith.addi %add3A_85, %add3A_126 : i32
          %dma_start3A_128 = arith.constant 0 : i32
          %dma_start3A_129 = tpu.memref_slice %arg9[%add3A_127, %dma_start3A_128] : memref<40x128xi32, #tpu.memory_space<vmem>> -> memref<1x128xi32, #tpu.memory_space<vmem>>
          %dma_start3A_130 = tpu.memref_squeeze %dma_start3A_129 : memref<1x128xi32, #tpu.memory_space<vmem>> -> memref<128xi32, #tpu.memory_space<vmem>>
          %dma_start3A_131 = arith.constant 0 : i32
          %dma_start3A_132 = arith.constant 0 : i32
          %dma_start3A_133 = tpu.memref_slice %arg3[%dma_start3A_131, %dma_start3A_132] : memref<10112x128xf32, #tpu.memory_space<hbm>> -> memref<10112x128xf32, #tpu.memory_space<hbm>>
          tpu.enqueue_indirect_dma source(%dma_start3A_133 : memref<10112x128xf32, #tpu.memory_space<hbm>>) target(%arg11 : memref<128x128xf32, #tpu.memory_space<vmem>>) offsets(%dma_start3A_130 : memref<128xi32, #tpu.memory_space<vmem>>) semaphore(%arg14 : memref<!tpu.dma_semaphore, #tpu.memory_space<semaphore_mem>>)
          %add3A_134 = arith.constant 1 : i32
          %add3A_135 = arith.addi %add3A_85, %add3A_134 : i32
          %dma_wait3A_136 = arith.constant 0 : i32
          %dma_wait3A_137 = tpu.memref_slice %arg10[%add3A_135, %dma_wait3A_136] : memref<40x128xi32, #tpu.memory_space<vmem>> -> memref<1x128xi32, #tpu.memory_space<vmem>>
          %dma_wait3A_138 = tpu.memref_squeeze %dma_wait3A_137 : memref<1x128xi32, #tpu.memory_space<vmem>> -> memref<128xi32, #tpu.memory_space<vmem>>
          %dma_wait3A_139 = arith.constant 0 : i32
          %dma_wait3A_140 = arith.constant 0 : i32
          %dma_wait3A_141 = tpu.memref_slice %arg13[%dma_wait3A_139, %dma_wait3A_140] : memref<10112x128xf32, #tpu.memory_space<vmem_shared>> -> memref<10112x128xf32, #tpu.memory_space<vmem_shared>>
          tpu.wait_indirect_dma semaphore(%arg17 : memref<!tpu.dma_semaphore, #tpu.memory_space<semaphore_mem>>) src(%arg12 : memref<128x128xf32, #tpu.memory_space<vmem>>) dst(%dma_wait3A_141 : memref<10112x128xf32, #tpu.memory_space<vmem_shared>>)
          %add3A_142 = arith.constant 3 : i32
          %add3A_143 = arith.addi %add3A_85, %add3A_142 : i32
          %dma_start3A_144 = arith.constant 0 : i32
          %dma_start3A_145 = tpu.memref_slice %arg9[%add3A_143, %dma_start3A_144] : memref<40x128xi32, #tpu.memory_space<vmem>> -> memref<1x128xi32, #tpu.memory_space<vmem>>
          %dma_start3A_146 = tpu.memref_squeeze %dma_start3A_145 : memref<1x128xi32, #tpu.memory_space<vmem>> -> memref<128xi32, #tpu.memory_space<vmem>>
          %dma_start3A_147 = arith.constant 0 : i32
          %dma_start3A_148 = arith.constant 0 : i32
          %dma_start3A_149 = tpu.memref_slice %arg3[%dma_start3A_147, %dma_start3A_148] : memref<10112x128xf32, #tpu.memory_space<hbm>> -> memref<10112x128xf32, #tpu.memory_space<hbm>>
          tpu.enqueue_indirect_dma source(%dma_start3A_149 : memref<10112x128xf32, #tpu.memory_space<hbm>>) target(%arg12 : memref<128x128xf32, #tpu.memory_space<vmem>>) offsets(%dma_start3A_146 : memref<128xi32, #tpu.memory_space<vmem>>) semaphore(%arg15 : memref<!tpu.dma_semaphore, #tpu.memory_space<semaphore_mem>>)
        } else {
        }
      }
      %scan3A_35 = arith.constant 20 : i32
      %dma_wait3A = arith.constant 38 : i32
      %dma_wait3A_36 = arith.constant 0 : i32
      %dma_wait3A_37 = tpu.memref_slice %arg10[%dma_wait3A, %dma_wait3A_36] : memref<40x128xi32, #tpu.memory_space<vmem>> -> memref<1x128xi32, #tpu.memory_space<vmem>>
      %dma_wait3A_38 = tpu.memref_squeeze %dma_wait3A_37 : memref<1x128xi32, #tpu.memory_space<vmem>> -> memref<128xi32, #tpu.memory_space<vmem>>
      %dma_wait3A_39 = arith.constant 0 : i32
      %dma_wait3A_40 = arith.constant 0 : i32
      %dma_wait3A_41 = tpu.memref_slice %arg13[%dma_wait3A_39, %dma_wait3A_40] : memref<10112x128xf32, #tpu.memory_space<vmem_shared>> -> memref<10112x128xf32, #tpu.memory_space<vmem_shared>>
      tpu.wait_indirect_dma semaphore(%arg16 : memref<!tpu.dma_semaphore, #tpu.memory_space<semaphore_mem>>) src(%arg11 : memref<128x128xf32, #tpu.memory_space<vmem>>) dst(%dma_wait3A_41 : memref<10112x128xf32, #tpu.memory_space<vmem_shared>>)
      %dma_wait3A_42 = arith.constant 39 : i32
      %dma_wait3A_43 = arith.constant 0 : i32
      %dma_wait3A_44 = tpu.memref_slice %arg10[%dma_wait3A_42, %dma_wait3A_43] : memref<40x128xi32, #tpu.memory_space<vmem>> -> memref<1x128xi32, #tpu.memory_space<vmem>>
      %dma_wait3A_45 = tpu.memref_squeeze %dma_wait3A_44 : memref<1x128xi32, #tpu.memory_space<vmem>> -> memref<128xi32, #tpu.memory_space<vmem>>
      %dma_wait3A_46 = arith.constant 0 : i32
      %dma_wait3A_47 = arith.constant 0 : i32
      %dma_wait3A_48 = tpu.memref_slice %arg13[%dma_wait3A_46, %dma_wait3A_47] : memref<10112x128xf32, #tpu.memory_space<vmem_shared>> -> memref<10112x128xf32, #tpu.memory_space<vmem_shared>>
      tpu.wait_indirect_dma semaphore(%arg17 : memref<!tpu.dma_semaphore, #tpu.memory_space<semaphore_mem>>) src(%arg12 : memref<128x128xf32, #tpu.memory_space<vmem>>) dst(%dma_wait3A_48 : memref<10112x128xf32, #tpu.memory_space<vmem_shared>>)
      "tpu.region"() ({
        %run_scoped3A = tpu.sem_alloc : memref<!tpu.dma_semaphore, #tpu.memory_space<semaphore_mem>>
        %dma_start3A_82 = arith.constant 0 : i32
        %dma_start3A_83 = arith.constant 0 : i32
        %dma_start3A_84 = tpu.memref_slice %arg4[%arg1, %dma_start3A_82, %dma_start3A_83] : memref<16x80x128xi32, #tpu.memory_space<hbm>> -> memref<1x80x128xi32, #tpu.memory_space<hbm>>
        %dma_start3A_85 = tpu.memref_squeeze %dma_start3A_84 : memref<1x80x128xi32, #tpu.memory_space<hbm>> -> memref<80x128xi32, #tpu.memory_space<hbm>>
        %dma_start3A_86 = arith.constant 40 : i32
        %dma_start3A_87 = arith.constant 0 : i32
        %dma_start3A_88 = tpu.memref_slice %dma_start3A_85[%dma_start3A_86, %dma_start3A_87] : memref<80x128xi32, #tpu.memory_space<hbm>> -> memref<40x128xi32, #tpu.memory_space<hbm>>
        %dma_start3A_89 = arith.constant 0 : i32
        %dma_start3A_90 = arith.constant 0 : i32
        %dma_start3A_91 = tpu.memref_slice %arg4[%arg1, %dma_start3A_89, %dma_start3A_90] : memref<16x80x128xi32, #tpu.memory_space<hbm>> -> memref<1x80x128xi32, #tpu.memory_space<hbm>>
        %dma_start3A_92 = tpu.memref_squeeze %dma_start3A_91 : memref<1x80x128xi32, #tpu.memory_space<hbm>> -> memref<80x128xi32, #tpu.memory_space<hbm>>
        %dma_start3A_93 = arith.constant 40 : i32
        %dma_start3A_94 = arith.constant 0 : i32
        %dma_start3A_95 = tpu.memref_slice %dma_start3A_92[%dma_start3A_93, %dma_start3A_94] : memref<80x128xi32, #tpu.memory_space<hbm>> -> memref<40x128xi32, #tpu.memory_space<hbm>>
        tpu.enqueue_dma source(%dma_start3A_95 : memref<40x128xi32, #tpu.memory_space<hbm>>) target(%arg9 : memref<40x128xi32, #tpu.memory_space<vmem>>) target_semaphore(%run_scoped3A : memref<!tpu.dma_semaphore, #tpu.memory_space<semaphore_mem>>)
        %dma_wait3A_96 = arith.constant 0 : i32
        %dma_wait3A_97 = arith.constant 0 : i32
        %dma_wait3A_98 = tpu.memref_slice %arg4[%arg1, %dma_wait3A_96, %dma_wait3A_97] : memref<16x80x128xi32, #tpu.memory_space<hbm>> -> memref<1x80x128xi32, #tpu.memory_space<hbm>>
        %dma_wait3A_99 = tpu.memref_squeeze %dma_wait3A_98 : memref<1x80x128xi32, #tpu.memory_space<hbm>> -> memref<80x128xi32, #tpu.memory_space<hbm>>
        %dma_wait3A_100 = arith.constant 40 : i32
        %dma_wait3A_101 = arith.constant 0 : i32
        %dma_wait3A_102 = tpu.memref_slice %dma_wait3A_99[%dma_wait3A_100, %dma_wait3A_101] : memref<80x128xi32, #tpu.memory_space<hbm>> -> memref<40x128xi32, #tpu.memory_space<hbm>>
        %dma_wait3A_103 = arith.constant 0 : i32
        %dma_wait3A_104 = arith.constant 0 : i32
        %dma_wait3A_105 = tpu.memref_slice %arg4[%arg1, %dma_wait3A_103, %dma_wait3A_104] : memref<16x80x128xi32, #tpu.memory_space<hbm>> -> memref<1x80x128xi32, #tpu.memory_space<hbm>>
        %dma_wait3A_106 = tpu.memref_squeeze %dma_wait3A_105 : memref<1x80x128xi32, #tpu.memory_space<hbm>> -> memref<80x128xi32, #tpu.memory_space<hbm>>
        %dma_wait3A_107 = arith.constant 40 : i32
        %dma_wait3A_108 = arith.constant 0 : i32
        %dma_wait3A_109 = tpu.memref_slice %dma_wait3A_106[%dma_wait3A_107, %dma_wait3A_108] : memref<80x128xi32, #tpu.memory_space<hbm>> -> memref<40x128xi32, #tpu.memory_space<hbm>>
        tpu.wait_dma2 semaphore(%run_scoped3A : memref<!tpu.dma_semaphore, #tpu.memory_space<semaphore_mem>>) src(%dma_wait3A_109 : memref<40x128xi32, #tpu.memory_space<hbm>>) dst(%arg9 : memref<40x128xi32, #tpu.memory_space<vmem>>)
        tpu.yield
      }) : () -> ()
      "tpu.region"() ({
        %run_scoped3A = tpu.sem_alloc : memref<!tpu.dma_semaphore, #tpu.memory_space<semaphore_mem>>
        %dma_start3A_82 = arith.constant 0 : i32
        %dma_start3A_83 = arith.constant 0 : i32
        %dma_start3A_84 = tpu.memref_slice %arg5[%arg1, %dma_start3A_82, %dma_start3A_83] : memref<16x80x128xi32, #tpu.memory_space<hbm>> -> memref<1x80x128xi32, #tpu.memory_space<hbm>>
        %dma_start3A_85 = tpu.memref_squeeze %dma_start3A_84 : memref<1x80x128xi32, #tpu.memory_space<hbm>> -> memref<80x128xi32, #tpu.memory_space<hbm>>
        %dma_start3A_86 = arith.constant 40 : i32
        %dma_start3A_87 = arith.constant 0 : i32
        %dma_start3A_88 = tpu.memref_slice %dma_start3A_85[%dma_start3A_86, %dma_start3A_87] : memref<80x128xi32, #tpu.memory_space<hbm>> -> memref<40x128xi32, #tpu.memory_space<hbm>>
        %dma_start3A_89 = arith.constant 0 : i32
        %dma_start3A_90 = arith.constant 0 : i32
        %dma_start3A_91 = tpu.memref_slice %arg5[%arg1, %dma_start3A_89, %dma_start3A_90] : memref<16x80x128xi32, #tpu.memory_space<hbm>> -> memref<1x80x128xi32, #tpu.memory_space<hbm>>
        %dma_start3A_92 = tpu.memref_squeeze %dma_start3A_91 : memref<1x80x128xi32, #tpu.memory_space<hbm>> -> memref<80x128xi32, #tpu.memory_space<hbm>>
        %dma_start3A_93 = arith.constant 40 : i32
        %dma_start3A_94 = arith.constant 0 : i32
        %dma_start3A_95 = tpu.memref_slice %dma_start3A_92[%dma_start3A_93, %dma_start3A_94] : memref<80x128xi32, #tpu.memory_space<hbm>> -> memref<40x128xi32, #tpu.memory_space<hbm>>
        tpu.enqueue_dma source(%dma_start3A_95 : memref<40x128xi32, #tpu.memory_space<hbm>>) target(%arg10 : memref<40x128xi32, #tpu.memory_space<vmem>>) target_semaphore(%run_scoped3A : memref<!tpu.dma_semaphore, #tpu.memory_space<semaphore_mem>>)
        %dma_wait3A_96 = arith.constant 0 : i32
        %dma_wait3A_97 = arith.constant 0 : i32
        %dma_wait3A_98 = tpu.memref_slice %arg5[%arg1, %dma_wait3A_96, %dma_wait3A_97] : memref<16x80x128xi32, #tpu.memory_space<hbm>> -> memref<1x80x128xi32, #tpu.memory_space<hbm>>
        %dma_wait3A_99 = tpu.memref_squeeze %dma_wait3A_98 : memref<1x80x128xi32, #tpu.memory_space<hbm>> -> memref<80x128xi32, #tpu.memory_space<hbm>>
        %dma_wait3A_100 = arith.constant 40 : i32
        %dma_wait3A_101 = arith.constant 0 : i32
        %dma_wait3A_102 = tpu.memref_slice %dma_wait3A_99[%dma_wait3A_100, %dma_wait3A_101] : memref<80x128xi32, #tpu.memory_space<hbm>> -> memref<40x128xi32, #tpu.memory_space<hbm>>
        %dma_wait3A_103 = arith.constant 0 : i32
        %dma_wait3A_104 = arith.constant 0 : i32
        %dma_wait3A_105 = tpu.memref_slice %arg5[%arg1, %dma_wait3A_103, %dma_wait3A_104] : memref<16x80x128xi32, #tpu.memory_space<hbm>> -> memref<1x80x128xi32, #tpu.memory_space<hbm>>
        %dma_wait3A_106 = tpu.memref_squeeze %dma_wait3A_105 : memref<1x80x128xi32, #tpu.memory_space<hbm>> -> memref<80x128xi32, #tpu.memory_space<hbm>>
        %dma_wait3A_107 = arith.constant 40 : i32
        %dma_wait3A_108 = arith.constant 0 : i32
        %dma_wait3A_109 = tpu.memref_slice %dma_wait3A_106[%dma_wait3A_107, %dma_wait3A_108] : memref<80x128xi32, #tpu.memory_space<hbm>> -> memref<40x128xi32, #tpu.memory_space<hbm>>
        tpu.wait_dma2 semaphore(%run_scoped3A : memref<!tpu.dma_semaphore, #tpu.memory_space<semaphore_mem>>) src(%dma_wait3A_109 : memref<40x128xi32, #tpu.memory_space<hbm>>) dst(%arg10 : memref<40x128xi32, #tpu.memory_space<vmem>>)
        tpu.yield
      }) : () -> ()
      %dma_start3A_49 = arith.constant 0 : i32
      %dma_start3A_50 = arith.constant 0 : i32
      %dma_start3A_51 = tpu.memref_slice %arg9[%dma_start3A_49, %dma_start3A_50] : memref<40x128xi32, #tpu.memory_space<vmem>> -> memref<1x128xi32, #tpu.memory_space<vmem>>
      %dma_start3A_52 = tpu.memref_squeeze %dma_start3A_51 : memref<1x128xi32, #tpu.memory_space<vmem>> -> memref<128xi32, #tpu.memory_space<vmem>>
      %dma_start3A_53 = arith.constant 0 : i32
      %dma_start3A_54 = arith.constant 0 : i32
      %dma_start3A_55 = tpu.memref_slice %arg3[%dma_start3A_53, %dma_start3A_54] : memref<10112x128xf32, #tpu.memory_space<hbm>> -> memref<10112x128xf32, #tpu.memory_space<hbm>>
      tpu.enqueue_indirect_dma source(%dma_start3A_55 : memref<10112x128xf32, #tpu.memory_space<hbm>>) target(%arg11 : memref<128x128xf32, #tpu.memory_space<vmem>>) offsets(%dma_start3A_52 : memref<128xi32, #tpu.memory_space<vmem>>) semaphore(%arg14 : memref<!tpu.dma_semaphore, #tpu.memory_space<semaphore_mem>>)
      %dma_start3A_56 = arith.constant 1 : i32
      %dma_start3A_57 = arith.constant 0 : i32
      %dma_start3A_58 = tpu.memref_slice %arg9[%dma_start3A_56, %dma_start3A_57] : memref<40x128xi32, #tpu.memory_space<vmem>> -> memref<1x128xi32, #tpu.memory_space<vmem>>
      %dma_start3A_59 = tpu.memref_squeeze %dma_start3A_58 : memref<1x128xi32, #tpu.memory_space<vmem>> -> memref<128xi32, #tpu.memory_space<vmem>>
      %dma_start3A_60 = arith.constant 0 : i32
      %dma_start3A_61 = arith.constant 0 : i32
      %dma_start3A_62 = tpu.memref_slice %arg3[%dma_start3A_60, %dma_start3A_61] : memref<10112x128xf32, #tpu.memory_space<hbm>> -> memref<10112x128xf32, #tpu.memory_space<hbm>>
      tpu.enqueue_indirect_dma source(%dma_start3A_62 : memref<10112x128xf32, #tpu.memory_space<hbm>>) target(%arg12 : memref<128x128xf32, #tpu.memory_space<vmem>>) offsets(%dma_start3A_59 : memref<128xi32, #tpu.memory_space<vmem>>) semaphore(%arg15 : memref<!tpu.dma_semaphore, #tpu.memory_space<semaphore_mem>>)
      %scan3A_63 = arith.constant 0 : i32
      %scan3A_64 = arith.constant 20 : i32
      %scan3A_65 = arith.addi %scan3A_63, %scan3A_64 : i32
      %scan3A_66 = arith.constant 1 : i32
      scf.for %scan3A_82 = %scan3A_63 to %scan3A_65 step %scan3A_66  : i32 {
        %mul3A_83 = arith.constant 2 : i32
        %mul3A_84 = arith.muli %scan3A_82, %mul3A_83 : i32
        %add3A = arith.constant 0 : i32
        %add3A_85 = arith.addi %add3A, %mul3A_84 : i32
        %dma_wait3A_86 = arith.constant 0 : i32
        %dma_wait3A_87 = tpu.memref_slice %arg9[%add3A_85, %dma_wait3A_86] : memref<40x128xi32, #tpu.memory_space<vmem>> -> memref<1x128xi32, #tpu.memory_space<vmem>>
        %dma_wait3A_88 = tpu.memref_squeeze %dma_wait3A_87 : memref<1x128xi32, #tpu.memory_space<vmem>> -> memref<128xi32, #tpu.memory_space<vmem>>
        %dma_wait3A_89 = arith.constant 0 : i32
        %dma_wait3A_90 = arith.constant 0 : i32
        %dma_wait3A_91 = tpu.memref_slice %arg3[%dma_wait3A_89, %dma_wait3A_90] : memref<10112x128xf32, #tpu.memory_space<hbm>> -> memref<10112x128xf32, #tpu.memory_space<hbm>>
        tpu.wait_indirect_dma semaphore(%arg14 : memref<!tpu.dma_semaphore, #tpu.memory_space<semaphore_mem>>) src(%dma_wait3A_91 : memref<10112x128xf32, #tpu.memory_space<hbm>>) dst(%arg11 : memref<128x128xf32, #tpu.memory_space<vmem>>)
        %dma_start3A_92 = arith.constant 0 : i32
        %dma_start3A_93 = tpu.memref_slice %arg10[%add3A_85, %dma_start3A_92] : memref<40x128xi32, #tpu.memory_space<vmem>> -> memref<1x128xi32, #tpu.memory_space<vmem>>
        %dma_start3A_94 = tpu.memref_squeeze %dma_start3A_93 : memref<1x128xi32, #tpu.memory_space<vmem>> -> memref<128xi32, #tpu.memory_space<vmem>>
        %dma_start3A_95 = arith.constant 0 : i32
        %dma_start3A_96 = arith.constant 0 : i32
        %dma_start3A_97 = tpu.memref_slice %arg13[%dma_start3A_95, %dma_start3A_96] : memref<10112x128xf32, #tpu.memory_space<vmem_shared>> -> memref<10112x128xf32, #tpu.memory_space<vmem_shared>>
        tpu.enqueue_indirect_dma source(%arg11 : memref<128x128xf32, #tpu.memory_space<vmem>>) target(%dma_start3A_97 : memref<10112x128xf32, #tpu.memory_space<vmem_shared>>) offsets(%dma_start3A_94 : memref<128xi32, #tpu.memory_space<vmem>>) semaphore(%arg16 : memref<!tpu.dma_semaphore, #tpu.memory_space<semaphore_mem>>) {add = true}
        %add3A_98 = arith.constant 1 : i32
        %add3A_99 = arith.addi %add3A_85, %add3A_98 : i32
        %dma_wait3A_100 = arith.constant 0 : i32
        %dma_wait3A_101 = tpu.memref_slice %arg9[%add3A_99, %dma_wait3A_100] : memref<40x128xi32, #tpu.memory_space<vmem>> -> memref<1x128xi32, #tpu.memory_space<vmem>>
        %dma_wait3A_102 = tpu.memref_squeeze %dma_wait3A_101 : memref<1x128xi32, #tpu.memory_space<vmem>> -> memref<128xi32, #tpu.memory_space<vmem>>
        %dma_wait3A_103 = arith.constant 0 : i32
        %dma_wait3A_104 = arith.constant 0 : i32
        %dma_wait3A_105 = tpu.memref_slice %arg3[%dma_wait3A_103, %dma_wait3A_104] : memref<10112x128xf32, #tpu.memory_space<hbm>> -> memref<10112x128xf32, #tpu.memory_space<hbm>>
        tpu.wait_indirect_dma semaphore(%arg15 : memref<!tpu.dma_semaphore, #tpu.memory_space<semaphore_mem>>) src(%dma_wait3A_105 : memref<10112x128xf32, #tpu.memory_space<hbm>>) dst(%arg12 : memref<128x128xf32, #tpu.memory_space<vmem>>)
        %add3A_106 = arith.constant 1 : i32
        %add3A_107 = arith.addi %add3A_85, %add3A_106 : i32
        %dma_start3A_108 = arith.constant 0 : i32
        %dma_start3A_109 = tpu.memref_slice %arg10[%add3A_107, %dma_start3A_108] : memref<40x128xi32, #tpu.memory_space<vmem>> -> memref<1x128xi32, #tpu.memory_space<vmem>>
        %dma_start3A_110 = tpu.memref_squeeze %dma_start3A_109 : memref<1x128xi32, #tpu.memory_space<vmem>> -> memref<128xi32, #tpu.memory_space<vmem>>
        %dma_start3A_111 = arith.constant 0 : i32
        %dma_start3A_112 = arith.constant 0 : i32
        %dma_start3A_113 = tpu.memref_slice %arg13[%dma_start3A_111, %dma_start3A_112] : memref<10112x128xf32, #tpu.memory_space<vmem_shared>> -> memref<10112x128xf32, #tpu.memory_space<vmem_shared>>
        tpu.enqueue_indirect_dma source(%arg12 : memref<128x128xf32, #tpu.memory_space<vmem>>) target(%dma_start3A_113 : memref<10112x128xf32, #tpu.memory_space<vmem_shared>>) offsets(%dma_start3A_110 : memref<128xi32, #tpu.memory_space<vmem>>) semaphore(%arg17 : memref<!tpu.dma_semaphore, #tpu.memory_space<semaphore_mem>>) {add = true}
        %add3A_114 = arith.constant 2 : i32
        %add3A_115 = arith.addi %add3A_85, %add3A_114 : i32
        %lt3A = arith.constant 40 : i32
        %lt3A_116 = arith.cmpi slt, %add3A_115, %lt3A : i32
        %convert_element_type3A_117 = arith.extui %lt3A_116 : i1 to i32
        %cond3A_118 = arith.constant 0 : i32
        %cond3A_119 = arith.cmpi ne, %convert_element_type3A_117, %cond3A_118 : i32
        scf.if %cond3A_119 {
          %dma_wait3A_120 = arith.constant 0 : i32
          %dma_wait3A_121 = tpu.memref_slice %arg10[%add3A_85, %dma_wait3A_120] : memref<40x128xi32, #tpu.memory_space<vmem>> -> memref<1x128xi32, #tpu.memory_space<vmem>>
          %dma_wait3A_122 = tpu.memref_squeeze %dma_wait3A_121 : memref<1x128xi32, #tpu.memory_space<vmem>> -> memref<128xi32, #tpu.memory_space<vmem>>
          %dma_wait3A_123 = arith.constant 0 : i32
          %dma_wait3A_124 = arith.constant 0 : i32
          %dma_wait3A_125 = tpu.memref_slice %arg13[%dma_wait3A_123, %dma_wait3A_124] : memref<10112x128xf32, #tpu.memory_space<vmem_shared>> -> memref<10112x128xf32, #tpu.memory_space<vmem_shared>>
          tpu.wait_indirect_dma semaphore(%arg16 : memref<!tpu.dma_semaphore, #tpu.memory_space<semaphore_mem>>) src(%arg11 : memref<128x128xf32, #tpu.memory_space<vmem>>) dst(%dma_wait3A_125 : memref<10112x128xf32, #tpu.memory_space<vmem_shared>>)
          %add3A_126 = arith.constant 2 : i32
          %add3A_127 = arith.addi %add3A_85, %add3A_126 : i32
          %dma_start3A_128 = arith.constant 0 : i32
          %dma_start3A_129 = tpu.memref_slice %arg9[%add3A_127, %dma_start3A_128] : memref<40x128xi32, #tpu.memory_space<vmem>> -> memref<1x128xi32, #tpu.memory_space<vmem>>
          %dma_start3A_130 = tpu.memref_squeeze %dma_start3A_129 : memref<1x128xi32, #tpu.memory_space<vmem>> -> memref<128xi32, #tpu.memory_space<vmem>>
          %dma_start3A_131 = arith.constant 0 : i32
          %dma_start3A_132 = arith.constant 0 : i32
          %dma_start3A_133 = tpu.memref_slice %arg3[%dma_start3A_131, %dma_start3A_132] : memref<10112x128xf32, #tpu.memory_space<hbm>> -> memref<10112x128xf32, #tpu.memory_space<hbm>>
          tpu.enqueue_indirect_dma source(%dma_start3A_133 : memref<10112x128xf32, #tpu.memory_space<hbm>>) target(%arg11 : memref<128x128xf32, #tpu.memory_space<vmem>>) offsets(%dma_start3A_130 : memref<128xi32, #tpu.memory_space<vmem>>) semaphore(%arg14 : memref<!tpu.dma_semaphore, #tpu.memory_space<semaphore_mem>>)
          %add3A_134 = arith.constant 1 : i32
          %add3A_135 = arith.addi %add3A_85, %add3A_134 : i32
          %dma_wait3A_136 = arith.constant 0 : i32
          %dma_wait3A_137 = tpu.memref_slice %arg10[%add3A_135, %dma_wait3A_136] : memref<40x128xi32, #tpu.memory_space<vmem>> -> memref<1x128xi32, #tpu.memory_space<vmem>>
          %dma_wait3A_138 = tpu.memref_squeeze %dma_wait3A_137 : memref<1x128xi32, #tpu.memory_space<vmem>> -> memref<128xi32, #tpu.memory_space<vmem>>
          %dma_wait3A_139 = arith.constant 0 : i32
          %dma_wait3A_140 = arith.constant 0 : i32
          %dma_wait3A_141 = tpu.memref_slice %arg13[%dma_wait3A_139, %dma_wait3A_140] : memref<10112x128xf32, #tpu.memory_space<vmem_shared>> -> memref<10112x128xf32, #tpu.memory_space<vmem_shared>>
          tpu.wait_indirect_dma semaphore(%arg17 : memref<!tpu.dma_semaphore, #tpu.memory_space<semaphore_mem>>) src(%arg12 : memref<128x128xf32, #tpu.memory_space<vmem>>) dst(%dma_wait3A_141 : memref<10112x128xf32, #tpu.memory_space<vmem_shared>>)
          %add3A_142 = arith.constant 3 : i32
          %add3A_143 = arith.addi %add3A_85, %add3A_142 : i32
          %dma_start3A_144 = arith.constant 0 : i32
          %dma_start3A_145 = tpu.memref_slice %arg9[%add3A_143, %dma_start3A_144] : memref<40x128xi32, #tpu.memory_space<vmem>> -> memref<1x128xi32, #tpu.memory_space<vmem>>
          %dma_start3A_146 = tpu.memref_squeeze %dma_start3A_145 : memref<1x128xi32, #tpu.memory_space<vmem>> -> memref<128xi32, #tpu.memory_space<vmem>>
          %dma_start3A_147 = arith.constant 0 : i32
          %dma_start3A_148 = arith.constant 0 : i32
          %dma_start3A_149 = tpu.memref_slice %arg3[%dma_start3A_147, %dma_start3A_148] : memref<10112x128xf32, #tpu.memory_space<hbm>> -> memref<10112x128xf32, #tpu.memory_space<hbm>>
          tpu.enqueue_indirect_dma source(%dma_start3A_149 : memref<10112x128xf32, #tpu.memory_space<hbm>>) target(%arg12 : memref<128x128xf32, #tpu.memory_space<vmem>>) offsets(%dma_start3A_146 : memref<128xi32, #tpu.memory_space<vmem>>) semaphore(%arg15 : memref<!tpu.dma_semaphore, #tpu.memory_space<semaphore_mem>>)
        } else {
        }
      }
      %scan3A_67 = arith.constant 20 : i32
      %dma_wait3A_68 = arith.constant 38 : i32
      %dma_wait3A_69 = arith.constant 0 : i32
      %dma_wait3A_70 = tpu.memref_slice %arg10[%dma_wait3A_68, %dma_wait3A_69] : memref<40x128xi32, #tpu.memory_space<vmem>> -> memref<1x128xi32, #tpu.memory_space<vmem>>
      %dma_wait3A_71 = tpu.memref_squeeze %dma_wait3A_70 : memref<1x128xi32, #tpu.memory_space<vmem>> -> memref<128xi32, #tpu.memory_space<vmem>>
      %dma_wait3A_72 = arith.constant 0 : i32
      %dma_wait3A_73 = arith.constant 0 : i32
      %dma_wait3A_74 = tpu.memref_slice %arg13[%dma_wait3A_72, %dma_wait3A_73] : memref<10112x128xf32, #tpu.memory_space<vmem_shared>> -> memref<10112x128xf32, #tpu.memory_space<vmem_shared>>
      tpu.wait_indirect_dma semaphore(%arg16 : memref<!tpu.dma_semaphore, #tpu.memory_space<semaphore_mem>>) src(%arg11 : memref<128x128xf32, #tpu.memory_space<vmem>>) dst(%dma_wait3A_74 : memref<10112x128xf32, #tpu.memory_space<vmem_shared>>)
      %dma_wait3A_75 = arith.constant 39 : i32
      %dma_wait3A_76 = arith.constant 0 : i32
      %dma_wait3A_77 = tpu.memref_slice %arg10[%dma_wait3A_75, %dma_wait3A_76] : memref<40x128xi32, #tpu.memory_space<vmem>> -> memref<1x128xi32, #tpu.memory_space<vmem>>
      %dma_wait3A_78 = tpu.memref_squeeze %dma_wait3A_77 : memref<1x128xi32, #tpu.memory_space<vmem>> -> memref<128xi32, #tpu.memory_space<vmem>>
      %dma_wait3A_79 = arith.constant 0 : i32
      %dma_wait3A_80 = arith.constant 0 : i32
      %dma_wait3A_81 = tpu.memref_slice %arg13[%dma_wait3A_79, %dma_wait3A_80] : memref<10112x128xf32, #tpu.memory_space<vmem_shared>> -> memref<10112x128xf32, #tpu.memory_space<vmem_shared>>
      tpu.wait_indirect_dma semaphore(%arg17 : memref<!tpu.dma_semaphore, #tpu.memory_space<semaphore_mem>>) src(%arg12 : memref<128x128xf32, #tpu.memory_space<vmem>>) dst(%dma_wait3A_81 : memref<10112x128xf32, #tpu.memory_space<vmem_shared>>)
    } else {
    }
    %barrier3A_8 = arith.constant 0 : index
    tpu.barrier barrier_id(%barrier3A_8)
    %eq3A_9 = arith.constant 0 : i32
    %eq3A_10 = arith.cmpi eq, %arg0, %eq3A_9 : i32
    %convert_element_type3A_11 = arith.extui %eq3A_10 : i1 to i32
    %cond3A_12 = arith.constant 0 : i32
    %cond3A_13 = arith.cmpi ne, %convert_element_type3A_11, %cond3A_12 : i32
    scf.if %cond3A_13 {
      "tpu.region"() ({
        %run_scoped3A = tpu.sem_alloc : memref<!tpu.dma_semaphore, #tpu.memory_space<semaphore_mem>>
        %dma_start3A = arith.constant 0 : i32
        %dma_start3A_19 = tpu.memref_slice %arg7[%mul3A_0, %dma_start3A] : memref<10112x128xf32, #tpu.memory_space<hbm>> -> memref<632x128xf32, #tpu.memory_space<hbm>>
        %dma_start3A_20 = arith.constant 0 : i32
        %dma_start3A_21 = tpu.memref_slice %arg13[%mul3A_0, %dma_start3A_20] : memref<10112x128xf32, #tpu.memory_space<vmem_shared>> -> memref<632x128xf32, #tpu.memory_space<vmem_shared>>
        tpu.enqueue_dma source(%dma_start3A_21 : memref<632x128xf32, #tpu.memory_space<vmem_shared>>) target(%dma_start3A_19 : memref<632x128xf32, #tpu.memory_space<hbm>>) target_semaphore(%run_scoped3A : memref<!tpu.dma_semaphore, #tpu.memory_space<semaphore_mem>>)
        %dma_wait3A = arith.constant 0 : i32
        %dma_wait3A_22 = tpu.memref_slice %arg7[%mul3A_0, %dma_wait3A] : memref<10112x128xf32, #tpu.memory_space<hbm>> -> memref<632x128xf32, #tpu.memory_space<hbm>>
        %dma_wait3A_23 = arith.constant 0 : i32
        %dma_wait3A_24 = tpu.memref_slice %arg13[%mul3A_0, %dma_wait3A_23] : memref<10112x128xf32, #tpu.memory_space<vmem_shared>> -> memref<632x128xf32, #tpu.memory_space<vmem_shared>>
        tpu.wait_dma2 semaphore(%run_scoped3A : memref<!tpu.dma_semaphore, #tpu.memory_space<semaphore_mem>>) src(%dma_wait3A_24 : memref<632x128xf32, #tpu.memory_space<vmem_shared>>) dst(%dma_wait3A_22 : memref<632x128xf32, #tpu.memory_space<hbm>>)
        tpu.yield
      }) : () -> ()
    } else {
    }
    %eq3A_14 = arith.constant 1 : i32
    %eq3A_15 = arith.cmpi eq, %arg0, %eq3A_14 : i32
    %convert_element_type3A_16 = arith.extui %eq3A_15 : i1 to i32
    %cond3A_17 = arith.constant 0 : i32
    %cond3A_18 = arith.cmpi ne, %convert_element_type3A_16, %cond3A_17 : i32
    scf.if %cond3A_18 {
      "tpu.region"() ({
        %run_scoped3A = tpu.sem_alloc : memref<!tpu.dma_semaphore, #tpu.memory_space<semaphore_mem>>
        %dma_start3A = arith.constant 0 : i32
        %dma_start3A_19 = tpu.memref_slice %arg8[%mul3A_0, %dma_start3A] : memref<10112x128xf32, #tpu.memory_space<hbm>> -> memref<632x128xf32, #tpu.memory_space<hbm>>
        %dma_start3A_20 = arith.constant 0 : i32
        %dma_start3A_21 = tpu.memref_slice %arg13[%mul3A_0, %dma_start3A_20] : memref<10112x128xf32, #tpu.memory_space<vmem_shared>> -> memref<632x128xf32, #tpu.memory_space<vmem_shared>>
        tpu.enqueue_dma source(%dma_start3A_21 : memref<632x128xf32, #tpu.memory_space<vmem_shared>>) target(%dma_start3A_19 : memref<632x128xf32, #tpu.memory_space<hbm>>) target_semaphore(%run_scoped3A : memref<!tpu.dma_semaphore, #tpu.memory_space<semaphore_mem>>)
        %dma_wait3A = arith.constant 0 : i32
        %dma_wait3A_22 = tpu.memref_slice %arg8[%mul3A_0, %dma_wait3A] : memref<10112x128xf32, #tpu.memory_space<hbm>> -> memref<632x128xf32, #tpu.memory_space<hbm>>
        %dma_wait3A_23 = arith.constant 0 : i32
        %dma_wait3A_24 = tpu.memref_slice %arg13[%mul3A_0, %dma_wait3A_23] : memref<10112x128xf32, #tpu.memory_space<vmem_shared>> -> memref<632x128xf32, #tpu.memory_space<vmem_shared>>
        tpu.wait_dma2 semaphore(%run_scoped3A : memref<!tpu.dma_semaphore, #tpu.memory_space<semaphore_mem>>) src(%dma_wait3A_24 : memref<632x128xf32, #tpu.memory_space<vmem_shared>>) dst(%dma_wait3A_22 : memref<632x128xf32, #tpu.memory_space<hbm>>)
        tpu.yield
      }) : () -> ()
    } else {
    }
    return
  }
}

#map = affine_map<(d0, d1) -> (0, 0, 0)>
#map1 = affine_map<(d0, d1) -> (0, 0)>
module attributes {stable_mosaic.version = 14 : i64} {
  func.func @k(%arg0: i32, %arg1: i32, %arg2: memref<32x40x128xi32, #tpu.memory_space<hbm>>, %arg3: memref<128x16xf32, #tpu.memory_space<hbm>>, %arg4: memref<632x16xf32, #tpu.memory_space<hbm>>, %arg5: memref<10112x16xf32, #tpu.memory_space<hbm>>, %arg6: memref<10112x16xf32, #tpu.memory_space<hbm>>, %arg7: memref<40x128xi32, #tpu.memory_space<vmem>>, %arg8: memref<128x16xf32, #tpu.memory_space<vmem>>, %arg9: memref<10112x16xf32, #tpu.memory_space<vmem_shared>>) attributes {dimension_semantics = [#tpu.dimension_semantics<core_parallel>, #tpu.dimension_semantics<subcore_parallel>], iteration_bounds = array<i64: 2, 16>, scalar_prefetch = 0 : i64, scratch_operands = 3 : i64, tpu.core_type = #tpu.core_type<sc_vector_subcore>, window_params = [{transform_indices = #map}, {transform_indices = #map1}, {transform_indices = #map1}, {transform_indices = #map1}, {transform_indices = #map1}]} {
    %mul3A = arith.constant 16 : i32
    %mul3A_0 = arith.muli %arg0, %mul3A : i32
    %add3A = arith.addi %mul3A_0, %arg1 : i32
    %mul3A_1 = arith.constant 632 : i32
    %mul3A_2 = arith.muli %arg1, %mul3A_1 : i32
    "tpu.region"() ({
      %run_scoped3A = tpu.sem_alloc : memref<!tpu.dma_semaphore, #tpu.memory_space<semaphore_mem>>
      %dma_start3A = arith.constant 0 : i32
      %dma_start3A_15 = tpu.memref_slice %arg9[%mul3A_2, %dma_start3A] : memref<10112x16xf32, #tpu.memory_space<vmem_shared>> -> memref<632x16xf32, #tpu.memory_space<vmem_shared>>
      tpu.enqueue_dma source(%arg4 : memref<632x16xf32, #tpu.memory_space<hbm>>) target(%dma_start3A_15 : memref<632x16xf32, #tpu.memory_space<vmem_shared>>) target_semaphore(%run_scoped3A : memref<!tpu.dma_semaphore, #tpu.memory_space<semaphore_mem>>)
      %dma_wait3A = arith.constant 0 : i32
      %dma_wait3A_16 = tpu.memref_slice %arg9[%mul3A_2, %dma_wait3A] : memref<10112x16xf32, #tpu.memory_space<vmem_shared>> -> memref<632x16xf32, #tpu.memory_space<vmem_shared>>
      tpu.wait_dma2 semaphore(%run_scoped3A : memref<!tpu.dma_semaphore, #tpu.memory_space<semaphore_mem>>) src(%arg4 : memref<632x16xf32, #tpu.memory_space<hbm>>) dst(%dma_wait3A_16 : memref<632x16xf32, #tpu.memory_space<vmem_shared>>)
      tpu.yield
    }) : () -> ()
    "tpu.region"() ({
      %run_scoped3A = tpu.sem_alloc : memref<!tpu.dma_semaphore, #tpu.memory_space<semaphore_mem>>
      tpu.enqueue_dma source(%arg3 : memref<128x16xf32, #tpu.memory_space<hbm>>) target(%arg8 : memref<128x16xf32, #tpu.memory_space<vmem>>) target_semaphore(%run_scoped3A : memref<!tpu.dma_semaphore, #tpu.memory_space<semaphore_mem>>)
      tpu.wait_dma2 semaphore(%run_scoped3A : memref<!tpu.dma_semaphore, #tpu.memory_space<semaphore_mem>>) src(%arg3 : memref<128x16xf32, #tpu.memory_space<hbm>>) dst(%arg8 : memref<128x16xf32, #tpu.memory_space<vmem>>)
      tpu.yield
    }) : () -> ()
    "tpu.region"() ({
      %run_scoped3A = tpu.sem_alloc : memref<!tpu.dma_semaphore, #tpu.memory_space<semaphore_mem>>
      %dma_start3A = arith.constant 0 : i32
      %dma_start3A_15 = arith.constant 0 : i32
      %dma_start3A_16 = tpu.memref_slice %arg2[%add3A, %dma_start3A, %dma_start3A_15] : memref<32x40x128xi32, #tpu.memory_space<hbm>> -> memref<1x40x128xi32, #tpu.memory_space<hbm>>
      %dma_start3A_17 = tpu.memref_squeeze %dma_start3A_16 : memref<1x40x128xi32, #tpu.memory_space<hbm>> -> memref<40x128xi32, #tpu.memory_space<hbm>>
      %dma_start3A_18 = arith.constant 0 : i32
      %dma_start3A_19 = arith.constant 0 : i32
      %dma_start3A_20 = tpu.memref_slice %arg2[%add3A, %dma_start3A_18, %dma_start3A_19] : memref<32x40x128xi32, #tpu.memory_space<hbm>> -> memref<1x40x128xi32, #tpu.memory_space<hbm>>
      %dma_start3A_21 = tpu.memref_squeeze %dma_start3A_20 : memref<1x40x128xi32, #tpu.memory_space<hbm>> -> memref<40x128xi32, #tpu.memory_space<hbm>>
      tpu.enqueue_dma source(%dma_start3A_21 : memref<40x128xi32, #tpu.memory_space<hbm>>) target(%arg7 : memref<40x128xi32, #tpu.memory_space<vmem>>) target_semaphore(%run_scoped3A : memref<!tpu.dma_semaphore, #tpu.memory_space<semaphore_mem>>)
      %dma_wait3A = arith.constant 0 : i32
      %dma_wait3A_22 = arith.constant 0 : i32
      %dma_wait3A_23 = tpu.memref_slice %arg2[%add3A, %dma_wait3A, %dma_wait3A_22] : memref<32x40x128xi32, #tpu.memory_space<hbm>> -> memref<1x40x128xi32, #tpu.memory_space<hbm>>
      %dma_wait3A_24 = tpu.memref_squeeze %dma_wait3A_23 : memref<1x40x128xi32, #tpu.memory_space<hbm>> -> memref<40x128xi32, #tpu.memory_space<hbm>>
      %dma_wait3A_25 = arith.constant 0 : i32
      %dma_wait3A_26 = arith.constant 0 : i32
      %dma_wait3A_27 = tpu.memref_slice %arg2[%add3A, %dma_wait3A_25, %dma_wait3A_26] : memref<32x40x128xi32, #tpu.memory_space<hbm>> -> memref<1x40x128xi32, #tpu.memory_space<hbm>>
      %dma_wait3A_28 = tpu.memref_squeeze %dma_wait3A_27 : memref<1x40x128xi32, #tpu.memory_space<hbm>> -> memref<40x128xi32, #tpu.memory_space<hbm>>
      tpu.wait_dma2 semaphore(%run_scoped3A : memref<!tpu.dma_semaphore, #tpu.memory_space<semaphore_mem>>) src(%dma_wait3A_28 : memref<40x128xi32, #tpu.memory_space<hbm>>) dst(%arg7 : memref<40x128xi32, #tpu.memory_space<vmem>>)
      tpu.yield
    }) : () -> ()
    %barrier3A = arith.constant 0 : index
    tpu.barrier barrier_id(%barrier3A)
    %scan3A = arith.constant 0 : i32
    %scan3A_3 = arith.constant 40 : i32
    %scan3A_4 = arith.addi %scan3A, %scan3A_3 : i32
    %scan3A_5 = arith.constant 1 : i32
    scf.for %scan3A_15 = %scan3A to %scan3A_4 step %scan3A_5  : i32 {
      %mul3A_16 = arith.constant 1 : i32
      %mul3A_17 = arith.muli %scan3A_15, %mul3A_16 : i32
      %add3A_18 = arith.constant 0 : i32
      %add3A_19 = arith.addi %add3A_18, %mul3A_17 : i32
      "tpu.region"() ({
        %run_scoped3A = tpu.sem_alloc : memref<!tpu.dma_semaphore, #tpu.memory_space<semaphore_mem>>
        %dma_start3A = arith.constant 0 : i32
        %dma_start3A_20 = tpu.memref_slice %arg7[%add3A_19, %dma_start3A] : memref<40x128xi32, #tpu.memory_space<vmem>> -> memref<1x128xi32, #tpu.memory_space<vmem>>
        %dma_start3A_21 = tpu.memref_squeeze %dma_start3A_20 : memref<1x128xi32, #tpu.memory_space<vmem>> -> memref<128xi32, #tpu.memory_space<vmem>>
        %dma_start3A_22 = arith.constant 0 : i32
        %dma_start3A_23 = arith.constant 0 : i32
        %dma_start3A_24 = tpu.memref_slice %arg9[%dma_start3A_22, %dma_start3A_23] : memref<10112x16xf32, #tpu.memory_space<vmem_shared>> -> memref<10112x16xf32, #tpu.memory_space<vmem_shared>>
        tpu.enqueue_indirect_dma source(%arg8 : memref<128x16xf32, #tpu.memory_space<vmem>>) target(%dma_start3A_24 : memref<10112x16xf32, #tpu.memory_space<vmem_shared>>) offsets(%dma_start3A_21 : memref<128xi32, #tpu.memory_space<vmem>>) semaphore(%run_scoped3A : memref<!tpu.dma_semaphore, #tpu.memory_space<semaphore_mem>>) {add = true}
        %dma_wait3A = arith.constant 0 : i32
        %dma_wait3A_25 = tpu.memref_slice %arg7[%add3A_19, %dma_wait3A] : memref<40x128xi32, #tpu.memory_space<vmem>> -> memref<1x128xi32, #tpu.memory_space<vmem>>
        %dma_wait3A_26 = tpu.memref_squeeze %dma_wait3A_25 : memref<1x128xi32, #tpu.memory_space<vmem>> -> memref<128xi32, #tpu.memory_space<vmem>>
        %dma_wait3A_27 = arith.constant 0 : i32
        %dma_wait3A_28 = arith.constant 0 : i32
        %dma_wait3A_29 = tpu.memref_slice %arg9[%dma_wait3A_27, %dma_wait3A_28] : memref<10112x16xf32, #tpu.memory_space<vmem_shared>> -> memref<10112x16xf32, #tpu.memory_space<vmem_shared>>
        tpu.wait_indirect_dma semaphore(%run_scoped3A : memref<!tpu.dma_semaphore, #tpu.memory_space<semaphore_mem>>) src(%arg8 : memref<128x16xf32, #tpu.memory_space<vmem>>) dst(%dma_wait3A_29 : memref<10112x16xf32, #tpu.memory_space<vmem_shared>>)
        tpu.yield
      }) : () -> ()
    }
    %scan3A_6 = arith.constant 40 : i32
    %barrier3A_7 = arith.constant 0 : index
    tpu.barrier barrier_id(%barrier3A_7)
    %eq3A = arith.constant 0 : i32
    %eq3A_8 = arith.cmpi eq, %arg0, %eq3A : i32
    %convert_element_type3A = arith.extui %eq3A_8 : i1 to i32
    %cond3A = arith.constant 0 : i32
    %cond3A_9 = arith.cmpi ne, %convert_element_type3A, %cond3A : i32
    scf.if %cond3A_9 {
      "tpu.region"() ({
        %run_scoped3A = tpu.sem_alloc : memref<!tpu.dma_semaphore, #tpu.memory_space<semaphore_mem>>
        %dma_start3A = arith.constant 0 : i32
        %dma_start3A_15 = tpu.memref_slice %arg5[%mul3A_2, %dma_start3A] : memref<10112x16xf32, #tpu.memory_space<hbm>> -> memref<632x16xf32, #tpu.memory_space<hbm>>
        %dma_start3A_16 = arith.constant 0 : i32
        %dma_start3A_17 = tpu.memref_slice %arg9[%mul3A_2, %dma_start3A_16] : memref<10112x16xf32, #tpu.memory_space<vmem_shared>> -> memref<632x16xf32, #tpu.memory_space<vmem_shared>>
        tpu.enqueue_dma source(%dma_start3A_17 : memref<632x16xf32, #tpu.memory_space<vmem_shared>>) target(%dma_start3A_15 : memref<632x16xf32, #tpu.memory_space<hbm>>) target_semaphore(%run_scoped3A : memref<!tpu.dma_semaphore, #tpu.memory_space<semaphore_mem>>)
        %dma_wait3A = arith.constant 0 : i32
        %dma_wait3A_18 = tpu.memref_slice %arg5[%mul3A_2, %dma_wait3A] : memref<10112x16xf32, #tpu.memory_space<hbm>> -> memref<632x16xf32, #tpu.memory_space<hbm>>
        %dma_wait3A_19 = arith.constant 0 : i32
        %dma_wait3A_20 = tpu.memref_slice %arg9[%mul3A_2, %dma_wait3A_19] : memref<10112x16xf32, #tpu.memory_space<vmem_shared>> -> memref<632x16xf32, #tpu.memory_space<vmem_shared>>
        tpu.wait_dma2 semaphore(%run_scoped3A : memref<!tpu.dma_semaphore, #tpu.memory_space<semaphore_mem>>) src(%dma_wait3A_20 : memref<632x16xf32, #tpu.memory_space<vmem_shared>>) dst(%dma_wait3A_18 : memref<632x16xf32, #tpu.memory_space<hbm>>)
        tpu.yield
      }) : () -> ()
    } else {
    }
    %eq3A_10 = arith.constant 1 : i32
    %eq3A_11 = arith.cmpi eq, %arg0, %eq3A_10 : i32
    %convert_element_type3A_12 = arith.extui %eq3A_11 : i1 to i32
    %cond3A_13 = arith.constant 0 : i32
    %cond3A_14 = arith.cmpi ne, %convert_element_type3A_12, %cond3A_13 : i32
    scf.if %cond3A_14 {
      "tpu.region"() ({
        %run_scoped3A = tpu.sem_alloc : memref<!tpu.dma_semaphore, #tpu.memory_space<semaphore_mem>>
        %dma_start3A = arith.constant 0 : i32
        %dma_start3A_15 = tpu.memref_slice %arg6[%mul3A_2, %dma_start3A] : memref<10112x16xf32, #tpu.memory_space<hbm>> -> memref<632x16xf32, #tpu.memory_space<hbm>>
        %dma_start3A_16 = arith.constant 0 : i32
        %dma_start3A_17 = tpu.memref_slice %arg9[%mul3A_2, %dma_start3A_16] : memref<10112x16xf32, #tpu.memory_space<vmem_shared>> -> memref<632x16xf32, #tpu.memory_space<vmem_shared>>
        tpu.enqueue_dma source(%dma_start3A_17 : memref<632x16xf32, #tpu.memory_space<vmem_shared>>) target(%dma_start3A_15 : memref<632x16xf32, #tpu.memory_space<hbm>>) target_semaphore(%run_scoped3A : memref<!tpu.dma_semaphore, #tpu.memory_space<semaphore_mem>>)
        %dma_wait3A = arith.constant 0 : i32
        %dma_wait3A_18 = tpu.memref_slice %arg6[%mul3A_2, %dma_wait3A] : memref<10112x16xf32, #tpu.memory_space<hbm>> -> memref<632x16xf32, #tpu.memory_space<hbm>>
        %dma_wait3A_19 = arith.constant 0 : i32
        %dma_wait3A_20 = tpu.memref_slice %arg9[%mul3A_2, %dma_wait3A_19] : memref<10112x16xf32, #tpu.memory_space<vmem_shared>> -> memref<632x16xf32, #tpu.memory_space<vmem_shared>>
        tpu.wait_dma2 semaphore(%run_scoped3A : memref<!tpu.dma_semaphore, #tpu.memory_space<semaphore_mem>>) src(%dma_wait3A_20 : memref<632x16xf32, #tpu.memory_space<vmem_shared>>) dst(%dma_wait3A_18 : memref<632x16xf32, #tpu.memory_space<hbm>>)
        tpu.yield
      }) : () -> ()
    } else {
    }
    return
  }
}

#map = affine_map<(d0, d1) -> (0, 0)>
#map1 = affine_map<(d0, d1) -> (0, 0, 0)>
module attributes {stable_mosaic.version = 14 : i64} {
  func.func @k(%arg0: i32, %arg1: i32, %arg2: memref<10112x128xf32, #tpu.memory_space<hbm>>, %arg3: memref<10112x128xf32, #tpu.memory_space<hbm>>, %arg4: memref<16x80x128xi32, #tpu.memory_space<hbm>>, %arg5: memref<16x80x128xi32, #tpu.memory_space<hbm>>, %arg6: memref<632x128xf32, #tpu.memory_space<hbm>>, %arg7: memref<10112x128xf32, #tpu.memory_space<hbm>>, %arg8: memref<10112x128xf32, #tpu.memory_space<hbm>>, %arg9: memref<40x128xi32, #tpu.memory_space<vmem>>, %arg10: memref<40x128xi32, #tpu.memory_space<vmem>>, %arg11: memref<128x128xf32, #tpu.memory_space<vmem>>, %arg12: memref<128x128xf32, #tpu.memory_space<vmem>>, %arg13: memref<10112x128xf32, #tpu.memory_space<vmem_shared>>, %arg14: memref<!tpu.dma_semaphore, #tpu.memory_space<semaphore_mem>>, %arg15: memref<!tpu.dma_semaphore, #tpu.memory_space<semaphore_mem>>, %arg16: memref<!tpu.dma_semaphore, #tpu.memory_space<semaphore_mem>>, %arg17: memref<!tpu.dma_semaphore, #tpu.memory_space<semaphore_mem>>) attributes {dimension_semantics = [#tpu.dimension_semantics<core_parallel>, #tpu.dimension_semantics<subcore_parallel>], iteration_bounds = array<i64: 2, 16>, scalar_prefetch = 0 : i64, scratch_operands = 9 : i64, tpu.core_type = #tpu.core_type<sc_vector_subcore>, window_params = [{transform_indices = #map}, {transform_indices = #map}, {transform_indices = #map1}, {transform_indices = #map1}, {transform_indices = #map}, {transform_indices = #map}, {transform_indices = #map}]} {
    %mul3A = arith.constant 632 : i32
    %mul3A_0 = arith.muli %arg1, %mul3A : i32
    "tpu.region"() ({
      %run_scoped3A = tpu.sem_alloc : memref<!tpu.dma_semaphore, #tpu.memory_space<semaphore_mem>>
      %dma_start3A = arith.constant 0 : i32
      %dma_start3A_19 = tpu.memref_slice %arg13[%mul3A_0, %dma_start3A] : memref<10112x128xf32, #tpu.memory_space<vmem_shared>> -> memref<632x128xf32, #tpu.memory_space<vmem_shared>>
      tpu.enqueue_dma source(%arg6 : memref<632x128xf32, #tpu.memory_space<hbm>>) target(%dma_start3A_19 : memref<632x128xf32, #tpu.memory_space<vmem_shared>>) target_semaphore(%run_scoped3A : memref<!tpu.dma_semaphore, #tpu.memory_space<semaphore_mem>>)
      %dma_wait3A = arith.constant 0 : i32
      %dma_wait3A_20 = tpu.memref_slice %arg13[%mul3A_0, %dma_wait3A] : memref<10112x128xf32, #tpu.memory_space<vmem_shared>> -> memref<632x128xf32, #tpu.memory_space<vmem_shared>>
      tpu.wait_dma2 semaphore(%run_scoped3A : memref<!tpu.dma_semaphore, #tpu.memory_space<semaphore_mem>>) src(%arg6 : memref<632x128xf32, #tpu.memory_space<hbm>>) dst(%dma_wait3A_20 : memref<632x128xf32, #tpu.memory_space<vmem_shared>>)
      tpu.yield
    }) : () -> ()
    %barrier3A = arith.constant 0 : index
    tpu.barrier barrier_id(%barrier3A)
    %eq3A = arith.constant 0 : i32
    %eq3A_1 = arith.cmpi eq, %arg0, %eq3A : i32
    %convert_element_type3A = arith.extui %eq3A_1 : i1 to i32
    %cond3A = arith.constant 0 : i32
    %cond3A_2 = arith.cmpi ne, %convert_element_type3A, %cond3A : i32
    scf.if %cond3A_2 {
      "tpu.region"() ({
        %run_scoped3A = tpu.sem_alloc : memref<!tpu.dma_semaphore, #tpu.memory_space<semaphore_mem>>
        %dma_start3A_82 = arith.constant 0 : i32
        %dma_start3A_83 = arith.constant 0 : i32
        %dma_start3A_84 = tpu.memref_slice %arg4[%arg1, %dma_start3A_82, %dma_start3A_83] : memref<16x80x128xi32, #tpu.memory_space<hbm>> -> memref<1x80x128xi32, #tpu.memory_space<hbm>>
        %dma_start3A_85 = tpu.memref_squeeze %dma_start3A_84 : memref<1x80x128xi32, #tpu.memory_space<hbm>> -> memref<80x128xi32, #tpu.memory_space<hbm>>
        %dma_start3A_86 = arith.constant 0 : i32
        %dma_start3A_87 = arith.constant 0 : i32
        %dma_start3A_88 = tpu.memref_slice %dma_start3A_85[%dma_start3A_86, %dma_start3A_87] : memref<80x128xi32, #tpu.memory_space<hbm>> -> memref<40x128xi32, #tpu.memory_space<hbm>>
        %dma_start3A_89 = arith.constant 0 : i32
        %dma_start3A_90 = arith.constant 0 : i32
        %dma_start3A_91 = tpu.memref_slice %arg4[%arg1, %dma_start3A_89, %dma_start3A_90] : memref<16x80x128xi32, #tpu.memory_space<hbm>> -> memref<1x80x128xi32, #tpu.memory_space<hbm>>
        %dma_start3A_92 = tpu.memref_squeeze %dma_start3A_91 : memref<1x80x128xi32, #tpu.memory_space<hbm>> -> memref<80x128xi32, #tpu.memory_space<hbm>>
        %dma_start3A_93 = arith.constant 0 : i32
        %dma_start3A_94 = arith.constant 0 : i32
        %dma_start3A_95 = tpu.memref_slice %dma_start3A_92[%dma_start3A_93, %dma_start3A_94] : memref<80x128xi32, #tpu.memory_space<hbm>> -> memref<40x128xi32, #tpu.memory_space<hbm>>
        tpu.enqueue_dma source(%dma_start3A_95 : memref<40x128xi32, #tpu.memory_space<hbm>>) target(%arg9 : memref<40x128xi32, #tpu.memory_space<vmem>>) target_semaphore(%run_scoped3A : memref<!tpu.dma_semaphore, #tpu.memory_space<semaphore_mem>>)
        %dma_wait3A_96 = arith.constant 0 : i32
        %dma_wait3A_97 = arith.constant 0 : i32
        %dma_wait3A_98 = tpu.memref_slice %arg4[%arg1, %dma_wait3A_96, %dma_wait3A_97] : memref<16x80x128xi32, #tpu.memory_space<hbm>> -> memref<1x80x128xi32, #tpu.memory_space<hbm>>
        %dma_wait3A_99 = tpu.memref_squeeze %dma_wait3A_98 : memref<1x80x128xi32, #tpu.memory_space<hbm>> -> memref<80x128xi32, #tpu.memory_space<hbm>>
        %dma_wait3A_100 = arith.constant 0 : i32
        %dma_wait3A_101 = arith.constant 0 : i32
        %dma_wait3A_102 = tpu.memref_slice %dma_wait3A_99[%dma_wait3A_100, %dma_wait3A_101] : memref<80x128xi32, #tpu.memory_space<hbm>> -> memref<40x128xi32, #tpu.memory_space<hbm>>
        %dma_wait3A_103 = arith.constant 0 : i32
        %dma_wait3A_104 = arith.constant 0 : i32
        %dma_wait3A_105 = tpu.memref_slice %arg4[%arg1, %dma_wait3A_103, %dma_wait3A_104] : memref<16x80x128xi32, #tpu.memory_space<hbm>> -> memref<1x80x128xi32, #tpu.memory_space<hbm>>
        %dma_wait3A_106 = tpu.memref_squeeze %dma_wait3A_105 : memref<1x80x128xi32, #tpu.memory_space<hbm>> -> memref<80x128xi32, #tpu.memory_space<hbm>>
        %dma_wait3A_107 = arith.constant 0 : i32
        %dma_wait3A_108 = arith.constant 0 : i32
        %dma_wait3A_109 = tpu.memref_slice %dma_wait3A_106[%dma_wait3A_107, %dma_wait3A_108] : memref<80x128xi32, #tpu.memory_space<hbm>> -> memref<40x128xi32, #tpu.memory_space<hbm>>
        tpu.wait_dma2 semaphore(%run_scoped3A : memref<!tpu.dma_semaphore, #tpu.memory_space<semaphore_mem>>) src(%dma_wait3A_109 : memref<40x128xi32, #tpu.memory_space<hbm>>) dst(%arg9 : memref<40x128xi32, #tpu.memory_space<vmem>>)
        tpu.yield
      }) : () -> ()
      "tpu.region"() ({
        %run_scoped3A = tpu.sem_alloc : memref<!tpu.dma_semaphore, #tpu.memory_space<semaphore_mem>>
        %dma_start3A_82 = arith.constant 0 : i32
        %dma_start3A_83 = arith.constant 0 : i32
        %dma_start3A_84 = tpu.memref_slice %arg5[%arg1, %dma_start3A_82, %dma_start3A_83] : memref<16x80x128xi32, #tpu.memory_space<hbm>> -> memref<1x80x128xi32, #tpu.memory_space<hbm>>
        %dma_start3A_85 = tpu.memref_squeeze %dma_start3A_84 : memref<1x80x128xi32, #tpu.memory_space<hbm>> -> memref<80x128xi32, #tpu.memory_space<hbm>>
        %dma_start3A_86 = arith.constant 0 : i32
        %dma_start3A_87 = arith.constant 0 : i32
        %dma_start3A_88 = tpu.memref_slice %dma_start3A_85[%dma_start3A_86, %dma_start3A_87] : memref<80x128xi32, #tpu.memory_space<hbm>> -> memref<40x128xi32, #tpu.memory_space<hbm>>
        %dma_start3A_89 = arith.constant 0 : i32
        %dma_start3A_90 = arith.constant 0 : i32
        %dma_start3A_91 = tpu.memref_slice %arg5[%arg1, %dma_start3A_89, %dma_start3A_90] : memref<16x80x128xi32, #tpu.memory_space<hbm>> -> memref<1x80x128xi32, #tpu.memory_space<hbm>>
        %dma_start3A_92 = tpu.memref_squeeze %dma_start3A_91 : memref<1x80x128xi32, #tpu.memory_space<hbm>> -> memref<80x128xi32, #tpu.memory_space<hbm>>
        %dma_start3A_93 = arith.constant 0 : i32
        %dma_start3A_94 = arith.constant 0 : i32
        %dma_start3A_95 = tpu.memref_slice %dma_start3A_92[%dma_start3A_93, %dma_start3A_94] : memref<80x128xi32, #tpu.memory_space<hbm>> -> memref<40x128xi32, #tpu.memory_space<hbm>>
        tpu.enqueue_dma source(%dma_start3A_95 : memref<40x128xi32, #tpu.memory_space<hbm>>) target(%arg10 : memref<40x128xi32, #tpu.memory_space<vmem>>) target_semaphore(%run_scoped3A : memref<!tpu.dma_semaphore, #tpu.memory_space<semaphore_mem>>)
        %dma_wait3A_96 = arith.constant 0 : i32
        %dma_wait3A_97 = arith.constant 0 : i32
        %dma_wait3A_98 = tpu.memref_slice %arg5[%arg1, %dma_wait3A_96, %dma_wait3A_97] : memref<16x80x128xi32, #tpu.memory_space<hbm>> -> memref<1x80x128xi32, #tpu.memory_space<hbm>>
        %dma_wait3A_99 = tpu.memref_squeeze %dma_wait3A_98 : memref<1x80x128xi32, #tpu.memory_space<hbm>> -> memref<80x128xi32, #tpu.memory_space<hbm>>
        %dma_wait3A_100 = arith.constant 0 : i32
        %dma_wait3A_101 = arith.constant 0 : i32
        %dma_wait3A_102 = tpu.memref_slice %dma_wait3A_99[%dma_wait3A_100, %dma_wait3A_101] : memref<80x128xi32, #tpu.memory_space<hbm>> -> memref<40x128xi32, #tpu.memory_space<hbm>>
        %dma_wait3A_103 = arith.constant 0 : i32
        %dma_wait3A_104 = arith.constant 0 : i32
        %dma_wait3A_105 = tpu.memref_slice %arg5[%arg1, %dma_wait3A_103, %dma_wait3A_104] : memref<16x80x128xi32, #tpu.memory_space<hbm>> -> memref<1x80x128xi32, #tpu.memory_space<hbm>>
        %dma_wait3A_106 = tpu.memref_squeeze %dma_wait3A_105 : memref<1x80x128xi32, #tpu.memory_space<hbm>> -> memref<80x128xi32, #tpu.memory_space<hbm>>
        %dma_wait3A_107 = arith.constant 0 : i32
        %dma_wait3A_108 = arith.constant 0 : i32
        %dma_wait3A_109 = tpu.memref_slice %dma_wait3A_106[%dma_wait3A_107, %dma_wait3A_108] : memref<80x128xi32, #tpu.memory_space<hbm>> -> memref<40x128xi32, #tpu.memory_space<hbm>>
        tpu.wait_dma2 semaphore(%run_scoped3A : memref<!tpu.dma_semaphore, #tpu.memory_space<semaphore_mem>>) src(%dma_wait3A_109 : memref<40x128xi32, #tpu.memory_space<hbm>>) dst(%arg10 : memref<40x128xi32, #tpu.memory_space<vmem>>)
        tpu.yield
      }) : () -> ()
      %dma_start3A = arith.constant 0 : i32
      %dma_start3A_19 = arith.constant 0 : i32
      %dma_start3A_20 = tpu.memref_slice %arg9[%dma_start3A, %dma_start3A_19] : memref<40x128xi32, #tpu.memory_space<vmem>> -> memref<1x128xi32, #tpu.memory_space<vmem>>
      %dma_start3A_21 = tpu.memref_squeeze %dma_start3A_20 : memref<1x128xi32, #tpu.memory_space<vmem>> -> memref<128xi32, #tpu.memory_space<vmem>>
      %dma_start3A_22 = arith.constant 0 : i32
      %dma_start3A_23 = arith.constant 0 : i32
      %dma_start3A_24 = tpu.memref_slice %arg2[%dma_start3A_22, %dma_start3A_23] : memref<10112x128xf32, #tpu.memory_space<hbm>> -> memref<10112x128xf32, #tpu.memory_space<hbm>>
      tpu.enqueue_indirect_dma source(%dma_start3A_24 : memref<10112x128xf32, #tpu.memory_space<hbm>>) target(%arg11 : memref<128x128xf32, #tpu.memory_space<vmem>>) offsets(%dma_start3A_21 : memref<128xi32, #tpu.memory_space<vmem>>) semaphore(%arg14 : memref<!tpu.dma_semaphore, #tpu.memory_space<semaphore_mem>>)
      %dma_start3A_25 = arith.constant 1 : i32
      %dma_start3A_26 = arith.constant 0 : i32
      %dma_start3A_27 = tpu.memref_slice %arg9[%dma_start3A_25, %dma_start3A_26] : memref<40x128xi32, #tpu.memory_space<vmem>> -> memref<1x128xi32, #tpu.memory_space<vmem>>
      %dma_start3A_28 = tpu.memref_squeeze %dma_start3A_27 : memref<1x128xi32, #tpu.memory_space<vmem>> -> memref<128xi32, #tpu.memory_space<vmem>>
      %dma_start3A_29 = arith.constant 0 : i32
      %dma_start3A_30 = arith.constant 0 : i32
      %dma_start3A_31 = tpu.memref_slice %arg2[%dma_start3A_29, %dma_start3A_30] : memref<10112x128xf32, #tpu.memory_space<hbm>> -> memref<10112x128xf32, #tpu.memory_space<hbm>>
      tpu.enqueue_indirect_dma source(%dma_start3A_31 : memref<10112x128xf32, #tpu.memory_space<hbm>>) target(%arg12 : memref<128x128xf32, #tpu.memory_space<vmem>>) offsets(%dma_start3A_28 : memref<128xi32, #tpu.memory_space<vmem>>) semaphore(%arg15 : memref<!tpu.dma_semaphore, #tpu.memory_space<semaphore_mem>>)
      %scan3A = arith.constant 0 : i32
      %scan3A_32 = arith.constant 20 : i32
      %scan3A_33 = arith.addi %scan3A, %scan3A_32 : i32
      %scan3A_34 = arith.constant 1 : i32
      scf.for %scan3A_82 = %scan3A to %scan3A_33 step %scan3A_34  : i32 {
        %mul3A_83 = arith.constant 2 : i32
        %mul3A_84 = arith.muli %scan3A_82, %mul3A_83 : i32
        %add3A = arith.constant 0 : i32
        %add3A_85 = arith.addi %add3A, %mul3A_84 : i32
        %dma_wait3A_86 = arith.constant 0 : i32
        %dma_wait3A_87 = tpu.memref_slice %arg9[%add3A_85, %dma_wait3A_86] : memref<40x128xi32, #tpu.memory_space<vmem>> -> memref<1x128xi32, #tpu.memory_space<vmem>>
        %dma_wait3A_88 = tpu.memref_squeeze %dma_wait3A_87 : memref<1x128xi32, #tpu.memory_space<vmem>> -> memref<128xi32, #tpu.memory_space<vmem>>
        %dma_wait3A_89 = arith.constant 0 : i32
        %dma_wait3A_90 = arith.constant 0 : i32
        %dma_wait3A_91 = tpu.memref_slice %arg2[%dma_wait3A_89, %dma_wait3A_90] : memref<10112x128xf32, #tpu.memory_space<hbm>> -> memref<10112x128xf32, #tpu.memory_space<hbm>>
        tpu.wait_indirect_dma semaphore(%arg14 : memref<!tpu.dma_semaphore, #tpu.memory_space<semaphore_mem>>) src(%dma_wait3A_91 : memref<10112x128xf32, #tpu.memory_space<hbm>>) dst(%arg11 : memref<128x128xf32, #tpu.memory_space<vmem>>)
        %dma_start3A_92 = arith.constant 0 : i32
        %dma_start3A_93 = tpu.memref_slice %arg10[%add3A_85, %dma_start3A_92] : memref<40x128xi32, #tpu.memory_space<vmem>> -> memref<1x128xi32, #tpu.memory_space<vmem>>
        %dma_start3A_94 = tpu.memref_squeeze %dma_start3A_93 : memref<1x128xi32, #tpu.memory_space<vmem>> -> memref<128xi32, #tpu.memory_space<vmem>>
        %dma_start3A_95 = arith.constant 0 : i32
        %dma_start3A_96 = arith.constant 0 : i32
        %dma_start3A_97 = tpu.memref_slice %arg13[%dma_start3A_95, %dma_start3A_96] : memref<10112x128xf32, #tpu.memory_space<vmem_shared>> -> memref<10112x128xf32, #tpu.memory_space<vmem_shared>>
        tpu.enqueue_indirect_dma source(%arg11 : memref<128x128xf32, #tpu.memory_space<vmem>>) target(%dma_start3A_97 : memref<10112x128xf32, #tpu.memory_space<vmem_shared>>) offsets(%dma_start3A_94 : memref<128xi32, #tpu.memory_space<vmem>>) semaphore(%arg16 : memref<!tpu.dma_semaphore, #tpu.memory_space<semaphore_mem>>) {add = true}
        %add3A_98 = arith.constant 1 : i32
        %add3A_99 = arith.addi %add3A_85, %add3A_98 : i32
        %dma_wait3A_100 = arith.constant 0 : i32
        %dma_wait3A_101 = tpu.memref_slice %arg9[%add3A_99, %dma_wait3A_100] : memref<40x128xi32, #tpu.memory_space<vmem>> -> memref<1x128xi32, #tpu.memory_space<vmem>>
        %dma_wait3A_102 = tpu.memref_squeeze %dma_wait3A_101 : memref<1x128xi32, #tpu.memory_space<vmem>> -> memref<128xi32, #tpu.memory_space<vmem>>
        %dma_wait3A_103 = arith.constant 0 : i32
        %dma_wait3A_104 = arith.constant 0 : i32
        %dma_wait3A_105 = tpu.memref_slice %arg2[%dma_wait3A_103, %dma_wait3A_104] : memref<10112x128xf32, #tpu.memory_space<hbm>> -> memref<10112x128xf32, #tpu.memory_space<hbm>>
        tpu.wait_indirect_dma semaphore(%arg15 : memref<!tpu.dma_semaphore, #tpu.memory_space<semaphore_mem>>) src(%dma_wait3A_105 : memref<10112x128xf32, #tpu.memory_space<hbm>>) dst(%arg12 : memref<128x128xf32, #tpu.memory_space<vmem>>)
        %add3A_106 = arith.constant 1 : i32
        %add3A_107 = arith.addi %add3A_85, %add3A_106 : i32
        %dma_start3A_108 = arith.constant 0 : i32
        %dma_start3A_109 = tpu.memref_slice %arg10[%add3A_107, %dma_start3A_108] : memref<40x128xi32, #tpu.memory_space<vmem>> -> memref<1x128xi32, #tpu.memory_space<vmem>>
        %dma_start3A_110 = tpu.memref_squeeze %dma_start3A_109 : memref<1x128xi32, #tpu.memory_space<vmem>> -> memref<128xi32, #tpu.memory_space<vmem>>
        %dma_start3A_111 = arith.constant 0 : i32
        %dma_start3A_112 = arith.constant 0 : i32
        %dma_start3A_113 = tpu.memref_slice %arg13[%dma_start3A_111, %dma_start3A_112] : memref<10112x128xf32, #tpu.memory_space<vmem_shared>> -> memref<10112x128xf32, #tpu.memory_space<vmem_shared>>
        tpu.enqueue_indirect_dma source(%arg12 : memref<128x128xf32, #tpu.memory_space<vmem>>) target(%dma_start3A_113 : memref<10112x128xf32, #tpu.memory_space<vmem_shared>>) offsets(%dma_start3A_110 : memref<128xi32, #tpu.memory_space<vmem>>) semaphore(%arg17 : memref<!tpu.dma_semaphore, #tpu.memory_space<semaphore_mem>>) {add = true}
        %add3A_114 = arith.constant 2 : i32
        %add3A_115 = arith.addi %add3A_85, %add3A_114 : i32
        %lt3A = arith.constant 40 : i32
        %lt3A_116 = arith.cmpi slt, %add3A_115, %lt3A : i32
        %convert_element_type3A_117 = arith.extui %lt3A_116 : i1 to i32
        %cond3A_118 = arith.constant 0 : i32
        %cond3A_119 = arith.cmpi ne, %convert_element_type3A_117, %cond3A_118 : i32
        scf.if %cond3A_119 {
          %dma_wait3A_120 = arith.constant 0 : i32
          %dma_wait3A_121 = tpu.memref_slice %arg10[%add3A_85, %dma_wait3A_120] : memref<40x128xi32, #tpu.memory_space<vmem>> -> memref<1x128xi32, #tpu.memory_space<vmem>>
          %dma_wait3A_122 = tpu.memref_squeeze %dma_wait3A_121 : memref<1x128xi32, #tpu.memory_space<vmem>> -> memref<128xi32, #tpu.memory_space<vmem>>
          %dma_wait3A_123 = arith.constant 0 : i32
          %dma_wait3A_124 = arith.constant 0 : i32
          %dma_wait3A_125 = tpu.memref_slice %arg13[%dma_wait3A_123, %dma_wait3A_124] : memref<10112x128xf32, #tpu.memory_space<vmem_shared>> -> memref<10112x128xf32, #tpu.memory_space<vmem_shared>>
          tpu.wait_indirect_dma semaphore(%arg16 : memref<!tpu.dma_semaphore, #tpu.memory_space<semaphore_mem>>) src(%arg11 : memref<128x128xf32, #tpu.memory_space<vmem>>) dst(%dma_wait3A_125 : memref<10112x128xf32, #tpu.memory_space<vmem_shared>>)
          %add3A_126 = arith.constant 2 : i32
          %add3A_127 = arith.addi %add3A_85, %add3A_126 : i32
          %dma_start3A_128 = arith.constant 0 : i32
          %dma_start3A_129 = tpu.memref_slice %arg9[%add3A_127, %dma_start3A_128] : memref<40x128xi32, #tpu.memory_space<vmem>> -> memref<1x128xi32, #tpu.memory_space<vmem>>
          %dma_start3A_130 = tpu.memref_squeeze %dma_start3A_129 : memref<1x128xi32, #tpu.memory_space<vmem>> -> memref<128xi32, #tpu.memory_space<vmem>>
          %dma_start3A_131 = arith.constant 0 : i32
          %dma_start3A_132 = arith.constant 0 : i32
          %dma_start3A_133 = tpu.memref_slice %arg2[%dma_start3A_131, %dma_start3A_132] : memref<10112x128xf32, #tpu.memory_space<hbm>> -> memref<10112x128xf32, #tpu.memory_space<hbm>>
          tpu.enqueue_indirect_dma source(%dma_start3A_133 : memref<10112x128xf32, #tpu.memory_space<hbm>>) target(%arg11 : memref<128x128xf32, #tpu.memory_space<vmem>>) offsets(%dma_start3A_130 : memref<128xi32, #tpu.memory_space<vmem>>) semaphore(%arg14 : memref<!tpu.dma_semaphore, #tpu.memory_space<semaphore_mem>>)
          %add3A_134 = arith.constant 1 : i32
          %add3A_135 = arith.addi %add3A_85, %add3A_134 : i32
          %dma_wait3A_136 = arith.constant 0 : i32
          %dma_wait3A_137 = tpu.memref_slice %arg10[%add3A_135, %dma_wait3A_136] : memref<40x128xi32, #tpu.memory_space<vmem>> -> memref<1x128xi32, #tpu.memory_space<vmem>>
          %dma_wait3A_138 = tpu.memref_squeeze %dma_wait3A_137 : memref<1x128xi32, #tpu.memory_space<vmem>> -> memref<128xi32, #tpu.memory_space<vmem>>
          %dma_wait3A_139 = arith.constant 0 : i32
          %dma_wait3A_140 = arith.constant 0 : i32
          %dma_wait3A_141 = tpu.memref_slice %arg13[%dma_wait3A_139, %dma_wait3A_140] : memref<10112x128xf32, #tpu.memory_space<vmem_shared>> -> memref<10112x128xf32, #tpu.memory_space<vmem_shared>>
          tpu.wait_indirect_dma semaphore(%arg17 : memref<!tpu.dma_semaphore, #tpu.memory_space<semaphore_mem>>) src(%arg12 : memref<128x128xf32, #tpu.memory_space<vmem>>) dst(%dma_wait3A_141 : memref<10112x128xf32, #tpu.memory_space<vmem_shared>>)
          %add3A_142 = arith.constant 3 : i32
          %add3A_143 = arith.addi %add3A_85, %add3A_142 : i32
          %dma_start3A_144 = arith.constant 0 : i32
          %dma_start3A_145 = tpu.memref_slice %arg9[%add3A_143, %dma_start3A_144] : memref<40x128xi32, #tpu.memory_space<vmem>> -> memref<1x128xi32, #tpu.memory_space<vmem>>
          %dma_start3A_146 = tpu.memref_squeeze %dma_start3A_145 : memref<1x128xi32, #tpu.memory_space<vmem>> -> memref<128xi32, #tpu.memory_space<vmem>>
          %dma_start3A_147 = arith.constant 0 : i32
          %dma_start3A_148 = arith.constant 0 : i32
          %dma_start3A_149 = tpu.memref_slice %arg2[%dma_start3A_147, %dma_start3A_148] : memref<10112x128xf32, #tpu.memory_space<hbm>> -> memref<10112x128xf32, #tpu.memory_space<hbm>>
          tpu.enqueue_indirect_dma source(%dma_start3A_149 : memref<10112x128xf32, #tpu.memory_space<hbm>>) target(%arg12 : memref<128x128xf32, #tpu.memory_space<vmem>>) offsets(%dma_start3A_146 : memref<128xi32, #tpu.memory_space<vmem>>) semaphore(%arg15 : memref<!tpu.dma_semaphore, #tpu.memory_space<semaphore_mem>>)
        } else {
        }
      }
      %scan3A_35 = arith.constant 20 : i32
      %dma_wait3A = arith.constant 38 : i32
      %dma_wait3A_36 = arith.constant 0 : i32
      %dma_wait3A_37 = tpu.memref_slice %arg10[%dma_wait3A, %dma_wait3A_36] : memref<40x128xi32, #tpu.memory_space<vmem>> -> memref<1x128xi32, #tpu.memory_space<vmem>>
      %dma_wait3A_38 = tpu.memref_squeeze %dma_wait3A_37 : memref<1x128xi32, #tpu.memory_space<vmem>> -> memref<128xi32, #tpu.memory_space<vmem>>
      %dma_wait3A_39 = arith.constant 0 : i32
      %dma_wait3A_40 = arith.constant 0 : i32
      %dma_wait3A_41 = tpu.memref_slice %arg13[%dma_wait3A_39, %dma_wait3A_40] : memref<10112x128xf32, #tpu.memory_space<vmem_shared>> -> memref<10112x128xf32, #tpu.memory_space<vmem_shared>>
      tpu.wait_indirect_dma semaphore(%arg16 : memref<!tpu.dma_semaphore, #tpu.memory_space<semaphore_mem>>) src(%arg11 : memref<128x128xf32, #tpu.memory_space<vmem>>) dst(%dma_wait3A_41 : memref<10112x128xf32, #tpu.memory_space<vmem_shared>>)
      %dma_wait3A_42 = arith.constant 39 : i32
      %dma_wait3A_43 = arith.constant 0 : i32
      %dma_wait3A_44 = tpu.memref_slice %arg10[%dma_wait3A_42, %dma_wait3A_43] : memref<40x128xi32, #tpu.memory_space<vmem>> -> memref<1x128xi32, #tpu.memory_space<vmem>>
      %dma_wait3A_45 = tpu.memref_squeeze %dma_wait3A_44 : memref<1x128xi32, #tpu.memory_space<vmem>> -> memref<128xi32, #tpu.memory_space<vmem>>
      %dma_wait3A_46 = arith.constant 0 : i32
      %dma_wait3A_47 = arith.constant 0 : i32
      %dma_wait3A_48 = tpu.memref_slice %arg13[%dma_wait3A_46, %dma_wait3A_47] : memref<10112x128xf32, #tpu.memory_space<vmem_shared>> -> memref<10112x128xf32, #tpu.memory_space<vmem_shared>>
      tpu.wait_indirect_dma semaphore(%arg17 : memref<!tpu.dma_semaphore, #tpu.memory_space<semaphore_mem>>) src(%arg12 : memref<128x128xf32, #tpu.memory_space<vmem>>) dst(%dma_wait3A_48 : memref<10112x128xf32, #tpu.memory_space<vmem_shared>>)
      "tpu.region"() ({
        %run_scoped3A = tpu.sem_alloc : memref<!tpu.dma_semaphore, #tpu.memory_space<semaphore_mem>>
        %dma_start3A_82 = arith.constant 0 : i32
        %dma_start3A_83 = arith.constant 0 : i32
        %dma_start3A_84 = tpu.memref_slice %arg4[%arg1, %dma_start3A_82, %dma_start3A_83] : memref<16x80x128xi32, #tpu.memory_space<hbm>> -> memref<1x80x128xi32, #tpu.memory_space<hbm>>
        %dma_start3A_85 = tpu.memref_squeeze %dma_start3A_84 : memref<1x80x128xi32, #tpu.memory_space<hbm>> -> memref<80x128xi32, #tpu.memory_space<hbm>>
        %dma_start3A_86 = arith.constant 40 : i32
        %dma_start3A_87 = arith.constant 0 : i32
        %dma_start3A_88 = tpu.memref_slice %dma_start3A_85[%dma_start3A_86, %dma_start3A_87] : memref<80x128xi32, #tpu.memory_space<hbm>> -> memref<40x128xi32, #tpu.memory_space<hbm>>
        %dma_start3A_89 = arith.constant 0 : i32
        %dma_start3A_90 = arith.constant 0 : i32
        %dma_start3A_91 = tpu.memref_slice %arg4[%arg1, %dma_start3A_89, %dma_start3A_90] : memref<16x80x128xi32, #tpu.memory_space<hbm>> -> memref<1x80x128xi32, #tpu.memory_space<hbm>>
        %dma_start3A_92 = tpu.memref_squeeze %dma_start3A_91 : memref<1x80x128xi32, #tpu.memory_space<hbm>> -> memref<80x128xi32, #tpu.memory_space<hbm>>
        %dma_start3A_93 = arith.constant 40 : i32
        %dma_start3A_94 = arith.constant 0 : i32
        %dma_start3A_95 = tpu.memref_slice %dma_start3A_92[%dma_start3A_93, %dma_start3A_94] : memref<80x128xi32, #tpu.memory_space<hbm>> -> memref<40x128xi32, #tpu.memory_space<hbm>>
        tpu.enqueue_dma source(%dma_start3A_95 : memref<40x128xi32, #tpu.memory_space<hbm>>) target(%arg9 : memref<40x128xi32, #tpu.memory_space<vmem>>) target_semaphore(%run_scoped3A : memref<!tpu.dma_semaphore, #tpu.memory_space<semaphore_mem>>)
        %dma_wait3A_96 = arith.constant 0 : i32
        %dma_wait3A_97 = arith.constant 0 : i32
        %dma_wait3A_98 = tpu.memref_slice %arg4[%arg1, %dma_wait3A_96, %dma_wait3A_97] : memref<16x80x128xi32, #tpu.memory_space<hbm>> -> memref<1x80x128xi32, #tpu.memory_space<hbm>>
        %dma_wait3A_99 = tpu.memref_squeeze %dma_wait3A_98 : memref<1x80x128xi32, #tpu.memory_space<hbm>> -> memref<80x128xi32, #tpu.memory_space<hbm>>
        %dma_wait3A_100 = arith.constant 40 : i32
        %dma_wait3A_101 = arith.constant 0 : i32
        %dma_wait3A_102 = tpu.memref_slice %dma_wait3A_99[%dma_wait3A_100, %dma_wait3A_101] : memref<80x128xi32, #tpu.memory_space<hbm>> -> memref<40x128xi32, #tpu.memory_space<hbm>>
        %dma_wait3A_103 = arith.constant 0 : i32
        %dma_wait3A_104 = arith.constant 0 : i32
        %dma_wait3A_105 = tpu.memref_slice %arg4[%arg1, %dma_wait3A_103, %dma_wait3A_104] : memref<16x80x128xi32, #tpu.memory_space<hbm>> -> memref<1x80x128xi32, #tpu.memory_space<hbm>>
        %dma_wait3A_106 = tpu.memref_squeeze %dma_wait3A_105 : memref<1x80x128xi32, #tpu.memory_space<hbm>> -> memref<80x128xi32, #tpu.memory_space<hbm>>
        %dma_wait3A_107 = arith.constant 40 : i32
        %dma_wait3A_108 = arith.constant 0 : i32
        %dma_wait3A_109 = tpu.memref_slice %dma_wait3A_106[%dma_wait3A_107, %dma_wait3A_108] : memref<80x128xi32, #tpu.memory_space<hbm>> -> memref<40x128xi32, #tpu.memory_space<hbm>>
        tpu.wait_dma2 semaphore(%run_scoped3A : memref<!tpu.dma_semaphore, #tpu.memory_space<semaphore_mem>>) src(%dma_wait3A_109 : memref<40x128xi32, #tpu.memory_space<hbm>>) dst(%arg9 : memref<40x128xi32, #tpu.memory_space<vmem>>)
        tpu.yield
      }) : () -> ()
      "tpu.region"() ({
        %run_scoped3A = tpu.sem_alloc : memref<!tpu.dma_semaphore, #tpu.memory_space<semaphore_mem>>
        %dma_start3A_82 = arith.constant 0 : i32
        %dma_start3A_83 = arith.constant 0 : i32
        %dma_start3A_84 = tpu.memref_slice %arg5[%arg1, %dma_start3A_82, %dma_start3A_83] : memref<16x80x128xi32, #tpu.memory_space<hbm>> -> memref<1x80x128xi32, #tpu.memory_space<hbm>>
        %dma_start3A_85 = tpu.memref_squeeze %dma_start3A_84 : memref<1x80x128xi32, #tpu.memory_space<hbm>> -> memref<80x128xi32, #tpu.memory_space<hbm>>
        %dma_start3A_86 = arith.constant 40 : i32
        %dma_start3A_87 = arith.constant 0 : i32
        %dma_start3A_88 = tpu.memref_slice %dma_start3A_85[%dma_start3A_86, %dma_start3A_87] : memref<80x128xi32, #tpu.memory_space<hbm>> -> memref<40x128xi32, #tpu.memory_space<hbm>>
        %dma_start3A_89 = arith.constant 0 : i32
        %dma_start3A_90 = arith.constant 0 : i32
        %dma_start3A_91 = tpu.memref_slice %arg5[%arg1, %dma_start3A_89, %dma_start3A_90] : memref<16x80x128xi32, #tpu.memory_space<hbm>> -> memref<1x80x128xi32, #tpu.memory_space<hbm>>
        %dma_start3A_92 = tpu.memref_squeeze %dma_start3A_91 : memref<1x80x128xi32, #tpu.memory_space<hbm>> -> memref<80x128xi32, #tpu.memory_space<hbm>>
        %dma_start3A_93 = arith.constant 40 : i32
        %dma_start3A_94 = arith.constant 0 : i32
        %dma_start3A_95 = tpu.memref_slice %dma_start3A_92[%dma_start3A_93, %dma_start3A_94] : memref<80x128xi32, #tpu.memory_space<hbm>> -> memref<40x128xi32, #tpu.memory_space<hbm>>
        tpu.enqueue_dma source(%dma_start3A_95 : memref<40x128xi32, #tpu.memory_space<hbm>>) target(%arg10 : memref<40x128xi32, #tpu.memory_space<vmem>>) target_semaphore(%run_scoped3A : memref<!tpu.dma_semaphore, #tpu.memory_space<semaphore_mem>>)
        %dma_wait3A_96 = arith.constant 0 : i32
        %dma_wait3A_97 = arith.constant 0 : i32
        %dma_wait3A_98 = tpu.memref_slice %arg5[%arg1, %dma_wait3A_96, %dma_wait3A_97] : memref<16x80x128xi32, #tpu.memory_space<hbm>> -> memref<1x80x128xi32, #tpu.memory_space<hbm>>
        %dma_wait3A_99 = tpu.memref_squeeze %dma_wait3A_98 : memref<1x80x128xi32, #tpu.memory_space<hbm>> -> memref<80x128xi32, #tpu.memory_space<hbm>>
        %dma_wait3A_100 = arith.constant 40 : i32
        %dma_wait3A_101 = arith.constant 0 : i32
        %dma_wait3A_102 = tpu.memref_slice %dma_wait3A_99[%dma_wait3A_100, %dma_wait3A_101] : memref<80x128xi32, #tpu.memory_space<hbm>> -> memref<40x128xi32, #tpu.memory_space<hbm>>
        %dma_wait3A_103 = arith.constant 0 : i32
        %dma_wait3A_104 = arith.constant 0 : i32
        %dma_wait3A_105 = tpu.memref_slice %arg5[%arg1, %dma_wait3A_103, %dma_wait3A_104] : memref<16x80x128xi32, #tpu.memory_space<hbm>> -> memref<1x80x128xi32, #tpu.memory_space<hbm>>
        %dma_wait3A_106 = tpu.memref_squeeze %dma_wait3A_105 : memref<1x80x128xi32, #tpu.memory_space<hbm>> -> memref<80x128xi32, #tpu.memory_space<hbm>>
        %dma_wait3A_107 = arith.constant 40 : i32
        %dma_wait3A_108 = arith.constant 0 : i32
        %dma_wait3A_109 = tpu.memref_slice %dma_wait3A_106[%dma_wait3A_107, %dma_wait3A_108] : memref<80x128xi32, #tpu.memory_space<hbm>> -> memref<40x128xi32, #tpu.memory_space<hbm>>
        tpu.wait_dma2 semaphore(%run_scoped3A : memref<!tpu.dma_semaphore, #tpu.memory_space<semaphore_mem>>) src(%dma_wait3A_109 : memref<40x128xi32, #tpu.memory_space<hbm>>) dst(%arg10 : memref<40x128xi32, #tpu.memory_space<vmem>>)
        tpu.yield
      }) : () -> ()
      %dma_start3A_49 = arith.constant 0 : i32
      %dma_start3A_50 = arith.constant 0 : i32
      %dma_start3A_51 = tpu.memref_slice %arg9[%dma_start3A_49, %dma_start3A_50] : memref<40x128xi32, #tpu.memory_space<vmem>> -> memref<1x128xi32, #tpu.memory_space<vmem>>
      %dma_start3A_52 = tpu.memref_squeeze %dma_start3A_51 : memref<1x128xi32, #tpu.memory_space<vmem>> -> memref<128xi32, #tpu.memory_space<vmem>>
      %dma_start3A_53 = arith.constant 0 : i32
      %dma_start3A_54 = arith.constant 0 : i32
      %dma_start3A_55 = tpu.memref_slice %arg2[%dma_start3A_53, %dma_start3A_54] : memref<10112x128xf32, #tpu.memory_space<hbm>> -> memref<10112x128xf32, #tpu.memory_space<hbm>>
      tpu.enqueue_indirect_dma source(%dma_start3A_55 : memref<10112x128xf32, #tpu.memory_space<hbm>>) target(%arg11 : memref<128x128xf32, #tpu.memory_space<vmem>>) offsets(%dma_start3A_52 : memref<128xi32, #tpu.memory_space<vmem>>) semaphore(%arg14 : memref<!tpu.dma_semaphore, #tpu.memory_space<semaphore_mem>>)
      %dma_start3A_56 = arith.constant 1 : i32
      %dma_start3A_57 = arith.constant 0 : i32
      %dma_start3A_58 = tpu.memref_slice %arg9[%dma_start3A_56, %dma_start3A_57] : memref<40x128xi32, #tpu.memory_space<vmem>> -> memref<1x128xi32, #tpu.memory_space<vmem>>
      %dma_start3A_59 = tpu.memref_squeeze %dma_start3A_58 : memref<1x128xi32, #tpu.memory_space<vmem>> -> memref<128xi32, #tpu.memory_space<vmem>>
      %dma_start3A_60 = arith.constant 0 : i32
      %dma_start3A_61 = arith.constant 0 : i32
      %dma_start3A_62 = tpu.memref_slice %arg2[%dma_start3A_60, %dma_start3A_61] : memref<10112x128xf32, #tpu.memory_space<hbm>> -> memref<10112x128xf32, #tpu.memory_space<hbm>>
      tpu.enqueue_indirect_dma source(%dma_start3A_62 : memref<10112x128xf32, #tpu.memory_space<hbm>>) target(%arg12 : memref<128x128xf32, #tpu.memory_space<vmem>>) offsets(%dma_start3A_59 : memref<128xi32, #tpu.memory_space<vmem>>) semaphore(%arg15 : memref<!tpu.dma_semaphore, #tpu.memory_space<semaphore_mem>>)
      %scan3A_63 = arith.constant 0 : i32
      %scan3A_64 = arith.constant 20 : i32
      %scan3A_65 = arith.addi %scan3A_63, %scan3A_64 : i32
      %scan3A_66 = arith.constant 1 : i32
      scf.for %scan3A_82 = %scan3A_63 to %scan3A_65 step %scan3A_66  : i32 {
        %mul3A_83 = arith.constant 2 : i32
        %mul3A_84 = arith.muli %scan3A_82, %mul3A_83 : i32
        %add3A = arith.constant 0 : i32
        %add3A_85 = arith.addi %add3A, %mul3A_84 : i32
        %dma_wait3A_86 = arith.constant 0 : i32
        %dma_wait3A_87 = tpu.memref_slice %arg9[%add3A_85, %dma_wait3A_86] : memref<40x128xi32, #tpu.memory_space<vmem>> -> memref<1x128xi32, #tpu.memory_space<vmem>>
        %dma_wait3A_88 = tpu.memref_squeeze %dma_wait3A_87 : memref<1x128xi32, #tpu.memory_space<vmem>> -> memref<128xi32, #tpu.memory_space<vmem>>
        %dma_wait3A_89 = arith.constant 0 : i32
        %dma_wait3A_90 = arith.constant 0 : i32
        %dma_wait3A_91 = tpu.memref_slice %arg2[%dma_wait3A_89, %dma_wait3A_90] : memref<10112x128xf32, #tpu.memory_space<hbm>> -> memref<10112x128xf32, #tpu.memory_space<hbm>>
        tpu.wait_indirect_dma semaphore(%arg14 : memref<!tpu.dma_semaphore, #tpu.memory_space<semaphore_mem>>) src(%dma_wait3A_91 : memref<10112x128xf32, #tpu.memory_space<hbm>>) dst(%arg11 : memref<128x128xf32, #tpu.memory_space<vmem>>)
        %dma_start3A_92 = arith.constant 0 : i32
        %dma_start3A_93 = tpu.memref_slice %arg10[%add3A_85, %dma_start3A_92] : memref<40x128xi32, #tpu.memory_space<vmem>> -> memref<1x128xi32, #tpu.memory_space<vmem>>
        %dma_start3A_94 = tpu.memref_squeeze %dma_start3A_93 : memref<1x128xi32, #tpu.memory_space<vmem>> -> memref<128xi32, #tpu.memory_space<vmem>>
        %dma_start3A_95 = arith.constant 0 : i32
        %dma_start3A_96 = arith.constant 0 : i32
        %dma_start3A_97 = tpu.memref_slice %arg13[%dma_start3A_95, %dma_start3A_96] : memref<10112x128xf32, #tpu.memory_space<vmem_shared>> -> memref<10112x128xf32, #tpu.memory_space<vmem_shared>>
        tpu.enqueue_indirect_dma source(%arg11 : memref<128x128xf32, #tpu.memory_space<vmem>>) target(%dma_start3A_97 : memref<10112x128xf32, #tpu.memory_space<vmem_shared>>) offsets(%dma_start3A_94 : memref<128xi32, #tpu.memory_space<vmem>>) semaphore(%arg16 : memref<!tpu.dma_semaphore, #tpu.memory_space<semaphore_mem>>) {add = true}
        %add3A_98 = arith.constant 1 : i32
        %add3A_99 = arith.addi %add3A_85, %add3A_98 : i32
        %dma_wait3A_100 = arith.constant 0 : i32
        %dma_wait3A_101 = tpu.memref_slice %arg9[%add3A_99, %dma_wait3A_100] : memref<40x128xi32, #tpu.memory_space<vmem>> -> memref<1x128xi32, #tpu.memory_space<vmem>>
        %dma_wait3A_102 = tpu.memref_squeeze %dma_wait3A_101 : memref<1x128xi32, #tpu.memory_space<vmem>> -> memref<128xi32, #tpu.memory_space<vmem>>
        %dma_wait3A_103 = arith.constant 0 : i32
        %dma_wait3A_104 = arith.constant 0 : i32
        %dma_wait3A_105 = tpu.memref_slice %arg2[%dma_wait3A_103, %dma_wait3A_104] : memref<10112x128xf32, #tpu.memory_space<hbm>> -> memref<10112x128xf32, #tpu.memory_space<hbm>>
        tpu.wait_indirect_dma semaphore(%arg15 : memref<!tpu.dma_semaphore, #tpu.memory_space<semaphore_mem>>) src(%dma_wait3A_105 : memref<10112x128xf32, #tpu.memory_space<hbm>>) dst(%arg12 : memref<128x128xf32, #tpu.memory_space<vmem>>)
        %add3A_106 = arith.constant 1 : i32
        %add3A_107 = arith.addi %add3A_85, %add3A_106 : i32
        %dma_start3A_108 = arith.constant 0 : i32
        %dma_start3A_109 = tpu.memref_slice %arg10[%add3A_107, %dma_start3A_108] : memref<40x128xi32, #tpu.memory_space<vmem>> -> memref<1x128xi32, #tpu.memory_space<vmem>>
        %dma_start3A_110 = tpu.memref_squeeze %dma_start3A_109 : memref<1x128xi32, #tpu.memory_space<vmem>> -> memref<128xi32, #tpu.memory_space<vmem>>
        %dma_start3A_111 = arith.constant 0 : i32
        %dma_start3A_112 = arith.constant 0 : i32
        %dma_start3A_113 = tpu.memref_slice %arg13[%dma_start3A_111, %dma_start3A_112] : memref<10112x128xf32, #tpu.memory_space<vmem_shared>> -> memref<10112x128xf32, #tpu.memory_space<vmem_shared>>
        tpu.enqueue_indirect_dma source(%arg12 : memref<128x128xf32, #tpu.memory_space<vmem>>) target(%dma_start3A_113 : memref<10112x128xf32, #tpu.memory_space<vmem_shared>>) offsets(%dma_start3A_110 : memref<128xi32, #tpu.memory_space<vmem>>) semaphore(%arg17 : memref<!tpu.dma_semaphore, #tpu.memory_space<semaphore_mem>>) {add = true}
        %add3A_114 = arith.constant 2 : i32
        %add3A_115 = arith.addi %add3A_85, %add3A_114 : i32
        %lt3A = arith.constant 40 : i32
        %lt3A_116 = arith.cmpi slt, %add3A_115, %lt3A : i32
        %convert_element_type3A_117 = arith.extui %lt3A_116 : i1 to i32
        %cond3A_118 = arith.constant 0 : i32
        %cond3A_119 = arith.cmpi ne, %convert_element_type3A_117, %cond3A_118 : i32
        scf.if %cond3A_119 {
          %dma_wait3A_120 = arith.constant 0 : i32
          %dma_wait3A_121 = tpu.memref_slice %arg10[%add3A_85, %dma_wait3A_120] : memref<40x128xi32, #tpu.memory_space<vmem>> -> memref<1x128xi32, #tpu.memory_space<vmem>>
          %dma_wait3A_122 = tpu.memref_squeeze %dma_wait3A_121 : memref<1x128xi32, #tpu.memory_space<vmem>> -> memref<128xi32, #tpu.memory_space<vmem>>
          %dma_wait3A_123 = arith.constant 0 : i32
          %dma_wait3A_124 = arith.constant 0 : i32
          %dma_wait3A_125 = tpu.memref_slice %arg13[%dma_wait3A_123, %dma_wait3A_124] : memref<10112x128xf32, #tpu.memory_space<vmem_shared>> -> memref<10112x128xf32, #tpu.memory_space<vmem_shared>>
          tpu.wait_indirect_dma semaphore(%arg16 : memref<!tpu.dma_semaphore, #tpu.memory_space<semaphore_mem>>) src(%arg11 : memref<128x128xf32, #tpu.memory_space<vmem>>) dst(%dma_wait3A_125 : memref<10112x128xf32, #tpu.memory_space<vmem_shared>>)
          %add3A_126 = arith.constant 2 : i32
          %add3A_127 = arith.addi %add3A_85, %add3A_126 : i32
          %dma_start3A_128 = arith.constant 0 : i32
          %dma_start3A_129 = tpu.memref_slice %arg9[%add3A_127, %dma_start3A_128] : memref<40x128xi32, #tpu.memory_space<vmem>> -> memref<1x128xi32, #tpu.memory_space<vmem>>
          %dma_start3A_130 = tpu.memref_squeeze %dma_start3A_129 : memref<1x128xi32, #tpu.memory_space<vmem>> -> memref<128xi32, #tpu.memory_space<vmem>>
          %dma_start3A_131 = arith.constant 0 : i32
          %dma_start3A_132 = arith.constant 0 : i32
          %dma_start3A_133 = tpu.memref_slice %arg2[%dma_start3A_131, %dma_start3A_132] : memref<10112x128xf32, #tpu.memory_space<hbm>> -> memref<10112x128xf32, #tpu.memory_space<hbm>>
          tpu.enqueue_indirect_dma source(%dma_start3A_133 : memref<10112x128xf32, #tpu.memory_space<hbm>>) target(%arg11 : memref<128x128xf32, #tpu.memory_space<vmem>>) offsets(%dma_start3A_130 : memref<128xi32, #tpu.memory_space<vmem>>) semaphore(%arg14 : memref<!tpu.dma_semaphore, #tpu.memory_space<semaphore_mem>>)
          %add3A_134 = arith.constant 1 : i32
          %add3A_135 = arith.addi %add3A_85, %add3A_134 : i32
          %dma_wait3A_136 = arith.constant 0 : i32
          %dma_wait3A_137 = tpu.memref_slice %arg10[%add3A_135, %dma_wait3A_136] : memref<40x128xi32, #tpu.memory_space<vmem>> -> memref<1x128xi32, #tpu.memory_space<vmem>>
          %dma_wait3A_138 = tpu.memref_squeeze %dma_wait3A_137 : memref<1x128xi32, #tpu.memory_space<vmem>> -> memref<128xi32, #tpu.memory_space<vmem>>
          %dma_wait3A_139 = arith.constant 0 : i32
          %dma_wait3A_140 = arith.constant 0 : i32
          %dma_wait3A_141 = tpu.memref_slice %arg13[%dma_wait3A_139, %dma_wait3A_140] : memref<10112x128xf32, #tpu.memory_space<vmem_shared>> -> memref<10112x128xf32, #tpu.memory_space<vmem_shared>>
          tpu.wait_indirect_dma semaphore(%arg17 : memref<!tpu.dma_semaphore, #tpu.memory_space<semaphore_mem>>) src(%arg12 : memref<128x128xf32, #tpu.memory_space<vmem>>) dst(%dma_wait3A_141 : memref<10112x128xf32, #tpu.memory_space<vmem_shared>>)
          %add3A_142 = arith.constant 3 : i32
          %add3A_143 = arith.addi %add3A_85, %add3A_142 : i32
          %dma_start3A_144 = arith.constant 0 : i32
          %dma_start3A_145 = tpu.memref_slice %arg9[%add3A_143, %dma_start3A_144] : memref<40x128xi32, #tpu.memory_space<vmem>> -> memref<1x128xi32, #tpu.memory_space<vmem>>
          %dma_start3A_146 = tpu.memref_squeeze %dma_start3A_145 : memref<1x128xi32, #tpu.memory_space<vmem>> -> memref<128xi32, #tpu.memory_space<vmem>>
          %dma_start3A_147 = arith.constant 0 : i32
          %dma_start3A_148 = arith.constant 0 : i32
          %dma_start3A_149 = tpu.memref_slice %arg2[%dma_start3A_147, %dma_start3A_148] : memref<10112x128xf32, #tpu.memory_space<hbm>> -> memref<10112x128xf32, #tpu.memory_space<hbm>>
          tpu.enqueue_indirect_dma source(%dma_start3A_149 : memref<10112x128xf32, #tpu.memory_space<hbm>>) target(%arg12 : memref<128x128xf32, #tpu.memory_space<vmem>>) offsets(%dma_start3A_146 : memref<128xi32, #tpu.memory_space<vmem>>) semaphore(%arg15 : memref<!tpu.dma_semaphore, #tpu.memory_space<semaphore_mem>>)
        } else {
        }
      }
      %scan3A_67 = arith.constant 20 : i32
      %dma_wait3A_68 = arith.constant 38 : i32
      %dma_wait3A_69 = arith.constant 0 : i32
      %dma_wait3A_70 = tpu.memref_slice %arg10[%dma_wait3A_68, %dma_wait3A_69] : memref<40x128xi32, #tpu.memory_space<vmem>> -> memref<1x128xi32, #tpu.memory_space<vmem>>
      %dma_wait3A_71 = tpu.memref_squeeze %dma_wait3A_70 : memref<1x128xi32, #tpu.memory_space<vmem>> -> memref<128xi32, #tpu.memory_space<vmem>>
      %dma_wait3A_72 = arith.constant 0 : i32
      %dma_wait3A_73 = arith.constant 0 : i32
      %dma_wait3A_74 = tpu.memref_slice %arg13[%dma_wait3A_72, %dma_wait3A_73] : memref<10112x128xf32, #tpu.memory_space<vmem_shared>> -> memref<10112x128xf32, #tpu.memory_space<vmem_shared>>
      tpu.wait_indirect_dma semaphore(%arg16 : memref<!tpu.dma_semaphore, #tpu.memory_space<semaphore_mem>>) src(%arg11 : memref<128x128xf32, #tpu.memory_space<vmem>>) dst(%dma_wait3A_74 : memref<10112x128xf32, #tpu.memory_space<vmem_shared>>)
      %dma_wait3A_75 = arith.constant 39 : i32
      %dma_wait3A_76 = arith.constant 0 : i32
      %dma_wait3A_77 = tpu.memref_slice %arg10[%dma_wait3A_75, %dma_wait3A_76] : memref<40x128xi32, #tpu.memory_space<vmem>> -> memref<1x128xi32, #tpu.memory_space<vmem>>
      %dma_wait3A_78 = tpu.memref_squeeze %dma_wait3A_77 : memref<1x128xi32, #tpu.memory_space<vmem>> -> memref<128xi32, #tpu.memory_space<vmem>>
      %dma_wait3A_79 = arith.constant 0 : i32
      %dma_wait3A_80 = arith.constant 0 : i32
      %dma_wait3A_81 = tpu.memref_slice %arg13[%dma_wait3A_79, %dma_wait3A_80] : memref<10112x128xf32, #tpu.memory_space<vmem_shared>> -> memref<10112x128xf32, #tpu.memory_space<vmem_shared>>
      tpu.wait_indirect_dma semaphore(%arg17 : memref<!tpu.dma_semaphore, #tpu.memory_space<semaphore_mem>>) src(%arg12 : memref<128x128xf32, #tpu.memory_space<vmem>>) dst(%dma_wait3A_81 : memref<10112x128xf32, #tpu.memory_space<vmem_shared>>)
    } else {
    }
    %eq3A_3 = arith.constant 1 : i32
    %eq3A_4 = arith.cmpi eq, %arg0, %eq3A_3 : i32
    %convert_element_type3A_5 = arith.extui %eq3A_4 : i1 to i32
    %cond3A_6 = arith.constant 0 : i32
    %cond3A_7 = arith.cmpi ne, %convert_element_type3A_5, %cond3A_6 : i32
    scf.if %cond3A_7 {
      "tpu.region"() ({
        %run_scoped3A = tpu.sem_alloc : memref<!tpu.dma_semaphore, #tpu.memory_space<semaphore_mem>>
        %dma_start3A_82 = arith.constant 0 : i32
        %dma_start3A_83 = arith.constant 0 : i32
        %dma_start3A_84 = tpu.memref_slice %arg4[%arg1, %dma_start3A_82, %dma_start3A_83] : memref<16x80x128xi32, #tpu.memory_space<hbm>> -> memref<1x80x128xi32, #tpu.memory_space<hbm>>
        %dma_start3A_85 = tpu.memref_squeeze %dma_start3A_84 : memref<1x80x128xi32, #tpu.memory_space<hbm>> -> memref<80x128xi32, #tpu.memory_space<hbm>>
        %dma_start3A_86 = arith.constant 0 : i32
        %dma_start3A_87 = arith.constant 0 : i32
        %dma_start3A_88 = tpu.memref_slice %dma_start3A_85[%dma_start3A_86, %dma_start3A_87] : memref<80x128xi32, #tpu.memory_space<hbm>> -> memref<40x128xi32, #tpu.memory_space<hbm>>
        %dma_start3A_89 = arith.constant 0 : i32
        %dma_start3A_90 = arith.constant 0 : i32
        %dma_start3A_91 = tpu.memref_slice %arg4[%arg1, %dma_start3A_89, %dma_start3A_90] : memref<16x80x128xi32, #tpu.memory_space<hbm>> -> memref<1x80x128xi32, #tpu.memory_space<hbm>>
        %dma_start3A_92 = tpu.memref_squeeze %dma_start3A_91 : memref<1x80x128xi32, #tpu.memory_space<hbm>> -> memref<80x128xi32, #tpu.memory_space<hbm>>
        %dma_start3A_93 = arith.constant 0 : i32
        %dma_start3A_94 = arith.constant 0 : i32
        %dma_start3A_95 = tpu.memref_slice %dma_start3A_92[%dma_start3A_93, %dma_start3A_94] : memref<80x128xi32, #tpu.memory_space<hbm>> -> memref<40x128xi32, #tpu.memory_space<hbm>>
        tpu.enqueue_dma source(%dma_start3A_95 : memref<40x128xi32, #tpu.memory_space<hbm>>) target(%arg9 : memref<40x128xi32, #tpu.memory_space<vmem>>) target_semaphore(%run_scoped3A : memref<!tpu.dma_semaphore, #tpu.memory_space<semaphore_mem>>)
        %dma_wait3A_96 = arith.constant 0 : i32
        %dma_wait3A_97 = arith.constant 0 : i32
        %dma_wait3A_98 = tpu.memref_slice %arg4[%arg1, %dma_wait3A_96, %dma_wait3A_97] : memref<16x80x128xi32, #tpu.memory_space<hbm>> -> memref<1x80x128xi32, #tpu.memory_space<hbm>>
        %dma_wait3A_99 = tpu.memref_squeeze %dma_wait3A_98 : memref<1x80x128xi32, #tpu.memory_space<hbm>> -> memref<80x128xi32, #tpu.memory_space<hbm>>
        %dma_wait3A_100 = arith.constant 0 : i32
        %dma_wait3A_101 = arith.constant 0 : i32
        %dma_wait3A_102 = tpu.memref_slice %dma_wait3A_99[%dma_wait3A_100, %dma_wait3A_101] : memref<80x128xi32, #tpu.memory_space<hbm>> -> memref<40x128xi32, #tpu.memory_space<hbm>>
        %dma_wait3A_103 = arith.constant 0 : i32
        %dma_wait3A_104 = arith.constant 0 : i32
        %dma_wait3A_105 = tpu.memref_slice %arg4[%arg1, %dma_wait3A_103, %dma_wait3A_104] : memref<16x80x128xi32, #tpu.memory_space<hbm>> -> memref<1x80x128xi32, #tpu.memory_space<hbm>>
        %dma_wait3A_106 = tpu.memref_squeeze %dma_wait3A_105 : memref<1x80x128xi32, #tpu.memory_space<hbm>> -> memref<80x128xi32, #tpu.memory_space<hbm>>
        %dma_wait3A_107 = arith.constant 0 : i32
        %dma_wait3A_108 = arith.constant 0 : i32
        %dma_wait3A_109 = tpu.memref_slice %dma_wait3A_106[%dma_wait3A_107, %dma_wait3A_108] : memref<80x128xi32, #tpu.memory_space<hbm>> -> memref<40x128xi32, #tpu.memory_space<hbm>>
        tpu.wait_dma2 semaphore(%run_scoped3A : memref<!tpu.dma_semaphore, #tpu.memory_space<semaphore_mem>>) src(%dma_wait3A_109 : memref<40x128xi32, #tpu.memory_space<hbm>>) dst(%arg9 : memref<40x128xi32, #tpu.memory_space<vmem>>)
        tpu.yield
      }) : () -> ()
      "tpu.region"() ({
        %run_scoped3A = tpu.sem_alloc : memref<!tpu.dma_semaphore, #tpu.memory_space<semaphore_mem>>
        %dma_start3A_82 = arith.constant 0 : i32
        %dma_start3A_83 = arith.constant 0 : i32
        %dma_start3A_84 = tpu.memref_slice %arg5[%arg1, %dma_start3A_82, %dma_start3A_83] : memref<16x80x128xi32, #tpu.memory_space<hbm>> -> memref<1x80x128xi32, #tpu.memory_space<hbm>>
        %dma_start3A_85 = tpu.memref_squeeze %dma_start3A_84 : memref<1x80x128xi32, #tpu.memory_space<hbm>> -> memref<80x128xi32, #tpu.memory_space<hbm>>
        %dma_start3A_86 = arith.constant 0 : i32
        %dma_start3A_87 = arith.constant 0 : i32
        %dma_start3A_88 = tpu.memref_slice %dma_start3A_85[%dma_start3A_86, %dma_start3A_87] : memref<80x128xi32, #tpu.memory_space<hbm>> -> memref<40x128xi32, #tpu.memory_space<hbm>>
        %dma_start3A_89 = arith.constant 0 : i32
        %dma_start3A_90 = arith.constant 0 : i32
        %dma_start3A_91 = tpu.memref_slice %arg5[%arg1, %dma_start3A_89, %dma_start3A_90] : memref<16x80x128xi32, #tpu.memory_space<hbm>> -> memref<1x80x128xi32, #tpu.memory_space<hbm>>
        %dma_start3A_92 = tpu.memref_squeeze %dma_start3A_91 : memref<1x80x128xi32, #tpu.memory_space<hbm>> -> memref<80x128xi32, #tpu.memory_space<hbm>>
        %dma_start3A_93 = arith.constant 0 : i32
        %dma_start3A_94 = arith.constant 0 : i32
        %dma_start3A_95 = tpu.memref_slice %dma_start3A_92[%dma_start3A_93, %dma_start3A_94] : memref<80x128xi32, #tpu.memory_space<hbm>> -> memref<40x128xi32, #tpu.memory_space<hbm>>
        tpu.enqueue_dma source(%dma_start3A_95 : memref<40x128xi32, #tpu.memory_space<hbm>>) target(%arg10 : memref<40x128xi32, #tpu.memory_space<vmem>>) target_semaphore(%run_scoped3A : memref<!tpu.dma_semaphore, #tpu.memory_space<semaphore_mem>>)
        %dma_wait3A_96 = arith.constant 0 : i32
        %dma_wait3A_97 = arith.constant 0 : i32
        %dma_wait3A_98 = tpu.memref_slice %arg5[%arg1, %dma_wait3A_96, %dma_wait3A_97] : memref<16x80x128xi32, #tpu.memory_space<hbm>> -> memref<1x80x128xi32, #tpu.memory_space<hbm>>
        %dma_wait3A_99 = tpu.memref_squeeze %dma_wait3A_98 : memref<1x80x128xi32, #tpu.memory_space<hbm>> -> memref<80x128xi32, #tpu.memory_space<hbm>>
        %dma_wait3A_100 = arith.constant 0 : i32
        %dma_wait3A_101 = arith.constant 0 : i32
        %dma_wait3A_102 = tpu.memref_slice %dma_wait3A_99[%dma_wait3A_100, %dma_wait3A_101] : memref<80x128xi32, #tpu.memory_space<hbm>> -> memref<40x128xi32, #tpu.memory_space<hbm>>
        %dma_wait3A_103 = arith.constant 0 : i32
        %dma_wait3A_104 = arith.constant 0 : i32
        %dma_wait3A_105 = tpu.memref_slice %arg5[%arg1, %dma_wait3A_103, %dma_wait3A_104] : memref<16x80x128xi32, #tpu.memory_space<hbm>> -> memref<1x80x128xi32, #tpu.memory_space<hbm>>
        %dma_wait3A_106 = tpu.memref_squeeze %dma_wait3A_105 : memref<1x80x128xi32, #tpu.memory_space<hbm>> -> memref<80x128xi32, #tpu.memory_space<hbm>>
        %dma_wait3A_107 = arith.constant 0 : i32
        %dma_wait3A_108 = arith.constant 0 : i32
        %dma_wait3A_109 = tpu.memref_slice %dma_wait3A_106[%dma_wait3A_107, %dma_wait3A_108] : memref<80x128xi32, #tpu.memory_space<hbm>> -> memref<40x128xi32, #tpu.memory_space<hbm>>
        tpu.wait_dma2 semaphore(%run_scoped3A : memref<!tpu.dma_semaphore, #tpu.memory_space<semaphore_mem>>) src(%dma_wait3A_109 : memref<40x128xi32, #tpu.memory_space<hbm>>) dst(%arg10 : memref<40x128xi32, #tpu.memory_space<vmem>>)
        tpu.yield
      }) : () -> ()
      %dma_start3A = arith.constant 0 : i32
      %dma_start3A_19 = arith.constant 0 : i32
      %dma_start3A_20 = tpu.memref_slice %arg9[%dma_start3A, %dma_start3A_19] : memref<40x128xi32, #tpu.memory_space<vmem>> -> memref<1x128xi32, #tpu.memory_space<vmem>>
      %dma_start3A_21 = tpu.memref_squeeze %dma_start3A_20 : memref<1x128xi32, #tpu.memory_space<vmem>> -> memref<128xi32, #tpu.memory_space<vmem>>
      %dma_start3A_22 = arith.constant 0 : i32
      %dma_start3A_23 = arith.constant 0 : i32
      %dma_start3A_24 = tpu.memref_slice %arg3[%dma_start3A_22, %dma_start3A_23] : memref<10112x128xf32, #tpu.memory_space<hbm>> -> memref<10112x128xf32, #tpu.memory_space<hbm>>
      tpu.enqueue_indirect_dma source(%dma_start3A_24 : memref<10112x128xf32, #tpu.memory_space<hbm>>) target(%arg11 : memref<128x128xf32, #tpu.memory_space<vmem>>) offsets(%dma_start3A_21 : memref<128xi32, #tpu.memory_space<vmem>>) semaphore(%arg14 : memref<!tpu.dma_semaphore, #tpu.memory_space<semaphore_mem>>)
      %dma_start3A_25 = arith.constant 1 : i32
      %dma_start3A_26 = arith.constant 0 : i32
      %dma_start3A_27 = tpu.memref_slice %arg9[%dma_start3A_25, %dma_start3A_26] : memref<40x128xi32, #tpu.memory_space<vmem>> -> memref<1x128xi32, #tpu.memory_space<vmem>>
      %dma_start3A_28 = tpu.memref_squeeze %dma_start3A_27 : memref<1x128xi32, #tpu.memory_space<vmem>> -> memref<128xi32, #tpu.memory_space<vmem>>
      %dma_start3A_29 = arith.constant 0 : i32
      %dma_start3A_30 = arith.constant 0 : i32
      %dma_start3A_31 = tpu.memref_slice %arg3[%dma_start3A_29, %dma_start3A_30] : memref<10112x128xf32, #tpu.memory_space<hbm>> -> memref<10112x128xf32, #tpu.memory_space<hbm>>
      tpu.enqueue_indirect_dma source(%dma_start3A_31 : memref<10112x128xf32, #tpu.memory_space<hbm>>) target(%arg12 : memref<128x128xf32, #tpu.memory_space<vmem>>) offsets(%dma_start3A_28 : memref<128xi32, #tpu.memory_space<vmem>>) semaphore(%arg15 : memref<!tpu.dma_semaphore, #tpu.memory_space<semaphore_mem>>)
      %scan3A = arith.constant 0 : i32
      %scan3A_32 = arith.constant 20 : i32
      %scan3A_33 = arith.addi %scan3A, %scan3A_32 : i32
      %scan3A_34 = arith.constant 1 : i32
      scf.for %scan3A_82 = %scan3A to %scan3A_33 step %scan3A_34  : i32 {
        %mul3A_83 = arith.constant 2 : i32
        %mul3A_84 = arith.muli %scan3A_82, %mul3A_83 : i32
        %add3A = arith.constant 0 : i32
        %add3A_85 = arith.addi %add3A, %mul3A_84 : i32
        %dma_wait3A_86 = arith.constant 0 : i32
        %dma_wait3A_87 = tpu.memref_slice %arg9[%add3A_85, %dma_wait3A_86] : memref<40x128xi32, #tpu.memory_space<vmem>> -> memref<1x128xi32, #tpu.memory_space<vmem>>
        %dma_wait3A_88 = tpu.memref_squeeze %dma_wait3A_87 : memref<1x128xi32, #tpu.memory_space<vmem>> -> memref<128xi32, #tpu.memory_space<vmem>>
        %dma_wait3A_89 = arith.constant 0 : i32
        %dma_wait3A_90 = arith.constant 0 : i32
        %dma_wait3A_91 = tpu.memref_slice %arg3[%dma_wait3A_89, %dma_wait3A_90] : memref<10112x128xf32, #tpu.memory_space<hbm>> -> memref<10112x128xf32, #tpu.memory_space<hbm>>
        tpu.wait_indirect_dma semaphore(%arg14 : memref<!tpu.dma_semaphore, #tpu.memory_space<semaphore_mem>>) src(%dma_wait3A_91 : memref<10112x128xf32, #tpu.memory_space<hbm>>) dst(%arg11 : memref<128x128xf32, #tpu.memory_space<vmem>>)
        %dma_start3A_92 = arith.constant 0 : i32
        %dma_start3A_93 = tpu.memref_slice %arg10[%add3A_85, %dma_start3A_92] : memref<40x128xi32, #tpu.memory_space<vmem>> -> memref<1x128xi32, #tpu.memory_space<vmem>>
        %dma_start3A_94 = tpu.memref_squeeze %dma_start3A_93 : memref<1x128xi32, #tpu.memory_space<vmem>> -> memref<128xi32, #tpu.memory_space<vmem>>
        %dma_start3A_95 = arith.constant 0 : i32
        %dma_start3A_96 = arith.constant 0 : i32
        %dma_start3A_97 = tpu.memref_slice %arg13[%dma_start3A_95, %dma_start3A_96] : memref<10112x128xf32, #tpu.memory_space<vmem_shared>> -> memref<10112x128xf32, #tpu.memory_space<vmem_shared>>
        tpu.enqueue_indirect_dma source(%arg11 : memref<128x128xf32, #tpu.memory_space<vmem>>) target(%dma_start3A_97 : memref<10112x128xf32, #tpu.memory_space<vmem_shared>>) offsets(%dma_start3A_94 : memref<128xi32, #tpu.memory_space<vmem>>) semaphore(%arg16 : memref<!tpu.dma_semaphore, #tpu.memory_space<semaphore_mem>>) {add = true}
        %add3A_98 = arith.constant 1 : i32
        %add3A_99 = arith.addi %add3A_85, %add3A_98 : i32
        %dma_wait3A_100 = arith.constant 0 : i32
        %dma_wait3A_101 = tpu.memref_slice %arg9[%add3A_99, %dma_wait3A_100] : memref<40x128xi32, #tpu.memory_space<vmem>> -> memref<1x128xi32, #tpu.memory_space<vmem>>
        %dma_wait3A_102 = tpu.memref_squeeze %dma_wait3A_101 : memref<1x128xi32, #tpu.memory_space<vmem>> -> memref<128xi32, #tpu.memory_space<vmem>>
        %dma_wait3A_103 = arith.constant 0 : i32
        %dma_wait3A_104 = arith.constant 0 : i32
        %dma_wait3A_105 = tpu.memref_slice %arg3[%dma_wait3A_103, %dma_wait3A_104] : memref<10112x128xf32, #tpu.memory_space<hbm>> -> memref<10112x128xf32, #tpu.memory_space<hbm>>
        tpu.wait_indirect_dma semaphore(%arg15 : memref<!tpu.dma_semaphore, #tpu.memory_space<semaphore_mem>>) src(%dma_wait3A_105 : memref<10112x128xf32, #tpu.memory_space<hbm>>) dst(%arg12 : memref<128x128xf32, #tpu.memory_space<vmem>>)
        %add3A_106 = arith.constant 1 : i32
        %add3A_107 = arith.addi %add3A_85, %add3A_106 : i32
        %dma_start3A_108 = arith.constant 0 : i32
        %dma_start3A_109 = tpu.memref_slice %arg10[%add3A_107, %dma_start3A_108] : memref<40x128xi32, #tpu.memory_space<vmem>> -> memref<1x128xi32, #tpu.memory_space<vmem>>
        %dma_start3A_110 = tpu.memref_squeeze %dma_start3A_109 : memref<1x128xi32, #tpu.memory_space<vmem>> -> memref<128xi32, #tpu.memory_space<vmem>>
        %dma_start3A_111 = arith.constant 0 : i32
        %dma_start3A_112 = arith.constant 0 : i32
        %dma_start3A_113 = tpu.memref_slice %arg13[%dma_start3A_111, %dma_start3A_112] : memref<10112x128xf32, #tpu.memory_space<vmem_shared>> -> memref<10112x128xf32, #tpu.memory_space<vmem_shared>>
        tpu.enqueue_indirect_dma source(%arg12 : memref<128x128xf32, #tpu.memory_space<vmem>>) target(%dma_start3A_113 : memref<10112x128xf32, #tpu.memory_space<vmem_shared>>) offsets(%dma_start3A_110 : memref<128xi32, #tpu.memory_space<vmem>>) semaphore(%arg17 : memref<!tpu.dma_semaphore, #tpu.memory_space<semaphore_mem>>) {add = true}
        %add3A_114 = arith.constant 2 : i32
        %add3A_115 = arith.addi %add3A_85, %add3A_114 : i32
        %lt3A = arith.constant 40 : i32
        %lt3A_116 = arith.cmpi slt, %add3A_115, %lt3A : i32
        %convert_element_type3A_117 = arith.extui %lt3A_116 : i1 to i32
        %cond3A_118 = arith.constant 0 : i32
        %cond3A_119 = arith.cmpi ne, %convert_element_type3A_117, %cond3A_118 : i32
        scf.if %cond3A_119 {
          %dma_wait3A_120 = arith.constant 0 : i32
          %dma_wait3A_121 = tpu.memref_slice %arg10[%add3A_85, %dma_wait3A_120] : memref<40x128xi32, #tpu.memory_space<vmem>> -> memref<1x128xi32, #tpu.memory_space<vmem>>
          %dma_wait3A_122 = tpu.memref_squeeze %dma_wait3A_121 : memref<1x128xi32, #tpu.memory_space<vmem>> -> memref<128xi32, #tpu.memory_space<vmem>>
          %dma_wait3A_123 = arith.constant 0 : i32
          %dma_wait3A_124 = arith.constant 0 : i32
          %dma_wait3A_125 = tpu.memref_slice %arg13[%dma_wait3A_123, %dma_wait3A_124] : memref<10112x128xf32, #tpu.memory_space<vmem_shared>> -> memref<10112x128xf32, #tpu.memory_space<vmem_shared>>
          tpu.wait_indirect_dma semaphore(%arg16 : memref<!tpu.dma_semaphore, #tpu.memory_space<semaphore_mem>>) src(%arg11 : memref<128x128xf32, #tpu.memory_space<vmem>>) dst(%dma_wait3A_125 : memref<10112x128xf32, #tpu.memory_space<vmem_shared>>)
          %add3A_126 = arith.constant 2 : i32
          %add3A_127 = arith.addi %add3A_85, %add3A_126 : i32
          %dma_start3A_128 = arith.constant 0 : i32
          %dma_start3A_129 = tpu.memref_slice %arg9[%add3A_127, %dma_start3A_128] : memref<40x128xi32, #tpu.memory_space<vmem>> -> memref<1x128xi32, #tpu.memory_space<vmem>>
          %dma_start3A_130 = tpu.memref_squeeze %dma_start3A_129 : memref<1x128xi32, #tpu.memory_space<vmem>> -> memref<128xi32, #tpu.memory_space<vmem>>
          %dma_start3A_131 = arith.constant 0 : i32
          %dma_start3A_132 = arith.constant 0 : i32
          %dma_start3A_133 = tpu.memref_slice %arg3[%dma_start3A_131, %dma_start3A_132] : memref<10112x128xf32, #tpu.memory_space<hbm>> -> memref<10112x128xf32, #tpu.memory_space<hbm>>
          tpu.enqueue_indirect_dma source(%dma_start3A_133 : memref<10112x128xf32, #tpu.memory_space<hbm>>) target(%arg11 : memref<128x128xf32, #tpu.memory_space<vmem>>) offsets(%dma_start3A_130 : memref<128xi32, #tpu.memory_space<vmem>>) semaphore(%arg14 : memref<!tpu.dma_semaphore, #tpu.memory_space<semaphore_mem>>)
          %add3A_134 = arith.constant 1 : i32
          %add3A_135 = arith.addi %add3A_85, %add3A_134 : i32
          %dma_wait3A_136 = arith.constant 0 : i32
          %dma_wait3A_137 = tpu.memref_slice %arg10[%add3A_135, %dma_wait3A_136] : memref<40x128xi32, #tpu.memory_space<vmem>> -> memref<1x128xi32, #tpu.memory_space<vmem>>
          %dma_wait3A_138 = tpu.memref_squeeze %dma_wait3A_137 : memref<1x128xi32, #tpu.memory_space<vmem>> -> memref<128xi32, #tpu.memory_space<vmem>>
          %dma_wait3A_139 = arith.constant 0 : i32
          %dma_wait3A_140 = arith.constant 0 : i32
          %dma_wait3A_141 = tpu.memref_slice %arg13[%dma_wait3A_139, %dma_wait3A_140] : memref<10112x128xf32, #tpu.memory_space<vmem_shared>> -> memref<10112x128xf32, #tpu.memory_space<vmem_shared>>
          tpu.wait_indirect_dma semaphore(%arg17 : memref<!tpu.dma_semaphore, #tpu.memory_space<semaphore_mem>>) src(%arg12 : memref<128x128xf32, #tpu.memory_space<vmem>>) dst(%dma_wait3A_141 : memref<10112x128xf32, #tpu.memory_space<vmem_shared>>)
          %add3A_142 = arith.constant 3 : i32
          %add3A_143 = arith.addi %add3A_85, %add3A_142 : i32
          %dma_start3A_144 = arith.constant 0 : i32
          %dma_start3A_145 = tpu.memref_slice %arg9[%add3A_143, %dma_start3A_144] : memref<40x128xi32, #tpu.memory_space<vmem>> -> memref<1x128xi32, #tpu.memory_space<vmem>>
          %dma_start3A_146 = tpu.memref_squeeze %dma_start3A_145 : memref<1x128xi32, #tpu.memory_space<vmem>> -> memref<128xi32, #tpu.memory_space<vmem>>
          %dma_start3A_147 = arith.constant 0 : i32
          %dma_start3A_148 = arith.constant 0 : i32
          %dma_start3A_149 = tpu.memref_slice %arg3[%dma_start3A_147, %dma_start3A_148] : memref<10112x128xf32, #tpu.memory_space<hbm>> -> memref<10112x128xf32, #tpu.memory_space<hbm>>
          tpu.enqueue_indirect_dma source(%dma_start3A_149 : memref<10112x128xf32, #tpu.memory_space<hbm>>) target(%arg12 : memref<128x128xf32, #tpu.memory_space<vmem>>) offsets(%dma_start3A_146 : memref<128xi32, #tpu.memory_space<vmem>>) semaphore(%arg15 : memref<!tpu.dma_semaphore, #tpu.memory_space<semaphore_mem>>)
        } else {
        }
      }
      %scan3A_35 = arith.constant 20 : i32
      %dma_wait3A = arith.constant 38 : i32
      %dma_wait3A_36 = arith.constant 0 : i32
      %dma_wait3A_37 = tpu.memref_slice %arg10[%dma_wait3A, %dma_wait3A_36] : memref<40x128xi32, #tpu.memory_space<vmem>> -> memref<1x128xi32, #tpu.memory_space<vmem>>
      %dma_wait3A_38 = tpu.memref_squeeze %dma_wait3A_37 : memref<1x128xi32, #tpu.memory_space<vmem>> -> memref<128xi32, #tpu.memory_space<vmem>>
      %dma_wait3A_39 = arith.constant 0 : i32
      %dma_wait3A_40 = arith.constant 0 : i32
      %dma_wait3A_41 = tpu.memref_slice %arg13[%dma_wait3A_39, %dma_wait3A_40] : memref<10112x128xf32, #tpu.memory_space<vmem_shared>> -> memref<10112x128xf32, #tpu.memory_space<vmem_shared>>
      tpu.wait_indirect_dma semaphore(%arg16 : memref<!tpu.dma_semaphore, #tpu.memory_space<semaphore_mem>>) src(%arg11 : memref<128x128xf32, #tpu.memory_space<vmem>>) dst(%dma_wait3A_41 : memref<10112x128xf32, #tpu.memory_space<vmem_shared>>)
      %dma_wait3A_42 = arith.constant 39 : i32
      %dma_wait3A_43 = arith.constant 0 : i32
      %dma_wait3A_44 = tpu.memref_slice %arg10[%dma_wait3A_42, %dma_wait3A_43] : memref<40x128xi32, #tpu.memory_space<vmem>> -> memref<1x128xi32, #tpu.memory_space<vmem>>
      %dma_wait3A_45 = tpu.memref_squeeze %dma_wait3A_44 : memref<1x128xi32, #tpu.memory_space<vmem>> -> memref<128xi32, #tpu.memory_space<vmem>>
      %dma_wait3A_46 = arith.constant 0 : i32
      %dma_wait3A_47 = arith.constant 0 : i32
      %dma_wait3A_48 = tpu.memref_slice %arg13[%dma_wait3A_46, %dma_wait3A_47] : memref<10112x128xf32, #tpu.memory_space<vmem_shared>> -> memref<10112x128xf32, #tpu.memory_space<vmem_shared>>
      tpu.wait_indirect_dma semaphore(%arg17 : memref<!tpu.dma_semaphore, #tpu.memory_space<semaphore_mem>>) src(%arg12 : memref<128x128xf32, #tpu.memory_space<vmem>>) dst(%dma_wait3A_48 : memref<10112x128xf32, #tpu.memory_space<vmem_shared>>)
      "tpu.region"() ({
        %run_scoped3A = tpu.sem_alloc : memref<!tpu.dma_semaphore, #tpu.memory_space<semaphore_mem>>
        %dma_start3A_82 = arith.constant 0 : i32
        %dma_start3A_83 = arith.constant 0 : i32
        %dma_start3A_84 = tpu.memref_slice %arg4[%arg1, %dma_start3A_82, %dma_start3A_83] : memref<16x80x128xi32, #tpu.memory_space<hbm>> -> memref<1x80x128xi32, #tpu.memory_space<hbm>>
        %dma_start3A_85 = tpu.memref_squeeze %dma_start3A_84 : memref<1x80x128xi32, #tpu.memory_space<hbm>> -> memref<80x128xi32, #tpu.memory_space<hbm>>
        %dma_start3A_86 = arith.constant 40 : i32
        %dma_start3A_87 = arith.constant 0 : i32
        %dma_start3A_88 = tpu.memref_slice %dma_start3A_85[%dma_start3A_86, %dma_start3A_87] : memref<80x128xi32, #tpu.memory_space<hbm>> -> memref<40x128xi32, #tpu.memory_space<hbm>>
        %dma_start3A_89 = arith.constant 0 : i32
        %dma_start3A_90 = arith.constant 0 : i32
        %dma_start3A_91 = tpu.memref_slice %arg4[%arg1, %dma_start3A_89, %dma_start3A_90] : memref<16x80x128xi32, #tpu.memory_space<hbm>> -> memref<1x80x128xi32, #tpu.memory_space<hbm>>
        %dma_start3A_92 = tpu.memref_squeeze %dma_start3A_91 : memref<1x80x128xi32, #tpu.memory_space<hbm>> -> memref<80x128xi32, #tpu.memory_space<hbm>>
        %dma_start3A_93 = arith.constant 40 : i32
        %dma_start3A_94 = arith.constant 0 : i32
        %dma_start3A_95 = tpu.memref_slice %dma_start3A_92[%dma_start3A_93, %dma_start3A_94] : memref<80x128xi32, #tpu.memory_space<hbm>> -> memref<40x128xi32, #tpu.memory_space<hbm>>
        tpu.enqueue_dma source(%dma_start3A_95 : memref<40x128xi32, #tpu.memory_space<hbm>>) target(%arg9 : memref<40x128xi32, #tpu.memory_space<vmem>>) target_semaphore(%run_scoped3A : memref<!tpu.dma_semaphore, #tpu.memory_space<semaphore_mem>>)
        %dma_wait3A_96 = arith.constant 0 : i32
        %dma_wait3A_97 = arith.constant 0 : i32
        %dma_wait3A_98 = tpu.memref_slice %arg4[%arg1, %dma_wait3A_96, %dma_wait3A_97] : memref<16x80x128xi32, #tpu.memory_space<hbm>> -> memref<1x80x128xi32, #tpu.memory_space<hbm>>
        %dma_wait3A_99 = tpu.memref_squeeze %dma_wait3A_98 : memref<1x80x128xi32, #tpu.memory_space<hbm>> -> memref<80x128xi32, #tpu.memory_space<hbm>>
        %dma_wait3A_100 = arith.constant 40 : i32
        %dma_wait3A_101 = arith.constant 0 : i32
        %dma_wait3A_102 = tpu.memref_slice %dma_wait3A_99[%dma_wait3A_100, %dma_wait3A_101] : memref<80x128xi32, #tpu.memory_space<hbm>> -> memref<40x128xi32, #tpu.memory_space<hbm>>
        %dma_wait3A_103 = arith.constant 0 : i32
        %dma_wait3A_104 = arith.constant 0 : i32
        %dma_wait3A_105 = tpu.memref_slice %arg4[%arg1, %dma_wait3A_103, %dma_wait3A_104] : memref<16x80x128xi32, #tpu.memory_space<hbm>> -> memref<1x80x128xi32, #tpu.memory_space<hbm>>
        %dma_wait3A_106 = tpu.memref_squeeze %dma_wait3A_105 : memref<1x80x128xi32, #tpu.memory_space<hbm>> -> memref<80x128xi32, #tpu.memory_space<hbm>>
        %dma_wait3A_107 = arith.constant 40 : i32
        %dma_wait3A_108 = arith.constant 0 : i32
        %dma_wait3A_109 = tpu.memref_slice %dma_wait3A_106[%dma_wait3A_107, %dma_wait3A_108] : memref<80x128xi32, #tpu.memory_space<hbm>> -> memref<40x128xi32, #tpu.memory_space<hbm>>
        tpu.wait_dma2 semaphore(%run_scoped3A : memref<!tpu.dma_semaphore, #tpu.memory_space<semaphore_mem>>) src(%dma_wait3A_109 : memref<40x128xi32, #tpu.memory_space<hbm>>) dst(%arg9 : memref<40x128xi32, #tpu.memory_space<vmem>>)
        tpu.yield
      }) : () -> ()
      "tpu.region"() ({
        %run_scoped3A = tpu.sem_alloc : memref<!tpu.dma_semaphore, #tpu.memory_space<semaphore_mem>>
        %dma_start3A_82 = arith.constant 0 : i32
        %dma_start3A_83 = arith.constant 0 : i32
        %dma_start3A_84 = tpu.memref_slice %arg5[%arg1, %dma_start3A_82, %dma_start3A_83] : memref<16x80x128xi32, #tpu.memory_space<hbm>> -> memref<1x80x128xi32, #tpu.memory_space<hbm>>
        %dma_start3A_85 = tpu.memref_squeeze %dma_start3A_84 : memref<1x80x128xi32, #tpu.memory_space<hbm>> -> memref<80x128xi32, #tpu.memory_space<hbm>>
        %dma_start3A_86 = arith.constant 40 : i32
        %dma_start3A_87 = arith.constant 0 : i32
        %dma_start3A_88 = tpu.memref_slice %dma_start3A_85[%dma_start3A_86, %dma_start3A_87] : memref<80x128xi32, #tpu.memory_space<hbm>> -> memref<40x128xi32, #tpu.memory_space<hbm>>
        %dma_start3A_89 = arith.constant 0 : i32
        %dma_start3A_90 = arith.constant 0 : i32
        %dma_start3A_91 = tpu.memref_slice %arg5[%arg1, %dma_start3A_89, %dma_start3A_90] : memref<16x80x128xi32, #tpu.memory_space<hbm>> -> memref<1x80x128xi32, #tpu.memory_space<hbm>>
        %dma_start3A_92 = tpu.memref_squeeze %dma_start3A_91 : memref<1x80x128xi32, #tpu.memory_space<hbm>> -> memref<80x128xi32, #tpu.memory_space<hbm>>
        %dma_start3A_93 = arith.constant 40 : i32
        %dma_start3A_94 = arith.constant 0 : i32
        %dma_start3A_95 = tpu.memref_slice %dma_start3A_92[%dma_start3A_93, %dma_start3A_94] : memref<80x128xi32, #tpu.memory_space<hbm>> -> memref<40x128xi32, #tpu.memory_space<hbm>>
        tpu.enqueue_dma source(%dma_start3A_95 : memref<40x128xi32, #tpu.memory_space<hbm>>) target(%arg10 : memref<40x128xi32, #tpu.memory_space<vmem>>) target_semaphore(%run_scoped3A : memref<!tpu.dma_semaphore, #tpu.memory_space<semaphore_mem>>)
        %dma_wait3A_96 = arith.constant 0 : i32
        %dma_wait3A_97 = arith.constant 0 : i32
        %dma_wait3A_98 = tpu.memref_slice %arg5[%arg1, %dma_wait3A_96, %dma_wait3A_97] : memref<16x80x128xi32, #tpu.memory_space<hbm>> -> memref<1x80x128xi32, #tpu.memory_space<hbm>>
        %dma_wait3A_99 = tpu.memref_squeeze %dma_wait3A_98 : memref<1x80x128xi32, #tpu.memory_space<hbm>> -> memref<80x128xi32, #tpu.memory_space<hbm>>
        %dma_wait3A_100 = arith.constant 40 : i32
        %dma_wait3A_101 = arith.constant 0 : i32
        %dma_wait3A_102 = tpu.memref_slice %dma_wait3A_99[%dma_wait3A_100, %dma_wait3A_101] : memref<80x128xi32, #tpu.memory_space<hbm>> -> memref<40x128xi32, #tpu.memory_space<hbm>>
        %dma_wait3A_103 = arith.constant 0 : i32
        %dma_wait3A_104 = arith.constant 0 : i32
        %dma_wait3A_105 = tpu.memref_slice %arg5[%arg1, %dma_wait3A_103, %dma_wait3A_104] : memref<16x80x128xi32, #tpu.memory_space<hbm>> -> memref<1x80x128xi32, #tpu.memory_space<hbm>>
        %dma_wait3A_106 = tpu.memref_squeeze %dma_wait3A_105 : memref<1x80x128xi32, #tpu.memory_space<hbm>> -> memref<80x128xi32, #tpu.memory_space<hbm>>
        %dma_wait3A_107 = arith.constant 40 : i32
        %dma_wait3A_108 = arith.constant 0 : i32
        %dma_wait3A_109 = tpu.memref_slice %dma_wait3A_106[%dma_wait3A_107, %dma_wait3A_108] : memref<80x128xi32, #tpu.memory_space<hbm>> -> memref<40x128xi32, #tpu.memory_space<hbm>>
        tpu.wait_dma2 semaphore(%run_scoped3A : memref<!tpu.dma_semaphore, #tpu.memory_space<semaphore_mem>>) src(%dma_wait3A_109 : memref<40x128xi32, #tpu.memory_space<hbm>>) dst(%arg10 : memref<40x128xi32, #tpu.memory_space<vmem>>)
        tpu.yield
      }) : () -> ()
      %dma_start3A_49 = arith.constant 0 : i32
      %dma_start3A_50 = arith.constant 0 : i32
      %dma_start3A_51 = tpu.memref_slice %arg9[%dma_start3A_49, %dma_start3A_50] : memref<40x128xi32, #tpu.memory_space<vmem>> -> memref<1x128xi32, #tpu.memory_space<vmem>>
      %dma_start3A_52 = tpu.memref_squeeze %dma_start3A_51 : memref<1x128xi32, #tpu.memory_space<vmem>> -> memref<128xi32, #tpu.memory_space<vmem>>
      %dma_start3A_53 = arith.constant 0 : i32
      %dma_start3A_54 = arith.constant 0 : i32
      %dma_start3A_55 = tpu.memref_slice %arg3[%dma_start3A_53, %dma_start3A_54] : memref<10112x128xf32, #tpu.memory_space<hbm>> -> memref<10112x128xf32, #tpu.memory_space<hbm>>
      tpu.enqueue_indirect_dma source(%dma_start3A_55 : memref<10112x128xf32, #tpu.memory_space<hbm>>) target(%arg11 : memref<128x128xf32, #tpu.memory_space<vmem>>) offsets(%dma_start3A_52 : memref<128xi32, #tpu.memory_space<vmem>>) semaphore(%arg14 : memref<!tpu.dma_semaphore, #tpu.memory_space<semaphore_mem>>)
      %dma_start3A_56 = arith.constant 1 : i32
      %dma_start3A_57 = arith.constant 0 : i32
      %dma_start3A_58 = tpu.memref_slice %arg9[%dma_start3A_56, %dma_start3A_57] : memref<40x128xi32, #tpu.memory_space<vmem>> -> memref<1x128xi32, #tpu.memory_space<vmem>>
      %dma_start3A_59 = tpu.memref_squeeze %dma_start3A_58 : memref<1x128xi32, #tpu.memory_space<vmem>> -> memref<128xi32, #tpu.memory_space<vmem>>
      %dma_start3A_60 = arith.constant 0 : i32
      %dma_start3A_61 = arith.constant 0 : i32
      %dma_start3A_62 = tpu.memref_slice %arg3[%dma_start3A_60, %dma_start3A_61] : memref<10112x128xf32, #tpu.memory_space<hbm>> -> memref<10112x128xf32, #tpu.memory_space<hbm>>
      tpu.enqueue_indirect_dma source(%dma_start3A_62 : memref<10112x128xf32, #tpu.memory_space<hbm>>) target(%arg12 : memref<128x128xf32, #tpu.memory_space<vmem>>) offsets(%dma_start3A_59 : memref<128xi32, #tpu.memory_space<vmem>>) semaphore(%arg15 : memref<!tpu.dma_semaphore, #tpu.memory_space<semaphore_mem>>)
      %scan3A_63 = arith.constant 0 : i32
      %scan3A_64 = arith.constant 20 : i32
      %scan3A_65 = arith.addi %scan3A_63, %scan3A_64 : i32
      %scan3A_66 = arith.constant 1 : i32
      scf.for %scan3A_82 = %scan3A_63 to %scan3A_65 step %scan3A_66  : i32 {
        %mul3A_83 = arith.constant 2 : i32
        %mul3A_84 = arith.muli %scan3A_82, %mul3A_83 : i32
        %add3A = arith.constant 0 : i32
        %add3A_85 = arith.addi %add3A, %mul3A_84 : i32
        %dma_wait3A_86 = arith.constant 0 : i32
        %dma_wait3A_87 = tpu.memref_slice %arg9[%add3A_85, %dma_wait3A_86] : memref<40x128xi32, #tpu.memory_space<vmem>> -> memref<1x128xi32, #tpu.memory_space<vmem>>
        %dma_wait3A_88 = tpu.memref_squeeze %dma_wait3A_87 : memref<1x128xi32, #tpu.memory_space<vmem>> -> memref<128xi32, #tpu.memory_space<vmem>>
        %dma_wait3A_89 = arith.constant 0 : i32
        %dma_wait3A_90 = arith.constant 0 : i32
        %dma_wait3A_91 = tpu.memref_slice %arg3[%dma_wait3A_89, %dma_wait3A_90] : memref<10112x128xf32, #tpu.memory_space<hbm>> -> memref<10112x128xf32, #tpu.memory_space<hbm>>
        tpu.wait_indirect_dma semaphore(%arg14 : memref<!tpu.dma_semaphore, #tpu.memory_space<semaphore_mem>>) src(%dma_wait3A_91 : memref<10112x128xf32, #tpu.memory_space<hbm>>) dst(%arg11 : memref<128x128xf32, #tpu.memory_space<vmem>>)
        %dma_start3A_92 = arith.constant 0 : i32
        %dma_start3A_93 = tpu.memref_slice %arg10[%add3A_85, %dma_start3A_92] : memref<40x128xi32, #tpu.memory_space<vmem>> -> memref<1x128xi32, #tpu.memory_space<vmem>>
        %dma_start3A_94 = tpu.memref_squeeze %dma_start3A_93 : memref<1x128xi32, #tpu.memory_space<vmem>> -> memref<128xi32, #tpu.memory_space<vmem>>
        %dma_start3A_95 = arith.constant 0 : i32
        %dma_start3A_96 = arith.constant 0 : i32
        %dma_start3A_97 = tpu.memref_slice %arg13[%dma_start3A_95, %dma_start3A_96] : memref<10112x128xf32, #tpu.memory_space<vmem_shared>> -> memref<10112x128xf32, #tpu.memory_space<vmem_shared>>
        tpu.enqueue_indirect_dma source(%arg11 : memref<128x128xf32, #tpu.memory_space<vmem>>) target(%dma_start3A_97 : memref<10112x128xf32, #tpu.memory_space<vmem_shared>>) offsets(%dma_start3A_94 : memref<128xi32, #tpu.memory_space<vmem>>) semaphore(%arg16 : memref<!tpu.dma_semaphore, #tpu.memory_space<semaphore_mem>>) {add = true}
        %add3A_98 = arith.constant 1 : i32
        %add3A_99 = arith.addi %add3A_85, %add3A_98 : i32
        %dma_wait3A_100 = arith.constant 0 : i32
        %dma_wait3A_101 = tpu.memref_slice %arg9[%add3A_99, %dma_wait3A_100] : memref<40x128xi32, #tpu.memory_space<vmem>> -> memref<1x128xi32, #tpu.memory_space<vmem>>
        %dma_wait3A_102 = tpu.memref_squeeze %dma_wait3A_101 : memref<1x128xi32, #tpu.memory_space<vmem>> -> memref<128xi32, #tpu.memory_space<vmem>>
        %dma_wait3A_103 = arith.constant 0 : i32
        %dma_wait3A_104 = arith.constant 0 : i32
        %dma_wait3A_105 = tpu.memref_slice %arg3[%dma_wait3A_103, %dma_wait3A_104] : memref<10112x128xf32, #tpu.memory_space<hbm>> -> memref<10112x128xf32, #tpu.memory_space<hbm>>
        tpu.wait_indirect_dma semaphore(%arg15 : memref<!tpu.dma_semaphore, #tpu.memory_space<semaphore_mem>>) src(%dma_wait3A_105 : memref<10112x128xf32, #tpu.memory_space<hbm>>) dst(%arg12 : memref<128x128xf32, #tpu.memory_space<vmem>>)
        %add3A_106 = arith.constant 1 : i32
        %add3A_107 = arith.addi %add3A_85, %add3A_106 : i32
        %dma_start3A_108 = arith.constant 0 : i32
        %dma_start3A_109 = tpu.memref_slice %arg10[%add3A_107, %dma_start3A_108] : memref<40x128xi32, #tpu.memory_space<vmem>> -> memref<1x128xi32, #tpu.memory_space<vmem>>
        %dma_start3A_110 = tpu.memref_squeeze %dma_start3A_109 : memref<1x128xi32, #tpu.memory_space<vmem>> -> memref<128xi32, #tpu.memory_space<vmem>>
        %dma_start3A_111 = arith.constant 0 : i32
        %dma_start3A_112 = arith.constant 0 : i32
        %dma_start3A_113 = tpu.memref_slice %arg13[%dma_start3A_111, %dma_start3A_112] : memref<10112x128xf32, #tpu.memory_space<vmem_shared>> -> memref<10112x128xf32, #tpu.memory_space<vmem_shared>>
        tpu.enqueue_indirect_dma source(%arg12 : memref<128x128xf32, #tpu.memory_space<vmem>>) target(%dma_start3A_113 : memref<10112x128xf32, #tpu.memory_space<vmem_shared>>) offsets(%dma_start3A_110 : memref<128xi32, #tpu.memory_space<vmem>>) semaphore(%arg17 : memref<!tpu.dma_semaphore, #tpu.memory_space<semaphore_mem>>) {add = true}
        %add3A_114 = arith.constant 2 : i32
        %add3A_115 = arith.addi %add3A_85, %add3A_114 : i32
        %lt3A = arith.constant 40 : i32
        %lt3A_116 = arith.cmpi slt, %add3A_115, %lt3A : i32
        %convert_element_type3A_117 = arith.extui %lt3A_116 : i1 to i32
        %cond3A_118 = arith.constant 0 : i32
        %cond3A_119 = arith.cmpi ne, %convert_element_type3A_117, %cond3A_118 : i32
        scf.if %cond3A_119 {
          %dma_wait3A_120 = arith.constant 0 : i32
          %dma_wait3A_121 = tpu.memref_slice %arg10[%add3A_85, %dma_wait3A_120] : memref<40x128xi32, #tpu.memory_space<vmem>> -> memref<1x128xi32, #tpu.memory_space<vmem>>
          %dma_wait3A_122 = tpu.memref_squeeze %dma_wait3A_121 : memref<1x128xi32, #tpu.memory_space<vmem>> -> memref<128xi32, #tpu.memory_space<vmem>>
          %dma_wait3A_123 = arith.constant 0 : i32
          %dma_wait3A_124 = arith.constant 0 : i32
          %dma_wait3A_125 = tpu.memref_slice %arg13[%dma_wait3A_123, %dma_wait3A_124] : memref<10112x128xf32, #tpu.memory_space<vmem_shared>> -> memref<10112x128xf32, #tpu.memory_space<vmem_shared>>
          tpu.wait_indirect_dma semaphore(%arg16 : memref<!tpu.dma_semaphore, #tpu.memory_space<semaphore_mem>>) src(%arg11 : memref<128x128xf32, #tpu.memory_space<vmem>>) dst(%dma_wait3A_125 : memref<10112x128xf32, #tpu.memory_space<vmem_shared>>)
          %add3A_126 = arith.constant 2 : i32
          %add3A_127 = arith.addi %add3A_85, %add3A_126 : i32
          %dma_start3A_128 = arith.constant 0 : i32
          %dma_start3A_129 = tpu.memref_slice %arg9[%add3A_127, %dma_start3A_128] : memref<40x128xi32, #tpu.memory_space<vmem>> -> memref<1x128xi32, #tpu.memory_space<vmem>>
          %dma_start3A_130 = tpu.memref_squeeze %dma_start3A_129 : memref<1x128xi32, #tpu.memory_space<vmem>> -> memref<128xi32, #tpu.memory_space<vmem>>
          %dma_start3A_131 = arith.constant 0 : i32
          %dma_start3A_132 = arith.constant 0 : i32
          %dma_start3A_133 = tpu.memref_slice %arg3[%dma_start3A_131, %dma_start3A_132] : memref<10112x128xf32, #tpu.memory_space<hbm>> -> memref<10112x128xf32, #tpu.memory_space<hbm>>
          tpu.enqueue_indirect_dma source(%dma_start3A_133 : memref<10112x128xf32, #tpu.memory_space<hbm>>) target(%arg11 : memref<128x128xf32, #tpu.memory_space<vmem>>) offsets(%dma_start3A_130 : memref<128xi32, #tpu.memory_space<vmem>>) semaphore(%arg14 : memref<!tpu.dma_semaphore, #tpu.memory_space<semaphore_mem>>)
          %add3A_134 = arith.constant 1 : i32
          %add3A_135 = arith.addi %add3A_85, %add3A_134 : i32
          %dma_wait3A_136 = arith.constant 0 : i32
          %dma_wait3A_137 = tpu.memref_slice %arg10[%add3A_135, %dma_wait3A_136] : memref<40x128xi32, #tpu.memory_space<vmem>> -> memref<1x128xi32, #tpu.memory_space<vmem>>
          %dma_wait3A_138 = tpu.memref_squeeze %dma_wait3A_137 : memref<1x128xi32, #tpu.memory_space<vmem>> -> memref<128xi32, #tpu.memory_space<vmem>>
          %dma_wait3A_139 = arith.constant 0 : i32
          %dma_wait3A_140 = arith.constant 0 : i32
          %dma_wait3A_141 = tpu.memref_slice %arg13[%dma_wait3A_139, %dma_wait3A_140] : memref<10112x128xf32, #tpu.memory_space<vmem_shared>> -> memref<10112x128xf32, #tpu.memory_space<vmem_shared>>
          tpu.wait_indirect_dma semaphore(%arg17 : memref<!tpu.dma_semaphore, #tpu.memory_space<semaphore_mem>>) src(%arg12 : memref<128x128xf32, #tpu.memory_space<vmem>>) dst(%dma_wait3A_141 : memref<10112x128xf32, #tpu.memory_space<vmem_shared>>)
          %add3A_142 = arith.constant 3 : i32
          %add3A_143 = arith.addi %add3A_85, %add3A_142 : i32
          %dma_start3A_144 = arith.constant 0 : i32
          %dma_start3A_145 = tpu.memref_slice %arg9[%add3A_143, %dma_start3A_144] : memref<40x128xi32, #tpu.memory_space<vmem>> -> memref<1x128xi32, #tpu.memory_space<vmem>>
          %dma_start3A_146 = tpu.memref_squeeze %dma_start3A_145 : memref<1x128xi32, #tpu.memory_space<vmem>> -> memref<128xi32, #tpu.memory_space<vmem>>
          %dma_start3A_147 = arith.constant 0 : i32
          %dma_start3A_148 = arith.constant 0 : i32
          %dma_start3A_149 = tpu.memref_slice %arg3[%dma_start3A_147, %dma_start3A_148] : memref<10112x128xf32, #tpu.memory_space<hbm>> -> memref<10112x128xf32, #tpu.memory_space<hbm>>
          tpu.enqueue_indirect_dma source(%dma_start3A_149 : memref<10112x128xf32, #tpu.memory_space<hbm>>) target(%arg12 : memref<128x128xf32, #tpu.memory_space<vmem>>) offsets(%dma_start3A_146 : memref<128xi32, #tpu.memory_space<vmem>>) semaphore(%arg15 : memref<!tpu.dma_semaphore, #tpu.memory_space<semaphore_mem>>)
        } else {
        }
      }
      %scan3A_67 = arith.constant 20 : i32
      %dma_wait3A_68 = arith.constant 38 : i32
      %dma_wait3A_69 = arith.constant 0 : i32
      %dma_wait3A_70 = tpu.memref_slice %arg10[%dma_wait3A_68, %dma_wait3A_69] : memref<40x128xi32, #tpu.memory_space<vmem>> -> memref<1x128xi32, #tpu.memory_space<vmem>>
      %dma_wait3A_71 = tpu.memref_squeeze %dma_wait3A_70 : memref<1x128xi32, #tpu.memory_space<vmem>> -> memref<128xi32, #tpu.memory_space<vmem>>
      %dma_wait3A_72 = arith.constant 0 : i32
      %dma_wait3A_73 = arith.constant 0 : i32
      %dma_wait3A_74 = tpu.memref_slice %arg13[%dma_wait3A_72, %dma_wait3A_73] : memref<10112x128xf32, #tpu.memory_space<vmem_shared>> -> memref<10112x128xf32, #tpu.memory_space<vmem_shared>>
      tpu.wait_indirect_dma semaphore(%arg16 : memref<!tpu.dma_semaphore, #tpu.memory_space<semaphore_mem>>) src(%arg11 : memref<128x128xf32, #tpu.memory_space<vmem>>) dst(%dma_wait3A_74 : memref<10112x128xf32, #tpu.memory_space<vmem_shared>>)
      %dma_wait3A_75 = arith.constant 39 : i32
      %dma_wait3A_76 = arith.constant 0 : i32
      %dma_wait3A_77 = tpu.memref_slice %arg10[%dma_wait3A_75, %dma_wait3A_76] : memref<40x128xi32, #tpu.memory_space<vmem>> -> memref<1x128xi32, #tpu.memory_space<vmem>>
      %dma_wait3A_78 = tpu.memref_squeeze %dma_wait3A_77 : memref<1x128xi32, #tpu.memory_space<vmem>> -> memref<128xi32, #tpu.memory_space<vmem>>
      %dma_wait3A_79 = arith.constant 0 : i32
      %dma_wait3A_80 = arith.constant 0 : i32
      %dma_wait3A_81 = tpu.memref_slice %arg13[%dma_wait3A_79, %dma_wait3A_80] : memref<10112x128xf32, #tpu.memory_space<vmem_shared>> -> memref<10112x128xf32, #tpu.memory_space<vmem_shared>>
      tpu.wait_indirect_dma semaphore(%arg17 : memref<!tpu.dma_semaphore, #tpu.memory_space<semaphore_mem>>) src(%arg12 : memref<128x128xf32, #tpu.memory_space<vmem>>) dst(%dma_wait3A_81 : memref<10112x128xf32, #tpu.memory_space<vmem_shared>>)
    } else {
    }
    %barrier3A_8 = arith.constant 0 : index
    tpu.barrier barrier_id(%barrier3A_8)
    %eq3A_9 = arith.constant 0 : i32
    %eq3A_10 = arith.cmpi eq, %arg0, %eq3A_9 : i32
    %convert_element_type3A_11 = arith.extui %eq3A_10 : i1 to i32
    %cond3A_12 = arith.constant 0 : i32
    %cond3A_13 = arith.cmpi ne, %convert_element_type3A_11, %cond3A_12 : i32
    scf.if %cond3A_13 {
      "tpu.region"() ({
        %run_scoped3A = tpu.sem_alloc : memref<!tpu.dma_semaphore, #tpu.memory_space<semaphore_mem>>
        %dma_start3A = arith.constant 0 : i32
        %dma_start3A_19 = tpu.memref_slice %arg7[%mul3A_0, %dma_start3A] : memref<10112x128xf32, #tpu.memory_space<hbm>> -> memref<632x128xf32, #tpu.memory_space<hbm>>
        %dma_start3A_20 = arith.constant 0 : i32
        %dma_start3A_21 = tpu.memref_slice %arg13[%mul3A_0, %dma_start3A_20] : memref<10112x128xf32, #tpu.memory_space<vmem_shared>> -> memref<632x128xf32, #tpu.memory_space<vmem_shared>>
        tpu.enqueue_dma source(%dma_start3A_21 : memref<632x128xf32, #tpu.memory_space<vmem_shared>>) target(%dma_start3A_19 : memref<632x128xf32, #tpu.memory_space<hbm>>) target_semaphore(%run_scoped3A : memref<!tpu.dma_semaphore, #tpu.memory_space<semaphore_mem>>)
        %dma_wait3A = arith.constant 0 : i32
        %dma_wait3A_22 = tpu.memref_slice %arg7[%mul3A_0, %dma_wait3A] : memref<10112x128xf32, #tpu.memory_space<hbm>> -> memref<632x128xf32, #tpu.memory_space<hbm>>
        %dma_wait3A_23 = arith.constant 0 : i32
        %dma_wait3A_24 = tpu.memref_slice %arg13[%mul3A_0, %dma_wait3A_23] : memref<10112x128xf32, #tpu.memory_space<vmem_shared>> -> memref<632x128xf32, #tpu.memory_space<vmem_shared>>
        tpu.wait_dma2 semaphore(%run_scoped3A : memref<!tpu.dma_semaphore, #tpu.memory_space<semaphore_mem>>) src(%dma_wait3A_24 : memref<632x128xf32, #tpu.memory_space<vmem_shared>>) dst(%dma_wait3A_22 : memref<632x128xf32, #tpu.memory_space<hbm>>)
        tpu.yield
      }) : () -> ()
    } else {
    }
    %eq3A_14 = arith.constant 1 : i32
    %eq3A_15 = arith.cmpi eq, %arg0, %eq3A_14 : i32
    %convert_element_type3A_16 = arith.extui %eq3A_15 : i1 to i32
    %cond3A_17 = arith.constant 0 : i32
    %cond3A_18 = arith.cmpi ne, %convert_element_type3A_16, %cond3A_17 : i32
    scf.if %cond3A_18 {
      "tpu.region"() ({
        %run_scoped3A = tpu.sem_alloc : memref<!tpu.dma_semaphore, #tpu.memory_space<semaphore_mem>>
        %dma_start3A = arith.constant 0 : i32
        %dma_start3A_19 = tpu.memref_slice %arg8[%mul3A_0, %dma_start3A] : memref<10112x128xf32, #tpu.memory_space<hbm>> -> memref<632x128xf32, #tpu.memory_space<hbm>>
        %dma_start3A_20 = arith.constant 0 : i32
        %dma_start3A_21 = tpu.memref_slice %arg13[%mul3A_0, %dma_start3A_20] : memref<10112x128xf32, #tpu.memory_space<vmem_shared>> -> memref<632x128xf32, #tpu.memory_space<vmem_shared>>
        tpu.enqueue_dma source(%dma_start3A_21 : memref<632x128xf32, #tpu.memory_space<vmem_shared>>) target(%dma_start3A_19 : memref<632x128xf32, #tpu.memory_space<hbm>>) target_semaphore(%run_scoped3A : memref<!tpu.dma_semaphore, #tpu.memory_space<semaphore_mem>>)
        %dma_wait3A = arith.constant 0 : i32
        %dma_wait3A_22 = tpu.memref_slice %arg8[%mul3A_0, %dma_wait3A] : memref<10112x128xf32, #tpu.memory_space<hbm>> -> memref<632x128xf32, #tpu.memory_space<hbm>>
        %dma_wait3A_23 = arith.constant 0 : i32
        %dma_wait3A_24 = tpu.memref_slice %arg13[%mul3A_0, %dma_wait3A_23] : memref<10112x128xf32, #tpu.memory_space<vmem_shared>> -> memref<632x128xf32, #tpu.memory_space<vmem_shared>>
        tpu.wait_dma2 semaphore(%run_scoped3A : memref<!tpu.dma_semaphore, #tpu.memory_space<semaphore_mem>>) src(%dma_wait3A_24 : memref<632x128xf32, #tpu.memory_space<vmem_shared>>) dst(%dma_wait3A_22 : memref<632x128xf32, #tpu.memory_space<hbm>>)
        tpu.yield
      }) : () -> ()
    } else {
    }
    return
  }
}

module attributes {stable_mosaic.version = 14 : i64} {
  func.func @body(%arg0: memref<10112x16xf32, #tpu.memory_space<vmem>>, %arg1: memref<10112x16xf32, #tpu.memory_space<vmem>>, %arg2: memref<10112x16xf32, #tpu.memory_space<vmem>>) attributes {dimension_semantics = [], scalar_prefetch = 0 : i64, scratch_operands = 0 : i64, tpu.core_type = #tpu.core_type<tc>} {
    %get3A = arith.constant 0 : index
    %get3A_0 = arith.constant 0 : index
    %get3A_1 = vector.load %arg0[%get3A, %get3A_0] : memref<10112x16xf32, #tpu.memory_space<vmem>>, vector<10112x16xf32>
    %get3A_2 = arith.constant 0 : index
    %get3A_3 = arith.constant 0 : index
    %get3A_4 = vector.load %arg1[%get3A_2, %get3A_3] : memref<10112x16xf32, #tpu.memory_space<vmem>>, vector<10112x16xf32>
    %add3A = arith.addf %get3A_1, %get3A_4 : vector<10112x16xf32>
    %gt3A = arith.constant 0.000000e+00 : f32
    %gt3A_5 = vector.broadcast %gt3A : f32 to vector<10112x16xf32>
    %gt3A_6 = arith.cmpf ogt, %add3A, %gt3A_5 : vector<10112x16xf32>
    %rsqrt3A = math.rsqrt %add3A : vector<10112x16xf32>
    %jit3A = arith.constant 0.000000e+00 : f32
    %broadcast_in_dim3A = vector.broadcast %jit3A : f32 to vector<10112x16xf32>
    %select_n3A = arith.select %gt3A_6, %rsqrt3A, %broadcast_in_dim3A : vector<10112x16xi1>, vector<10112x16xf32>
    %swap3A = arith.constant 0 : index
    %swap3A_7 = arith.constant 0 : index
    %swap3A_8 = vector.load %arg2[%swap3A, %swap3A_7] : memref<10112x16xf32, #tpu.memory_space<vmem>>, vector<10112x16xf32>
    tpu.vector_store %arg2[%swap3A, %swap3A_7], %select_n3A {strides = array<i32>} : memref<10112x16xf32, #tpu.memory_space<vmem>>, vector<10112x16xf32>,
    return
  }
}

module attributes {stable_mosaic.version = 14 : i64} {
  func.func @body(%arg0: i32, %arg1: memref<128x16xf32, #tpu.memory_space<vmem>>, %arg2: memref<128x16xf32, #tpu.memory_space<vmem>>, %arg3: memref<128x256xf32, #tpu.memory_space<vmem>>, %arg4: memref<128x128xf32, #tpu.memory_space<vmem>>, %arg5: memref<128x128xf32, #tpu.memory_space<vmem>>, %arg6: memref<128x1xf32, #tpu.memory_space<vmem>>) attributes {dimension_semantics = [#tpu.dimension_semantics<arbitrary>], iteration_bounds = array<i64: 79>, scalar_prefetch = 0 : i64, scratch_operands = 0 : i64, tpu.core_type = #tpu.core_type<tc>, window_params = [{transform_indices = @transform_0, window_bounds = array<i64: 128, 16>}, {transform_indices = @transform_1, window_bounds = array<i64: 128, 16>}, {transform_indices = @transform_2, window_bounds = array<i64: 128, 256>}, {transform_indices = @transform_3, window_bounds = array<i64: 128, 128>}, {transform_indices = @transform_4, window_bounds = array<i64: 128, 128>}, {transform_indices = @transform_5, window_bounds = array<i64: 128, 1>}]} {
    %get3A = arith.constant 0 : index
    %get3A_0 = arith.constant 0 : index
    %get3A_1 = vector.load %arg1[%get3A, %get3A_0] : memref<128x16xf32, #tpu.memory_space<vmem>>, vector<128x16xf32>
    %get3A_2 = arith.constant 0 : index
    %get3A_3 = arith.constant 0 : index
    %get3A_4 = vector.load %arg2[%get3A_2, %get3A_3] : memref<128x16xf32, #tpu.memory_space<vmem>>, vector<128x16xf32>
    %add3A = arith.addf %get3A_1, %get3A_4 : vector<128x16xf32>
    %gt3A = arith.constant 0.000000e+00 : f32
    %gt3A_5 = vector.broadcast %gt3A : f32 to vector<128x16xf32>
    %gt3A_6 = arith.cmpf ogt, %add3A, %gt3A_5 : vector<128x16xf32>
    %rsqrt3A = math.rsqrt %add3A : vector<128x16xf32>
    %jit3A = arith.constant 0.000000e+00 : f32
    %broadcast_in_dim3A = vector.broadcast %jit3A : f32 to vector<128x16xf32>
    %select_n3A = arith.select %gt3A_6, %rsqrt3A, %broadcast_in_dim3A : vector<128x16xi1>, vector<128x16xf32>
    %slice3A = vector.extract_strided_slice %select_n3A {offsets = [0, 0], sizes = [128, 1], strides = [1, 1]} : vector<128x16xf32> to vector<128x1xf32>
    %swap3A = arith.constant 0 : index
    %swap3A_7 = arith.constant 0 : index
    %swap3A_8 = vector.load %arg6[%swap3A, %swap3A_7] : memref<128x1xf32, #tpu.memory_space<vmem>>, vector<128x1xf32>
    tpu.vector_store %arg6[%swap3A, %swap3A_7], %slice3A {strides = array<i32>} : memref<128x1xf32, #tpu.memory_space<vmem>>, vector<128x1xf32>,
    %get3A_9 = arith.constant 0 : index
    %get3A_10 = arith.constant 0 : index
    %get3A_11 = vector.load %arg3[%get3A_9, %get3A_10] : memref<128x256xf32, #tpu.memory_space<vmem>>, vector<128x256xf32>
    %mul3A = vector.broadcast %slice3A : vector<128x1xf32> to vector<128x256xf32>
    %mul3A_12 = arith.mulf %get3A_11, %mul3A : vector<128x256xf32>
    %slice3A_13 = vector.extract_strided_slice %mul3A_12 {offsets = [0, 0], sizes = [128, 128], strides = [1, 1]} : vector<128x256xf32> to vector<128x128xf32>
    %swap3A_14 = arith.constant 0 : index
    %swap3A_15 = arith.constant 0 : index
    %swap3A_16 = vector.load %arg4[%swap3A_14, %swap3A_15] : memref<128x128xf32, #tpu.memory_space<vmem>>, vector<128x128xf32>
    tpu.vector_store %arg4[%swap3A_14, %swap3A_15], %slice3A_13 {strides = array<i32>} : memref<128x128xf32, #tpu.memory_space<vmem>>, vector<128x128xf32>,
    %slice3A_17 = vector.extract_strided_slice %mul3A_12 {offsets = [0, 128], sizes = [128, 128], strides = [1, 1]} : vector<128x256xf32> to vector<128x128xf32>
    %swap3A_18 = arith.constant 0 : index
    %swap3A_19 = arith.constant 0 : index
    %swap3A_20 = vector.load %arg5[%swap3A_18, %swap3A_19] : memref<128x128xf32, #tpu.memory_space<vmem>>, vector<128x128xf32>
    tpu.vector_store %arg5[%swap3A_18, %swap3A_19], %slice3A_17 {strides = array<i32>} : memref<128x128xf32, #tpu.memory_space<vmem>>, vector<128x128xf32>,
    return
  }
  func.func @transform_0(%arg0: i32) -> (i32, i32) {
    %c0_i32 = arith.constant 0 : i32
    %c0_i32_0 = arith.constant 0 : i32
    return %arg0, %c0_i32 : i32, i32
  }
  func.func @transform_1(%arg0: i32) -> (i32, i32) {
    %c0_i32 = arith.constant 0 : i32
    %c0_i32_0 = arith.constant 0 : i32
    return %arg0, %c0_i32 : i32, i32
  }
  func.func @transform_2(%arg0: i32) -> (i32, i32) {
    %c0_i32 = arith.constant 0 : i32
    %c0_i32_0 = arith.constant 0 : i32
    return %arg0, %c0_i32 : i32, i32
  }
  func.func @transform_3(%arg0: i32) -> (i32, i32) {
    %c0_i32 = arith.constant 0 : i32
    %c0_i32_0 = arith.constant 0 : i32
    return %arg0, %c0_i32 : i32, i32
  }
  func.func @transform_4(%arg0: i32) -> (i32, i32) {
    %c0_i32 = arith.constant 0 : i32
    %c0_i32_0 = arith.constant 0 : i32
    return %arg0, %c0_i32 : i32, i32
  }
  func.func @transform_5(%arg0: i32) -> (i32, i32) {
    %c0_i32 = arith.constant 0 : i32
    %c0_i32_0 = arith.constant 0 : i32
    return %arg0, %c0_i32 : i32, i32
  }
}

module attributes {stable_mosaic.version = 14 : i64} {
  func.func @body(%arg0: i32, %arg1: memref<128x128xf32, #tpu.memory_space<vmem>>, %arg2: memref<128x128xf32, #tpu.memory_space<vmem>>, %arg3: memref<128x1xf32, #tpu.memory_space<vmem>>, %arg4: memref<256x512xf32, #tpu.memory_space<vmem>>, %arg5: memref<1x512xf32, #tpu.memory_space<vmem>>, %arg6: memref<512x256xf32, #tpu.memory_space<vmem>>, %arg7: memref<128x1xf32, #tpu.memory_space<vmem>>, %arg8: memref<128x128xf32, #tpu.memory_space<vmem>>, %arg9: memref<128x128xf32, #tpu.memory_space<vmem>>) attributes {dimension_semantics = [#tpu.dimension_semantics<arbitrary>], iteration_bounds = array<i64: 79>, scalar_prefetch = 0 : i64, scratch_operands = 0 : i64, tpu.core_type = #tpu.core_type<tc>, window_params = [{transform_indices = @transform_0, window_bounds = array<i64: 128, 128>}, {transform_indices = @transform_1, window_bounds = array<i64: 128, 128>}, {transform_indices = @transform_2, window_bounds = array<i64: 128, 1>}, {pipeline_mode = #tpu.pipeline_mode<synchronous>, transform_indices = @transform_3, window_bounds = array<i64: 256, 512>}, {pipeline_mode = #tpu.pipeline_mode<synchronous>, transform_indices = @transform_4, window_bounds = array<i64: 1, 512>}, {pipeline_mode = #tpu.pipeline_mode<synchronous>, transform_indices = @transform_5, window_bounds = array<i64: 512, 256>}, {transform_indices = @transform_6, window_bounds = array<i64: 128, 1>}, {transform_indices = @transform_7, window_bounds = array<i64: 128, 128>}, {transform_indices = @transform_8, window_bounds = array<i64: 128, 128>}]} {
    %get3A = arith.constant 0 : index
    %get3A_0 = arith.constant 0 : index
    %get3A_1 = vector.load %arg1[%get3A, %get3A_0] : memref<128x128xf32, #tpu.memory_space<vmem>>, vector<128x128xf32>
    %get3A_2 = arith.constant 0 : index
    %get3A_3 = arith.constant 0 : index
    %get3A_4 = vector.load %arg2[%get3A_2, %get3A_3] : memref<128x128xf32, #tpu.memory_space<vmem>>, vector<128x128xf32>
    %concatenate3A = tpu.concatenate %get3A_1, %get3A_4 in 1 : vector<128x128xf32>, vector<128x128xf32> -> vector<128x256xf32>
    %get3A_5 = arith.constant 0 : index
    %get3A_6 = arith.constant 0 : index
    %get3A_7 = vector.load %arg3[%get3A_5, %get3A_6] : memref<128x1xf32, #tpu.memory_space<vmem>>, vector<128x1xf32>
    %mul3A = vector.broadcast %get3A_7 : vector<128x1xf32> to vector<128x256xf32>
    %mul3A_8 = arith.mulf %concatenate3A, %mul3A : vector<128x256xf32>
    %get3A_9 = arith.constant 0 : index
    %get3A_10 = arith.constant 0 : index
    %get3A_11 = vector.load %arg4[%get3A_9, %get3A_10] : memref<256x512xf32, #tpu.memory_space<vmem>>, vector<256x512xf32>
    %dot_general3A = arith.constant dense<0.000000e+00> : vector<128x512xf32>
    %dot_general3A_12 = tpu.matmul %mul3A_8, %get3A_11, %dot_general3A {dimension_numbers = #tpu.dot_dimension_numbers<[1], [0], [0], [1], [0, 0, 1, 1], [], []>, transpose_lhs_hint = false} : vector<128x256xf32>, vector<256x512xf32>, vector<128x512xf32> -> vector<128x512xf32>
    %get3A_13 = arith.constant 0 : index
    %get3A_14 = arith.constant 0 : index
    %get3A_15 = vector.load %arg5[%get3A_13, %get3A_14] : memref<1x512xf32, #tpu.memory_space<vmem>>, vector<1x512xf32>
    %add3A = vector.broadcast %get3A_15 : vector<1x512xf32> to vector<128x512xf32>
    %add3A_16 = arith.addf %dot_general3A_12, %add3A : vector<128x512xf32>
    %max3A = arith.constant 0.000000e+00 : f32
    %max3A_17 = vector.broadcast %max3A : f32 to vector<128x512xf32>
    %max3A_18 = arith.maximumf %add3A_16, %max3A_17 : vector<128x512xf32>
    %get3A_19 = arith.constant 0 : index
    %get3A_20 = arith.constant 0 : index
    %get3A_21 = vector.load %arg6[%get3A_19, %get3A_20] : memref<512x256xf32, #tpu.memory_space<vmem>>, vector<512x256xf32>
    %dot_general3A_22 = arith.constant dense<0.000000e+00> : vector<128x256xf32>
    %dot_general3A_23 = tpu.matmul %max3A_18, %get3A_21, %dot_general3A_22 {dimension_numbers = #tpu.dot_dimension_numbers<[1], [0], [0], [1], [0, 0, 1, 1], [], []>, transpose_lhs_hint = false} : vector<128x512xf32>, vector<512x256xf32>, vector<128x256xf32> -> vector<128x256xf32>
    %get3A_24 = arith.constant 0 : index
    %get3A_25 = arith.constant 0 : index
    %get3A_26 = vector.load %arg7[%get3A_24, %get3A_25] : memref<128x1xf32, #tpu.memory_space<vmem>>, vector<128x1xf32>
    %mul3A_27 = vector.broadcast %get3A_26 : vector<128x1xf32> to vector<128x256xf32>
    %mul3A_28 = arith.mulf %dot_general3A_23, %mul3A_27 : vector<128x256xf32>
    %slice3A = vector.extract_strided_slice %mul3A_28 {offsets = [0, 0], sizes = [128, 128], strides = [1, 1]} : vector<128x256xf32> to vector<128x128xf32>
    %swap3A = arith.constant 0 : index
    %swap3A_29 = arith.constant 0 : index
    %swap3A_30 = vector.load %arg8[%swap3A, %swap3A_29] : memref<128x128xf32, #tpu.memory_space<vmem>>, vector<128x128xf32>
    tpu.vector_store %arg8[%swap3A, %swap3A_29], %slice3A {strides = array<i32>} : memref<128x128xf32, #tpu.memory_space<vmem>>, vector<128x128xf32>,
    %slice3A_31 = vector.extract_strided_slice %mul3A_28 {offsets = [0, 128], sizes = [128, 128], strides = [1, 1]} : vector<128x256xf32> to vector<128x128xf32>
    %swap3A_32 = arith.constant 0 : index
    %swap3A_33 = arith.constant 0 : index
    %swap3A_34 = vector.load %arg9[%swap3A_32, %swap3A_33] : memref<128x128xf32, #tpu.memory_space<vmem>>, vector<128x128xf32>
    tpu.vector_store %arg9[%swap3A_32, %swap3A_33], %slice3A_31 {strides = array<i32>} : memref<128x128xf32, #tpu.memory_space<vmem>>, vector<128x128xf32>,
    return
  }
  func.func @transform_0(%arg0: i32) -> (i32, i32) {
    %c0_i32 = arith.constant 0 : i32
    %c0_i32_0 = arith.constant 0 : i32
    return %arg0, %c0_i32 : i32, i32
  }
  func.func @transform_1(%arg0: i32) -> (i32, i32) {
    %c0_i32 = arith.constant 0 : i32
    %c0_i32_0 = arith.constant 0 : i32
    return %arg0, %c0_i32 : i32, i32
  }
  func.func @transform_2(%arg0: i32) -> (i32, i32) {
    %c0_i32 = arith.constant 0 : i32
    %c0_i32_0 = arith.constant 0 : i32
    return %arg0, %c0_i32 : i32, i32
  }
  func.func @transform_3(%arg0: i32) -> (i32, i32) {
    %c0_i32 = arith.constant 0 : i32
    %c0_i32_0 = arith.constant 0 : i32
    %c0_i32_1 = arith.constant 0 : i32
    return %c0_i32, %c0_i32_0 : i32, i32
  }
  func.func @transform_4(%arg0: i32) -> (i32, i32) {
    %c0_i32 = arith.constant 0 : i32
    %c0_i32_0 = arith.constant 0 : i32
    %c0_i32_1 = arith.constant 0 : i32
    return %c0_i32, %c0_i32_0 : i32, i32
  }
  func.func @transform_5(%arg0: i32) -> (i32, i32) {
    %c0_i32 = arith.constant 0 : i32
    %c0_i32_0 = arith.constant 0 : i32
    %c0_i32_1 = arith.constant 0 : i32
    return %c0_i32, %c0_i32_0 : i32, i32
  }
  func.func @transform_6(%arg0: i32) -> (i32, i32) {
    %c0_i32 = arith.constant 0 : i32
    %c0_i32_0 = arith.constant 0 : i32
    return %arg0, %c0_i32 : i32, i32
  }
  func.func @transform_7(%arg0: i32) -> (i32, i32) {
    %c0_i32 = arith.constant 0 : i32
    %c0_i32_0 = arith.constant 0 : i32
    return %arg0, %c0_i32 : i32, i32
  }
  func.func @transform_8(%arg0: i32) -> (i32, i32) {
    %c0_i32 = arith.constant 0 : i32
    %c0_i32_0 = arith.constant 0 : i32
    return %arg0, %c0_i32 : i32, i32
  }
}

module attributes {stable_mosaic.version = 14 : i64} {
  func.func @body(%arg0: i32, %arg1: memref<128x128xf32, #tpu.memory_space<vmem>>, %arg2: memref<128x128xf32, #tpu.memory_space<vmem>>, %arg3: memref<128x1xf32, #tpu.memory_space<vmem>>, %arg4: memref<1x256xf32, #tpu.memory_space<vmem>>, %arg5: memref<128x256xf32, #tpu.memory_space<vmem>>) attributes {dimension_semantics = [#tpu.dimension_semantics<arbitrary>], iteration_bounds = array<i64: 79>, scalar_prefetch = 0 : i64, scratch_operands = 0 : i64, tpu.core_type = #tpu.core_type<tc>, window_params = [{transform_indices = @transform_0, window_bounds = array<i64: 128, 128>}, {transform_indices = @transform_1, window_bounds = array<i64: 128, 128>}, {transform_indices = @transform_2, window_bounds = array<i64: 128, 1>}, {pipeline_mode = #tpu.pipeline_mode<synchronous>, transform_indices = @transform_3, window_bounds = array<i64: 1, 256>}, {transform_indices = @transform_4, window_bounds = array<i64: 128, 256>}]} {
    %get3A = arith.constant 0 : index
    %get3A_0 = arith.constant 0 : index
    %get3A_1 = vector.load %arg1[%get3A, %get3A_0] : memref<128x128xf32, #tpu.memory_space<vmem>>, vector<128x128xf32>
    %get3A_2 = arith.constant 0 : index
    %get3A_3 = arith.constant 0 : index
    %get3A_4 = vector.load %arg2[%get3A_2, %get3A_3] : memref<128x128xf32, #tpu.memory_space<vmem>>, vector<128x128xf32>
    %concatenate3A = tpu.concatenate %get3A_1, %get3A_4 in 1 : vector<128x128xf32>, vector<128x128xf32> -> vector<128x256xf32>
    %get3A_5 = arith.constant 0 : index
    %get3A_6 = arith.constant 0 : index
    %get3A_7 = vector.load %arg3[%get3A_5, %get3A_6] : memref<128x1xf32, #tpu.memory_space<vmem>>, vector<128x1xf32>
    %mul3A = vector.broadcast %get3A_7 : vector<128x1xf32> to vector<128x256xf32>
    %mul3A_8 = arith.mulf %concatenate3A, %mul3A : vector<128x256xf32>
    %get3A_9 = arith.constant 0 : index
    %get3A_10 = arith.constant 0 : index
    %get3A_11 = vector.load %arg4[%get3A_9, %get3A_10] : memref<1x256xf32, #tpu.memory_space<vmem>>, vector<1x256xf32>
    %add3A = vector.broadcast %get3A_11 : vector<1x256xf32> to vector<128x256xf32>
    %add3A_12 = arith.addf %mul3A_8, %add3A : vector<128x256xf32>
    %reduce_max3A = arith.constant dense<0xFF800000> : vector<128xf32>
    %reduce_max3A_13 = vector.multi_reduction <maximumf>, %add3A_12, %reduce_max3A [1] : vector<128x256xf32> to vector<128xf32>
    %broadcast_in_dim3A = vector.shape_cast %reduce_max3A_13 : vector<128xf32> to vector<128x1xf32>
    %sub3A = vector.broadcast %broadcast_in_dim3A : vector<128x1xf32> to vector<128x256xf32>
    %sub3A_14 = arith.subf %add3A_12, %sub3A : vector<128x256xf32>
    %exp3A = math.exp %sub3A_14 : vector<128x256xf32>
    %reduce_sum3A = arith.constant dense<0.000000e+00> : vector<128xf32>
    %reduce_sum3A_15 = vector.multi_reduction <add>, %exp3A, %reduce_sum3A [1] : vector<128x256xf32> to vector<128xf32>
    %broadcast_in_dim3A_16 = vector.shape_cast %reduce_sum3A_15 : vector<128xf32> to vector<128x1xf32>
    %log3A = math.log %broadcast_in_dim3A_16 : vector<128x1xf32>
    %sub3A_17 = vector.broadcast %log3A : vector<128x1xf32> to vector<128x256xf32>
    %sub3A_18 = arith.subf %sub3A_14, %sub3A_17 : vector<128x256xf32>
    %swap3A = arith.constant 0 : index
    %swap3A_19 = arith.constant 0 : index
    %swap3A_20 = vector.load %arg5[%swap3A, %swap3A_19] : memref<128x256xf32, #tpu.memory_space<vmem>>, vector<128x256xf32>
    tpu.vector_store %arg5[%swap3A, %swap3A_19], %sub3A_18 {strides = array<i32>} : memref<128x256xf32, #tpu.memory_space<vmem>>, vector<128x256xf32>,
    return
  }
  func.func @transform_0(%arg0: i32) -> (i32, i32) {
    %c0_i32 = arith.constant 0 : i32
    %c0_i32_0 = arith.constant 0 : i32
    return %arg0, %c0_i32 : i32, i32
  }
  func.func @transform_1(%arg0: i32) -> (i32, i32) {
    %c0_i32 = arith.constant 0 : i32
    %c0_i32_0 = arith.constant 0 : i32
    return %arg0, %c0_i32 : i32, i32
  }
  func.func @transform_2(%arg0: i32) -> (i32, i32) {
    %c0_i32 = arith.constant 0 : i32
    %c0_i32_0 = arith.constant 0 : i32
    return %arg0, %c0_i32 : i32, i32
  }
  func.func @transform_3(%arg0: i32) -> (i32, i32) {
    %c0_i32 = arith.constant 0 : i32
    %c0_i32_0 = arith.constant 0 : i32
    %c0_i32_1 = arith.constant 0 : i32
    return %c0_i32, %c0_i32_0 : i32, i32
  }
  func.func @transform_4(%arg0: i32) -> (i32, i32) {
    %c0_i32 = arith.constant 0 : i32
    %c0_i32_0 = arith.constant 0 : i32
    return %arg0, %c0_i32 : i32, i32
  }
}

</mosaic_0001>

<sc_bundles>
// kernel: kernel.10.cloned.1.call-start
scs
__scs_entry_jumppad:
0x0: {  	(pc) =	sbr.rel $0x88, $3  }
0x1: {  	(tag) =	ssettag $0x0;
	lr =	simm.s32 $0x1  }
0x2: {  	[smem:$0x3F9B] =	sst lr;
	_ =	strace $0xD0000000  }
0x3: {  	_ = 	snop  }
0x4: {  	_ = 	snop  }
0x5: {  	_ = 	snop  }
0x6: {  	_ = 	snop  }
0x7: {  	_ = 	snop  }
__scs_overlays_trampoline_lowered:
0x8: {  	[smem:$0x3FAA] =	sst s0  }
0x9: {  	[smem:$0x3FAB] =	sst s1  }
0xa: {  	[smem:$0x3FAC] =	sst s2  }
0xb: {  	[smem:$0x3FAD] =	sst s3  }
0xc: {  	[smem:$0x3FAE] =	sst s4  }
0xd: {  	[smem:$0x3FAF] =	sst s5  }
0xe: {  	[smem:$0x3FB0] =	sst s6  }
0xf: {  	[smem:$0x3FB1] =	sst s7  }
0x10: {  	[smem:$0x3FB2] =	sst s8  }
0x11: {  	[smem:$0x3FB3] =	sst s9;
	s0 =	simm.s32 @!p0 $0x0  }
0x12: {  	s1 =	sld [smem:$0x3F99];
	s0 =	simm.s32 @p0 $0x1  }
0x13: {  	[smem:$0x3FB4] =	sst s0;
	s0 =	simm.s32 @!p1 $0x0  }
0x14: {  	s2 =	sld [smem:$0x3F98];
	s0 =	simm.s32 @p1 $0x1  }
0x15: {  	[smem:$0x3FB5] =	sst s0;
	s0 =	simm.s32 @!p2 $0x0  }
0x16: {  	s3 =	sld [smem:$0x3FDB];
	s0 =	simm.s32 @p2 $0x1  }
0x17: {  	s4 =	simm.s32 $0x1BF5;
	[smem:$0x3FB7] =	sst s0  }
0x18: {  	s0 =	sld [smem:$0x3F9A];
	_ =	swait.ge [sflag:s4], $0x0  }
0x19: {  	s7 =	sld [smem:$0x3F9B]  }
0x1a: {  	s8 =	sadd.s32 $0xFFFFE003, lr  }
0x1b: {  	s9 =	sadd.s32 $0xFFFFFEF7, lr;
	s5 =	simm.s32 $0xFFFFFFFF;
	p2 =	slt.u32 s8, $0xFFFFF086  }
0x1c: {  	p1 =	slt.u32 s9, $0xF7A;
	s5 =	simm.s32 @!p2 $0x0  }
0x1d: {  	s5 =	simm.s32 @p1 $0x1;
	p0 =	seq.s32 s7, s2  }
0x1e: {  	s7 =	smul.u32 @!p0 $0xF7A, s2;
	p2 =	seq.s32 @!p0 s5, $0x0  }
0x1f: {  	s9 =	smul.u32 $0xF7A, s1;
	s8 =	simm.s32 @!p0 $0x1BF5;
	p2 =	por !p2, p0  }
0x20: {  	[sflag:s8] =	ssyncset.s32 @!p0 $0xFFFFF086;
	s6 =	sadd.s32 @!p0 s3, s7;
	s7 =	simm.s32 @!p0 $0x108  }
0x21: {  	s3 =	sadd.s32 s3, s9;
	s6 =	sadd.s32 @!p0 $0x88, s6;
	s7 =	simm.s32 @p2 $0x1082  }
0x22: {  	[simem:s7], [sflag:s8] =	dma.local @!p0 [hbm:s6], $0xF7A  }
0x23: {  	s9 =	sor.u32 $0xD0000000, s2;
	s6 =	simm.s32 $0x108;
	_ =	swait.ge @!p0 [sflag:s8], $0x0  }
0x24: {  	s3 =	sadd.s32 $0x88, s3;
	s6 =	simm.s32 @!p1 $0x1082;
	[sflag:s4] =	ssyncset.s32 $0xFFFFF086  }
0x25: {  	[simem:s6], [sflag:s4] =	dma.local [hbm:s3], $0xF7A  }
0x26: {  	[smem:$0x3F9B] =	sst s1;
	(tag) =	ssettag s2;
	_ =	strace s9  }
0x27: {  	s1 =	sld [smem:$0x3FAB]  }
0x28: {  	s2 =	sld [smem:$0x3FAC]  }
0x29: {  	s4 =	sld [smem:$0x3FAE]  }
0x2a: {  	p0 =	seq.s32 s5, $0x0;
	s5 =	sld [smem:$0x3FAF]  }
0x2b: {  	s6 =	sld [smem:$0x3FB0]  }
0x2c: {  	s7 =	sld [smem:$0x3FB1]  }
0x2d: {  	s3 =	simm.s32 $0x108;
	s8 =	sld [smem:$0x3FB2]  }
0x2e: {  	s3 =	simm.s32 @!p0 $0x1082;
	s9 =	sld [smem:$0x3FB3]  }
0x2f: {  	lr =	sadd.s32 s0, s3;
	s0 =	sld [smem:$0x3FAA]  }
0x30: {  	s3 =	sld [smem:$0x3FAD]  }
0x31: {  	[smem:$0x3FB6] =	sst s10  }
0x32: {  	s10 =	sld [smem:$0x3FB4];
	_ =	sdelay $0x3  }
0x33: {  	p0 =	seq.s32 s10, $0x1;
	s10 =	sld [smem:$0x3FB6];
	_ =	sdelay $0x3  }
0x34: {  	[smem:$0x3FB6] =	sst s10  }
0x35: {  	s10 =	sld [smem:$0x3FB5];
	_ =	sdelay $0x3  }
0x36: {  	p1 =	seq.s32 s10, $0x1;
	s10 =	sld [smem:$0x3FB6];
	_ =	sdelay $0x3  }
0x37: {  	[smem:$0x3FB6] =	sst s10  }
0x38: {  	s10 =	sld [smem:$0x3FB7]  }
0x39: {  	_ = 	snop;
	(pc) =	sbr.ind lr, $3  }
0x3a: {  	_ = 	snop  }
0x3b: {  	_ = 	snop  }
0x3c: {  	p2 =	seq.s32 s10, $0x1;
	s10 =	sld [smem:$0x3FB6]  }
0x3d: {  	_ =	shalt  }
0x3e: {  	_ =	shalt  }
0x3f: {  	_ =	shalt  }
0x40: {  	_ =	shalt  }
0x41: {  	_ =	shalt  }
0x42: {  	_ =	shalt  }
0x43: {  	_ =	shalt  }
0x44: {  	_ =	shalt  }
0x45: {  	_ =	shalt  }
0x46: {  	_ =	shalt  }
0x47: {  	_ =	shalt  }
0x48: {  	_ =	shalt  }
0x49: {  	_ =	shalt  }
0x4a: {  	_ =	shalt  }
0x4b: {  	_ =	shalt  }
0x4c: {  	_ =	shalt  }
0x4d: {  	_ =	shalt  }
0x4e: {  	_ =	shalt  }
0x4f: {  	_ =	shalt  }
0x50: {  	_ =	shalt  }
0x51: {  	_ =	shalt  }
0x52: {  	_ =	shalt  }
0x53: {  	_ =	shalt  }
0x54: {  	_ =	shalt  }
0x55: {  	_ =	shalt  }
0x56: {  	_ =	shalt  }
0x57: {  	_ =	shalt  }
0x58: {  	_ =	shalt  }
0x59: {  	_ =	shalt  }
0x5a: {  	_ =	shalt  }
0x5b: {  	_ =	shalt  }
0x5c: {  	_ =	shalt  }
0x5d: {  	_ =	shalt  }
0x5e: {  	_ =	shalt  }
0x5f: {  	_ =	shalt  }
0x60: {  	_ =	shalt  }
0x61: {  	_ =	shalt  }
0x62: {  	_ =	shalt  }
0x63: {  	_ =	shalt  }
0x64: {  	_ =	shalt  }
0x65: {  	_ =	shalt  }
0x66: {  	_ =	shalt  }
0x67: {  	_ =	shalt  }
0x68: {  	_ =	shalt  }
0x69: {  	_ =	shalt  }
0x6a: {  	_ =	shalt  }
0x6b: {  	_ =	shalt  }
0x6c: {  	_ =	shalt  }
0x6d: {  	_ =	shalt  }
0x6e: {  	_ =	shalt  }
0x6f: {  	_ =	shalt  }
0x70: {  	_ =	shalt  }
0x71: {  	_ =	shalt  }
0x72: {  	_ =	shalt  }
0x73: {  	_ =	shalt  }
0x74: {  	_ =	shalt  }
0x75: {  	_ =	shalt  }
0x76: {  	_ =	shalt  }
0x77: {  	_ =	shalt  }
0x78: {  	_ =	shalt  }
0x79: {  	_ =	shalt  }
0x7a: {  	_ =	shalt  }
0x7b: {  	_ =	shalt  }
0x7c: {  	_ =	shalt  }
0x7d: {  	_ =	shalt  }
0x7e: {  	_ =	shalt  }
0x7f: {  	_ =	shalt  }
0x80: {  	_ =	shalt  }
0x81: {  	_ =	shalt  }
0x82: {  	_ =	shalt  }
0x83: {  	_ =	shalt  }
0x84: {  	_ =	shalt  }
0x85: {  	_ =	shalt  }
0x86: {  	_ =	shalt  }
0x87: {  	_ =	shalt  }
.Lfunc_end0:
.L_simem_size_0:
called_computation_lowered:
.L_overlay_start_0:
0x88: {  	s2 =	sld [smem:$0x3FD9]  }
0x89: {  	s3 =	sld [smem:$0x3FFE];
	_ =	sdelay $0x1  }
0x8a: {  	s1 =	srdreg.scid  }
0x8b: {  	s0 =	sand.u32 $0x1, s1  }
0x8c: {  	s17 =	sshll.u32 s0, $0xA;
	s2 =	sadd.s32 s3, s2  }
0x8d: {  	s2 =	sadd.s32 s2, s17  }
0x8e: {  	[smem:$0x3FC2] =	sst s2  }
0x8f: {  	_ = 	snop  }
0x90: {  	s2 =	sld [smem:$0x3FD0];
	(tm) =	ssettm $0x1  }
0x91: {  	s18 =	sld [smem:$0x3FFB];
	_ =	sdelay $0x3  }
0x92: {  	_ =	strace s18  }
0x93: {  	s3 =	sld [smem:$0x3FFC];
	_ =	sdelay $0x3  }
0x94: {  	_ =	strace s3  }
0x95: {  	s3 =	sld [smem:$0x3FFD];
	_ =	sdelay $0x3  }
0x96: {  	_ =	strace s3  }
0x97: {  	_ =	strace $0x8FFFFFFF  }
0x98: {  	s19 =	sld [smem:$0x3FDB];
	_ =	sdelay $0x1  }
0x99: {  	s4 =	simm.s32 $_scs_section_size  }
0x9a: {  	s5 =	simm.s32 $_size__tile_overlayer_lowered;
	s6 =	simm.s32 $_tile_overlayer_lowered  }
0x9b: {  	s22 =	simm.s32 $0x1BFF;
	s21 =	sshll.u32 s6, $0x1;
	s3 =	sadd.s32 s4, s19  }
0x9c: {  	s7 =	simm.s32 $0x0;
	s20 =	sshll.u32 s5, $0x1;
	s5 =	sadd.s32 s21, s3  }
0x9d: {  	[timem:s7], [sflag:s22] =	dma.local [hbm:s5], s20  }
0x9e: {  	_ =	swait.ge [sflag:s22], s20  }
0x9f: {  	s4 =	ssub.s32 $0x0, s20;
	[sflag:s22] =	ssyncset.done $0x0  }
0xa0: {  	[sflag:s22] =	ssyncadd.s32 s4;
	_ =	sdelay $0x1  }
0xa1: {  	s23 =	simm.s32 $0x1B8B  }
0xa2: {  	_ =	swait.ge [sflag:s23], $0x1  }
0xa3: {  	[sflag:s23] =	ssyncset.done $0x0  }
0xa4: {  	s25 =	simm.s32 $0x1B8E;
	s24 =	sld [smem:$0x3FFE];
	[sflag:s23] =	ssyncadd.s32 $0xFFFFFFFF  }
0xa5: {  	s26 =	simm.s32 $execute0_lowered;
	[smem:$0x3FD2] =	sst s25  }
0xa6: {  	s5 =	sshll.u32 s26, $0x1;
	_ =	strace $0x80000046;
	[dreg:$0x1] =	wrdreg $0xFFFFFFFF  }
0xa7: {  	s28 =	simm.s32 $_size_execute0_lowered;
	s3 =	sadd.s32 s3, s5;
	[dreg:$0x0] =	wrdreg $0x0  }
0xa8: {  	s5 =	sshll.u32 s28, $0x1;
	[dreg:$0x2] =	wrdreg s3  }
0xa9: {  	[dreg:$0x3] =	wrdreg s5  }
0xaa: {  	[dreg:$0x4] =	wrdreg $0xC0  }
0xab: {  	_ =	task [dreg:s7], $0x5FFFF  }
0xac: {  	[dreg:$0x1] =	wrdreg $0xFFFFFFFF  }
0xad: {  	[dreg:$0x0] =	wrdreg $0x60  }
0xae: {  	[dreg:$0x2] =	wrdreg s24  }
0xaf: {  	[dreg:$0x3] =	wrdreg s2  }
0xb0: {  	[dreg:$0x4] =	wrdreg $0x1C000  }
0xb1: {  	[dreg:$0x5] =	wrdreg $0x9  }
0xb2: {  	_ =	task.clear_ibuf [dreg:s7], $0x6FFFF;
	_ =	strace $0x90000046  }
0xb3: {  	s29 =	simm.s32 $0x9;
	_ =	strace $0x80000048  }
0xb4: {  	_ =	swait.ge [sflag:s29], $0x1  }
0xb5: {  	[sflag:s29] =	ssyncadd.s32 $0xFFFFFFFF  }
0xb6: {  	_ =	strace $0x90000048  }
0xb7: {  	_ =	sfence  }
0xb8: {  	s30 =	sld [smem:$0x0];
	_ =	sdelay $0x2  }
0xb9: {  	s31 =	sshll.u32 s1, $0xD;
	s1 =	sshrl.u32 s1, $0x2  }
0xba: {  	s3 =	sand.u32 $0x4000, s31;
	s1 =	sadd.s32 s1, s30  }
0xbb: {  	s0 =	sor.u32 s3, s0;
	s1 =	sshll.u32 s1, $0x11  }
0xbc: {  	s0 =	sor.u32 s1, s0  }
0xbd: {  	s0 =	sadd.s32 $0x8F2B, s0  }
0xbe: {  	[sflag:s0] =	ssyncadd.remote.s32 $0x1  }
0xbf: {  	_ =	sfence.sel $0xFFFF  }
0xc0: {  	[dreg:$0x0] =	wrdreg $0xFFFFFFFF;
	(pc) =	sbr.abs _section_cstart, $3  }
0xc1: {  	[dreg:$0x1] =	wrdreg $0xFFFFFFFF  }
0xc2: {  	_ =	task.clear_ibuf [dreg:s7], $0x2FFFF;
	_ =	strace $0x9FFFFFFF  }
0xc3: {  	(tm) =	ssettm $0x7FFFFFFF  }
tec
execute0_lowered:
.L_overlay_start_1:
0x0: {  	(tag) =	ssettag $0x1  }
0x1: {  	s6 =	rddreg [dreg:$0x0]  }
0x2: {  	s9 =	rddreg [dreg:$0x1]  }
0x3: {  	s0 =	srdreg.scid;
	s2 =	rddreg [dreg:$0x2];
	s3 =	simm.s32 $0x0  }
0x4: {  	s14 =	simm.s32 $0x0;
	s8 =	sand.u32 $0x1, s0;
	s0 =	stileid.u32  }
0x5: {  	[smem:$0x7FF] =	sst s3;
	s5 =	sadd.s32 $0xF200, s6;
	s12 =	sadd.s32 $0xFA00, s6  }
0x6: {  	s1 =	sshll.u32 s8, $0x4;
	s10 =	ssub.s32 $0x2, s8;
	s11 =	smul.u32 $0x2780, s0  }
0x7: {  	s31 =	sshll.u32 s0, $0x6;
	p0 =	seq.s32 s8, $0x1;
	s4 =	sor.u32 s0, s1  }
0x8: {  	s1 =	rddreg [dreg:$0x3];
	_ =	strace $0x80000047;
	s30 =	sshrl.u32 s10, $0x1  }
0x9: {  	s9 =	smov.u32 @p0 s12;
	s12 =	simm.s32 $0x1400;
	s4 =	smul.u32 $0x280, s4  }
0xa: {  	s10 =	ssub.s32 s10, s30;
	s13 =	sadd.s32 s11, s2;
	s11 =	sshrl.u32 s11, $0x3  }
0xb: {  	s8 =	smax.u32 s10, $0x1;
	s9 =	sadd.s32 s9, s11;
	s10 =	sshrl.u32 s13, $0x3  }
0xc: {  	s11 =	simm.s32 $0x1;
	s13 =	simm.s32 $0x80;
	s7 =	sadd.s32 s4, s6  }
0xd: {  	s4 =	sadd.s32 $0xF800, s6;
	s6 =	sor.u32 $0x1C01, s31;
	s7 =	sadd.s32 $0x5200, s7  }
.LBB2_1:
0xe: {  	[spmem:s10], [sflag:s6] =	dma.local [hbm:s5], $0x4F0  }
0xf: {  	_ =	swait.ge [sflag:s11], $0x4F0  }
0x10: {  	[sflag:s11] =	ssyncset.done $0x0  }
0x11: {  	[sflag:s11] =	ssyncadd.s32 $0xFFFFFB10  }
0x12: {  	[tilespmem:s12], [sflag:$0x1] =	stream.linear.gather [hbm4b:s4+s3], $0x800, $0x38;
	[tilespmem:$0x4380] =	vst v63  }
0x13: {  	_ =	swait.ge [sflag:s11], $0x800  }
0x14: {  	[sflag:s11] =	ssyncset.done $0x0  }
0x15: {  	[sflag:s11] =	ssyncadd.s32 $0xFFFFF800  }
0x16: {  	[tilespmem:s3], [sflag:$0x1] =	stream.linear.gather [hbm4b:s7+s3], $0x1400, $0x38;
	[tilespmem:$0x4380] =	vst v63  }
0x17: {  	_ =	swait.ge [sflag:s11], $0x1400  }
0x18: {  	[sflag:s11] =	ssyncset.done $0x0  }
0x19: {  	[sflag:s11] =	ssyncadd.s32 $0xFFFFEC00  }
0x1a: {  	s15 =	simm.s32 $0x0;
	[bflag:$0x0] =	sbarrier.arrive $0xFFFF  }
0x1b: {  	[spmem:s2] =	stream.indirect.scatter.add.f32 [tilespmem:s12], [sflag:$0x1], $0x10, s15, s13, $0xb8;
	[tilespmem:$0x4380] =	vst v63  }
0x1c: {  	_ =	swait.ge [sflag:s11], $0x800  }
0x1d: {  	s15 =	simm.s32 $0x200;
	[sflag:s11] =	ssyncset.done $0x0  }
.LBB2_2:
0x1e: {  	s16 =	sshra.s32 s15, $0x2;
	[sflag:s11] =	ssyncadd.s32 $0xFFFFF800;
	p0 =	sne.s32 s15, $0x4E00  }
0x1f: {  	[spmem:s2] =	stream.indirect.scatter.add.f32 [tilespmem:s12], [sflag:$0x1], $0x10, s16, s13, $0xb8;
	[tilespmem:$0x4380] =	vst v63  }
.Ltmp0:
0x20: {  	_ = 	snop;
	(pc) =	sbr.rel @p0 .LBB2_2-.Ltmp0, $4  }
0x21: {  	_ = 	snop  }
0x22: {  	s15 =	sadd.s32 $0x200, s15  }
0x23: {  	_ =	swait.ge [sflag:s11], $0x800  }
0x24: {  	[sflag:s11] =	ssyncset.done $0x0  }
0x25: {  	s14 =	sadd.s32 $0x1, s14  }
0x26: {  	[sflag:s11] =	ssyncadd.s32 $0xFFFFF800;
	p0 =	sne.s32 s14, s8  }
.Ltmp1:
0x27: {  	[bflag:$0x0] =	sbarrier.arrive $0xFFFF;
	(pc) =	sbr.rel @p0 .LBB2_1-.Ltmp1, $4  }
0x28: {  	[hbm:s9], [sflag:s6] =	dma.local [spmem:s10], $0x4F0  }
0x29: {  	_ =	swait.ge [sflag:s11], $0x4F0  }
0x2a: {  	[sflag:s11] =	ssyncset.done $0x0  }
0x2b: {  	[sflag:s11] =	ssyncadd.s32 $0xFFFFFB10  }
0x2c: {  	_ =	sfence.sel $0x180000  }
0x2d: {  	[bflag:$0x0] =	sbarrier.arrive $0xFFFF  }
0x2e: {  	p0 =	sne.s32 s0, $0x0;
	_ =	strace $0x90000047  }
0x2f: {  	s0 =	sadd.s32 @!p0 $0x100000, s1;
	[bflag:$0x2] =	sbarrier.arrive $0xFFFF  }
0x30: {  	[sflag:s0] =	ssyncadd.tile.s32 @!p0 $0x1;
	_ =	shalt  }
.Lfunc_end2:
_tile_overlayer_lowered:
.L_overlay_start_2:
0x31: {  	(tag) =	ssettag $0x2  }
0x32: {  	s0 =	rddreg [dreg:$0x0];
	s2 =	stileid.u32  }
0x33: {  	s1 =	rddreg [dreg:$0x1];
	p0 =	sne.s32 s2, $0x0  }
0x34: {  	s3 =	rddreg [dreg:$0x2];
	[bflag:$0x3] =	sbarrier.arrive $0xFFFF;
	s2 =	simm.s32 @!p0 $0x1C01  }
0x35: {  	[timem:s3], [sflag:s2] =	dma.local @!p0 [hbm:s0], s1  }
0x36: {  	s0 =	simm.s32 @!p0 $0x1  }
0x37: {  	_ =	swait.ge @!p0 [sflag:s0], s1  }
0x38: {  	s1 =	ssub.s32 @!p0 $0x0, s1;
	[sflag:s0] =	ssyncset.done @!p0 $0x0  }
0x39: {  	[sflag:s0] =	ssyncadd.s32 @!p0 s1  }
0x3a: {  	[bflag:$0x3] =	sbarrier.arrive $0xFFFF  }
0x3b: {  	_ =	shalt  }

// kernel: kernel.13.cloned.1.call-start
scs
__scs_entry_jumppad:
0x0: {  	(pc) =	sbr.rel $0x88, $3  }
0x1: {  	(tag) =	ssettag $0x0;
	lr =	simm.s32 $0x1  }
0x2: {  	[smem:$0x3F9B] =	sst lr;
	_ =	strace $0xD0000000  }
0x3: {  	_ = 	snop  }
0x4: {  	_ = 	snop  }
0x5: {  	_ = 	snop  }
0x6: {  	_ = 	snop  }
0x7: {  	_ = 	snop  }
__scs_overlays_trampoline_lowered:
0x8: {  	[smem:$0x3FAA] =	sst s0  }
0x9: {  	[smem:$0x3FAB] =	sst s1  }
0xa: {  	[smem:$0x3FAC] =	sst s2  }
0xb: {  	[smem:$0x3FAD] =	sst s3  }
0xc: {  	[smem:$0x3FAE] =	sst s4  }
0xd: {  	[smem:$0x3FAF] =	sst s5  }
0xe: {  	[smem:$0x3FB0] =	sst s6  }
0xf: {  	[smem:$0x3FB1] =	sst s7  }
0x10: {  	[smem:$0x3FB2] =	sst s8  }
0x11: {  	[smem:$0x3FB3] =	sst s9;
	s0 =	simm.s32 @!p0 $0x0  }
0x12: {  	s1 =	sld [smem:$0x3F99];
	s0 =	simm.s32 @p0 $0x1  }
0x13: {  	[smem:$0x3FB4] =	sst s0;
	s0 =	simm.s32 @!p1 $0x0  }
0x14: {  	s2 =	sld [smem:$0x3F98];
	s0 =	simm.s32 @p1 $0x1  }
0x15: {  	[smem:$0x3FB5] =	sst s0;
	s0 =	simm.s32 @!p2 $0x0  }
0x16: {  	s3 =	sld [smem:$0x3FDB];
	s0 =	simm.s32 @p2 $0x1  }
0x17: {  	s4 =	simm.s32 $0x1BF5;
	[smem:$0x3FB7] =	sst s0  }
0x18: {  	s0 =	sld [smem:$0x3F9A];
	_ =	swait.ge [sflag:s4], $0x0  }
0x19: {  	s7 =	sld [smem:$0x3F9B]  }
0x1a: {  	s8 =	sadd.s32 $0xFFFFE003, lr  }
0x1b: {  	s9 =	sadd.s32 $0xFFFFFEF7, lr;
	s5 =	simm.s32 $0xFFFFFFFF;
	p2 =	slt.u32 s8, $0xFFFFF086  }
0x1c: {  	p1 =	slt.u32 s9, $0xF7A;
	s5 =	simm.s32 @!p2 $0x0  }
0x1d: {  	s5 =	simm.s32 @p1 $0x1;
	p0 =	seq.s32 s7, s2  }
0x1e: {  	s7 =	smul.u32 @!p0 $0xF7A, s2;
	p2 =	seq.s32 @!p0 s5, $0x0  }
0x1f: {  	s9 =	smul.u32 $0xF7A, s1;
	s8 =	simm.s32 @!p0 $0x1BF5;
	p2 =	por !p2, p0  }
0x20: {  	[sflag:s8] =	ssyncset.s32 @!p0 $0xFFFFF086;
	s6 =	sadd.s32 @!p0 s3, s7;
	s7 =	simm.s32 @!p0 $0x108  }
0x21: {  	s3 =	sadd.s32 s3, s9;
	s6 =	sadd.s32 @!p0 $0x88, s6;
	s7 =	simm.s32 @p2 $0x1082  }
0x22: {  	[simem:s7], [sflag:s8] =	dma.local @!p0 [hbm:s6], $0xF7A  }
0x23: {  	s9 =	sor.u32 $0xD0000000, s2;
	s6 =	simm.s32 $0x108;
	_ =	swait.ge @!p0 [sflag:s8], $0x0  }
0x24: {  	s3 =	sadd.s32 $0x88, s3;
	s6 =	simm.s32 @!p1 $0x1082;
	[sflag:s4] =	ssyncset.s32 $0xFFFFF086  }
0x25: {  	[simem:s6], [sflag:s4] =	dma.local [hbm:s3], $0xF7A  }
0x26: {  	[smem:$0x3F9B] =	sst s1;
	(tag) =	ssettag s2;
	_ =	strace s9  }
0x27: {  	s1 =	sld [smem:$0x3FAB]  }
0x28: {  	s2 =	sld [smem:$0x3FAC]  }
0x29: {  	s4 =	sld [smem:$0x3FAE]  }
0x2a: {  	p0 =	seq.s32 s5, $0x0;
	s5 =	sld [smem:$0x3FAF]  }
0x2b: {  	s6 =	sld [smem:$0x3FB0]  }
0x2c: {  	s7 =	sld [smem:$0x3FB1]  }
0x2d: {  	s3 =	simm.s32 $0x108;
	s8 =	sld [smem:$0x3FB2]  }
0x2e: {  	s3 =	simm.s32 @!p0 $0x1082;
	s9 =	sld [smem:$0x3FB3]  }
0x2f: {  	lr =	sadd.s32 s0, s3;
	s0 =	sld [smem:$0x3FAA]  }
0x30: {  	s3 =	sld [smem:$0x3FAD]  }
0x31: {  	[smem:$0x3FB6] =	sst s10  }
0x32: {  	s10 =	sld [smem:$0x3FB4];
	_ =	sdelay $0x3  }
0x33: {  	p0 =	seq.s32 s10, $0x1;
	s10 =	sld [smem:$0x3FB6];
	_ =	sdelay $0x3  }
0x34: {  	[smem:$0x3FB6] =	sst s10  }
0x35: {  	s10 =	sld [smem:$0x3FB5];
	_ =	sdelay $0x3  }
0x36: {  	p1 =	seq.s32 s10, $0x1;
	s10 =	sld [smem:$0x3FB6];
	_ =	sdelay $0x3  }
0x37: {  	[smem:$0x3FB6] =	sst s10  }
0x38: {  	s10 =	sld [smem:$0x3FB7]  }
0x39: {  	_ = 	snop;
	(pc) =	sbr.ind lr, $3  }
0x3a: {  	_ = 	snop  }
0x3b: {  	_ = 	snop  }
0x3c: {  	p2 =	seq.s32 s10, $0x1;
	s10 =	sld [smem:$0x3FB6]  }
0x3d: {  	_ =	shalt  }
0x3e: {  	_ =	shalt  }
0x3f: {  	_ =	shalt  }
0x40: {  	_ =	shalt  }
0x41: {  	_ =	shalt  }
0x42: {  	_ =	shalt  }
0x43: {  	_ =	shalt  }
0x44: {  	_ =	shalt  }
0x45: {  	_ =	shalt  }
0x46: {  	_ =	shalt  }
0x47: {  	_ =	shalt  }
0x48: {  	_ =	shalt  }
0x49: {  	_ =	shalt  }
0x4a: {  	_ =	shalt  }
0x4b: {  	_ =	shalt  }
0x4c: {  	_ =	shalt  }
0x4d: {  	_ =	shalt  }
0x4e: {  	_ =	shalt  }
0x4f: {  	_ =	shalt  }
0x50: {  	_ =	shalt  }
0x51: {  	_ =	shalt  }
0x52: {  	_ =	shalt  }
0x53: {  	_ =	shalt  }
0x54: {  	_ =	shalt  }
0x55: {  	_ =	shalt  }
0x56: {  	_ =	shalt  }
0x57: {  	_ =	shalt  }
0x58: {  	_ =	shalt  }
0x59: {  	_ =	shalt  }
0x5a: {  	_ =	shalt  }
0x5b: {  	_ =	shalt  }
0x5c: {  	_ =	shalt  }
0x5d: {  	_ =	shalt  }
0x5e: {  	_ =	shalt  }
0x5f: {  	_ =	shalt  }
0x60: {  	_ =	shalt  }
0x61: {  	_ =	shalt  }
0x62: {  	_ =	shalt  }
0x63: {  	_ =	shalt  }
0x64: {  	_ =	shalt  }
0x65: {  	_ =	shalt  }
0x66: {  	_ =	shalt  }
0x67: {  	_ =	shalt  }
0x68: {  	_ =	shalt  }
0x69: {  	_ =	shalt  }
0x6a: {  	_ =	shalt  }
0x6b: {  	_ =	shalt  }
0x6c: {  	_ =	shalt  }
0x6d: {  	_ =	shalt  }
0x6e: {  	_ =	shalt  }
0x6f: {  	_ =	shalt  }
0x70: {  	_ =	shalt  }
0x71: {  	_ =	shalt  }
0x72: {  	_ =	shalt  }
0x73: {  	_ =	shalt  }
0x74: {  	_ =	shalt  }
0x75: {  	_ =	shalt  }
0x76: {  	_ =	shalt  }
0x77: {  	_ =	shalt  }
0x78: {  	_ =	shalt  }
0x79: {  	_ =	shalt  }
0x7a: {  	_ =	shalt  }
0x7b: {  	_ =	shalt  }
0x7c: {  	_ =	shalt  }
0x7d: {  	_ =	shalt  }
0x7e: {  	_ =	shalt  }
0x7f: {  	_ =	shalt  }
0x80: {  	_ =	shalt  }
0x81: {  	_ =	shalt  }
0x82: {  	_ =	shalt  }
0x83: {  	_ =	shalt  }
0x84: {  	_ =	shalt  }
0x85: {  	_ =	shalt  }
0x86: {  	_ =	shalt  }
0x87: {  	_ =	shalt  }
.Lfunc_end0:
.L_simem_size_0:
called_computation.1_lowered:
.L_overlay_start_0:
0x88: {  	s2 =	sld [smem:$0x3FD9]  }
0x89: {  	s3 =	sld [smem:$0x3FFE];
	_ =	sdelay $0x1  }
0x8a: {  	s1 =	srdreg.scid  }
0x8b: {  	s0 =	sand.u32 $0x1, s1  }
0x8c: {  	s17 =	sshll.u32 s0, $0xA;
	s2 =	sadd.s32 s3, s2  }
0x8d: {  	s2 =	sadd.s32 s2, s17  }
0x8e: {  	[smem:$0x3FC2] =	sst s2  }
0x8f: {  	_ = 	snop  }
0x90: {  	s2 =	sld [smem:$0x3FD0];
	(tm) =	ssettm $0x1  }
0x91: {  	s18 =	sld [smem:$0x3FFB];
	_ =	sdelay $0x3  }
0x92: {  	_ =	strace s18  }
0x93: {  	s3 =	sld [smem:$0x3FFC];
	_ =	sdelay $0x3  }
0x94: {  	_ =	strace s3  }
0x95: {  	s3 =	sld [smem:$0x3FFD];
	_ =	sdelay $0x3  }
0x96: {  	_ =	strace s3  }
0x97: {  	_ =	strace $0x8FFFFFFF  }
0x98: {  	s19 =	sld [smem:$0x3FDB];
	_ =	sdelay $0x1  }
0x99: {  	s4 =	simm.s32 $_scs_section_size  }
0x9a: {  	s5 =	simm.s32 $_size__tile_overlayer_lowered;
	s6 =	simm.s32 $_tile_overlayer_lowered  }
0x9b: {  	s22 =	simm.s32 $0x1BFF;
	s21 =	sshll.u32 s6, $0x1;
	s3 =	sadd.s32 s4, s19  }
0x9c: {  	s7 =	simm.s32 $0x0;
	s20 =	sshll.u32 s5, $0x1;
	s5 =	sadd.s32 s21, s3  }
0x9d: {  	[timem:s7], [sflag:s22] =	dma.local [hbm:s5], s20  }
0x9e: {  	_ =	swait.ge [sflag:s22], s20  }
0x9f: {  	s4 =	ssub.s32 $0x0, s20;
	[sflag:s22] =	ssyncset.done $0x0  }
0xa0: {  	[sflag:s22] =	ssyncadd.s32 s4;
	_ =	sdelay $0x1  }
0xa1: {  	s23 =	simm.s32 $0x1B8B  }
0xa2: {  	_ =	swait.ge [sflag:s23], $0x1  }
0xa3: {  	[sflag:s23] =	ssyncset.done $0x0  }
0xa4: {  	s25 =	simm.s32 $0x1B8E;
	s24 =	sld [smem:$0x3FFE];
	[sflag:s23] =	ssyncadd.s32 $0xFFFFFFFF  }
0xa5: {  	s26 =	simm.s32 $execute0_lowered;
	[smem:$0x3FD2] =	sst s25  }
0xa6: {  	s5 =	sshll.u32 s26, $0x1;
	_ =	strace $0x80000049;
	[dreg:$0x1] =	wrdreg $0xFFFFFFFF  }
0xa7: {  	s28 =	simm.s32 $_size_execute0_lowered;
	s3 =	sadd.s32 s3, s5;
	[dreg:$0x0] =	wrdreg $0x0  }
0xa8: {  	s5 =	sshll.u32 s28, $0x1;
	[dreg:$0x2] =	wrdreg s3  }
0xa9: {  	[dreg:$0x3] =	wrdreg s5  }
0xaa: {  	[dreg:$0x4] =	wrdreg $0xC0  }
0xab: {  	_ =	task [dreg:s7], $0x5FFFF  }
0xac: {  	[dreg:$0x1] =	wrdreg $0xFFFFFFFF  }
0xad: {  	[dreg:$0x0] =	wrdreg $0x60  }
0xae: {  	[dreg:$0x2] =	wrdreg s2  }
0xaf: {  	[dreg:$0x3] =	wrdreg s24  }
0xb0: {  	[dreg:$0x4] =	wrdreg $0x38000  }
0xb1: {  	[dreg:$0x5] =	wrdreg $0x9  }
0xb2: {  	_ =	task.clear_ibuf [dreg:s7], $0x6FFFF;
	_ =	strace $0x90000049  }
0xb3: {  	s29 =	simm.s32 $0x9;
	_ =	strace $0x8000004B  }
0xb4: {  	_ =	swait.ge [sflag:s29], $0x1  }
0xb5: {  	[sflag:s29] =	ssyncadd.s32 $0xFFFFFFFF  }
0xb6: {  	_ =	strace $0x9000004B  }
0xb7: {  	_ =	sfence  }
0xb8: {  	s30 =	sld [smem:$0x0];
	_ =	sdelay $0x2  }
0xb9: {  	s31 =	sshll.u32 s1, $0xD;
	s1 =	sshrl.u32 s1, $0x2  }
0xba: {  	s3 =	sand.u32 $0x4000, s31;
	s1 =	sadd.s32 s1, s30  }
0xbb: {  	s0 =	sor.u32 s3, s0;
	s1 =	sshll.u32 s1, $0x11  }
0xbc: {  	s0 =	sor.u32 s1, s0  }
0xbd: {  	s0 =	sadd.s32 $0x8F2B, s0  }
0xbe: {  	[sflag:s0] =	ssyncadd.remote.s32 $0x1  }
0xbf: {  	_ =	sfence.sel $0xFFFF  }
0xc0: {  	[dreg:$0x0] =	wrdreg $0xFFFFFFFF;
	(pc) =	sbr.abs _section_cstart, $3  }
0xc1: {  	[dreg:$0x1] =	wrdreg $0xFFFFFFFF  }
0xc2: {  	_ =	task.clear_ibuf [dreg:s7], $0x2FFFF;
	_ =	strace $0x9FFFFFFF  }
0xc3: {  	(tm) =	ssettm $0x7FFFFFFF  }
tec
execute0_lowered:
.L_overlay_start_1:
0x0: {  	(tag) =	ssettag $0x1  }
0x1: {  	s1 =	rddreg [dreg:$0x0]  }
0x2: {  	s8 =	rddreg [dreg:$0x1]  }
0x3: {  	s0 =	srdreg.scid;
	s3 =	rddreg [dreg:$0x2]  }
0x4: {  	s4 =	simm.s32 $0x0;
	s12 =	simm.s32 $0x37000;
	s14 =	simm.s32 $0x80  }
0x5: {  	s15 =	simm.s32 $0x2800;
	s16 =	simm.s32 $0x3000;
	s17 =	simm.s32 $0x1  }
0x6: {  	s18 =	simm.s32 $0x2;
	s19 =	simm.s32 $0x1380;
	s20 =	simm.s32 $0x2700  }
0x7: {  	s21 =	simm.s32 $0x2780;
	s22 =	simm.s32 $0x0;
	s6 =	sand.u32 $0x1, s0  }
0x8: {  	s0 =	stileid.u32;
	[smem:$0x7FF] =	sst s4;
	s2 =	sshll.u32 s6, $0x4  }
0x9: {  	s7 =	ssub.s32 $0x2, s6;
	s11 =	smul.u32 $0x2780, s0;
	s31 =	sshll.u32 s0, $0x6  }
0xa: {  	p0 =	seq.s32 s6, $0x1;
	s5 =	sor.u32 s0, s2;
	s2 =	rddreg [dreg:$0x3]  }
0xb: {  	_ =	strace $0x8000004A;
	s10 =	sshrl.u32 s7, $0x1;
	s5 =	smul.u32 $0x280, s5  }
0xc: {  	s6 =	sor.u32 $0x1C03, s31;
	s12 =	simm.s32 @!p0 $0x3C000;
	s10 =	ssub.s32 s7, s10  }
0xd: {  	s13 =	sadd.s32 s11, s3;
	s11 =	sshrl.u32 s11, $0x3;
	s9 =	sadd.s32 s5, s8  }
0xe: {  	s12 =	sadd.s32 s12, s8;
	s5 =	sadd.s32 $0xF200, s8;
	s7 =	sadd.s32 $0x5200, s9  }
0xf: {  	s8 =	sadd.s32 $0xA200, s9;
	s9 =	smax.u32 s10, $0x1;
	s10 =	sadd.s32 s12, s11  }
0x10: {  	s11 =	sshrl.u32 s13, $0x3;
	s12 =	simm.s32 $0x3;
	s13 =	simm.s32 $0x1400  }
.LBB2_1:
0x11: {  	[spmem:s11], [sflag:s6] =	dma.local [hbm:s5], $0x4F0  }
0x12: {  	_ =	swait.ge [sflag:s12], $0x4F0  }
0x13: {  	[sflag:s12] =	ssyncset.done $0x0  }
0x14: {  	[sflag:s12] =	ssyncadd.s32 $0xFFFFFB10  }
0x15: {  	[tilespmem:s4], [sflag:$0x3] =	stream.linear.gather [hbm4b:s7+s4], $0x1400, $0x38;
	[tilespmem:$0x5F80] =	vst v63  }
0x16: {  	_ =	swait.ge [sflag:s12], $0x1400  }
0x17: {  	[sflag:s12] =	ssyncset.done $0x0  }
0x18: {  	[sflag:s12] =	ssyncadd.s32 $0xFFFFEC00  }
0x19: {  	[tilespmem:s13], [sflag:$0x3] =	stream.linear.gather [hbm4b:s8+s4], $0x1400, $0x38;
	[tilespmem:$0x5F80] =	vst v63  }
0x1a: {  	_ =	swait.ge [sflag:s12], $0x1400  }
0x1b: {  	[sflag:s12] =	ssyncset.done $0x0  }
0x1c: {  	[sflag:s12] =	ssyncadd.s32 $0xFFFFEC00  }
0x1d: {  	[bflag:$0x0] =	sbarrier.arrive $0xFFFF  }
0x1e: {  	[tilespmem:s15], [sflag:$0x1] =	stream.indirect.gather [hbm4b:s1+s14], $0x10, s4, s14, $0xb8;
	[tilespmem:$0x5F80] =	vst v63  }
0x1f: {  	s23 =	simm.s32 $0x80  }
0x20: {  	[tilespmem:s16], [sflag:$0x2] =	stream.indirect.gather [hbm4b:s1+s14], $0x10, s23, s14, $0xb8;
	[tilespmem:$0x5F80] =	vst v63  }
0x21: {  	_ =	swait.ge [sflag:s17], $0x800  }
0x22: {  	[sflag:s17] =	ssyncset.done $0x0  }
0x23: {  	s29 =	simm.s32 $0x1400;
	[sflag:s17] =	ssyncadd.s32 $0xFFFFF800  }
0x24: {  	[spmem:s3] =	stream.indirect.scatter.add.f32 [tilespmem:s15], [sflag:$0x3], $0x10, s29, s14, $0xb8;
	[tilespmem:$0x5F80] =	vst v63  }
0x25: {  	_ =	swait.ge [sflag:s12], $0x800  }
0x26: {  	[sflag:s12] =	ssyncset.done $0x0  }
0x27: {  	s30 =	simm.s32 $0x100;
	[sflag:s12] =	ssyncadd.s32 $0xFFFFF800  }
0x28: {  	[tilespmem:s15], [sflag:$0x1] =	stream.indirect.gather [hbm4b:s1+s14], $0x10, s30, s14, $0xb8;
	[tilespmem:$0x5F80] =	vst v63  }
0x29: {  	_ =	swait.ge [sflag:s18], $0x800  }
0x2a: {  	[sflag:s18] =	ssyncset.done $0x0  }
0x2b: {  	s31 =	simm.s32 $0x1480;
	[sflag:s18] =	ssyncadd.s32 $0xFFFFF800  }
0x2c: {  	[spmem:s3] =	stream.indirect.scatter.add.f32 [tilespmem:s16], [sflag:$0x3], $0x10, s31, s14, $0xb8;
	[tilespmem:$0x5F80] =	vst v63  }
0x2d: {  	_ =	swait.ge [sflag:s12], $0x800  }
0x2e: {  	s24 =	simm.s32 $0x800;
	s23 =	simm.s32 $0x100;
	[sflag:s12] =	ssyncset.done $0x0  }
.LBB2_2:
0x2f: {  	s25 =	sadd.s32 $0x80, s23  }
0x30: {  	[sflag:s12] =	ssyncadd.s32 $0xFFFFF800;
	s26 =	smov.u32 s24;
	s28 =	sadd.s32 $0x400, s24  }
0x31: {  	[tilespmem:s16], [sflag:$0x2] =	stream.indirect.gather [hbm4b:s1+s14], $0x10, s25, s14, $0xb8;
	[tilespmem:$0x5F80] =	vst v63  }
0x32: {  	p0 =	sne.s32 s24, $0x4800;
	_ =	swait.ge [sflag:s17], $0x800  }
0x33: {  	[sflag:s17] =	ssyncset.done $0x0  }
0x34: {  	s24 =	sadd.s32 $0x1400, s23;
	[sflag:s17] =	ssyncadd.s32 $0xFFFFF800  }
0x35: {  	[spmem:s3] =	stream.indirect.scatter.add.f32 [tilespmem:s15], [sflag:$0x3], $0x10, s24, s14, $0xb8;
	[tilespmem:$0x5F80] =	vst v63  }
0x36: {  	_ =	swait.ge [sflag:s12], $0x800  }
0x37: {  	[sflag:s12] =	ssyncset.done $0x0  }
0x38: {  	s24 =	sadd.s32 $0x100, s23;
	[sflag:s12] =	ssyncadd.s32 $0xFFFFF800  }
0x39: {  	[tilespmem:s15], [sflag:$0x1] =	stream.indirect.gather [hbm4b:s1+s14], $0x10, s24, s14, $0xb8;
	[tilespmem:$0x5F80] =	vst v63  }
0x3a: {  	_ =	swait.ge [sflag:s18], $0x800  }
.Ltmp0:
0x3b: {  	[sflag:s18] =	ssyncset.done $0x0;
	(pc) =	sbr.rel @p0 .LBB2_2-.Ltmp0, $4  }
0x3c: {  	s23 =	sadd.s32 $0x1480, s23;
	[sflag:s18] =	ssyncadd.s32 $0xFFFFF800  }
0x3d: {  	[spmem:s3] =	stream.indirect.scatter.add.f32 [tilespmem:s16], [sflag:$0x3], $0x10, s23, s14, $0xb8;
	[tilespmem:$0x5F80] =	vst v63  }
0x3e: {  	_ =	swait.ge [sflag:s12], $0x800  }
0x3f: {  	s24 =	smov.u32 s28;
	s23 =	sshra.s32 s26, $0x2;
	[sflag:s12] =	ssyncset.done $0x0  }
0x40: {  	s24 =	sadd.s32 $0x80, s23;
	[sflag:s12] =	ssyncadd.s32 $0xFFFFF800  }
0x41: {  	[tilespmem:s16], [sflag:$0x2] =	stream.indirect.gather [hbm4b:s1+s14], $0x10, s24, s14, $0xb8;
	[tilespmem:$0x5F80] =	vst v63  }
0x42: {  	_ =	swait.ge [sflag:s17], $0x800  }
0x43: {  	[sflag:s17] =	ssyncset.done $0x0  }
0x44: {  	s29 =	sadd.s32 $0x1400, s23;
	[sflag:s17] =	ssyncadd.s32 $0xFFFFF800  }
0x45: {  	[spmem:s3] =	stream.indirect.scatter.add.f32 [tilespmem:s15], [sflag:$0x3], $0x10, s29, s14, $0xb8;
	[tilespmem:$0x5F80] =	vst v63  }
0x46: {  	_ =	swait.ge [sflag:s12], $0x800  }
0x47: {  	[sflag:s12] =	ssyncset.done $0x0  }
0x48: {  	s30 =	sadd.s32 $0x100, s23;
	[sflag:s12] =	ssyncadd.s32 $0xFFFFF800  }
0x49: {  	[tilespmem:s15], [sflag:$0x1] =	stream.indirect.gather [hbm4b:s1+s14], $0x10, s30, s14, $0xb8;
	[tilespmem:$0x5F80] =	vst v63  }
0x4a: {  	_ =	swait.ge [sflag:s18], $0x800  }
0x4b: {  	[sflag:s18] =	ssyncset.done $0x0  }
0x4c: {  	s31 =	sadd.s32 $0x1480, s23;
	[sflag:s18] =	ssyncadd.s32 $0xFFFFF800  }
0x4d: {  	[spmem:s3] =	stream.indirect.scatter.add.f32 [tilespmem:s16], [sflag:$0x3], $0x10, s31, s14, $0xb8;
	[tilespmem:$0x5F80] =	vst v63  }
0x4e: {  	_ =	swait.ge [sflag:s12], $0x800  }
0x4f: {  	[sflag:s12] =	ssyncset.done $0x0  }
0x50: {  	[sflag:s12] =	ssyncadd.s32 $0xFFFFF800  }
0x51: {  	[tilespmem:s16], [sflag:$0x2] =	stream.indirect.gather [hbm4b:s1+s14], $0x10, s19, s14, $0xb8;
	[tilespmem:$0x5F80] =	vst v63  }
0x52: {  	_ =	swait.ge [sflag:s17], $0x800  }
0x53: {  	[sflag:s17] =	ssyncset.done $0x0  }
0x54: {  	[sflag:s17] =	ssyncadd.s32 $0xFFFFF800  }
0x55: {  	[spmem:s3] =	stream.indirect.scatter.add.f32 [tilespmem:s15], [sflag:$0x3], $0x10, s20, s14, $0xb8;
	[tilespmem:$0x5F80] =	vst v63  }
0x56: {  	_ =	swait.ge [sflag:s12], $0x800  }
0x57: {  	[sflag:s12] =	ssyncset.done $0x0  }
0x58: {  	[sflag:s12] =	ssyncadd.s32 $0xFFFFF800  }
0x59: {  	_ =	swait.ge [sflag:s18], $0x800  }
0x5a: {  	[sflag:s18] =	ssyncset.done $0x0  }
0x5b: {  	[sflag:s18] =	ssyncadd.s32 $0xFFFFF800  }
0x5c: {  	[spmem:s3] =	stream.indirect.scatter.add.f32 [tilespmem:s16], [sflag:$0x3], $0x10, s21, s14, $0xb8;
	[tilespmem:$0x5F80] =	vst v63  }
0x5d: {  	_ =	swait.ge [sflag:s12], $0x800  }
0x5e: {  	s22 =	sadd.s32 $0x1, s22;
	[sflag:s12] =	ssyncset.done $0x0  }
0x5f: {  	p0 =	sne.s32 s22, s9;
	[sflag:s12] =	ssyncadd.s32 $0xFFFFF800  }
.Ltmp1:
0x60: {  	[bflag:$0x0] =	sbarrier.arrive $0xFFFF;
	(pc) =	sbr.rel @p0 .LBB2_1-.Ltmp1, $4  }
0x61: {  	[hbm:s10], [sflag:s6] =	dma.local [spmem:s11], $0x4F0  }
0x62: {  	_ =	swait.ge [sflag:s12], $0x4F0  }
0x63: {  	[sflag:s12] =	ssyncset.done $0x0  }
0x64: {  	[sflag:s12] =	ssyncadd.s32 $0xFFFFFB10  }
0x65: {  	_ =	sfence.sel $0x180000  }
0x66: {  	[bflag:$0x0] =	sbarrier.arrive $0xFFFF  }
0x67: {  	p0 =	sne.s32 s0, $0x0;
	_ =	strace $0x9000004A  }
0x68: {  	s0 =	sadd.s32 @!p0 $0x100000, s2;
	[bflag:$0x2] =	sbarrier.arrive $0xFFFF  }
0x69: {  	[sflag:s0] =	ssyncadd.tile.s32 @!p0 $0x1;
	_ =	shalt  }
.Lfunc_end2:
_tile_overlayer_lowered:
.L_overlay_start_2:
0x6a: {  	(tag) =	ssettag $0x2  }
0x6b: {  	s0 =	rddreg [dreg:$0x0];
	s2 =	stileid.u32  }
0x6c: {  	s1 =	rddreg [dreg:$0x1];
	p0 =	sne.s32 s2, $0x0  }
0x6d: {  	s3 =	rddreg [dreg:$0x2];
	[bflag:$0x3] =	sbarrier.arrive $0xFFFF;
	s2 =	simm.s32 @!p0 $0x1C03  }
0x6e: {  	[timem:s3], [sflag:s2] =	dma.local @!p0 [hbm:s0], s1  }
0x6f: {  	s0 =	simm.s32 @!p0 $0x3  }
0x70: {  	_ =	swait.ge @!p0 [sflag:s0], s1  }
0x71: {  	s1 =	ssub.s32 @!p0 $0x0, s1;
	[sflag:s0] =	ssyncset.done @!p0 $0x0  }
0x72: {  	[sflag:s0] =	ssyncadd.s32 @!p0 s1  }
0x73: {  	[bflag:$0x3] =	sbarrier.arrive $0xFFFF  }
0x74: {  	_ =	shalt  }

// kernel: kernel.16.cloned.1.call-start
scs
__scs_entry_jumppad:
0x0: {  	(pc) =	sbr.rel $0x88, $3  }
0x1: {  	(tag) =	ssettag $0x0;
	lr =	simm.s32 $0x1  }
0x2: {  	[smem:$0x3F9B] =	sst lr;
	_ =	strace $0xD0000000  }
0x3: {  	_ = 	snop  }
0x4: {  	_ = 	snop  }
0x5: {  	_ = 	snop  }
0x6: {  	_ = 	snop  }
0x7: {  	_ = 	snop  }
__scs_overlays_trampoline_lowered:
0x8: {  	[smem:$0x3FAA] =	sst s0  }
0x9: {  	[smem:$0x3FAB] =	sst s1  }
0xa: {  	[smem:$0x3FAC] =	sst s2  }
0xb: {  	[smem:$0x3FAD] =	sst s3  }
0xc: {  	[smem:$0x3FAE] =	sst s4  }
0xd: {  	[smem:$0x3FAF] =	sst s5  }
0xe: {  	[smem:$0x3FB0] =	sst s6  }
0xf: {  	[smem:$0x3FB1] =	sst s7  }
0x10: {  	[smem:$0x3FB2] =	sst s8  }
0x11: {  	[smem:$0x3FB3] =	sst s9;
	s0 =	simm.s32 @!p0 $0x0  }
0x12: {  	s1 =	sld [smem:$0x3F99];
	s0 =	simm.s32 @p0 $0x1  }
0x13: {  	[smem:$0x3FB4] =	sst s0;
	s0 =	simm.s32 @!p1 $0x0  }
0x14: {  	s2 =	sld [smem:$0x3F98];
	s0 =	simm.s32 @p1 $0x1  }
0x15: {  	[smem:$0x3FB5] =	sst s0;
	s0 =	simm.s32 @!p2 $0x0  }
0x16: {  	s3 =	sld [smem:$0x3FDB];
	s0 =	simm.s32 @p2 $0x1  }
0x17: {  	s4 =	simm.s32 $0x1BF5;
	[smem:$0x3FB7] =	sst s0  }
0x18: {  	s0 =	sld [smem:$0x3F9A];
	_ =	swait.ge [sflag:s4], $0x0  }
0x19: {  	s7 =	sld [smem:$0x3F9B]  }
0x1a: {  	s8 =	sadd.s32 $0xFFFFE003, lr  }
0x1b: {  	s9 =	sadd.s32 $0xFFFFFEF7, lr;
	s5 =	simm.s32 $0xFFFFFFFF;
	p2 =	slt.u32 s8, $0xFFFFF086  }
0x1c: {  	p1 =	slt.u32 s9, $0xF7A;
	s5 =	simm.s32 @!p2 $0x0  }
0x1d: {  	s5 =	simm.s32 @p1 $0x1;
	p0 =	seq.s32 s7, s2  }
0x1e: {  	s7 =	smul.u32 @!p0 $0xF7A, s2;
	p2 =	seq.s32 @!p0 s5, $0x0  }
0x1f: {  	s9 =	smul.u32 $0xF7A, s1;
	s8 =	simm.s32 @!p0 $0x1BF5;
	p2 =	por !p2, p0  }
0x20: {  	[sflag:s8] =	ssyncset.s32 @!p0 $0xFFFFF086;
	s6 =	sadd.s32 @!p0 s3, s7;
	s7 =	simm.s32 @!p0 $0x108  }
0x21: {  	s3 =	sadd.s32 s3, s9;
	s6 =	sadd.s32 @!p0 $0x88, s6;
	s7 =	simm.s32 @p2 $0x1082  }
0x22: {  	[simem:s7], [sflag:s8] =	dma.local @!p0 [hbm:s6], $0xF7A  }
0x23: {  	s9 =	sor.u32 $0xD0000000, s2;
	s6 =	simm.s32 $0x108;
	_ =	swait.ge @!p0 [sflag:s8], $0x0  }
0x24: {  	s3 =	sadd.s32 $0x88, s3;
	s6 =	simm.s32 @!p1 $0x1082;
	[sflag:s4] =	ssyncset.s32 $0xFFFFF086  }
0x25: {  	[simem:s6], [sflag:s4] =	dma.local [hbm:s3], $0xF7A  }
0x26: {  	[smem:$0x3F9B] =	sst s1;
	(tag) =	ssettag s2;
	_ =	strace s9  }
0x27: {  	s1 =	sld [smem:$0x3FAB]  }
0x28: {  	s2 =	sld [smem:$0x3FAC]  }
0x29: {  	s4 =	sld [smem:$0x3FAE]  }
0x2a: {  	p0 =	seq.s32 s5, $0x0;
	s5 =	sld [smem:$0x3FAF]  }
0x2b: {  	s6 =	sld [smem:$0x3FB0]  }
0x2c: {  	s7 =	sld [smem:$0x3FB1]  }
0x2d: {  	s3 =	simm.s32 $0x108;
	s8 =	sld [smem:$0x3FB2]  }
0x2e: {  	s3 =	simm.s32 @!p0 $0x1082;
	s9 =	sld [smem:$0x3FB3]  }
0x2f: {  	lr =	sadd.s32 s0, s3;
	s0 =	sld [smem:$0x3FAA]  }
0x30: {  	s3 =	sld [smem:$0x3FAD]  }
0x31: {  	[smem:$0x3FB6] =	sst s10  }
0x32: {  	s10 =	sld [smem:$0x3FB4];
	_ =	sdelay $0x3  }
0x33: {  	p0 =	seq.s32 s10, $0x1;
	s10 =	sld [smem:$0x3FB6];
	_ =	sdelay $0x3  }
0x34: {  	[smem:$0x3FB6] =	sst s10  }
0x35: {  	s10 =	sld [smem:$0x3FB5];
	_ =	sdelay $0x3  }
0x36: {  	p1 =	seq.s32 s10, $0x1;
	s10 =	sld [smem:$0x3FB6];
	_ =	sdelay $0x3  }
0x37: {  	[smem:$0x3FB6] =	sst s10  }
0x38: {  	s10 =	sld [smem:$0x3FB7]  }
0x39: {  	_ = 	snop;
	(pc) =	sbr.ind lr, $3  }
0x3a: {  	_ = 	snop  }
0x3b: {  	_ = 	snop  }
0x3c: {  	p2 =	seq.s32 s10, $0x1;
	s10 =	sld [smem:$0x3FB6]  }
0x3d: {  	_ =	shalt  }
0x3e: {  	_ =	shalt  }
0x3f: {  	_ =	shalt  }
0x40: {  	_ =	shalt  }
0x41: {  	_ =	shalt  }
0x42: {  	_ =	shalt  }
0x43: {  	_ =	shalt  }
0x44: {  	_ =	shalt  }
0x45: {  	_ =	shalt  }
0x46: {  	_ =	shalt  }
0x47: {  	_ =	shalt  }
0x48: {  	_ =	shalt  }
0x49: {  	_ =	shalt  }
0x4a: {  	_ =	shalt  }
0x4b: {  	_ =	shalt  }
0x4c: {  	_ =	shalt  }
0x4d: {  	_ =	shalt  }
0x4e: {  	_ =	shalt  }
0x4f: {  	_ =	shalt  }
0x50: {  	_ =	shalt  }
0x51: {  	_ =	shalt  }
0x52: {  	_ =	shalt  }
0x53: {  	_ =	shalt  }
0x54: {  	_ =	shalt  }
0x55: {  	_ =	shalt  }
0x56: {  	_ =	shalt  }
0x57: {  	_ =	shalt  }
0x58: {  	_ =	shalt  }
0x59: {  	_ =	shalt  }
0x5a: {  	_ =	shalt  }
0x5b: {  	_ =	shalt  }
0x5c: {  	_ =	shalt  }
0x5d: {  	_ =	shalt  }
0x5e: {  	_ =	shalt  }
0x5f: {  	_ =	shalt  }
0x60: {  	_ =	shalt  }
0x61: {  	_ =	shalt  }
0x62: {  	_ =	shalt  }
0x63: {  	_ =	shalt  }
0x64: {  	_ =	shalt  }
0x65: {  	_ =	shalt  }
0x66: {  	_ =	shalt  }
0x67: {  	_ =	shalt  }
0x68: {  	_ =	shalt  }
0x69: {  	_ =	shalt  }
0x6a: {  	_ =	shalt  }
0x6b: {  	_ =	shalt  }
0x6c: {  	_ =	shalt  }
0x6d: {  	_ =	shalt  }
0x6e: {  	_ =	shalt  }
0x6f: {  	_ =	shalt  }
0x70: {  	_ =	shalt  }
0x71: {  	_ =	shalt  }
0x72: {  	_ =	shalt  }
0x73: {  	_ =	shalt  }
0x74: {  	_ =	shalt  }
0x75: {  	_ =	shalt  }
0x76: {  	_ =	shalt  }
0x77: {  	_ =	shalt  }
0x78: {  	_ =	shalt  }
0x79: {  	_ =	shalt  }
0x7a: {  	_ =	shalt  }
0x7b: {  	_ =	shalt  }
0x7c: {  	_ =	shalt  }
0x7d: {  	_ =	shalt  }
0x7e: {  	_ =	shalt  }
0x7f: {  	_ =	shalt  }
0x80: {  	_ =	shalt  }
0x81: {  	_ =	shalt  }
0x82: {  	_ =	shalt  }
0x83: {  	_ =	shalt  }
0x84: {  	_ =	shalt  }
0x85: {  	_ =	shalt  }
0x86: {  	_ =	shalt  }
0x87: {  	_ =	shalt  }
.Lfunc_end0:
.L_simem_size_0:
called_computation.2_lowered:
.L_overlay_start_0:
0x88: {  	s2 =	sld [smem:$0x3FD9]  }
0x89: {  	s3 =	sld [smem:$0x3FFE];
	_ =	sdelay $0x1  }
0x8a: {  	s1 =	srdreg.scid  }
0x8b: {  	s0 =	sand.u32 $0x1, s1  }
0x8c: {  	s17 =	sshll.u32 s0, $0xA;
	s2 =	sadd.s32 s3, s2  }
0x8d: {  	s2 =	sadd.s32 s2, s17  }
0x8e: {  	[smem:$0x3FC2] =	sst s2  }
0x8f: {  	_ = 	snop  }
0x90: {  	s2 =	sld [smem:$0x3FD0];
	(tm) =	ssettm $0x1  }
0x91: {  	s18 =	sld [smem:$0x3FFB];
	_ =	sdelay $0x3  }
0x92: {  	_ =	strace s18  }
0x93: {  	s3 =	sld [smem:$0x3FFC];
	_ =	sdelay $0x3  }
0x94: {  	_ =	strace s3  }
0x95: {  	s3 =	sld [smem:$0x3FFD];
	_ =	sdelay $0x3  }
0x96: {  	_ =	strace s3  }
0x97: {  	_ =	strace $0x8FFFFFFF  }
0x98: {  	s19 =	sld [smem:$0x3FDB];
	_ =	sdelay $0x1  }
0x99: {  	s4 =	simm.s32 $_scs_section_size  }
0x9a: {  	s5 =	simm.s32 $_size__tile_overlayer_lowered;
	s6 =	simm.s32 $_tile_overlayer_lowered  }
0x9b: {  	s22 =	simm.s32 $0x1BFF;
	s21 =	sshll.u32 s6, $0x1;
	s3 =	sadd.s32 s4, s19  }
0x9c: {  	s7 =	simm.s32 $0x0;
	s20 =	sshll.u32 s5, $0x1;
	s5 =	sadd.s32 s21, s3  }
0x9d: {  	[timem:s7], [sflag:s22] =	dma.local [hbm:s5], s20  }
0x9e: {  	_ =	swait.ge [sflag:s22], s20  }
0x9f: {  	s4 =	ssub.s32 $0x0, s20;
	[sflag:s22] =	ssyncset.done $0x0  }
0xa0: {  	[sflag:s22] =	ssyncadd.s32 s4;
	_ =	sdelay $0x1  }
0xa1: {  	s23 =	simm.s32 $0x1B8B  }
0xa2: {  	_ =	swait.ge [sflag:s23], $0x1  }
0xa3: {  	[sflag:s23] =	ssyncset.done $0x0  }
0xa4: {  	s25 =	simm.s32 $0x1B8E;
	s24 =	sld [smem:$0x3FFE];
	[sflag:s23] =	ssyncadd.s32 $0xFFFFFFFF  }
0xa5: {  	s26 =	simm.s32 $execute0_lowered;
	[smem:$0x3FD2] =	sst s25  }
0xa6: {  	s5 =	sshll.u32 s26, $0x1;
	_ =	strace $0x8000004C;
	[dreg:$0x1] =	wrdreg $0xFFFFFFFF  }
0xa7: {  	s28 =	simm.s32 $_size_execute0_lowered;
	s3 =	sadd.s32 s3, s5;
	[dreg:$0x0] =	wrdreg $0x0  }
0xa8: {  	s5 =	sshll.u32 s28, $0x1;
	[dreg:$0x2] =	wrdreg s3  }
0xa9: {  	[dreg:$0x3] =	wrdreg s5  }
0xaa: {  	[dreg:$0x4] =	wrdreg $0xC0  }
0xab: {  	_ =	task [dreg:s7], $0x5FFFF  }
0xac: {  	[dreg:$0x1] =	wrdreg $0xFFFFFFFF  }
0xad: {  	[dreg:$0x0] =	wrdreg $0x60  }
0xae: {  	[dreg:$0x2] =	wrdreg s2  }
0xaf: {  	[dreg:$0x3] =	wrdreg s24  }
0xb0: {  	[dreg:$0x4] =	wrdreg $0xA8000  }
0xb1: {  	[dreg:$0x5] =	wrdreg $0x9  }
0xb2: {  	_ =	task.clear_ibuf [dreg:s7], $0x6FFFF;
	_ =	strace $0x9000004C  }
0xb3: {  	s29 =	simm.s32 $0x9;
	_ =	strace $0x8000004E  }
0xb4: {  	_ =	swait.ge [sflag:s29], $0x1  }
0xb5: {  	[sflag:s29] =	ssyncadd.s32 $0xFFFFFFFF  }
0xb6: {  	_ =	strace $0x9000004E  }
0xb7: {  	_ =	sfence  }
0xb8: {  	s30 =	sld [smem:$0x0];
	_ =	sdelay $0x2  }
0xb9: {  	s31 =	sshll.u32 s1, $0xD;
	s1 =	sshrl.u32 s1, $0x2  }
0xba: {  	s3 =	sand.u32 $0x4000, s31;
	s1 =	sadd.s32 s1, s30  }
0xbb: {  	s0 =	sor.u32 s3, s0;
	s1 =	sshll.u32 s1, $0x11  }
0xbc: {  	s0 =	sor.u32 s1, s0  }
0xbd: {  	s0 =	sadd.s32 $0x8F2B, s0  }
0xbe: {  	[sflag:s0] =	ssyncadd.remote.s32 $0x1  }
0xbf: {  	_ =	sfence.sel $0xFFFF  }
0xc0: {  	[dreg:$0x0] =	wrdreg $0xFFFFFFFF;
	(pc) =	sbr.abs _section_cstart, $3  }
0xc1: {  	[dreg:$0x1] =	wrdreg $0xFFFFFFFF  }
0xc2: {  	_ =	task.clear_ibuf [dreg:s7], $0x2FFFF;
	_ =	strace $0x9FFFFFFF  }
0xc3: {  	(tm) =	ssettm $0x7FFFFFFF  }
tec
execute0_lowered:
.L_overlay_start_1:
0x0: {  	(tag) =	ssettag $0x1  }
0x1: {  	s1 =	rddreg [dreg:$0x0]  }
0x2: {  	s8 =	rddreg [dreg:$0x1]  }
0x3: {  	s3 =	rddreg [dreg:$0x2]  }
0x4: {  	s0 =	rddreg [dreg:$0x3]  }
0x5: {  	s4 =	simm.s32 $0x0;
	s2 =	stileid.u32;
	s7 =	srdreg.scid  }
0x6: {  	s17 =	simm.s32 $0x80;
	s18 =	simm.s32 $0x2800;
	s19 =	simm.s32 $0x6800  }
0x7: {  	s20 =	simm.s32 $0x1;
	s21 =	simm.s32 $0x2;
	s22 =	simm.s32 $0x3  }
0x8: {  	s23 =	simm.s32 $0x4;
	s24 =	simm.s32 $0x2700;
	s25 =	simm.s32 $0x2780  }
0x9: {  	s26 =	simm.s32 $0x0;
	[smem:$0x7FF] =	sst s4;
	s6 =	smul.u32 $0x500, s2  }
0xa: {  	s5 =	sadd.s32 $0x37000, s8;
	s14 =	sand.u32 $0x1, s7;
	s9 =	smul.u32 $0x4F000, s2  }
0xb: {  	s7 =	sadd.s32 $0x88800, s8;
	s13 =	sshll.u32 s2, $0x6;
	_ =	strace $0x8000004D  }
0xc: {  	s10 =	ssub.s32 $0x2, s14;
	p0 =	sne.s32 s14, $0x0;
	s11 =	sadd.s32 s6, s8  }
.Ltmp0:
0xd: {  	s6 =	sadd.s32 $0x86000, s8;
	s12 =	sshrl.u32 s10, $0x1;
	(pc) =	sbr.rel .LBB2_1-.Ltmp0, $4  }
0xe: {  	s8 =	sadd.s32 $0xB0000, s8;
	s9 =	sshrl.u32 s9, $0x2;
	s15 =	ssub.s32 s10, s12  }
0xf: {  	s16 =	sadd.s32 s9, s3;
	s9 =	sor.u32 $0x1C05, s13;
	s10 =	sadd.s32 $0xA200, s11  }
0x10: {  	s11 =	sadd.s32 $0x5200, s11;
	s12 =	smul.u32 $0x2780, s2;
	s13 =	smax.u32 s15, $0x1  }
0x11: {  	s14 =	sshrl.u32 s16, $0x3;
	s15 =	simm.s32 $0x5;
	s16 =	simm.s32 $0x1400  }
.LBB2_11:
0x12: {  	[tilespmem:s19], [sflag:$0x2] =	stream.indirect.gather [hbm4b:s5+s17], $0x80, s29, s17, $0xb8;
	[tilespmem:$0x1E400] =	vst v63  }
0x13: {  	s28 =	smov.u32 s8  }
.LBB2_12:
0x14: {  	_ =	swait.ge [sflag:s20], $0x4000  }
0x15: {  	[sflag:s20] =	ssyncset.done $0x0  }
0x16: {  	[sflag:s20] =	ssyncadd.s32 $0xFFFFC000  }
0x17: {  	[spmem:s3] =	stream.indirect.scatter.add.f32 [tilespmem:s18], [sflag:$0x3], $0x80, s24, s17, $0xb8;
	[tilespmem:$0x1E400] =	vst v63  }
0x18: {  	_ =	swait.ge [sflag:s21], $0x4000  }
0x19: {  	[sflag:s21] =	ssyncset.done $0x0  }
0x1a: {  	[sflag:s21] =	ssyncadd.s32 $0xFFFFC000  }
0x1b: {  	[spmem:s3] =	stream.indirect.scatter.add.f32 [tilespmem:s19], [sflag:$0x4], $0x80, s25, s17, $0xb8;
	[tilespmem:$0x1E400] =	vst v63  }
0x1c: {  	_ =	swait.ge [sflag:s22], $0x4000  }
0x1d: {  	[sflag:s22] =	ssyncset.done $0x0  }
0x1e: {  	[sflag:s22] =	ssyncadd.s32 $0xFFFFC000  }
0x1f: {  	_ =	swait.ge [sflag:s23], $0x4000  }
0x20: {  	s26 =	sadd.s32 $0x1, s26;
	[sflag:s23] =	ssyncset.done $0x0  }
0x21: {  	p1 =	sne.s32 s26, s13;
	[sflag:s23] =	ssyncadd.s32 $0xFFFFC000  }
.Ltmp1:
0x22: {  	s28 =	sadd.s32 s28, s12;
	[bflag:$0x0] =	sbarrier.arrive $0xFFFF;
	(pc) =	sbr.rel @!p1 .LBB2_13-.Ltmp1, $4  }
0x23: {  	[hbm:s28], [sflag:s9] =	dma.local [spmem:s14], $0x2780  }
0x24: {  	_ =	swait.ge [sflag:s15], $0x2780  }
0x25: {  	[sflag:s15] =	ssyncset.done $0x0  }
0x26: {  	[sflag:s15] =	ssyncadd.s32 $0xFFFFD880  }
.LBB2_1:
0x27: {  	[spmem:s14], [sflag:s9] =	dma.local [hbm:s6], $0x2780  }
0x28: {  	_ =	swait.ge [sflag:s15], $0x2780  }
0x29: {  	[sflag:s15] =	ssyncset.done $0x0  }
0x2a: {  	[sflag:s15] =	ssyncadd.s32 $0xFFFFD880  }
0x2b: {  	[bflag:$0x0] =	sbarrier.arrive $0xFFFF  }
0x2c: {  	[tilespmem:s4], [sflag:$0x5] =	stream.linear.gather [hbm4b:s10+s4], $0x1400, $0x38;
	[tilespmem:$0x1E400] =	vst v63  }
0x2d: {  	_ =	swait.ge [sflag:s15], $0x1400  }
0x2e: {  	[sflag:s15] =	ssyncset.done $0x0  }
.Ltmp2:
0x2f: {  	[sflag:s15] =	ssyncadd.s32 $0xFFFFEC00;
	(pc) =	sbr.rel @p0 .LBB2_7-.Ltmp2, $4  }
0x30: {  	[tilespmem:s16], [sflag:$0x5] =	stream.linear.gather [hbm4b:s11+s4], $0x1400, $0x38;
	[tilespmem:$0x1E400] =	vst v63  }
0x31: {  	_ =	swait.ge [sflag:s15], $0x1400  }
0x32: {  	[sflag:s15] =	ssyncset.done $0x0  }
0x33: {  	s28 =	simm.s32 $0x0;
	[sflag:s15] =	ssyncadd.s32 $0xFFFFEC00  }
0x34: {  	[tilespmem:s18], [sflag:$0x1] =	stream.indirect.gather [hbm4b:s1+s17], $0x80, s28, s17, $0xb8;
	[tilespmem:$0x1E400] =	vst v63  }
0x35: {  	_ = 	snop  }
0x36: {  	[tilespmem:s19], [sflag:$0x2] =	stream.indirect.gather [hbm4b:s1+s17], $0x80, s17, s17, $0xb8;
	[tilespmem:$0x1E400] =	vst v63  }
0x37: {  	_ =	swait.ge [sflag:s20], $0x4000  }
0x38: {  	[sflag:s20] =	ssyncset.done $0x0  }
0x39: {  	s28 =	simm.s32 $0x1400;
	[sflag:s20] =	ssyncadd.s32 $0xFFFFC000  }
0x3a: {  	[spmem:s3] =	stream.indirect.scatter.add.f32 [tilespmem:s18], [sflag:$0x3], $0x80, s28, s17, $0xb8;
	[tilespmem:$0x1E400] =	vst v63  }
0x3b: {  	_ =	swait.ge [sflag:s21], $0x4000  }
0x3c: {  	[sflag:s21] =	ssyncset.done $0x0  }
0x3d: {  	s28 =	simm.s32 $0x1480;
	[sflag:s21] =	ssyncadd.s32 $0xFFFFC000  }
0x3e: {  	[spmem:s3] =	stream.indirect.scatter.add.f32 [tilespmem:s19], [sflag:$0x4], $0x80, s28, s17, $0xb8;
	[tilespmem:$0x1E400] =	vst v63  }
0x3f: {  	_ =	swait.ge [sflag:s22], $0x4000  }
0x40: {  	[sflag:s22] =	ssyncset.done $0x0  }
0x41: {  	s28 =	simm.s32 $0x100;
	[sflag:s22] =	ssyncadd.s32 $0xFFFFC000  }
0x42: {  	[tilespmem:s18], [sflag:$0x1] =	stream.indirect.gather [hbm4b:s1+s17], $0x80, s28, s17, $0xb8;
	[tilespmem:$0x1E400] =	vst v63  }
0x43: {  	_ =	swait.ge [sflag:s23], $0x4000  }
0x44: {  	[sflag:s23] =	ssyncset.done $0x0  }
0x45: {  	s29 =	simm.s32 $0x180;
	s28 =	simm.s32 $0x400;
	[sflag:s23] =	ssyncadd.s32 $0xFFFFC000  }
.LBB2_3:
0x46: {  	[tilespmem:s19], [sflag:$0x2] =	stream.indirect.gather [hbm4b:s1+s17], $0x80, s29, s17, $0xb8;
	[tilespmem:$0x1E400] =	vst v63  }
0x47: {  	s29 =	smov.u32 s28  }
0x48: {  	p1 =	sne.s32 s28, $0x4800;
	s28 =	sadd.s32 $0x400, s28;
	_ =	swait.ge [sflag:s20], $0x4000  }
0x49: {  	s29 =	sshra.s32 s29, $0x2;
	[sflag:s20] =	ssyncset.done $0x0  }
0x4a: {  	s30 =	sadd.s32 $0x1400, s29;
	[sflag:s20] =	ssyncadd.s32 $0xFFFFC000  }
0x4b: {  	[spmem:s3] =	stream.indirect.scatter.add.f32 [tilespmem:s18], [sflag:$0x3], $0x80, s30, s17, $0xb8;
	[tilespmem:$0x1E400] =	vst v63  }
0x4c: {  	_ =	swait.ge [sflag:s21], $0x4000  }
0x4d: {  	[sflag:s21] =	ssyncset.done $0x0  }
0x4e: {  	s30 =	sadd.s32 $0x1480, s29;
	[sflag:s21] =	ssyncadd.s32 $0xFFFFC000  }
0x4f: {  	[spmem:s3] =	stream.indirect.scatter.add.f32 [tilespmem:s19], [sflag:$0x4], $0x80, s30, s17, $0xb8;
	[tilespmem:$0x1E400] =	vst v63  }
0x50: {  	_ =	swait.ge [sflag:s22], $0x4000  }
0x51: {  	[sflag:s22] =	ssyncset.done $0x0  }
.Ltmp3:
0x52: {  	s30 =	sadd.s32 $0x100, s29;
	[sflag:s22] =	ssyncadd.s32 $0xFFFFC000;
	(pc) =	sbr.rel @p1 .LBB2_3-.Ltmp3, $4  }
0x53: {  	[tilespmem:s18], [sflag:$0x1] =	stream.indirect.gather [hbm4b:s1+s17], $0x80, s30, s17, $0xb8;
	[tilespmem:$0x1E400] =	vst v63  }
0x54: {  	_ =	swait.ge [sflag:s23], $0x4000  }
0x55: {  	[sflag:s23] =	ssyncset.done $0x0  }
0x56: {  	s29 =	sadd.s32 $0x180, s29;
	[sflag:s23] =	ssyncadd.s32 $0xFFFFC000  }
0x57: {  	[tilespmem:s19], [sflag:$0x2] =	stream.indirect.gather [hbm4b:s1+s17], $0x80, s29, s17, $0xb8;
	[tilespmem:$0x1E400] =	vst v63  }
0x58: {  	_ =	swait.ge [sflag:s20], $0x4000  }
0x59: {  	[sflag:s20] =	ssyncset.done $0x0  }
0x5a: {  	[sflag:s20] =	ssyncadd.s32 $0xFFFFC000  }
0x5b: {  	[spmem:s3] =	stream.indirect.scatter.add.f32 [tilespmem:s18], [sflag:$0x3], $0x80, s24, s17, $0xb8;
	[tilespmem:$0x1E400] =	vst v63  }
0x5c: {  	_ =	swait.ge [sflag:s21], $0x4000  }
0x5d: {  	[sflag:s21] =	ssyncset.done $0x0  }
0x5e: {  	[sflag:s21] =	ssyncadd.s32 $0xFFFFC000  }
0x5f: {  	[spmem:s3] =	stream.indirect.scatter.add.f32 [tilespmem:s19], [sflag:$0x4], $0x80, s25, s17, $0xb8;
	[tilespmem:$0x1E400] =	vst v63  }
0x60: {  	_ =	swait.ge [sflag:s22], $0x4000  }
0x61: {  	[sflag:s22] =	ssyncset.done $0x0  }
0x62: {  	[sflag:s22] =	ssyncadd.s32 $0xFFFFC000  }
0x63: {  	_ =	swait.ge [sflag:s23], $0x4000  }
0x64: {  	[sflag:s23] =	ssyncset.done $0x0  }
0x65: {  	s28 =	sadd.s32 $0x280, s10;
	s29 =	simm.s32 $0x0;
	[sflag:s23] =	ssyncadd.s32 $0xFFFFC000  }
0x66: {  	[tilespmem:s29], [sflag:$0x5] =	stream.linear.gather [hbm4b:s28+s29], $0x1400, $0x38;
	[tilespmem:$0x1E400] =	vst v63  }
0x67: {  	_ =	swait.ge [sflag:s15], $0x1400  }
0x68: {  	[sflag:s15] =	ssyncset.done $0x0  }
0x69: {  	s28 =	sadd.s32 $0x280, s11;
	[sflag:s15] =	ssyncadd.s32 $0xFFFFEC00  }
0x6a: {  	[tilespmem:s16], [sflag:$0x5] =	stream.linear.gather [hbm4b:s28+s29], $0x1400, $0x38;
	[tilespmem:$0x1E400] =	vst v63  }
0x6b: {  	_ =	swait.ge [sflag:s15], $0x1400  }
0x6c: {  	[sflag:s15] =	ssyncset.done $0x0  }
0x6d: {  	[sflag:s15] =	ssyncadd.s32 $0xFFFFEC00  }
0x6e: {  	[tilespmem:s18], [sflag:$0x1] =	stream.indirect.gather [hbm4b:s1+s17], $0x80, s29, s17, $0xb8;
	[tilespmem:$0x1E400] =	vst v63  }
0x6f: {  	_ = 	snop  }
0x70: {  	[tilespmem:s19], [sflag:$0x2] =	stream.indirect.gather [hbm4b:s1+s17], $0x80, s17, s17, $0xb8;
	[tilespmem:$0x1E400] =	vst v63  }
0x71: {  	_ =	swait.ge [sflag:s20], $0x4000  }
0x72: {  	[sflag:s20] =	ssyncset.done $0x0  }
0x73: {  	s28 =	simm.s32 $0x1400;
	[sflag:s20] =	ssyncadd.s32 $0xFFFFC000  }
0x74: {  	[spmem:s3] =	stream.indirect.scatter.add.f32 [tilespmem:s18], [sflag:$0x3], $0x80, s28, s17, $0xb8;
	[tilespmem:$0x1E400] =	vst v63  }
0x75: {  	_ =	swait.ge [sflag:s21], $0x4000  }
0x76: {  	[sflag:s21] =	ssyncset.done $0x0  }
0x77: {  	s28 =	simm.s32 $0x1480;
	[sflag:s21] =	ssyncadd.s32 $0xFFFFC000  }
0x78: {  	[spmem:s3] =	stream.indirect.scatter.add.f32 [tilespmem:s19], [sflag:$0x4], $0x80, s28, s17, $0xb8;
	[tilespmem:$0x1E400] =	vst v63  }
0x79: {  	_ =	swait.ge [sflag:s22], $0x4000  }
0x7a: {  	[sflag:s22] =	ssyncset.done $0x0  }
0x7b: {  	s28 =	simm.s32 $0x100;
	[sflag:s22] =	ssyncadd.s32 $0xFFFFC000  }
0x7c: {  	[tilespmem:s18], [sflag:$0x1] =	stream.indirect.gather [hbm4b:s1+s17], $0x80, s28, s17, $0xb8;
	[tilespmem:$0x1E400] =	vst v63  }
0x7d: {  	_ =	swait.ge [sflag:s23], $0x4000  }
0x7e: {  	[sflag:s23] =	ssyncset.done $0x0  }
0x7f: {  	s29 =	simm.s32 $0x180;
	s28 =	simm.s32 $0x400;
	[sflag:s23] =	ssyncadd.s32 $0xFFFFC000  }
.LBB2_5:
0x80: {  	[tilespmem:s19], [sflag:$0x2] =	stream.indirect.gather [hbm4b:s1+s17], $0x80, s29, s17, $0xb8;
	[tilespmem:$0x1E400] =	vst v63  }
0x81: {  	s29 =	smov.u32 s28  }
0x82: {  	p1 =	seq.s32 s28, $0x4800;
	s28 =	sadd.s32 $0x400, s28;
	_ =	swait.ge [sflag:s20], $0x4000  }
0x83: {  	s29 =	sshra.s32 s29, $0x2;
	[sflag:s20] =	ssyncset.done $0x0  }
0x84: {  	s30 =	sadd.s32 $0x1400, s29;
	[sflag:s20] =	ssyncadd.s32 $0xFFFFC000  }
0x85: {  	[spmem:s3] =	stream.indirect.scatter.add.f32 [tilespmem:s18], [sflag:$0x3], $0x80, s30, s17, $0xb8;
	[tilespmem:$0x1E400] =	vst v63  }
0x86: {  	_ =	swait.ge [sflag:s21], $0x4000  }
0x87: {  	[sflag:s21] =	ssyncset.done $0x0  }
0x88: {  	s30 =	sadd.s32 $0x1480, s29;
	[sflag:s21] =	ssyncadd.s32 $0xFFFFC000  }
0x89: {  	[spmem:s3] =	stream.indirect.scatter.add.f32 [tilespmem:s19], [sflag:$0x4], $0x80, s30, s17, $0xb8;
	[tilespmem:$0x1E400] =	vst v63  }
0x8a: {  	_ =	swait.ge [sflag:s22], $0x4000  }
0x8b: {  	[sflag:s22] =	ssyncset.done $0x0  }
.Ltmp4:
0x8c: {  	s30 =	sadd.s32 $0x100, s29;
	[sflag:s22] =	ssyncadd.s32 $0xFFFFC000;
	(pc) =	sbr.rel @!p1 .LBB2_5-.Ltmp4, $4  }
0x8d: {  	[tilespmem:s18], [sflag:$0x1] =	stream.indirect.gather [hbm4b:s1+s17], $0x80, s30, s17, $0xb8;
	[tilespmem:$0x1E400] =	vst v63  }
0x8e: {  	_ =	swait.ge [sflag:s23], $0x4000  }
0x8f: {  	[sflag:s23] =	ssyncset.done $0x0  }
0x90: {  	s29 =	sadd.s32 $0x180, s29;
	[sflag:s23] =	ssyncadd.s32 $0xFFFFC000  }
.Ltmp5:
0x91: {  	(pc) =	sbr.rel .LBB2_12-.Ltmp5, $3  }
0x92: {  	_ =	sdelay $0x1  }
0x93: {  	[tilespmem:s19], [sflag:$0x2] =	stream.indirect.gather [hbm4b:s1+s17], $0x80, s29, s17, $0xb8;
	[tilespmem:$0x1E400] =	vst v63  }
0x94: {  	s28 =	smov.u32 s7  }
.LBB2_7:
0x95: {  	[tilespmem:s18], [sflag:$0x1] =	stream.indirect.gather [hbm4b:s5+s17], $0x80, s28, s17, $0xb8;
	[tilespmem:$0x1E400] =	vst v63  }
0x96: {  	_ = 	snop  }
0x97: {  	[tilespmem:s19], [sflag:$0x2] =	stream.indirect.gather [hbm4b:s5+s17], $0x80, s17, s17, $0xb8;
	[tilespmem:$0x1E400] =	vst v63  }
0x98: {  	_ =	swait.ge [sflag:s20], $0x4000  }
0x99: {  	[sflag:s20] =	ssyncset.done $0x0  }
0x9a: {  	s28 =	simm.s32 $0x1400;
	[sflag:s20] =	ssyncadd.s32 $0xFFFFC000  }
0x9b: {  	[spmem:s3] =	stream.indirect.scatter.add.f32 [tilespmem:s18], [sflag:$0x3], $0x80, s28, s17, $0xb8;
	[tilespmem:$0x1E400] =	vst v63  }
0x9c: {  	_ =	swait.ge [sflag:s21], $0x4000  }
0x9d: {  	[sflag:s21] =	ssyncset.done $0x0  }
0x9e: {  	s28 =	simm.s32 $0x1480;
	[sflag:s21] =	ssyncadd.s32 $0xFFFFC000  }
0x9f: {  	[spmem:s3] =	stream.indirect.scatter.add.f32 [tilespmem:s19], [sflag:$0x4], $0x80, s28, s17, $0xb8;
	[tilespmem:$0x1E400] =	vst v63  }
0xa0: {  	_ =	swait.ge [sflag:s22], $0x4000  }
0xa1: {  	[sflag:s22] =	ssyncset.done $0x0  }
0xa2: {  	s28 =	simm.s32 $0x100;
	[sflag:s22] =	ssyncadd.s32 $0xFFFFC000  }
0xa3: {  	[tilespmem:s18], [sflag:$0x1] =	stream.indirect.gather [hbm4b:s5+s17], $0x80, s28, s17, $0xb8;
	[tilespmem:$0x1E400] =	vst v63  }
0xa4: {  	_ =	swait.ge [sflag:s23], $0x4000  }
0xa5: {  	[sflag:s23] =	ssyncset.done $0x0  }
0xa6: {  	s29 =	simm.s32 $0x180;
	s28 =	simm.s32 $0x400;
	[sflag:s23] =	ssyncadd.s32 $0xFFFFC000  }
.LBB2_8:
0xa7: {  	[tilespmem:s19], [sflag:$0x2] =	stream.indirect.gather [hbm4b:s5+s17], $0x80, s29, s17, $0xb8;
	[tilespmem:$0x1E400] =	vst v63  }
0xa8: {  	s29 =	smov.u32 s28  }
0xa9: {  	p1 =	sne.s32 s28, $0x4800;
	s28 =	sadd.s32 $0x400, s28;
	_ =	swait.ge [sflag:s20], $0x4000  }
0xaa: {  	s29 =	sshra.s32 s29, $0x2;
	[sflag:s20] =	ssyncset.done $0x0  }
0xab: {  	s30 =	sadd.s32 $0x1400, s29;
	[sflag:s20] =	ssyncadd.s32 $0xFFFFC000  }
0xac: {  	[spmem:s3] =	stream.indirect.scatter.add.f32 [tilespmem:s18], [sflag:$0x3], $0x80, s30, s17, $0xb8;
	[tilespmem:$0x1E400] =	vst v63  }
0xad: {  	_ =	swait.ge [sflag:s21], $0x4000  }
0xae: {  	[sflag:s21] =	ssyncset.done $0x0  }
0xaf: {  	s30 =	sadd.s32 $0x1480, s29;
	[sflag:s21] =	ssyncadd.s32 $0xFFFFC000  }
0xb0: {  	[spmem:s3] =	stream.indirect.scatter.add.f32 [tilespmem:s19], [sflag:$0x4], $0x80, s30, s17, $0xb8;
	[tilespmem:$0x1E400] =	vst v63  }
0xb1: {  	_ =	swait.ge [sflag:s22], $0x4000  }
0xb2: {  	[sflag:s22] =	ssyncset.done $0x0  }
.Ltmp6:
0xb3: {  	s30 =	sadd.s32 $0x100, s29;
	[sflag:s22] =	ssyncadd.s32 $0xFFFFC000;
	(pc) =	sbr.rel @p1 .LBB2_8-.Ltmp6, $4  }
0xb4: {  	[tilespmem:s18], [sflag:$0x1] =	stream.indirect.gather [hbm4b:s5+s17], $0x80, s30, s17, $0xb8;
	[tilespmem:$0x1E400] =	vst v63  }
0xb5: {  	_ =	swait.ge [sflag:s23], $0x4000  }
0xb6: {  	[sflag:s23] =	ssyncset.done $0x0  }
0xb7: {  	s29 =	sadd.s32 $0x180, s29;
	[sflag:s23] =	ssyncadd.s32 $0xFFFFC000  }
0xb8: {  	[tilespmem:s19], [sflag:$0x2] =	stream.indirect.gather [hbm4b:s5+s17], $0x80, s29, s17, $0xb8;
	[tilespmem:$0x1E400] =	vst v63  }
0xb9: {  	_ =	swait.ge [sflag:s20], $0x4000  }
0xba: {  	[sflag:s20] =	ssyncset.done $0x0  }
0xbb: {  	[sflag:s20] =	ssyncadd.s32 $0xFFFFC000  }
0xbc: {  	[spmem:s3] =	stream.indirect.scatter.add.f32 [tilespmem:s18], [sflag:$0x3], $0x80, s24, s17, $0xb8;
	[tilespmem:$0x1E400] =	vst v63  }
0xbd: {  	_ =	swait.ge [sflag:s21], $0x4000  }
0xbe: {  	[sflag:s21] =	ssyncset.done $0x0  }
0xbf: {  	[sflag:s21] =	ssyncadd.s32 $0xFFFFC000  }
0xc0: {  	[spmem:s3] =	stream.indirect.scatter.add.f32 [tilespmem:s19], [sflag:$0x4], $0x80, s25, s17, $0xb8;
	[tilespmem:$0x1E400] =	vst v63  }
0xc1: {  	_ =	swait.ge [sflag:s22], $0x4000  }
0xc2: {  	[sflag:s22] =	ssyncset.done $0x0  }
0xc3: {  	[sflag:s22] =	ssyncadd.s32 $0xFFFFC000  }
0xc4: {  	_ =	swait.ge [sflag:s23], $0x4000  }
0xc5: {  	[sflag:s23] =	ssyncset.done $0x0  }
0xc6: {  	s28 =	sadd.s32 $0x280, s10;
	s29 =	simm.s32 $0x0;
	[sflag:s23] =	ssyncadd.s32 $0xFFFFC000  }
0xc7: {  	[tilespmem:s29], [sflag:$0x5] =	stream.linear.gather [hbm4b:s28+s29], $0x1400, $0x38;
	[tilespmem:$0x1E400] =	vst v63  }
0xc8: {  	_ =	swait.ge [sflag:s15], $0x1400  }
0xc9: {  	[sflag:s15] =	ssyncset.done $0x0  }
0xca: {  	s28 =	sadd.s32 $0x280, s11;
	[sflag:s15] =	ssyncadd.s32 $0xFFFFEC00  }
0xcb: {  	[tilespmem:s16], [sflag:$0x5] =	stream.linear.gather [hbm4b:s28+s29], $0x1400, $0x38;
	[tilespmem:$0x1E400] =	vst v63  }
0xcc: {  	_ =	swait.ge [sflag:s15], $0x1400  }
0xcd: {  	[sflag:s15] =	ssyncset.done $0x0  }
0xce: {  	[sflag:s15] =	ssyncadd.s32 $0xFFFFEC00  }
0xcf: {  	[tilespmem:s18], [sflag:$0x1] =	stream.indirect.gather [hbm4b:s5+s17], $0x80, s29, s17, $0xb8;
	[tilespmem:$0x1E400] =	vst v63  }
0xd0: {  	_ = 	snop  }
0xd1: {  	[tilespmem:s19], [sflag:$0x2] =	stream.indirect.gather [hbm4b:s5+s17], $0x80, s17, s17, $0xb8;
	[tilespmem:$0x1E400] =	vst v63  }
0xd2: {  	_ =	swait.ge [sflag:s20], $0x4000  }
0xd3: {  	[sflag:s20] =	ssyncset.done $0x0  }
0xd4: {  	s28 =	simm.s32 $0x1400;
	[sflag:s20] =	ssyncadd.s32 $0xFFFFC000  }
0xd5: {  	[spmem:s3] =	stream.indirect.scatter.add.f32 [tilespmem:s18], [sflag:$0x3], $0x80, s28, s17, $0xb8;
	[tilespmem:$0x1E400] =	vst v63  }
0xd6: {  	_ =	swait.ge [sflag:s21], $0x4000  }
0xd7: {  	[sflag:s21] =	ssyncset.done $0x0  }
0xd8: {  	s28 =	simm.s32 $0x1480;
	[sflag:s21] =	ssyncadd.s32 $0xFFFFC000  }
0xd9: {  	[spmem:s3] =	stream.indirect.scatter.add.f32 [tilespmem:s19], [sflag:$0x4], $0x80, s28, s17, $0xb8;
	[tilespmem:$0x1E400] =	vst v63  }
0xda: {  	_ =	swait.ge [sflag:s22], $0x4000  }
0xdb: {  	[sflag:s22] =	ssyncset.done $0x0  }
0xdc: {  	s28 =	simm.s32 $0x100;
	[sflag:s22] =	ssyncadd.s32 $0xFFFFC000  }
0xdd: {  	[tilespmem:s18], [sflag:$0x1] =	stream.indirect.gather [hbm4b:s5+s17], $0x80, s28, s17, $0xb8;
	[tilespmem:$0x1E400] =	vst v63  }
0xde: {  	_ =	swait.ge [sflag:s23], $0x4000  }
0xdf: {  	[sflag:s23] =	ssyncset.done $0x0  }
0xe0: {  	s29 =	simm.s32 $0x180;
	s28 =	simm.s32 $0x400;
	[sflag:s23] =	ssyncadd.s32 $0xFFFFC000  }
.LBB2_10:
0xe1: {  	[tilespmem:s19], [sflag:$0x2] =	stream.indirect.gather [hbm4b:s5+s17], $0x80, s29, s17, $0xb8;
	[tilespmem:$0x1E400] =	vst v63  }
0xe2: {  	s29 =	smov.u32 s28  }
0xe3: {  	p1 =	sne.s32 s28, $0x4800;
	s28 =	sadd.s32 $0x400, s28;
	_ =	swait.ge [sflag:s20], $0x4000  }
0xe4: {  	s29 =	sshra.s32 s29, $0x2;
	[sflag:s20] =	ssyncset.done $0x0  }
0xe5: {  	s30 =	sadd.s32 $0x1400, s29;
	[sflag:s20] =	ssyncadd.s32 $0xFFFFC000  }
0xe6: {  	[spmem:s3] =	stream.indirect.scatter.add.f32 [tilespmem:s18], [sflag:$0x3], $0x80, s30, s17, $0xb8;
	[tilespmem:$0x1E400] =	vst v63  }
0xe7: {  	_ =	swait.ge [sflag:s21], $0x4000  }
0xe8: {  	[sflag:s21] =	ssyncset.done $0x0  }
0xe9: {  	s30 =	sadd.s32 $0x1480, s29;
	[sflag:s21] =	ssyncadd.s32 $0xFFFFC000  }
0xea: {  	[spmem:s3] =	stream.indirect.scatter.add.f32 [tilespmem:s19], [sflag:$0x4], $0x80, s30, s17, $0xb8;
	[tilespmem:$0x1E400] =	vst v63  }
0xeb: {  	_ =	swait.ge [sflag:s22], $0x4000  }
0xec: {  	[sflag:s22] =	ssyncset.done $0x0  }
.Ltmp7:
0xed: {  	s30 =	sadd.s32 $0x100, s29;
	[sflag:s22] =	ssyncadd.s32 $0xFFFFC000;
	(pc) =	sbr.rel @p1 .LBB2_10-.Ltmp7, $4  }
0xee: {  	[tilespmem:s18], [sflag:$0x1] =	stream.indirect.gather [hbm4b:s5+s17], $0x80, s30, s17, $0xb8;
	[tilespmem:$0x1E400] =	vst v63  }
0xef: {  	_ =	swait.ge [sflag:s23], $0x4000  }
0xf0: {  	[sflag:s23] =	ssyncset.done $0x0  }
0xf1: {  	s29 =	sadd.s32 $0x180, s29;
	[sflag:s23] =	ssyncadd.s32 $0xFFFFC000  }
.Ltmp8:
0xf2: {  	_ = 	snop;
	(pc) =	sbr.rel .LBB2_11-.Ltmp8, $1  }
0xf3: {  	_ =	sdelay $0x3  }
.LBB2_13:
0xf4: {  	_ =	sfence.sel $0x180000  }
0xf5: {  	[bflag:$0x0] =	sbarrier.arrive $0xFFFF  }
0xf6: {  	p0 =	sne.s32 s2, $0x0;
	_ =	strace $0x9000004D  }
0xf7: {  	s0 =	sadd.s32 @!p0 $0x100000, s0;
	[bflag:$0x2] =	sbarrier.arrive $0xFFFF  }
0xf8: {  	[sflag:s0] =	ssyncadd.tile.s32 @!p0 $0x1;
	_ =	shalt  }
.Lfunc_end2:
_tile_overlayer_lowered:
.L_overlay_start_2:
0xf9: {  	(tag) =	ssettag $0x2  }
0xfa: {  	s0 =	rddreg [dreg:$0x0];
	s2 =	stileid.u32  }
0xfb: {  	s1 =	rddreg [dreg:$0x1];
	p0 =	sne.s32 s2, $0x0  }
0xfc: {  	s3 =	rddreg [dreg:$0x2];
	[bflag:$0x3] =	sbarrier.arrive $0xFFFF;
	s2 =	simm.s32 @!p0 $0x1C05  }
0xfd: {  	[timem:s3], [sflag:s2] =	dma.local @!p0 [hbm:s0], s1  }
0xfe: {  	s0 =	simm.s32 @!p0 $0x5  }
0xff: {  	_ =	swait.ge @!p0 [sflag:s0], s1  }
0x100: {  	s1 =	ssub.s32 @!p0 $0x0, s1;
	[sflag:s0] =	ssyncset.done @!p0 $0x0  }
0x101: {  	[sflag:s0] =	ssyncadd.s32 @!p0 s1  }
0x102: {  	[bflag:$0x3] =	sbarrier.arrive $0xFFFF  }
0x103: {  	_ =	shalt  }

// kernel: kernel.19.cloned.1.call-start
scs
__scs_entry_jumppad:
0x0: {  	(pc) =	sbr.rel $0x88, $3  }
0x1: {  	(tag) =	ssettag $0x0;
	lr =	simm.s32 $0x1  }
0x2: {  	[smem:$0x3F9B] =	sst lr;
	_ =	strace $0xD0000000  }
0x3: {  	_ = 	snop  }
0x4: {  	_ = 	snop  }
0x5: {  	_ = 	snop  }
0x6: {  	_ = 	snop  }
0x7: {  	_ = 	snop  }
__scs_overlays_trampoline_lowered:
0x8: {  	[smem:$0x3FAA] =	sst s0  }
0x9: {  	[smem:$0x3FAB] =	sst s1  }
0xa: {  	[smem:$0x3FAC] =	sst s2  }
0xb: {  	[smem:$0x3FAD] =	sst s3  }
0xc: {  	[smem:$0x3FAE] =	sst s4  }
0xd: {  	[smem:$0x3FAF] =	sst s5  }
0xe: {  	[smem:$0x3FB0] =	sst s6  }
0xf: {  	[smem:$0x3FB1] =	sst s7  }
0x10: {  	[smem:$0x3FB2] =	sst s8  }
0x11: {  	[smem:$0x3FB3] =	sst s9;
	s0 =	simm.s32 @!p0 $0x0  }
0x12: {  	s1 =	sld [smem:$0x3F99];
	s0 =	simm.s32 @p0 $0x1  }
0x13: {  	[smem:$0x3FB4] =	sst s0;
	s0 =	simm.s32 @!p1 $0x0  }
0x14: {  	s2 =	sld [smem:$0x3F98];
	s0 =	simm.s32 @p1 $0x1  }
0x15: {  	[smem:$0x3FB5] =	sst s0;
	s0 =	simm.s32 @!p2 $0x0  }
0x16: {  	s3 =	sld [smem:$0x3FDB];
	s0 =	simm.s32 @p2 $0x1  }
0x17: {  	s4 =	simm.s32 $0x1BF5;
	[smem:$0x3FB7] =	sst s0  }
0x18: {  	s0 =	sld [smem:$0x3F9A];
	_ =	swait.ge [sflag:s4], $0x0  }
0x19: {  	s7 =	sld [smem:$0x3F9B]  }
0x1a: {  	s8 =	sadd.s32 $0xFFFFE003, lr  }
0x1b: {  	s9 =	sadd.s32 $0xFFFFFEF7, lr;
	s5 =	simm.s32 $0xFFFFFFFF;
	p2 =	slt.u32 s8, $0xFFFFF086  }
0x1c: {  	p1 =	slt.u32 s9, $0xF7A;
	s5 =	simm.s32 @!p2 $0x0  }
0x1d: {  	s5 =	simm.s32 @p1 $0x1;
	p0 =	seq.s32 s7, s2  }
0x1e: {  	s7 =	smul.u32 @!p0 $0xF7A, s2;
	p2 =	seq.s32 @!p0 s5, $0x0  }
0x1f: {  	s9 =	smul.u32 $0xF7A, s1;
	s8 =	simm.s32 @!p0 $0x1BF5;
	p2 =	por !p2, p0  }
0x20: {  	[sflag:s8] =	ssyncset.s32 @!p0 $0xFFFFF086;
	s6 =	sadd.s32 @!p0 s3, s7;
	s7 =	simm.s32 @!p0 $0x108  }
0x21: {  	s3 =	sadd.s32 s3, s9;
	s6 =	sadd.s32 @!p0 $0x88, s6;
	s7 =	simm.s32 @p2 $0x1082  }
0x22: {  	[simem:s7], [sflag:s8] =	dma.local @!p0 [hbm:s6], $0xF7A  }
0x23: {  	s9 =	sor.u32 $0xD0000000, s2;
	s6 =	simm.s32 $0x108;
	_ =	swait.ge @!p0 [sflag:s8], $0x0  }
0x24: {  	s3 =	sadd.s32 $0x88, s3;
	s6 =	simm.s32 @!p1 $0x1082;
	[sflag:s4] =	ssyncset.s32 $0xFFFFF086  }
0x25: {  	[simem:s6], [sflag:s4] =	dma.local [hbm:s3], $0xF7A  }
0x26: {  	[smem:$0x3F9B] =	sst s1;
	(tag) =	ssettag s2;
	_ =	strace s9  }
0x27: {  	s1 =	sld [smem:$0x3FAB]  }
0x28: {  	s2 =	sld [smem:$0x3FAC]  }
0x29: {  	s4 =	sld [smem:$0x3FAE]  }
0x2a: {  	p0 =	seq.s32 s5, $0x0;
	s5 =	sld [smem:$0x3FAF]  }
0x2b: {  	s6 =	sld [smem:$0x3FB0]  }
0x2c: {  	s7 =	sld [smem:$0x3FB1]  }
0x2d: {  	s3 =	simm.s32 $0x108;
	s8 =	sld [smem:$0x3FB2]  }
0x2e: {  	s3 =	simm.s32 @!p0 $0x1082;
	s9 =	sld [smem:$0x3FB3]  }
0x2f: {  	lr =	sadd.s32 s0, s3;
	s0 =	sld [smem:$0x3FAA]  }
0x30: {  	s3 =	sld [smem:$0x3FAD]  }
0x31: {  	[smem:$0x3FB6] =	sst s10  }
0x32: {  	s10 =	sld [smem:$0x3FB4];
	_ =	sdelay $0x3  }
0x33: {  	p0 =	seq.s32 s10, $0x1;
	s10 =	sld [smem:$0x3FB6];
	_ =	sdelay $0x3  }
0x34: {  	[smem:$0x3FB6] =	sst s10  }
0x35: {  	s10 =	sld [smem:$0x3FB5];
	_ =	sdelay $0x3  }
0x36: {  	p1 =	seq.s32 s10, $0x1;
	s10 =	sld [smem:$0x3FB6];
	_ =	sdelay $0x3  }
0x37: {  	[smem:$0x3FB6] =	sst s10  }
0x38: {  	s10 =	sld [smem:$0x3FB7]  }
0x39: {  	_ = 	snop;
	(pc) =	sbr.ind lr, $3  }
0x3a: {  	_ = 	snop  }
0x3b: {  	_ = 	snop  }
0x3c: {  	p2 =	seq.s32 s10, $0x1;
	s10 =	sld [smem:$0x3FB6]  }
0x3d: {  	_ =	shalt  }
0x3e: {  	_ =	shalt  }
0x3f: {  	_ =	shalt  }
0x40: {  	_ =	shalt  }
0x41: {  	_ =	shalt  }
0x42: {  	_ =	shalt  }
0x43: {  	_ =	shalt  }
0x44: {  	_ =	shalt  }
0x45: {  	_ =	shalt  }
0x46: {  	_ =	shalt  }
0x47: {  	_ =	shalt  }
0x48: {  	_ =	shalt  }
0x49: {  	_ =	shalt  }
0x4a: {  	_ =	shalt  }
0x4b: {  	_ =	shalt  }
0x4c: {  	_ =	shalt  }
0x4d: {  	_ =	shalt  }
0x4e: {  	_ =	shalt  }
0x4f: {  	_ =	shalt  }
0x50: {  	_ =	shalt  }
0x51: {  	_ =	shalt  }
0x52: {  	_ =	shalt  }
0x53: {  	_ =	shalt  }
0x54: {  	_ =	shalt  }
0x55: {  	_ =	shalt  }
0x56: {  	_ =	shalt  }
0x57: {  	_ =	shalt  }
0x58: {  	_ =	shalt  }
0x59: {  	_ =	shalt  }
0x5a: {  	_ =	shalt  }
0x5b: {  	_ =	shalt  }
0x5c: {  	_ =	shalt  }
0x5d: {  	_ =	shalt  }
0x5e: {  	_ =	shalt  }
0x5f: {  	_ =	shalt  }
0x60: {  	_ =	shalt  }
0x61: {  	_ =	shalt  }
0x62: {  	_ =	shalt  }
0x63: {  	_ =	shalt  }
0x64: {  	_ =	shalt  }
0x65: {  	_ =	shalt  }
0x66: {  	_ =	shalt  }
0x67: {  	_ =	shalt  }
0x68: {  	_ =	shalt  }
0x69: {  	_ =	shalt  }
0x6a: {  	_ =	shalt  }
0x6b: {  	_ =	shalt  }
0x6c: {  	_ =	shalt  }
0x6d: {  	_ =	shalt  }
0x6e: {  	_ =	shalt  }
0x6f: {  	_ =	shalt  }
0x70: {  	_ =	shalt  }
0x71: {  	_ =	shalt  }
0x72: {  	_ =	shalt  }
0x73: {  	_ =	shalt  }
0x74: {  	_ =	shalt  }
0x75: {  	_ =	shalt  }
0x76: {  	_ =	shalt  }
0x77: {  	_ =	shalt  }
0x78: {  	_ =	shalt  }
0x79: {  	_ =	shalt  }
0x7a: {  	_ =	shalt  }
0x7b: {  	_ =	shalt  }
0x7c: {  	_ =	shalt  }
0x7d: {  	_ =	shalt  }
0x7e: {  	_ =	shalt  }
0x7f: {  	_ =	shalt  }
0x80: {  	_ =	shalt  }
0x81: {  	_ =	shalt  }
0x82: {  	_ =	shalt  }
0x83: {  	_ =	shalt  }
0x84: {  	_ =	shalt  }
0x85: {  	_ =	shalt  }
0x86: {  	_ =	shalt  }
0x87: {  	_ =	shalt  }
.Lfunc_end0:
.L_simem_size_0:
called_computation.3_lowered:
.L_overlay_start_0:
0x88: {  	s2 =	sld [smem:$0x3FD9]  }
0x89: {  	s3 =	sld [smem:$0x3FFE];
	_ =	sdelay $0x1  }
0x8a: {  	s1 =	srdreg.scid  }
0x8b: {  	s0 =	sand.u32 $0x1, s1  }
0x8c: {  	s17 =	sshll.u32 s0, $0xA;
	s2 =	sadd.s32 s3, s2  }
0x8d: {  	s2 =	sadd.s32 s2, s17  }
0x8e: {  	[smem:$0x3FC2] =	sst s2  }
0x8f: {  	_ = 	snop  }
0x90: {  	s2 =	sld [smem:$0x3FD0];
	(tm) =	ssettm $0x1  }
0x91: {  	s18 =	sld [smem:$0x3FFB];
	_ =	sdelay $0x3  }
0x92: {  	_ =	strace s18  }
0x93: {  	s3 =	sld [smem:$0x3FFC];
	_ =	sdelay $0x3  }
0x94: {  	_ =	strace s3  }
0x95: {  	s3 =	sld [smem:$0x3FFD];
	_ =	sdelay $0x3  }
0x96: {  	_ =	strace s3  }
0x97: {  	_ =	strace $0x8FFFFFFF  }
0x98: {  	s19 =	sld [smem:$0x3FDB];
	_ =	sdelay $0x1  }
0x99: {  	s4 =	simm.s32 $_scs_section_size  }
0x9a: {  	s5 =	simm.s32 $_size__tile_overlayer_lowered;
	s6 =	simm.s32 $_tile_overlayer_lowered  }
0x9b: {  	s22 =	simm.s32 $0x1BFF;
	s21 =	sshll.u32 s6, $0x1;
	s3 =	sadd.s32 s4, s19  }
0x9c: {  	s7 =	simm.s32 $0x0;
	s20 =	sshll.u32 s5, $0x1;
	s5 =	sadd.s32 s21, s3  }
0x9d: {  	[timem:s7], [sflag:s22] =	dma.local [hbm:s5], s20  }
0x9e: {  	_ =	swait.ge [sflag:s22], s20  }
0x9f: {  	s4 =	ssub.s32 $0x0, s20;
	[sflag:s22] =	ssyncset.done $0x0  }
0xa0: {  	[sflag:s22] =	ssyncadd.s32 s4;
	_ =	sdelay $0x1  }
0xa1: {  	s23 =	simm.s32 $0x1B8B  }
0xa2: {  	_ =	swait.ge [sflag:s23], $0x1  }
0xa3: {  	[sflag:s23] =	ssyncset.done $0x0  }
0xa4: {  	s25 =	simm.s32 $0x1B8E;
	s24 =	sld [smem:$0x3FFE];
	[sflag:s23] =	ssyncadd.s32 $0xFFFFFFFF  }
0xa5: {  	s26 =	simm.s32 $execute0_lowered;
	[smem:$0x3FD2] =	sst s25  }
0xa6: {  	s5 =	sshll.u32 s26, $0x1;
	_ =	strace $0x8000004F;
	[dreg:$0x1] =	wrdreg $0xFFFFFFFF  }
0xa7: {  	s28 =	simm.s32 $_size_execute0_lowered;
	s3 =	sadd.s32 s3, s5;
	[dreg:$0x0] =	wrdreg $0x0  }
0xa8: {  	s5 =	sshll.u32 s28, $0x1;
	[dreg:$0x2] =	wrdreg s3  }
0xa9: {  	[dreg:$0x3] =	wrdreg s5  }
0xaa: {  	[dreg:$0x4] =	wrdreg $0xC0  }
0xab: {  	_ =	task [dreg:s7], $0x5FFFF  }
0xac: {  	[dreg:$0x1] =	wrdreg $0xFFFFFFFF  }
0xad: {  	[dreg:$0x0] =	wrdreg $0x60  }
0xae: {  	[dreg:$0x2] =	wrdreg s2  }
0xaf: {  	[dreg:$0x3] =	wrdreg s24  }
0xb0: {  	[dreg:$0x4] =	wrdreg $0xA8000  }
0xb1: {  	[dreg:$0x5] =	wrdreg $0x9  }
0xb2: {  	_ =	task.clear_ibuf [dreg:s7], $0x6FFFF;
	_ =	strace $0x9000004F  }
0xb3: {  	s29 =	simm.s32 $0x9;
	_ =	strace $0x80000051  }
0xb4: {  	_ =	swait.ge [sflag:s29], $0x1  }
0xb5: {  	[sflag:s29] =	ssyncadd.s32 $0xFFFFFFFF  }
0xb6: {  	_ =	strace $0x90000051  }
0xb7: {  	_ =	sfence  }
0xb8: {  	s30 =	sld [smem:$0x0];
	_ =	sdelay $0x2  }
0xb9: {  	s31 =	sshll.u32 s1, $0xD;
	s1 =	sshrl.u32 s1, $0x2  }
0xba: {  	s3 =	sand.u32 $0x4000, s31;
	s1 =	sadd.s32 s1, s30  }
0xbb: {  	s0 =	sor.u32 s3, s0;
	s1 =	sshll.u32 s1, $0x11  }
0xbc: {  	s0 =	sor.u32 s1, s0  }
0xbd: {  	s0 =	sadd.s32 $0x8F2B, s0  }
0xbe: {  	[sflag:s0] =	ssyncadd.remote.s32 $0x1  }
0xbf: {  	_ =	sfence.sel $0xFFFF  }
0xc0: {  	[dreg:$0x0] =	wrdreg $0xFFFFFFFF;
	(pc) =	sbr.abs _section_cstart, $3  }
0xc1: {  	[dreg:$0x1] =	wrdreg $0xFFFFFFFF  }
0xc2: {  	_ =	task.clear_ibuf [dreg:s7], $0x2FFFF;
	_ =	strace $0x9FFFFFFF  }
0xc3: {  	(tm) =	ssettm $0x7FFFFFFF  }
tec
execute0_lowered:
.L_overlay_start_1:
0x0: {  	(tag) =	ssettag $0x1  }
0x1: {  	s1 =	rddreg [dreg:$0x0]  }
0x2: {  	s8 =	rddreg [dreg:$0x1]  }
0x3: {  	s3 =	rddreg [dreg:$0x2]  }
0x4: {  	s0 =	rddreg [dreg:$0x3]  }
0x5: {  	s4 =	simm.s32 $0x0;
	s2 =	stileid.u32;
	s7 =	srdreg.scid  }
0x6: {  	s17 =	simm.s32 $0x80;
	s18 =	simm.s32 $0x2800;
	s19 =	simm.s32 $0x6800  }
0x7: {  	s20 =	simm.s32 $0x1;
	s21 =	simm.s32 $0x2;
	s22 =	simm.s32 $0x3  }
0x8: {  	s23 =	simm.s32 $0x4;
	s24 =	simm.s32 $0x2700;
	s25 =	simm.s32 $0x2780  }
0x9: {  	s26 =	simm.s32 $0x0;
	[smem:$0x7FF] =	sst s4;
	s6 =	smul.u32 $0x500, s2  }
0xa: {  	s5 =	sadd.s32 $0x37000, s8;
	s14 =	sand.u32 $0x1, s7;
	s9 =	smul.u32 $0x4F000, s2  }
0xb: {  	s7 =	sadd.s32 $0x5E800, s8;
	s13 =	sshll.u32 s2, $0x6;
	_ =	strace $0x80000050  }
0xc: {  	s10 =	ssub.s32 $0x2, s14;
	p0 =	sne.s32 s14, $0x0;
	s11 =	sadd.s32 s6, s8  }
.Ltmp0:
0xd: {  	s6 =	sadd.s32 $0x86000, s8;
	s12 =	sshrl.u32 s10, $0x1;
	(pc) =	sbr.rel .LBB2_1-.Ltmp0, $4  }
0xe: {  	s8 =	sadd.s32 $0x88800, s8;
	s9 =	sshrl.u32 s9, $0x2;
	s15 =	ssub.s32 s10, s12  }
0xf: {  	s16 =	sadd.s32 s9, s3;
	s9 =	sor.u32 $0x1C05, s13;
	s10 =	sadd.s32 $0xA200, s11  }
0x10: {  	s11 =	sadd.s32 $0x5200, s11;
	s12 =	smul.u32 $0x2780, s2;
	s13 =	smax.u32 s15, $0x1  }
0x11: {  	s14 =	sshrl.u32 s16, $0x3;
	s15 =	simm.s32 $0x5;
	s16 =	simm.s32 $0x1400  }
.LBB2_11:
0x12: {  	[tilespmem:s19], [sflag:$0x2] =	stream.indirect.gather [hbm4b:s5+s17], $0x80, s29, s17, $0xb8;
	[tilespmem:$0x1E400] =	vst v63  }
0x13: {  	s28 =	smov.u32 s8  }
.LBB2_12:
0x14: {  	_ =	swait.ge [sflag:s20], $0x4000  }
0x15: {  	[sflag:s20] =	ssyncset.done $0x0  }
0x16: {  	[sflag:s20] =	ssyncadd.s32 $0xFFFFC000  }
0x17: {  	[spmem:s3] =	stream.indirect.scatter.add.f32 [tilespmem:s18], [sflag:$0x3], $0x80, s24, s17, $0xb8;
	[tilespmem:$0x1E400] =	vst v63  }
0x18: {  	_ =	swait.ge [sflag:s21], $0x4000  }
0x19: {  	[sflag:s21] =	ssyncset.done $0x0  }
0x1a: {  	[sflag:s21] =	ssyncadd.s32 $0xFFFFC000  }
0x1b: {  	[spmem:s3] =	stream.indirect.scatter.add.f32 [tilespmem:s19], [sflag:$0x4], $0x80, s25, s17, $0xb8;
	[tilespmem:$0x1E400] =	vst v63  }
0x1c: {  	_ =	swait.ge [sflag:s22], $0x4000  }
0x1d: {  	[sflag:s22] =	ssyncset.done $0x0  }
0x1e: {  	[sflag:s22] =	ssyncadd.s32 $0xFFFFC000  }
0x1f: {  	_ =	swait.ge [sflag:s23], $0x4000  }
0x20: {  	s26 =	sadd.s32 $0x1, s26;
	[sflag:s23] =	ssyncset.done $0x0  }
0x21: {  	p1 =	sne.s32 s26, s13;
	[sflag:s23] =	ssyncadd.s32 $0xFFFFC000  }
.Ltmp1:
0x22: {  	s28 =	sadd.s32 s28, s12;
	[bflag:$0x0] =	sbarrier.arrive $0xFFFF;
	(pc) =	sbr.rel @!p1 .LBB2_13-.Ltmp1, $4  }
0x23: {  	[hbm:s28], [sflag:s9] =	dma.local [spmem:s14], $0x2780  }
0x24: {  	_ =	swait.ge [sflag:s15], $0x2780  }
0x25: {  	[sflag:s15] =	ssyncset.done $0x0  }
0x26: {  	[sflag:s15] =	ssyncadd.s32 $0xFFFFD880  }
.LBB2_1:
0x27: {  	[spmem:s14], [sflag:s9] =	dma.local [hbm:s6], $0x2780  }
0x28: {  	_ =	swait.ge [sflag:s15], $0x2780  }
0x29: {  	[sflag:s15] =	ssyncset.done $0x0  }
0x2a: {  	[sflag:s15] =	ssyncadd.s32 $0xFFFFD880  }
0x2b: {  	[bflag:$0x0] =	sbarrier.arrive $0xFFFF  }
0x2c: {  	[tilespmem:s4], [sflag:$0x5] =	stream.linear.gather [hbm4b:s10+s4], $0x1400, $0x38;
	[tilespmem:$0x1E400] =	vst v63  }
0x2d: {  	_ =	swait.ge [sflag:s15], $0x1400  }
0x2e: {  	[sflag:s15] =	ssyncset.done $0x0  }
.Ltmp2:
0x2f: {  	[sflag:s15] =	ssyncadd.s32 $0xFFFFEC00;
	(pc) =	sbr.rel @p0 .LBB2_7-.Ltmp2, $4  }
0x30: {  	[tilespmem:s16], [sflag:$0x5] =	stream.linear.gather [hbm4b:s11+s4], $0x1400, $0x38;
	[tilespmem:$0x1E400] =	vst v63  }
0x31: {  	_ =	swait.ge [sflag:s15], $0x1400  }
0x32: {  	[sflag:s15] =	ssyncset.done $0x0  }
0x33: {  	s28 =	simm.s32 $0x0;
	[sflag:s15] =	ssyncadd.s32 $0xFFFFEC00  }
0x34: {  	[tilespmem:s18], [sflag:$0x1] =	stream.indirect.gather [hbm4b:s1+s17], $0x80, s28, s17, $0xb8;
	[tilespmem:$0x1E400] =	vst v63  }
0x35: {  	_ = 	snop  }
0x36: {  	[tilespmem:s19], [sflag:$0x2] =	stream.indirect.gather [hbm4b:s1+s17], $0x80, s17, s17, $0xb8;
	[tilespmem:$0x1E400] =	vst v63  }
0x37: {  	_ =	swait.ge [sflag:s20], $0x4000  }
0x38: {  	[sflag:s20] =	ssyncset.done $0x0  }
0x39: {  	s28 =	simm.s32 $0x1400;
	[sflag:s20] =	ssyncadd.s32 $0xFFFFC000  }
0x3a: {  	[spmem:s3] =	stream.indirect.scatter.add.f32 [tilespmem:s18], [sflag:$0x3], $0x80, s28, s17, $0xb8;
	[tilespmem:$0x1E400] =	vst v63  }
0x3b: {  	_ =	swait.ge [sflag:s21], $0x4000  }
0x3c: {  	[sflag:s21] =	ssyncset.done $0x0  }
0x3d: {  	s28 =	simm.s32 $0x1480;
	[sflag:s21] =	ssyncadd.s32 $0xFFFFC000  }
0x3e: {  	[spmem:s3] =	stream.indirect.scatter.add.f32 [tilespmem:s19], [sflag:$0x4], $0x80, s28, s17, $0xb8;
	[tilespmem:$0x1E400] =	vst v63  }
0x3f: {  	_ =	swait.ge [sflag:s22], $0x4000  }
0x40: {  	[sflag:s22] =	ssyncset.done $0x0  }
0x41: {  	s28 =	simm.s32 $0x100;
	[sflag:s22] =	ssyncadd.s32 $0xFFFFC000  }
0x42: {  	[tilespmem:s18], [sflag:$0x1] =	stream.indirect.gather [hbm4b:s1+s17], $0x80, s28, s17, $0xb8;
	[tilespmem:$0x1E400] =	vst v63  }
0x43: {  	_ =	swait.ge [sflag:s23], $0x4000  }
0x44: {  	[sflag:s23] =	ssyncset.done $0x0  }
0x45: {  	s29 =	simm.s32 $0x180;
	s28 =	simm.s32 $0x400;
	[sflag:s23] =	ssyncadd.s32 $0xFFFFC000  }
.LBB2_3:
0x46: {  	[tilespmem:s19], [sflag:$0x2] =	stream.indirect.gather [hbm4b:s1+s17], $0x80, s29, s17, $0xb8;
	[tilespmem:$0x1E400] =	vst v63  }
0x47: {  	s29 =	smov.u32 s28  }
0x48: {  	p1 =	sne.s32 s28, $0x4800;
	s28 =	sadd.s32 $0x400, s28;
	_ =	swait.ge [sflag:s20], $0x4000  }
0x49: {  	s29 =	sshra.s32 s29, $0x2;
	[sflag:s20] =	ssyncset.done $0x0  }
0x4a: {  	s30 =	sadd.s32 $0x1400, s29;
	[sflag:s20] =	ssyncadd.s32 $0xFFFFC000  }
0x4b: {  	[spmem:s3] =	stream.indirect.scatter.add.f32 [tilespmem:s18], [sflag:$0x3], $0x80, s30, s17, $0xb8;
	[tilespmem:$0x1E400] =	vst v63  }
0x4c: {  	_ =	swait.ge [sflag:s21], $0x4000  }
0x4d: {  	[sflag:s21] =	ssyncset.done $0x0  }
0x4e: {  	s30 =	sadd.s32 $0x1480, s29;
	[sflag:s21] =	ssyncadd.s32 $0xFFFFC000  }
0x4f: {  	[spmem:s3] =	stream.indirect.scatter.add.f32 [tilespmem:s19], [sflag:$0x4], $0x80, s30, s17, $0xb8;
	[tilespmem:$0x1E400] =	vst v63  }
0x50: {  	_ =	swait.ge [sflag:s22], $0x4000  }
0x51: {  	[sflag:s22] =	ssyncset.done $0x0  }
.Ltmp3:
0x52: {  	s30 =	sadd.s32 $0x100, s29;
	[sflag:s22] =	ssyncadd.s32 $0xFFFFC000;
	(pc) =	sbr.rel @p1 .LBB2_3-.Ltmp3, $4  }
0x53: {  	[tilespmem:s18], [sflag:$0x1] =	stream.indirect.gather [hbm4b:s1+s17], $0x80, s30, s17, $0xb8;
	[tilespmem:$0x1E400] =	vst v63  }
0x54: {  	_ =	swait.ge [sflag:s23], $0x4000  }
0x55: {  	[sflag:s23] =	ssyncset.done $0x0  }
0x56: {  	s29 =	sadd.s32 $0x180, s29;
	[sflag:s23] =	ssyncadd.s32 $0xFFFFC000  }
0x57: {  	[tilespmem:s19], [sflag:$0x2] =	stream.indirect.gather [hbm4b:s1+s17], $0x80, s29, s17, $0xb8;
	[tilespmem:$0x1E400] =	vst v63  }
0x58: {  	_ =	swait.ge [sflag:s20], $0x4000  }
0x59: {  	[sflag:s20] =	ssyncset.done $0x0  }
0x5a: {  	[sflag:s20] =	ssyncadd.s32 $0xFFFFC000  }
0x5b: {  	[spmem:s3] =	stream.indirect.scatter.add.f32 [tilespmem:s18], [sflag:$0x3], $0x80, s24, s17, $0xb8;
	[tilespmem:$0x1E400] =	vst v63  }
0x5c: {  	_ =	swait.ge [sflag:s21], $0x4000  }
0x5d: {  	[sflag:s21] =	ssyncset.done $0x0  }
0x5e: {  	[sflag:s21] =	ssyncadd.s32 $0xFFFFC000  }
0x5f: {  	[spmem:s3] =	stream.indirect.scatter.add.f32 [tilespmem:s19], [sflag:$0x4], $0x80, s25, s17, $0xb8;
	[tilespmem:$0x1E400] =	vst v63  }
0x60: {  	_ =	swait.ge [sflag:s22], $0x4000  }
0x61: {  	[sflag:s22] =	ssyncset.done $0x0  }
0x62: {  	[sflag:s22] =	ssyncadd.s32 $0xFFFFC000  }
0x63: {  	_ =	swait.ge [sflag:s23], $0x4000  }
0x64: {  	[sflag:s23] =	ssyncset.done $0x0  }
0x65: {  	s28 =	sadd.s32 $0x280, s10;
	s29 =	simm.s32 $0x0;
	[sflag:s23] =	ssyncadd.s32 $0xFFFFC000  }
0x66: {  	[tilespmem:s29], [sflag:$0x5] =	stream.linear.gather [hbm4b:s28+s29], $0x1400, $0x38;
	[tilespmem:$0x1E400] =	vst v63  }
0x67: {  	_ =	swait.ge [sflag:s15], $0x1400  }
0x68: {  	[sflag:s15] =	ssyncset.done $0x0  }
0x69: {  	s28 =	sadd.s32 $0x280, s11;
	[sflag:s15] =	ssyncadd.s32 $0xFFFFEC00  }
0x6a: {  	[tilespmem:s16], [sflag:$0x5] =	stream.linear.gather [hbm4b:s28+s29], $0x1400, $0x38;
	[tilespmem:$0x1E400] =	vst v63  }
0x6b: {  	_ =	swait.ge [sflag:s15], $0x1400  }
0x6c: {  	[sflag:s15] =	ssyncset.done $0x0  }
0x6d: {  	[sflag:s15] =	ssyncadd.s32 $0xFFFFEC00  }
0x6e: {  	[tilespmem:s18], [sflag:$0x1] =	stream.indirect.gather [hbm4b:s1+s17], $0x80, s29, s17, $0xb8;
	[tilespmem:$0x1E400] =	vst v63  }
0x6f: {  	_ = 	snop  }
0x70: {  	[tilespmem:s19], [sflag:$0x2] =	stream.indirect.gather [hbm4b:s1+s17], $0x80, s17, s17, $0xb8;
	[tilespmem:$0x1E400] =	vst v63  }
0x71: {  	_ =	swait.ge [sflag:s20], $0x4000  }
0x72: {  	[sflag:s20] =	ssyncset.done $0x0  }
0x73: {  	s28 =	simm.s32 $0x1400;
	[sflag:s20] =	ssyncadd.s32 $0xFFFFC000  }
0x74: {  	[spmem:s3] =	stream.indirect.scatter.add.f32 [tilespmem:s18], [sflag:$0x3], $0x80, s28, s17, $0xb8;
	[tilespmem:$0x1E400] =	vst v63  }
0x75: {  	_ =	swait.ge [sflag:s21], $0x4000  }
0x76: {  	[sflag:s21] =	ssyncset.done $0x0  }
0x77: {  	s28 =	simm.s32 $0x1480;
	[sflag:s21] =	ssyncadd.s32 $0xFFFFC000  }
0x78: {  	[spmem:s3] =	stream.indirect.scatter.add.f32 [tilespmem:s19], [sflag:$0x4], $0x80, s28, s17, $0xb8;
	[tilespmem:$0x1E400] =	vst v63  }
0x79: {  	_ =	swait.ge [sflag:s22], $0x4000  }
0x7a: {  	[sflag:s22] =	ssyncset.done $0x0  }
0x7b: {  	s28 =	simm.s32 $0x100;
	[sflag:s22] =	ssyncadd.s32 $0xFFFFC000  }
0x7c: {  	[tilespmem:s18], [sflag:$0x1] =	stream.indirect.gather [hbm4b:s1+s17], $0x80, s28, s17, $0xb8;
	[tilespmem:$0x1E400] =	vst v63  }
0x7d: {  	_ =	swait.ge [sflag:s23], $0x4000  }
0x7e: {  	[sflag:s23] =	ssyncset.done $0x0  }
0x7f: {  	s29 =	simm.s32 $0x180;
	s28 =	simm.s32 $0x400;
	[sflag:s23] =	ssyncadd.s32 $0xFFFFC000  }
.LBB2_5:
0x80: {  	[tilespmem:s19], [sflag:$0x2] =	stream.indirect.gather [hbm4b:s1+s17], $0x80, s29, s17, $0xb8;
	[tilespmem:$0x1E400] =	vst v63  }
0x81: {  	s29 =	smov.u32 s28  }
0x82: {  	p1 =	seq.s32 s28, $0x4800;
	s28 =	sadd.s32 $0x400, s28;
	_ =	swait.ge [sflag:s20], $0x4000  }
0x83: {  	s29 =	sshra.s32 s29, $0x2;
	[sflag:s20] =	ssyncset.done $0x0  }
0x84: {  	s30 =	sadd.s32 $0x1400, s29;
	[sflag:s20] =	ssyncadd.s32 $0xFFFFC000  }
0x85: {  	[spmem:s3] =	stream.indirect.scatter.add.f32 [tilespmem:s18], [sflag:$0x3], $0x80, s30, s17, $0xb8;
	[tilespmem:$0x1E400] =	vst v63  }
0x86: {  	_ =	swait.ge [sflag:s21], $0x4000  }
0x87: {  	[sflag:s21] =	ssyncset.done $0x0  }
0x88: {  	s30 =	sadd.s32 $0x1480, s29;
	[sflag:s21] =	ssyncadd.s32 $0xFFFFC000  }
0x89: {  	[spmem:s3] =	stream.indirect.scatter.add.f32 [tilespmem:s19], [sflag:$0x4], $0x80, s30, s17, $0xb8;
	[tilespmem:$0x1E400] =	vst v63  }
0x8a: {  	_ =	swait.ge [sflag:s22], $0x4000  }
0x8b: {  	[sflag:s22] =	ssyncset.done $0x0  }
.Ltmp4:
0x8c: {  	s30 =	sadd.s32 $0x100, s29;
	[sflag:s22] =	ssyncadd.s32 $0xFFFFC000;
	(pc) =	sbr.rel @!p1 .LBB2_5-.Ltmp4, $4  }
0x8d: {  	[tilespmem:s18], [sflag:$0x1] =	stream.indirect.gather [hbm4b:s1+s17], $0x80, s30, s17, $0xb8;
	[tilespmem:$0x1E400] =	vst v63  }
0x8e: {  	_ =	swait.ge [sflag:s23], $0x4000  }
0x8f: {  	[sflag:s23] =	ssyncset.done $0x0  }
0x90: {  	s29 =	sadd.s32 $0x180, s29;
	[sflag:s23] =	ssyncadd.s32 $0xFFFFC000  }
.Ltmp5:
0x91: {  	(pc) =	sbr.rel .LBB2_12-.Ltmp5, $3  }
0x92: {  	_ =	sdelay $0x1  }
0x93: {  	[tilespmem:s19], [sflag:$0x2] =	stream.indirect.gather [hbm4b:s1+s17], $0x80, s29, s17, $0xb8;
	[tilespmem:$0x1E400] =	vst v63  }
0x94: {  	s28 =	smov.u32 s7  }
.LBB2_7:
0x95: {  	[tilespmem:s18], [sflag:$0x1] =	stream.indirect.gather [hbm4b:s5+s17], $0x80, s28, s17, $0xb8;
	[tilespmem:$0x1E400] =	vst v63  }
0x96: {  	_ = 	snop  }
0x97: {  	[tilespmem:s19], [sflag:$0x2] =	stream.indirect.gather [hbm4b:s5+s17], $0x80, s17, s17, $0xb8;
	[tilespmem:$0x1E400] =	vst v63  }
0x98: {  	_ =	swait.ge [sflag:s20], $0x4000  }
0x99: {  	[sflag:s20] =	ssyncset.done $0x0  }
0x9a: {  	s28 =	simm.s32 $0x1400;
	[sflag:s20] =	ssyncadd.s32 $0xFFFFC000  }
0x9b: {  	[spmem:s3] =	stream.indirect.scatter.add.f32 [tilespmem:s18], [sflag:$0x3], $0x80, s28, s17, $0xb8;
	[tilespmem:$0x1E400] =	vst v63  }
0x9c: {  	_ =	swait.ge [sflag:s21], $0x4000  }
0x9d: {  	[sflag:s21] =	ssyncset.done $0x0  }
0x9e: {  	s28 =	simm.s32 $0x1480;
	[sflag:s21] =	ssyncadd.s32 $0xFFFFC000  }
0x9f: {  	[spmem:s3] =	stream.indirect.scatter.add.f32 [tilespmem:s19], [sflag:$0x4], $0x80, s28, s17, $0xb8;
	[tilespmem:$0x1E400] =	vst v63  }
0xa0: {  	_ =	swait.ge [sflag:s22], $0x4000  }
0xa1: {  	[sflag:s22] =	ssyncset.done $0x0  }
0xa2: {  	s28 =	simm.s32 $0x100;
	[sflag:s22] =	ssyncadd.s32 $0xFFFFC000  }
0xa3: {  	[tilespmem:s18], [sflag:$0x1] =	stream.indirect.gather [hbm4b:s5+s17], $0x80, s28, s17, $0xb8;
	[tilespmem:$0x1E400] =	vst v63  }
0xa4: {  	_ =	swait.ge [sflag:s23], $0x4000  }
0xa5: {  	[sflag:s23] =	ssyncset.done $0x0  }
0xa6: {  	s29 =	simm.s32 $0x180;
	s28 =	simm.s32 $0x400;
	[sflag:s23] =	ssyncadd.s32 $0xFFFFC000  }
.LBB2_8:
0xa7: {  	[tilespmem:s19], [sflag:$0x2] =	stream.indirect.gather [hbm4b:s5+s17], $0x80, s29, s17, $0xb8;
	[tilespmem:$0x1E400] =	vst v63  }
0xa8: {  	s29 =	smov.u32 s28  }
0xa9: {  	p1 =	sne.s32 s28, $0x4800;
	s28 =	sadd.s32 $0x400, s28;
	_ =	swait.ge [sflag:s20], $0x4000  }
0xaa: {  	s29 =	sshra.s32 s29, $0x2;
	[sflag:s20] =	ssyncset.done $0x0  }
0xab: {  	s30 =	sadd.s32 $0x1400, s29;
	[sflag:s20] =	ssyncadd.s32 $0xFFFFC000  }
0xac: {  	[spmem:s3] =	stream.indirect.scatter.add.f32 [tilespmem:s18], [sflag:$0x3], $0x80, s30, s17, $0xb8;
	[tilespmem:$0x1E400] =	vst v63  }
0xad: {  	_ =	swait.ge [sflag:s21], $0x4000  }
0xae: {  	[sflag:s21] =	ssyncset.done $0x0  }
0xaf: {  	s30 =	sadd.s32 $0x1480, s29;
	[sflag:s21] =	ssyncadd.s32 $0xFFFFC000  }
0xb0: {  	[spmem:s3] =	stream.indirect.scatter.add.f32 [tilespmem:s19], [sflag:$0x4], $0x80, s30, s17, $0xb8;
	[tilespmem:$0x1E400] =	vst v63  }
0xb1: {  	_ =	swait.ge [sflag:s22], $0x4000  }
0xb2: {  	[sflag:s22] =	ssyncset.done $0x0  }
.Ltmp6:
0xb3: {  	s30 =	sadd.s32 $0x100, s29;
	[sflag:s22] =	ssyncadd.s32 $0xFFFFC000;
	(pc) =	sbr.rel @p1 .LBB2_8-.Ltmp6, $4  }
0xb4: {  	[tilespmem:s18], [sflag:$0x1] =	stream.indirect.gather [hbm4b:s5+s17], $0x80, s30, s17, $0xb8;
	[tilespmem:$0x1E400] =	vst v63  }
0xb5: {  	_ =	swait.ge [sflag:s23], $0x4000  }
0xb6: {  	[sflag:s23] =	ssyncset.done $0x0  }
0xb7: {  	s29 =	sadd.s32 $0x180, s29;
	[sflag:s23] =	ssyncadd.s32 $0xFFFFC000  }
0xb8: {  	[tilespmem:s19], [sflag:$0x2] =	stream.indirect.gather [hbm4b:s5+s17], $0x80, s29, s17, $0xb8;
	[tilespmem:$0x1E400] =	vst v63  }
0xb9: {  	_ =	swait.ge [sflag:s20], $0x4000  }
0xba: {  	[sflag:s20] =	ssyncset.done $0x0  }
0xbb: {  	[sflag:s20] =	ssyncadd.s32 $0xFFFFC000  }
0xbc: {  	[spmem:s3] =	stream.indirect.scatter.add.f32 [tilespmem:s18], [sflag:$0x3], $0x80, s24, s17, $0xb8;
	[tilespmem:$0x1E400] =	vst v63  }
0xbd: {  	_ =	swait.ge [sflag:s21], $0x4000  }
0xbe: {  	[sflag:s21] =	ssyncset.done $0x0  }
0xbf: {  	[sflag:s21] =	ssyncadd.s32 $0xFFFFC000  }
0xc0: {  	[spmem:s3] =	stream.indirect.scatter.add.f32 [tilespmem:s19], [sflag:$0x4], $0x80, s25, s17, $0xb8;
	[tilespmem:$0x1E400] =	vst v63  }
0xc1: {  	_ =	swait.ge [sflag:s22], $0x4000  }
0xc2: {  	[sflag:s22] =	ssyncset.done $0x0  }
0xc3: {  	[sflag:s22] =	ssyncadd.s32 $0xFFFFC000  }
0xc4: {  	_ =	swait.ge [sflag:s23], $0x4000  }
0xc5: {  	[sflag:s23] =	ssyncset.done $0x0  }
0xc6: {  	s28 =	sadd.s32 $0x280, s10;
	s29 =	simm.s32 $0x0;
	[sflag:s23] =	ssyncadd.s32 $0xFFFFC000  }
0xc7: {  	[tilespmem:s29], [sflag:$0x5] =	stream.linear.gather [hbm4b:s28+s29], $0x1400, $0x38;
	[tilespmem:$0x1E400] =	vst v63  }
0xc8: {  	_ =	swait.ge [sflag:s15], $0x1400  }
0xc9: {  	[sflag:s15] =	ssyncset.done $0x0  }
0xca: {  	s28 =	sadd.s32 $0x280, s11;
	[sflag:s15] =	ssyncadd.s32 $0xFFFFEC00  }
0xcb: {  	[tilespmem:s16], [sflag:$0x5] =	stream.linear.gather [hbm4b:s28+s29], $0x1400, $0x38;
	[tilespmem:$0x1E400] =	vst v63  }
0xcc: {  	_ =	swait.ge [sflag:s15], $0x1400  }
0xcd: {  	[sflag:s15] =	ssyncset.done $0x0  }
0xce: {  	[sflag:s15] =	ssyncadd.s32 $0xFFFFEC00  }
0xcf: {  	[tilespmem:s18], [sflag:$0x1] =	stream.indirect.gather [hbm4b:s5+s17], $0x80, s29, s17, $0xb8;
	[tilespmem:$0x1E400] =	vst v63  }
0xd0: {  	_ = 	snop  }
0xd1: {  	[tilespmem:s19], [sflag:$0x2] =	stream.indirect.gather [hbm4b:s5+s17], $0x80, s17, s17, $0xb8;
	[tilespmem:$0x1E400] =	vst v63  }
0xd2: {  	_ =	swait.ge [sflag:s20], $0x4000  }
0xd3: {  	[sflag:s20] =	ssyncset.done $0x0  }
0xd4: {  	s28 =	simm.s32 $0x1400;
	[sflag:s20] =	ssyncadd.s32 $0xFFFFC000  }
0xd5: {  	[spmem:s3] =	stream.indirect.scatter.add.f32 [tilespmem:s18], [sflag:$0x3], $0x80, s28, s17, $0xb8;
	[tilespmem:$0x1E400] =	vst v63  }
0xd6: {  	_ =	swait.ge [sflag:s21], $0x4000  }
0xd7: {  	[sflag:s21] =	ssyncset.done $0x0  }
0xd8: {  	s28 =	simm.s32 $0x1480;
	[sflag:s21] =	ssyncadd.s32 $0xFFFFC000  }
0xd9: {  	[spmem:s3] =	stream.indirect.scatter.add.f32 [tilespmem:s19], [sflag:$0x4], $0x80, s28, s17, $0xb8;
	[tilespmem:$0x1E400] =	vst v63  }
0xda: {  	_ =	swait.ge [sflag:s22], $0x4000  }
0xdb: {  	[sflag:s22] =	ssyncset.done $0x0  }
0xdc: {  	s28 =	simm.s32 $0x100;
	[sflag:s22] =	ssyncadd.s32 $0xFFFFC000  }
0xdd: {  	[tilespmem:s18], [sflag:$0x1] =	stream.indirect.gather [hbm4b:s5+s17], $0x80, s28, s17, $0xb8;
	[tilespmem:$0x1E400] =	vst v63  }
0xde: {  	_ =	swait.ge [sflag:s23], $0x4000  }
0xdf: {  	[sflag:s23] =	ssyncset.done $0x0  }
0xe0: {  	s29 =	simm.s32 $0x180;
	s28 =	simm.s32 $0x400;
	[sflag:s23] =	ssyncadd.s32 $0xFFFFC000  }
.LBB2_10:
0xe1: {  	[tilespmem:s19], [sflag:$0x2] =	stream.indirect.gather [hbm4b:s5+s17], $0x80, s29, s17, $0xb8;
	[tilespmem:$0x1E400] =	vst v63  }
0xe2: {  	s29 =	smov.u32 s28  }
0xe3: {  	p1 =	sne.s32 s28, $0x4800;
	s28 =	sadd.s32 $0x400, s28;
	_ =	swait.ge [sflag:s20], $0x4000  }
0xe4: {  	s29 =	sshra.s32 s29, $0x2;
	[sflag:s20] =	ssyncset.done $0x0  }
0xe5: {  	s30 =	sadd.s32 $0x1400, s29;
	[sflag:s20] =	ssyncadd.s32 $0xFFFFC000  }
0xe6: {  	[spmem:s3] =	stream.indirect.scatter.add.f32 [tilespmem:s18], [sflag:$0x3], $0x80, s30, s17, $0xb8;
	[tilespmem:$0x1E400] =	vst v63  }
0xe7: {  	_ =	swait.ge [sflag:s21], $0x4000  }
0xe8: {  	[sflag:s21] =	ssyncset.done $0x0  }
0xe9: {  	s30 =	sadd.s32 $0x1480, s29;
	[sflag:s21] =	ssyncadd.s32 $0xFFFFC000  }
0xea: {  	[spmem:s3] =	stream.indirect.scatter.add.f32 [tilespmem:s19], [sflag:$0x4], $0x80, s30, s17, $0xb8;
	[tilespmem:$0x1E400] =	vst v63  }
0xeb: {  	_ =	swait.ge [sflag:s22], $0x4000  }
0xec: {  	[sflag:s22] =	ssyncset.done $0x0  }
.Ltmp7:
0xed: {  	s30 =	sadd.s32 $0x100, s29;
	[sflag:s22] =	ssyncadd.s32 $0xFFFFC000;
	(pc) =	sbr.rel @p1 .LBB2_10-.Ltmp7, $4  }
0xee: {  	[tilespmem:s18], [sflag:$0x1] =	stream.indirect.gather [hbm4b:s5+s17], $0x80, s30, s17, $0xb8;
	[tilespmem:$0x1E400] =	vst v63  }
0xef: {  	_ =	swait.ge [sflag:s23], $0x4000  }
0xf0: {  	[sflag:s23] =	ssyncset.done $0x0  }
0xf1: {  	s29 =	sadd.s32 $0x180, s29;
	[sflag:s23] =	ssyncadd.s32 $0xFFFFC000  }
.Ltmp8:
0xf2: {  	_ = 	snop;
	(pc) =	sbr.rel .LBB2_11-.Ltmp8, $1  }
0xf3: {  	_ =	sdelay $0x3  }
.LBB2_13:
0xf4: {  	_ =	sfence.sel $0x180000  }
0xf5: {  	[bflag:$0x0] =	sbarrier.arrive $0xFFFF  }
0xf6: {  	p0 =	sne.s32 s2, $0x0;
	_ =	strace $0x90000050  }
0xf7: {  	s0 =	sadd.s32 @!p0 $0x100000, s0;
	[bflag:$0x2] =	sbarrier.arrive $0xFFFF  }
0xf8: {  	[sflag:s0] =	ssyncadd.tile.s32 @!p0 $0x1;
	_ =	shalt  }
.Lfunc_end2:
_tile_overlayer_lowered:
.L_overlay_start_2:
0xf9: {  	(tag) =	ssettag $0x2  }
0xfa: {  	s0 =	rddreg [dreg:$0x0];
	s2 =	stileid.u32  }
0xfb: {  	s1 =	rddreg [dreg:$0x1];
	p0 =	sne.s32 s2, $0x0  }
0xfc: {  	s3 =	rddreg [dreg:$0x2];
	[bflag:$0x3] =	sbarrier.arrive $0xFFFF;
	s2 =	simm.s32 @!p0 $0x1C05  }
0xfd: {  	[timem:s3], [sflag:s2] =	dma.local @!p0 [hbm:s0], s1  }
0xfe: {  	s0 =	simm.s32 @!p0 $0x5  }
0xff: {  	_ =	swait.ge @!p0 [sflag:s0], s1  }
0x100: {  	s1 =	ssub.s32 @!p0 $0x0, s1;
	[sflag:s0] =	ssyncset.done @!p0 $0x0  }
0x101: {  	[sflag:s0] =	ssyncadd.s32 @!p0 s1  }
0x102: {  	[bflag:$0x3] =	sbarrier.arrive $0xFFFF  }
0x103: {  	_ =	shalt  }

</sc_bundles>
